<compile_context>
chip_gen: v7x
topology: tpu7x:2x2x1
jax: 0.10.2.dev20260603
libtpu: 0.0.44.dev20260713+nightly
codegen_flags: <defaults>
</compile_context>

<pallas_src>
import functools

import numpy as np
import jax
import jax.numpy as jnp
from jax import lax
from jax.experimental import pallas as pl
from jax.experimental.pallas import tpu as pltpu
from jax.experimental.pallas import tpu_sc as plsc

B, N, C, S, K = 4, 4096, 256, 512, 32
RAD2 = np.float32(0.2 ** 2)
SUB = 8
LN = N // SUB


def _fps_body(xyz_v_ref, xyz_s_ref, nxyz_ref):
    pass

    def step(i, carry):
        dists, fs = carry
        new_dists, new_fs = [], []
        for b in range(B):
            f = fs[b]
            c0 = xyz_s_ref[b, 0, f]
            c1 = xyz_s_ref[b, 1, f]
            c2 = xyz_s_ref[b, 2, f]
            nxyz_ref[b, 0, i] = c0
            nxyz_ref[b, 1, i] = c1
            nxyz_ref[b, 2, i] = c2
            x0, x1, x2 = (xyz_v_ref[b, d] for d in range(3))
            d = (x0 - c0) ** 2 + (x1 - c1) ** 2 + (x2 - c2) ** 2
            dist = jnp.minimum(dists[b], d)
            f2 = jnp.argmax(dist).astype(jnp.int32)
            new_dists.append(dist)
            new_fs.append(f2)
        return tuple(new_dists), tuple(new_fs)

    dist0 = jnp.full((SUB, LN), 1e10, dtype=jnp.float32)
    lax.fori_loop(0, S, step,
                  (tuple(dist0 for _ in range(B)),
                   tuple(jnp.int32(0) for _ in range(B))))


def _mask_body(nx_ref, xz_ref, m_ref, nsc_ref):
    s = nx_ref[0]
    x = xz_ref[0]
    dot = lax.dot_general(
        s.astype(jnp.bfloat16), x.astype(jnp.bfloat16),
        dimension_numbers=(((1,), (0,)), ((), ())),
        preferred_element_type=jnp.float32,
    )
    t = (-2.0) * dot
    t = t + jnp.sum(s * s, axis=1, keepdims=True)
    t = t + jnp.sum(x * x, axis=0, keepdims=True)
    mi = (t <= RAD2).astype(jnp.int32)
    m_ref[0] = mi
    c = mi
    sh = 1
    while sh < N:
        c = c + jnp.concatenate(
            [jnp.zeros((S, sh), jnp.int32), c[:, : N - sh]], axis=1)
        sh *= 2
    l = jnp.sum((c < K).astype(jnp.int32), axis=1)
    nsc_ref[0] = jnp.minimum(l // 16 + 1, N // 16).reshape(1, S)


def _make_pool_kernel(rows_per_w, n_chunks):
    info = plsc.get_sparse_core_info()
    nc = info.num_cores
    mesh = plsc.VectorSubcoreMesh(core_axis_name="c", subcore_axis_name="s")

    @functools.partial(
        pl.kernel,
        out_type=jax.ShapeDtypeStruct((B * S, C), jnp.float32),
        mesh=mesh,
        scratch_types=[
            pltpu.VMEM((N,), jnp.int32),
            pltpu.VMEM((K,), jnp.int32),
            pltpu.VMEM((K, C), jnp.float32),
            pltpu.VMEM((C,), jnp.float32),
            pltpu.VMEM((rows_per_w,), jnp.int32),
            pltpu.SemaphoreType.DMA,
        ],
        compiler_params=pltpu.CompilerParams(needs_layout_passes=False),
    )
    def pool(mask_hbm, feat_hbm, nscan_hbm, out_hbm, mrow, idxb, rows, orow,
             nscv, sem):
        wid = lax.axis_index("s") * nc + lax.axis_index("c")
        gbase = (wid // (S // rows_per_w)) * N
        iota = lax.iota(jnp.int32, 16)
        zeros16 = jnp.zeros((16,), jnp.int32)
        pltpu.sync_copy(nscan_hbm.at[pl.ds(wid * rows_per_w, rows_per_w)], nscv)

        def row_body(k, _):
            r = wid * rows_per_w + k
            pltpu.sync_copy(mask_hbm.at[r], mrow)
            nsc = jnp.max(plsc.load_gather(nscv, [jnp.full((16,), k, jnp.int32)]))

            def sbody(t, cur):
                ids = t * 16 + iota
                m = plsc.load_gather(mrow, [ids])
                cs = plsc.cumsum(m)
                sel = jnp.logical_and(m > 0, (cur + cs) <= K)
                pos = jnp.where(sel, cur + cs - 1, 0)
                plsc.store_scatter(idxb, [pos], gbase + ids, mask=sel)
                return cur + jnp.sum(m)

            cur = lax.fori_loop(0, nsc, sbody, jnp.int32(0))
            cnt = jnp.minimum(cur, K)
            first = plsc.load_gather(idxb, [zeros16])
            for h in range(0, K, 16):
                curv = idxb[pl.ds(h, 16)]
                slot = h + iota
                idxb[pl.ds(h, 16)] = jnp.where(slot < cnt, curv, first)

            pltpu.async_copy(feat_hbm.at[idxb], rows, sem).wait()
            for cc in range(0, C, 16):
                acc = rows[0, pl.ds(cc, 16)]
                for j in range(1, K):
                    acc = jnp.maximum(acc, rows[j, pl.ds(cc, 16)])
                orow[pl.ds(cc, 16)] = acc
            pltpu.sync_copy(orow, out_hbm.at[r])
            return 0

        lax.fori_loop(0, rows_per_w, row_body, 0)

    return pool


@jax.jit
def kernel(xyz, features):
    xyz_t = jnp.transpose(xyz, (0, 2, 1))
    xyz_v = xyz_t.reshape(B, 3, SUB, LN)

    nxyz_t = pl.pallas_call(
        _fps_body,
        in_specs=[
            pl.BlockSpec((B, 3, SUB, LN), lambda: (0, 0, 0, 0)),
            pl.BlockSpec((B, 3, N), lambda: (0, 0, 0), memory_space=pltpu.SMEM),
        ],
        out_specs=pl.BlockSpec((B, 3, S), lambda: (0, 0, 0), memory_space=pltpu.SMEM),
        out_shape=jax.ShapeDtypeStruct((B, 3, S), jnp.float32),
    )(xyz_v, xyz_t)
    new_xyz = jnp.transpose(nxyz_t, (0, 2, 1))

    mask, nscan = pl.pallas_call(
        _mask_body,
        grid=(B,),
        in_specs=[
            pl.BlockSpec((1, S, 3), lambda b: (b, 0, 0)),
            pl.BlockSpec((1, 3, N), lambda b: (b, 0, 0)),
        ],
        out_specs=[
            pl.BlockSpec((1, S, N), lambda b: (b, 0, 0)),
            pl.BlockSpec((1, 1, S), lambda b: (b, 0, 0)),
        ],
        out_shape=[
            jax.ShapeDtypeStruct((B, S, N), jnp.int32),
            jax.ShapeDtypeStruct((B, 1, S), jnp.int32),
        ],
    )(new_xyz, xyz_t)

    feat_rows = jnp.transpose(features, (0, 2, 1)).reshape(B * N, C)

    info = plsc.get_sparse_core_info()
    nw = info.num_cores * info.num_subcores
    pool = _make_pool_kernel((B * S) // nw, N // 16)
    pooled = pool(mask.reshape(B * S, N), feat_rows,
                  nscan.reshape(B * S))

    sub_features = jnp.transpose(pooled.reshape(B, S, C), (0, 2, 1))
    return new_xyz, sub_features

# --- scband reference (transcript-rebuilt; emitter-appended) ---
"""Pipeline reference for scband-masked-max-pool-60610578481786 (READ-ONLY COPY).

The authoritative reference and input builder live on the scoring server;
editing this copy changes nothing except your own understanding.
"""

import jax, jax.numpy as jnp
import numpy as np


def square_distance(src, dst):
    dist = -2.0 * jnp.matmul(src, jnp.transpose(dst, (0, 2, 1)))
    dist = dist + jnp.sum(src ** 2, -1)[:, :, None]
    dist = dist + jnp.sum(dst ** 2, -1)[:, None, :]
    return dist


def index_points(points, idx):
    # points: [B, N, C]; idx: [B, ...] -> [B, ..., C]
    return jax.vmap(lambda p, i: p[i])(points, idx)


def farthest_point_sample(xyz, npoint):
    B, N, _ = xyz.shape
    batch_indices = jnp.arange(B)

    def body(i, state):
        centroids, distance, farthest = state
        centroids = centroids.at[:, i].set(farthest)
        centroid = xyz[batch_indices, farthest][:, None, :]
        dist = jnp.sum((xyz - centroid) ** 2, -1)
        distance = jnp.minimum(distance, dist)
        farthest = jnp.argmax(distance, -1).astype(jnp.int32)
        return (centroids, distance, farthest)

    centroids0 = jnp.zeros((B, npoint), dtype=jnp.int32)
    distance0 = jnp.full((B, N), 1e10, dtype=jnp.float32)
    farthest0 = jnp.zeros((B,), dtype=jnp.int32)
    centroids, _, _ = jax.lax.fori_loop(0, npoint, body, (centroids0, distance0, farthest0))
    return centroids


def query_ball_point(radius, nsample, xyz, new_xyz):
    B, N, _ = xyz.shape
    S = new_xyz.shape[1]
    sqrdists = square_distance(new_xyz, xyz)
    arange = jnp.broadcast_to(jnp.arange(N, dtype=jnp.int32), (B, S, N))
    group_idx = jnp.where(sqrdists > radius ** 2, N, arange)
    group_idx = jnp.sort(group_idx, axis=-1)[:, :, :nsample]
    group_first = group_idx[:, :, 0:1]
    group_idx = jnp.where(group_idx == N, jnp.broadcast_to(group_first, group_idx.shape), group_idx)
    return group_idx


def setup_inputs(seed: int = 0) -> dict:
    key = jax.random.key(seed)
    k1, k2 = jax.random.split(key)
    xyz = jax.random.uniform(k1, (4, 4096, 3), dtype=jnp.float32)
    features = jax.random.normal(k2, (4, 256, 4096), dtype=jnp.float32)
    return {"xyz": xyz, "features": features}


def reference(xyz, features):
    npoint, radius, k = 512, 0.2, 32
    centroids = farthest_point_sample(xyz, npoint)
    new_xyz = index_points(xyz, centroids)                      # [B, npoint, 3]
    idx = query_ball_point(radius, k, xyz, new_xyz)             # [B, npoint, k]
    points = jnp.transpose(features, (0, 2, 1))                 # [B, N, C]
    new_points = index_points(points, idx)                      # [B, npoint, k, C]
    neighborhood = jnp.transpose(new_points, (0, 3, 1, 2))      # [B, C, npoint, k]
    sub_features = jnp.max(neighborhood, axis=-1)               # [B, C, npoint]
    return (new_xyz, sub_features)

if __name__ == "__main__":
    import jax
    _d = setup_inputs()
    print(jax.jit(kernel)(*tuple(_d.values())))

</pallas_src>

<mosaic_0001>
#map = affine_map<(d0, d1) -> (0, 0)>
#map1 = affine_map<(d0, d1) -> (0)>
module attributes {stable_mosaic.version = 14 : i64} {
  func.func @pool(%arg0: i32, %arg1: i32, %arg2: memref<2048x4096xi32, #tpu.memory_space<hbm>>, %arg3: memref<16384x256xf32, #tpu.memory_space<hbm>>, %arg4: memref<2048xi32, #tpu.memory_space<hbm>>, %arg5: memref<2048x256xf32, #tpu.memory_space<hbm>>, %arg6: memref<4096xi32, #tpu.memory_space<vmem>>, %arg7: memref<32xi32, #tpu.memory_space<vmem>>, %arg8: memref<32x256xf32, #tpu.memory_space<vmem>>, %arg9: memref<256xf32, #tpu.memory_space<vmem>>, %arg10: memref<64xi32, #tpu.memory_space<vmem>>, %arg11: memref<!tpu.dma_semaphore, #tpu.memory_space<semaphore_mem>>) attributes {dimension_semantics = [#tpu.dimension_semantics<core_parallel>, #tpu.dimension_semantics<subcore_parallel>], iteration_bounds = array<i64: 2, 16>, scalar_prefetch = 0 : i64, scratch_operands = 6 : i64, tpu.core_type = #tpu.core_type<sc_vector_subcore>, window_params = [{transform_indices = #map}, {transform_indices = #map}, {transform_indices = #map1}, {transform_indices = #map}]} {
    %mul3A = arith.constant 2 : i32
    %mul3A_0 = arith.muli %arg1, %mul3A : i32
    %add3A = arith.addi %mul3A_0, %arg0 : i32
    %jit3A = arith.constant 8 : i32
    %div3A = arith.divsi %add3A, %jit3A : i32
    %sign3A = arith.constant 0 : i32
    %sign3A_1 = arith.cmpi sgt, %add3A, %sign3A : i32
    %sign3A_2 = arith.extui %sign3A_1 : i1 to i32
    %sign3A_3 = arith.constant 0 : i32
    %sign3A_4 = arith.cmpi slt, %add3A, %sign3A_3 : i32
    %sign3A_5 = arith.extui %sign3A_4 : i1 to i32
    %sign3A_6 = arith.subi %sign3A_2, %sign3A_5 : i32
    %sign3A_7 = arith.constant 0 : i32
    %sign3A_8 = arith.cmpi sgt, %jit3A, %sign3A_7 : i32
    %sign3A_9 = arith.extui %sign3A_8 : i1 to i32
    %sign3A_10 = arith.constant 0 : i32
    %sign3A_11 = arith.cmpi slt, %jit3A, %sign3A_10 : i32
    %sign3A_12 = arith.extui %sign3A_11 : i1 to i32
    %sign3A_13 = arith.subi %sign3A_9, %sign3A_12 : i32
    %ne3A = arith.cmpi ne, %sign3A_6, %sign3A_13 : i32
    %rem3A = arith.remsi %add3A, %jit3A : i32
    %ne3A_14 = arith.constant 0 : i32
    %ne3A_15 = arith.cmpi ne, %rem3A, %ne3A_14 : i32
    %and3A = arith.andi %ne3A, %ne3A_15 : i1
    %sub3A = arith.constant 1 : i32
    %sub3A_16 = arith.subi %div3A, %sub3A : i32
    %select_n3A = arith.select %and3A, %sub3A_16, %div3A : i32
    %mul3A_17 = arith.constant 4096 : i32
    %mul3A_18 = arith.muli %select_n3A, %mul3A_17 : i32
    %iota3A = tpu.iota {dimensions = array<i32: 0>} : vector<16xi32>
    %broadcast_in_dim3A = arith.constant 0 : i32
    %broadcast_in_dim3A_19 = vector.broadcast %broadcast_in_dim3A : i32 to vector<16xi32>
    %mul3A_20 = arith.constant 64 : i32
    %mul3A_21 = arith.muli %add3A, %mul3A_20 : i32
    "tpu.region"() ({
      %run_scoped3A = tpu.sem_alloc : memref<!tpu.dma_semaphore, #tpu.memory_space<semaphore_mem>>
      %dma_start3A = tpu.memref_slice %arg4[%mul3A_21] : memref<2048xi32, #tpu.memory_space<hbm>> -> memref<64xi32, #tpu.memory_space<hbm>>
      %dma_start3A_28 = tpu.memref_slice %arg4[%mul3A_21] : memref<2048xi32, #tpu.memory_space<hbm>> -> memref<64xi32, #tpu.memory_space<hbm>>
      tpu.enqueue_dma source(%dma_start3A_28 : memref<64xi32, #tpu.memory_space<hbm>>) target(%arg10 : memref<64xi32, #tpu.memory_space<vmem>>) target_semaphore(%run_scoped3A : memref<!tpu.dma_semaphore, #tpu.memory_space<semaphore_mem>>)
      %dma_wait3A = tpu.memref_slice %arg4[%mul3A_21] : memref<2048xi32, #tpu.memory_space<hbm>> -> memref<64xi32, #tpu.memory_space<hbm>>
      %dma_wait3A_29 = tpu.memref_slice %arg4[%mul3A_21] : memref<2048xi32, #tpu.memory_space<hbm>> -> memref<64xi32, #tpu.memory_space<hbm>>
      tpu.wait_dma2 semaphore(%run_scoped3A : memref<!tpu.dma_semaphore, #tpu.memory_space<semaphore_mem>>) src(%dma_wait3A_29 : memref<64xi32, #tpu.memory_space<hbm>>) dst(%arg10 : memref<64xi32, #tpu.memory_space<vmem>>)
      tpu.yield
    }) : () -> ()
    %scan3A = arith.constant 0 : i32
    %scan3A_22 = arith.constant 0 : i32
    %scan3A_23 = arith.constant 64 : i32
    %scan3A_24 = arith.addi %scan3A_22, %scan3A_23 : i32
    %scan3A_25 = arith.constant 1 : i32
    %scan3A_26 = scf.for %scan3A_28 = %scan3A_22 to %scan3A_24 step %scan3A_25 iter_args(%scan3A_29 = %scan3A) -> (i32)  : i32 {
      %mul3A_30 = arith.constant 64 : i32
      %mul3A_31 = arith.muli %add3A, %mul3A_30 : i32
      %add3A_32 = arith.addi %mul3A_31, %scan3A_28 : i32
      "tpu.region"() ({
        %run_scoped3A = tpu.sem_alloc : memref<!tpu.dma_semaphore, #tpu.memory_space<semaphore_mem>>
        %dma_start3A_2651 = arith.constant 0 : i32
        %dma_start3A_2652 = tpu.memref_slice %arg2[%add3A_32, %dma_start3A_2651] : memref<2048x4096xi32, #tpu.memory_space<hbm>> -> memref<1x4096xi32, #tpu.memory_space<hbm>>
        %dma_start3A_2653 = tpu.memref_squeeze %dma_start3A_2652 : memref<1x4096xi32, #tpu.memory_space<hbm>> -> memref<4096xi32, #tpu.memory_space<hbm>>
        %dma_start3A_2654 = arith.constant 0 : i32
        %dma_start3A_2655 = tpu.memref_slice %arg2[%add3A_32, %dma_start3A_2654] : memref<2048x4096xi32, #tpu.memory_space<hbm>> -> memref<1x4096xi32, #tpu.memory_space<hbm>>
        %dma_start3A_2656 = tpu.memref_squeeze %dma_start3A_2655 : memref<1x4096xi32, #tpu.memory_space<hbm>> -> memref<4096xi32, #tpu.memory_space<hbm>>
        tpu.enqueue_dma source(%dma_start3A_2656 : memref<4096xi32, #tpu.memory_space<hbm>>) target(%arg6 : memref<4096xi32, #tpu.memory_space<vmem>>) target_semaphore(%run_scoped3A : memref<!tpu.dma_semaphore, #tpu.memory_space<semaphore_mem>>)
        %dma_wait3A_2657 = arith.constant 0 : i32
        %dma_wait3A_2658 = tpu.memref_slice %arg2[%add3A_32, %dma_wait3A_2657] : memref<2048x4096xi32, #tpu.memory_space<hbm>> -> memref<1x4096xi32, #tpu.memory_space<hbm>>
        %dma_wait3A_2659 = tpu.memref_squeeze %dma_wait3A_2658 : memref<1x4096xi32, #tpu.memory_space<hbm>> -> memref<4096xi32, #tpu.memory_space<hbm>>
        %dma_wait3A_2660 = arith.constant 0 : i32
        %dma_wait3A_2661 = tpu.memref_slice %arg2[%add3A_32, %dma_wait3A_2660] : memref<2048x4096xi32, #tpu.memory_space<hbm>> -> memref<1x4096xi32, #tpu.memory_space<hbm>>
        %dma_wait3A_2662 = tpu.memref_squeeze %dma_wait3A_2661 : memref<1x4096xi32, #tpu.memory_space<hbm>> -> memref<4096xi32, #tpu.memory_space<hbm>>
        tpu.wait_dma2 semaphore(%run_scoped3A : memref<!tpu.dma_semaphore, #tpu.memory_space<semaphore_mem>>) src(%dma_wait3A_2662 : memref<4096xi32, #tpu.memory_space<hbm>>) dst(%arg6 : memref<4096xi32, #tpu.memory_space<vmem>>)
        tpu.yield
      }) : () -> ()
      %broadcast_in_dim3A_33 = vector.broadcast %scan3A_28 : i32 to vector<16xi32>
      %gather3A = tpu.vector_load_idx %arg10[%broadcast_in_dim3A_33] : memref<64xi32, #tpu.memory_space<vmem>>[vector<16xi32>], vector<16xi32>,
      %reduce_max3A = arith.constant true
      %reduce_max3A_34 = vector.broadcast %reduce_max3A : i1 to vector<16xi1>
      %reduce_max3A_35 = arith.constant -2147483648 : i32
      %reduce_max3A_36 = vector.broadcast %reduce_max3A_35 : i32 to vector<16xi32>
      %reduce_max3A_37 = arith.xori %gather3A, %reduce_max3A_36 : vector<16xi32>
      %reduce_max3A_38 = tpu.scan <max>, %reduce_max3A_37 masked %reduce_max3A_34 : vector<16xi32>, vector<16xi1> -> vector<16xi32>
      %reduce_max3A_39 = arith.xori %reduce_max3A_38, %reduce_max3A_36 : vector<16xi32>
      %reduce_max3A_40 = vector.extract %reduce_max3A_39[15] : i32 from vector<16xi32>
      %while3A = arith.constant 0 : i32
      %while3A_41 = arith.constant 0 : i32
      %while3A_42 = arith.subi %reduce_max3A_40, %while3A : i32
      %while3A_43 = arith.addi %while3A, %while3A_42 : i32
      %while3A_44 = arith.constant 1 : i32
      %while3A_45 = arith.divsi %while3A_42, %while3A_44 : i32
      %while3A_46 = arith.muli %while3A_45, %while3A_44 : i32
      %while3A_47 = arith.addi %while3A, %while3A_46 : i32
      %while3A_48 = arith.constant 1 : i32
      %while3A_49 = scf.for %while3A_2651 = %while3A to %while3A_47 step %while3A_48 iter_args(%while3A_2652 = %while3A_41) -> (i32)  : i32 {
        %mul3A_2653 = arith.constant 16 : i32
        %mul3A_2654 = arith.muli %while3A_2651, %mul3A_2653 : i32
        %add3A_2655 = vector.broadcast %mul3A_2654 : i32 to vector<16xi32>
        %add3A_2656 = arith.addi %add3A_2655, %iota3A : vector<16xi32>
        %gather3A_2657 = tpu.vector_load_idx %arg6[%add3A_2656] : memref<4096xi32, #tpu.memory_space<vmem>>[vector<16xi32>], vector<16xi32>,
        %broadcast_in_dim3A_2658 = arith.constant true
        %broadcast_in_dim3A_2659 = vector.broadcast %broadcast_in_dim3A_2658 : i1 to vector<16xi1>
        %masked_cumsum3A = tpu.scan <sum>, %gather3A_2657 masked %broadcast_in_dim3A_2659 : vector<16xi32>, vector<16xi1> -> vector<16xi32>
        %gt3A = arith.constant 0 : i32
        %gt3A_2660 = vector.broadcast %gt3A : i32 to vector<16xi32>
        %gt3A_2661 = arith.cmpi sgt, %gather3A_2657, %gt3A_2660 : vector<16xi32>
        %add3A_2662 = vector.broadcast %while3A_2652 : i32 to vector<16xi32>
        %add3A_2663 = arith.addi %add3A_2662, %masked_cumsum3A : vector<16xi32>
        %le3A = arith.constant 32 : i32
        %le3A_2664 = vector.broadcast %le3A : i32 to vector<16xi32>
        %le3A_2665 = arith.cmpi sle, %add3A_2663, %le3A_2664 : vector<16xi32>
        %and3A_2666 = arith.andi %gt3A_2661, %le3A_2665 : vector<16xi1>
        %add3A_2667 = vector.broadcast %while3A_2652 : i32 to vector<16xi32>
        %add3A_2668 = arith.addi %add3A_2667, %masked_cumsum3A : vector<16xi32>
        %sub3A_2669 = arith.constant 1 : i32
        %sub3A_2670 = vector.broadcast %sub3A_2669 : i32 to vector<16xi32>
        %sub3A_2671 = arith.subi %add3A_2668, %sub3A_2670 : vector<16xi32>
        %jit3A_2672 = arith.constant 0 : i32
        %broadcast_in_dim3A_2673 = vector.broadcast %jit3A_2672 : i32 to vector<16xi32>
        %select_n3A_2674 = arith.select %and3A_2666, %sub3A_2671, %broadcast_in_dim3A_2673 : vector<16xi1>, vector<16xi32>
        %add3A_2675 = vector.broadcast %mul3A_18 : i32 to vector<16xi32>
        %add3A_2676 = arith.addi %add3A_2675, %add3A_2656 : vector<16xi32>
        tpu.vector_store_idx %arg7[%select_n3A_2674], %add3A_2676 masked %and3A_2666 : memref<32xi32, #tpu.memory_space<vmem>>[vector<16xi32>], vector<16xi32>, vector<16xi1>
        %reduce_sum3A = arith.constant true
        %reduce_sum3A_2677 = vector.broadcast %reduce_sum3A : i1 to vector<16xi1>
        %reduce_sum3A_2678 = tpu.scan <sum>, %gather3A_2657 masked %reduce_sum3A_2677 : vector<16xi32>, vector<16xi1> -> vector<16xi32>
        %reduce_sum3A_2679 = vector.extract %reduce_sum3A_2678[15] : i32 from vector<16xi32>
        %add3A_2680 = arith.addi %while3A_2652, %reduce_sum3A_2679 : i32
        scf.yield %add3A_2680 : i32
      }
      %while3A_50 = arith.constant 1 : i32
      %while3A_51 = scf.for %while3A_2651 = %while3A_47 to %while3A_43 step %while3A_50 iter_args(%while3A_2652 = %while3A_49) -> (i32)  : i32 {
        %mul3A_2653 = arith.constant 16 : i32
        %mul3A_2654 = arith.muli %while3A_2651, %mul3A_2653 : i32
        %add3A_2655 = vector.broadcast %mul3A_2654 : i32 to vector<16xi32>
        %add3A_2656 = arith.addi %add3A_2655, %iota3A : vector<16xi32>
        %gather3A_2657 = tpu.vector_load_idx %arg6[%add3A_2656] : memref<4096xi32, #tpu.memory_space<vmem>>[vector<16xi32>], vector<16xi32>,
        %broadcast_in_dim3A_2658 = arith.constant true
        %broadcast_in_dim3A_2659 = vector.broadcast %broadcast_in_dim3A_2658 : i1 to vector<16xi1>
        %masked_cumsum3A = tpu.scan <sum>, %gather3A_2657 masked %broadcast_in_dim3A_2659 : vector<16xi32>, vector<16xi1> -> vector<16xi32>
        %gt3A = arith.constant 0 : i32
        %gt3A_2660 = vector.broadcast %gt3A : i32 to vector<16xi32>
        %gt3A_2661 = arith.cmpi sgt, %gather3A_2657, %gt3A_2660 : vector<16xi32>
        %add3A_2662 = vector.broadcast %while3A_2652 : i32 to vector<16xi32>
        %add3A_2663 = arith.addi %add3A_2662, %masked_cumsum3A : vector<16xi32>
        %le3A = arith.constant 32 : i32
        %le3A_2664 = vector.broadcast %le3A : i32 to vector<16xi32>
        %le3A_2665 = arith.cmpi sle, %add3A_2663, %le3A_2664 : vector<16xi32>
        %and3A_2666 = arith.andi %gt3A_2661, %le3A_2665 : vector<16xi1>
        %add3A_2667 = vector.broadcast %while3A_2652 : i32 to vector<16xi32>
        %add3A_2668 = arith.addi %add3A_2667, %masked_cumsum3A : vector<16xi32>
        %sub3A_2669 = arith.constant 1 : i32
        %sub3A_2670 = vector.broadcast %sub3A_2669 : i32 to vector<16xi32>
        %sub3A_2671 = arith.subi %add3A_2668, %sub3A_2670 : vector<16xi32>
        %jit3A_2672 = arith.constant 0 : i32
        %broadcast_in_dim3A_2673 = vector.broadcast %jit3A_2672 : i32 to vector<16xi32>
        %select_n3A_2674 = arith.select %and3A_2666, %sub3A_2671, %broadcast_in_dim3A_2673 : vector<16xi1>, vector<16xi32>
        %add3A_2675 = vector.broadcast %mul3A_18 : i32 to vector<16xi32>
        %add3A_2676 = arith.addi %add3A_2675, %add3A_2656 : vector<16xi32>
        tpu.vector_store_idx %arg7[%select_n3A_2674], %add3A_2676 masked %and3A_2666 : memref<32xi32, #tpu.memory_space<vmem>>[vector<16xi32>], vector<16xi32>, vector<16xi1>
        %reduce_sum3A = arith.constant true
        %reduce_sum3A_2677 = vector.broadcast %reduce_sum3A : i1 to vector<16xi1>
        %reduce_sum3A_2678 = tpu.scan <sum>, %gather3A_2657 masked %reduce_sum3A_2677 : vector<16xi32>, vector<16xi1> -> vector<16xi32>
        %reduce_sum3A_2679 = vector.extract %reduce_sum3A_2678[15] : i32 from vector<16xi32>
        %add3A_2680 = arith.addi %while3A_2652, %reduce_sum3A_2679 : i32
        scf.yield %add3A_2680 : i32
      }
      %min3A = arith.constant 32 : i32
      %min3A_52 = arith.minsi %while3A_51, %min3A : i32
      %gather3A_53 = tpu.vector_load_idx %arg7[%broadcast_in_dim3A_19] : memref<32xi32, #tpu.memory_space<vmem>>[vector<16xi32>], vector<16xi32>,
      %get3A = arith.constant 0 : index
      %get3A_54 = tpu.vector_load %arg7[%get3A] {strides = array<i32>} : memref<32xi32, #tpu.memory_space<vmem>>, vector<16xi32>,
      %add3A_55 = arith.constant 0 : i32
      %add3A_56 = vector.broadcast %add3A_55 : i32 to vector<16xi32>
      %add3A_57 = arith.addi %add3A_56, %iota3A : vector<16xi32>
      %lt3A = vector.broadcast %min3A_52 : i32 to vector<16xi32>
      %lt3A_58 = arith.cmpi slt, %add3A_57, %lt3A : vector<16xi32>
      %select_n3A_59 = arith.select %lt3A_58, %get3A_54, %gather3A_53 : vector<16xi1>, vector<16xi32>
      %swap3A = arith.constant 0 : index
      %swap3A_60 = tpu.vector_load %arg7[%swap3A] {strides = array<i32>} : memref<32xi32, #tpu.memory_space<vmem>>, vector<16xi32>,
      tpu.vector_store %arg7[%swap3A], %select_n3A_59 {strides = array<i32>} : memref<32xi32, #tpu.memory_space<vmem>>, vector<16xi32>,
      %get3A_61 = arith.constant 16 : index
      %get3A_62 = tpu.vector_load %arg7[%get3A_61] {strides = array<i32>} : memref<32xi32, #tpu.memory_space<vmem>>, vector<16xi32>,
      %add3A_63 = arith.constant 16 : i32
      %add3A_64 = vector.broadcast %add3A_63 : i32 to vector<16xi32>
      %add3A_65 = arith.addi %add3A_64, %iota3A : vector<16xi32>
      %lt3A_66 = vector.broadcast %min3A_52 : i32 to vector<16xi32>
      %lt3A_67 = arith.cmpi slt, %add3A_65, %lt3A_66 : vector<16xi32>
      %select_n3A_68 = arith.select %lt3A_67, %get3A_62, %gather3A_53 : vector<16xi1>, vector<16xi32>
      %swap3A_69 = arith.constant 16 : index
      %swap3A_70 = tpu.vector_load %arg7[%swap3A_69] {strides = array<i32>} : memref<32xi32, #tpu.memory_space<vmem>>, vector<16xi32>,
      tpu.vector_store %arg7[%swap3A_69], %select_n3A_68 {strides = array<i32>} : memref<32xi32, #tpu.memory_space<vmem>>, vector<16xi32>,
      %dma_start3A = arith.constant 0 : i32
      %dma_start3A_71 = arith.constant 0 : i32
      %dma_start3A_72 = tpu.memref_slice %arg3[%dma_start3A, %dma_start3A_71] : memref<16384x256xf32, #tpu.memory_space<hbm>> -> memref<16384x256xf32, #tpu.memory_space<hbm>>
      tpu.enqueue_indirect_dma source(%dma_start3A_72 : memref<16384x256xf32, #tpu.memory_space<hbm>>) target(%arg8 : memref<32x256xf32, #tpu.memory_space<vmem>>) offsets(%arg7 : memref<32xi32, #tpu.memory_space<vmem>>) semaphore(%arg11 : memref<!tpu.dma_semaphore, #tpu.memory_space<semaphore_mem>>)
      %dma_wait3A = arith.constant 0 : i32
      %dma_wait3A_73 = arith.constant 0 : i32
      %dma_wait3A_74 = tpu.memref_slice %arg3[%dma_wait3A, %dma_wait3A_73] : memref<16384x256xf32, #tpu.memory_space<hbm>> -> memref<16384x256xf32, #tpu.memory_space<hbm>>
      tpu.wait_indirect_dma semaphore(%arg11 : memref<!tpu.dma_semaphore, #tpu.memory_space<semaphore_mem>>) src(%dma_wait3A_74 : memref<16384x256xf32, #tpu.memory_space<hbm>>) dst(%arg8 : memref<32x256xf32, #tpu.memory_space<vmem>>)
      %get3A_75 = arith.constant 0 : i32
      %get3A_76 = arith.index_cast %get3A_75 : i32 to index
      %get3A_77 = arith.constant 0 : index
      %get3A_78 = tpu.vector_load %arg8[%get3A_76, %get3A_77] {strides = array<i32>} : memref<32x256xf32, #tpu.memory_space<vmem>>, vector<16xf32>,
      %get3A_79 = arith.constant 1 : i32
      %get3A_80 = arith.index_cast %get3A_79 : i32 to index
      %get3A_81 = arith.constant 0 : index
      %get3A_82 = tpu.vector_load %arg8[%get3A_80, %get3A_81] {strides = array<i32>} : memref<32x256xf32, #tpu.memory_space<vmem>>, vector<16xf32>,
      %max3A = arith.maximumf %get3A_78, %get3A_82 : vector<16xf32>
      %get3A_83 = arith.constant 2 : i32
      %get3A_84 = arith.index_cast %get3A_83 : i32 to index
      %get3A_85 = arith.constant 0 : index
      %get3A_86 = tpu.vector_load %arg8[%get3A_84, %get3A_85] {strides = array<i32>} : memref<32x256xf32, #tpu.memory_space<vmem>>, vector<16xf32>,
      %max3A_87 = arith.maximumf %max3A, %get3A_86 : vector<16xf32>
      %get3A_88 = arith.constant 3 : i32
      %get3A_89 = arith.index_cast %get3A_88 : i32 to index
      %get3A_90 = arith.constant 0 : index
      %get3A_91 = tpu.vector_load %arg8[%get3A_89, %get3A_90] {strides = array<i32>} : memref<32x256xf32, #tpu.memory_space<vmem>>, vector<16xf32>,
      %max3A_92 = arith.maximumf %max3A_87, %get3A_91 : vector<16xf32>
      %get3A_93 = arith.constant 4 : i32
      %get3A_94 = arith.index_cast %get3A_93 : i32 to index
      %get3A_95 = arith.constant 0 : index
      %get3A_96 = tpu.vector_load %arg8[%get3A_94, %get3A_95] {strides = array<i32>} : memref<32x256xf32, #tpu.memory_space<vmem>>, vector<16xf32>,
      %max3A_97 = arith.maximumf %max3A_92, %get3A_96 : vector<16xf32>
      %get3A_98 = arith.constant 5 : i32
      %get3A_99 = arith.index_cast %get3A_98 : i32 to index
      %get3A_100 = arith.constant 0 : index
      %get3A_101 = tpu.vector_load %arg8[%get3A_99, %get3A_100] {strides = array<i32>} : memref<32x256xf32, #tpu.memory_space<vmem>>, vector<16xf32>,
      %max3A_102 = arith.maximumf %max3A_97, %get3A_101 : vector<16xf32>
      %get3A_103 = arith.constant 6 : i32
      %get3A_104 = arith.index_cast %get3A_103 : i32 to index
      %get3A_105 = arith.constant 0 : index
      %get3A_106 = tpu.vector_load %arg8[%get3A_104, %get3A_105] {strides = array<i32>} : memref<32x256xf32, #tpu.memory_space<vmem>>, vector<16xf32>,
      %max3A_107 = arith.maximumf %max3A_102, %get3A_106 : vector<16xf32>
      %get3A_108 = arith.constant 7 : i32
      %get3A_109 = arith.index_cast %get3A_108 : i32 to index
      %get3A_110 = arith.constant 0 : index
      %get3A_111 = tpu.vector_load %arg8[%get3A_109, %get3A_110] {strides = array<i32>} : memref<32x256xf32, #tpu.memory_space<vmem>>, vector<16xf32>,
      %max3A_112 = arith.maximumf %max3A_107, %get3A_111 : vector<16xf32>
      %get3A_113 = arith.constant 8 : i32
      %get3A_114 = arith.index_cast %get3A_113 : i32 to index
      %get3A_115 = arith.constant 0 : index
      %get3A_116 = tpu.vector_load %arg8[%get3A_114, %get3A_115] {strides = array<i32>} : memref<32x256xf32, #tpu.memory_space<vmem>>, vector<16xf32>,
      %max3A_117 = arith.maximumf %max3A_112, %get3A_116 : vector<16xf32>
      %get3A_118 = arith.constant 9 : i32
      %get3A_119 = arith.index_cast %get3A_118 : i32 to index
      %get3A_120 = arith.constant 0 : index
      %get3A_121 = tpu.vector_load %arg8[%get3A_119, %get3A_120] {strides = array<i32>} : memref<32x256xf32, #tpu.memory_space<vmem>>, vector<16xf32>,
      %max3A_122 = arith.maximumf %max3A_117, %get3A_121 : vector<16xf32>
      %get3A_123 = arith.constant 10 : i32
      %get3A_124 = arith.index_cast %get3A_123 : i32 to index
      %get3A_125 = arith.constant 0 : index
      %get3A_126 = tpu.vector_load %arg8[%get3A_124, %get3A_125] {strides = array<i32>} : memref<32x256xf32, #tpu.memory_space<vmem>>, vector<16xf32>,
      %max3A_127 = arith.maximumf %max3A_122, %get3A_126 : vector<16xf32>
      %get3A_128 = arith.constant 11 : i32
      %get3A_129 = arith.index_cast %get3A_128 : i32 to index
      %get3A_130 = arith.constant 0 : index
      %get3A_131 = tpu.vector_load %arg8[%get3A_129, %get3A_130] {strides = array<i32>} : memref<32x256xf32, #tpu.memory_space<vmem>>, vector<16xf32>,
      %max3A_132 = arith.maximumf %max3A_127, %get3A_131 : vector<16xf32>
      %get3A_133 = arith.constant 12 : i32
      %get3A_134 = arith.index_cast %get3A_133 : i32 to index
      %get3A_135 = arith.constant 0 : index
      %get3A_136 = tpu.vector_load %arg8[%get3A_134, %get3A_135] {strides = array<i32>} : memref<32x256xf32, #tpu.memory_space<vmem>>, vector<16xf32>,
      %max3A_137 = arith.maximumf %max3A_132, %get3A_136 : vector<16xf32>
      %get3A_138 = arith.constant 13 : i32
      %get3A_139 = arith.index_cast %get3A_138 : i32 to index
      %get3A_140 = arith.constant 0 : index
      %get3A_141 = tpu.vector_load %arg8[%get3A_139, %get3A_140] {strides = array<i32>} : memref<32x256xf32, #tpu.memory_space<vmem>>, vector<16xf32>,
      %max3A_142 = arith.maximumf %max3A_137, %get3A_141 : vector<16xf32>
      %get3A_143 = arith.constant 14 : i32
      %get3A_144 = arith.index_cast %get3A_143 : i32 to index
      %get3A_145 = arith.constant 0 : index
      %get3A_146 = tpu.vector_load %arg8[%get3A_144, %get3A_145] {strides = array<i32>} : memref<32x256xf32, #tpu.memory_space<vmem>>, vector<16xf32>,
      %max3A_147 = arith.maximumf %max3A_142, %get3A_146 : vector<16xf32>
      %get3A_148 = arith.constant 15 : i32
      %get3A_149 = arith.index_cast %get3A_148 : i32 to index
      %get3A_150 = arith.constant 0 : index
      %get3A_151 = tpu.vector_load %arg8[%get3A_149, %get3A_150] {strides = array<i32>} : memref<32x256xf32, #tpu.memory_space<vmem>>, vector<16xf32>,
      %max3A_152 = arith.maximumf %max3A_147, %get3A_151 : vector<16xf32>
      %get3A_153 = arith.constant 16 : i32
      %get3A_154 = arith.index_cast %get3A_153 : i32 to index
      %get3A_155 = arith.constant 0 : index
      %get3A_156 = tpu.vector_load %arg8[%get3A_154, %get3A_155] {strides = array<i32>} : memref<32x256xf32, #tpu.memory_space<vmem>>, vector<16xf32>,
      %max3A_157 = arith.maximumf %max3A_152, %get3A_156 : vector<16xf32>
      %get3A_158 = arith.constant 17 : i32
      %get3A_159 = arith.index_cast %get3A_158 : i32 to index
      %get3A_160 = arith.constant 0 : index
      %get3A_161 = tpu.vector_load %arg8[%get3A_159, %get3A_160] {strides = array<i32>} : memref<32x256xf32, #tpu.memory_space<vmem>>, vector<16xf32>,
      %max3A_162 = arith.maximumf %max3A_157, %get3A_161 : vector<16xf32>
      %get3A_163 = arith.constant 18 : i32
      %get3A_164 = arith.index_cast %get3A_163 : i32 to index
      %get3A_165 = arith.constant 0 : index
      %get3A_166 = tpu.vector_load %arg8[%get3A_164, %get3A_165] {strides = array<i32>} : memref<32x256xf32, #tpu.memory_space<vmem>>, vector<16xf32>,
      %max3A_167 = arith.maximumf %max3A_162, %get3A_166 : vector<16xf32>
      %get3A_168 = arith.constant 19 : i32
      %get3A_169 = arith.index_cast %get3A_168 : i32 to index
      %get3A_170 = arith.constant 0 : index
      %get3A_171 = tpu.vector_load %arg8[%get3A_169, %get3A_170] {strides = array<i32>} : memref<32x256xf32, #tpu.memory_space<vmem>>, vector<16xf32>,
      %max3A_172 = arith.maximumf %max3A_167, %get3A_171 : vector<16xf32>
      %get3A_173 = arith.constant 20 : i32
      %get3A_174 = arith.index_cast %get3A_173 : i32 to index
      %get3A_175 = arith.constant 0 : index
      %get3A_176 = tpu.vector_load %arg8[%get3A_174, %get3A_175] {strides = array<i32>} : memref<32x256xf32, #tpu.memory_space<vmem>>, vector<16xf32>,
      %max3A_177 = arith.maximumf %max3A_172, %get3A_176 : vector<16xf32>
      %get3A_178 = arith.constant 21 : i32
      %get3A_179 = arith.index_cast %get3A_178 : i32 to index
      %get3A_180 = arith.constant 0 : index
      %get3A_181 = tpu.vector_load %arg8[%get3A_179, %get3A_180] {strides = array<i32>} : memref<32x256xf32, #tpu.memory_space<vmem>>, vector<16xf32>,
      %max3A_182 = arith.maximumf %max3A_177, %get3A_181 : vector<16xf32>
      %get3A_183 = arith.constant 22 : i32
      %get3A_184 = arith.index_cast %get3A_183 : i32 to index
      %get3A_185 = arith.constant 0 : index
      %get3A_186 = tpu.vector_load %arg8[%get3A_184, %get3A_185] {strides = array<i32>} : memref<32x256xf32, #tpu.memory_space<vmem>>, vector<16xf32>,
      %max3A_187 = arith.maximumf %max3A_182, %get3A_186 : vector<16xf32>
      %get3A_188 = arith.constant 23 : i32
      %get3A_189 = arith.index_cast %get3A_188 : i32 to index
      %get3A_190 = arith.constant 0 : index
      %get3A_191 = tpu.vector_load %arg8[%get3A_189, %get3A_190] {strides = array<i32>} : memref<32x256xf32, #tpu.memory_space<vmem>>, vector<16xf32>,
      %max3A_192 = arith.maximumf %max3A_187, %get3A_191 : vector<16xf32>
      %get3A_193 = arith.constant 24 : i32
      %get3A_194 = arith.index_cast %get3A_193 : i32 to index
      %get3A_195 = arith.constant 0 : index
      %get3A_196 = tpu.vector_load %arg8[%get3A_194, %get3A_195] {strides = array<i32>} : memref<32x256xf32, #tpu.memory_space<vmem>>, vector<16xf32>,
      %max3A_197 = arith.maximumf %max3A_192, %get3A_196 : vector<16xf32>
      %get3A_198 = arith.constant 25 : i32
      %get3A_199 = arith.index_cast %get3A_198 : i32 to index
      %get3A_200 = arith.constant 0 : index
      %get3A_201 = tpu.vector_load %arg8[%get3A_199, %get3A_200] {strides = array<i32>} : memref<32x256xf32, #tpu.memory_space<vmem>>, vector<16xf32>,
      %max3A_202 = arith.maximumf %max3A_197, %get3A_201 : vector<16xf32>
      %get3A_203 = arith.constant 26 : i32
      %get3A_204 = arith.index_cast %get3A_203 : i32 to index
      %get3A_205 = arith.constant 0 : index
      %get3A_206 = tpu.vector_load %arg8[%get3A_204, %get3A_205] {strides = array<i32>} : memref<32x256xf32, #tpu.memory_space<vmem>>, vector<16xf32>,
      %max3A_207 = arith.maximumf %max3A_202, %get3A_206 : vector<16xf32>
      %get3A_208 = arith.constant 27 : i32
      %get3A_209 = arith.index_cast %get3A_208 : i32 to index
      %get3A_210 = arith.constant 0 : index
      %get3A_211 = tpu.vector_load %arg8[%get3A_209, %get3A_210] {strides = array<i32>} : memref<32x256xf32, #tpu.memory_space<vmem>>, vector<16xf32>,
      %max3A_212 = arith.maximumf %max3A_207, %get3A_211 : vector<16xf32>
      %get3A_213 = arith.constant 28 : i32
      %get3A_214 = arith.index_cast %get3A_213 : i32 to index
      %get3A_215 = arith.constant 0 : index
      %get3A_216 = tpu.vector_load %arg8[%get3A_214, %get3A_215] {strides = array<i32>} : memref<32x256xf32, #tpu.memory_space<vmem>>, vector<16xf32>,
      %max3A_217 = arith.maximumf %max3A_212, %get3A_216 : vector<16xf32>
      %get3A_218 = arith.constant 29 : i32
      %get3A_219 = arith.index_cast %get3A_218 : i32 to index
      %get3A_220 = arith.constant 0 : index
      %get3A_221 = tpu.vector_load %arg8[%get3A_219, %get3A_220] {strides = array<i32>} : memref<32x256xf32, #tpu.memory_space<vmem>>, vector<16xf32>,
      %max3A_222 = arith.maximumf %max3A_217, %get3A_221 : vector<16xf32>
      %get3A_223 = arith.constant 30 : i32
      %get3A_224 = arith.index_cast %get3A_223 : i32 to index
      %get3A_225 = arith.constant 0 : index
      %get3A_226 = tpu.vector_load %arg8[%get3A_224, %get3A_225] {strides = array<i32>} : memref<32x256xf32, #tpu.memory_space<vmem>>, vector<16xf32>,
      %max3A_227 = arith.maximumf %max3A_222, %get3A_226 : vector<16xf32>
      %get3A_228 = arith.constant 31 : i32
      %get3A_229 = arith.index_cast %get3A_228 : i32 to index
      %get3A_230 = arith.constant 0 : index
      %get3A_231 = tpu.vector_load %arg8[%get3A_229, %get3A_230] {strides = array<i32>} : memref<32x256xf32, #tpu.memory_space<vmem>>, vector<16xf32>,
      %max3A_232 = arith.maximumf %max3A_227, %get3A_231 : vector<16xf32>
      %swap3A_233 = arith.constant 0 : index
      %swap3A_234 = tpu.vector_load %arg9[%swap3A_233] {strides = array<i32>} : memref<256xf32, #tpu.memory_space<vmem>>, vector<16xf32>,
      tpu.vector_store %arg9[%swap3A_233], %max3A_232 {strides = array<i32>} : memref<256xf32, #tpu.memory_space<vmem>>, vector<16xf32>,
      %get3A_235 = arith.constant 0 : i32
      %get3A_236 = arith.index_cast %get3A_235 : i32 to index
      %get3A_237 = arith.constant 16 : index
      %get3A_238 = tpu.vector_load %arg8[%get3A_236, %get3A_237] {strides = array<i32>} : memref<32x256xf32, #tpu.memory_space<vmem>>, vector<16xf32>,
      %get3A_239 = arith.constant 1 : i32
      %get3A_240 = arith.index_cast %get3A_239 : i32 to index
      %get3A_241 = arith.constant 16 : index
      %get3A_242 = tpu.vector_load %arg8[%get3A_240, %get3A_241] {strides = array<i32>} : memref<32x256xf32, #tpu.memory_space<vmem>>, vector<16xf32>,
      %max3A_243 = arith.maximumf %get3A_238, %get3A_242 : vector<16xf32>
      %get3A_244 = arith.constant 2 : i32
      %get3A_245 = arith.index_cast %get3A_244 : i32 to index
      %get3A_246 = arith.constant 16 : index
      %get3A_247 = tpu.vector_load %arg8[%get3A_245, %get3A_246] {strides = array<i32>} : memref<32x256xf32, #tpu.memory_space<vmem>>, vector<16xf32>,
      %max3A_248 = arith.maximumf %max3A_243, %get3A_247 : vector<16xf32>
      %get3A_249 = arith.constant 3 : i32
      %get3A_250 = arith.index_cast %get3A_249 : i32 to index
      %get3A_251 = arith.constant 16 : index
      %get3A_252 = tpu.vector_load %arg8[%get3A_250, %get3A_251] {strides = array<i32>} : memref<32x256xf32, #tpu.memory_space<vmem>>, vector<16xf32>,
      %max3A_253 = arith.maximumf %max3A_248, %get3A_252 : vector<16xf32>
      %get3A_254 = arith.constant 4 : i32
      %get3A_255 = arith.index_cast %get3A_254 : i32 to index
      %get3A_256 = arith.constant 16 : index
      %get3A_257 = tpu.vector_load %arg8[%get3A_255, %get3A_256] {strides = array<i32>} : memref<32x256xf32, #tpu.memory_space<vmem>>, vector<16xf32>,
      %max3A_258 = arith.maximumf %max3A_253, %get3A_257 : vector<16xf32>
      %get3A_259 = arith.constant 5 : i32
      %get3A_260 = arith.index_cast %get3A_259 : i32 to index
      %get3A_261 = arith.constant 16 : index
      %get3A_262 = tpu.vector_load %arg8[%get3A_260, %get3A_261] {strides = array<i32>} : memref<32x256xf32, #tpu.memory_space<vmem>>, vector<16xf32>,
      %max3A_263 = arith.maximumf %max3A_258, %get3A_262 : vector<16xf32>
      %get3A_264 = arith.constant 6 : i32
      %get3A_265 = arith.index_cast %get3A_264 : i32 to index
      %get3A_266 = arith.constant 16 : index
      %get3A_267 = tpu.vector_load %arg8[%get3A_265, %get3A_266] {strides = array<i32>} : memref<32x256xf32, #tpu.memory_space<vmem>>, vector<16xf32>,
      %max3A_268 = arith.maximumf %max3A_263, %get3A_267 : vector<16xf32>
      %get3A_269 = arith.constant 7 : i32
      %get3A_270 = arith.index_cast %get3A_269 : i32 to index
      %get3A_271 = arith.constant 16 : index
      %get3A_272 = tpu.vector_load %arg8[%get3A_270, %get3A_271] {strides = array<i32>} : memref<32x256xf32, #tpu.memory_space<vmem>>, vector<16xf32>,
      %max3A_273 = arith.maximumf %max3A_268, %get3A_272 : vector<16xf32>
      %get3A_274 = arith.constant 8 : i32
      %get3A_275 = arith.index_cast %get3A_274 : i32 to index
      %get3A_276 = arith.constant 16 : index
      %get3A_277 = tpu.vector_load %arg8[%get3A_275, %get3A_276] {strides = array<i32>} : memref<32x256xf32, #tpu.memory_space<vmem>>, vector<16xf32>,
      %max3A_278 = arith.maximumf %max3A_273, %get3A_277 : vector<16xf32>
      %get3A_279 = arith.constant 9 : i32
      %get3A_280 = arith.index_cast %get3A_279 : i32 to index
      %get3A_281 = arith.constant 16 : index
      %get3A_282 = tpu.vector_load %arg8[%get3A_280, %get3A_281] {strides = array<i32>} : memref<32x256xf32, #tpu.memory_space<vmem>>, vector<16xf32>,
      %max3A_283 = arith.maximumf %max3A_278, %get3A_282 : vector<16xf32>
      %get3A_284 = arith.constant 10 : i32
      %get3A_285 = arith.index_cast %get3A_284 : i32 to index
      %get3A_286 = arith.constant 16 : index
      %get3A_287 = tpu.vector_load %arg8[%get3A_285, %get3A_286] {strides = array<i32>} : memref<32x256xf32, #tpu.memory_space<vmem>>, vector<16xf32>,
      %max3A_288 = arith.maximumf %max3A_283, %get3A_287 : vector<16xf32>
      %get3A_289 = arith.constant 11 : i32
      %get3A_290 = arith.index_cast %get3A_289 : i32 to index
      %get3A_291 = arith.constant 16 : index
      %get3A_292 = tpu.vector_load %arg8[%get3A_290, %get3A_291] {strides = array<i32>} : memref<32x256xf32, #tpu.memory_space<vmem>>, vector<16xf32>,
      %max3A_293 = arith.maximumf %max3A_288, %get3A_292 : vector<16xf32>
      %get3A_294 = arith.constant 12 : i32
      %get3A_295 = arith.index_cast %get3A_294 : i32 to index
      %get3A_296 = arith.constant 16 : index
      %get3A_297 = tpu.vector_load %arg8[%get3A_295, %get3A_296] {strides = array<i32>} : memref<32x256xf32, #tpu.memory_space<vmem>>, vector<16xf32>,
      %max3A_298 = arith.maximumf %max3A_293, %get3A_297 : vector<16xf32>
      %get3A_299 = arith.constant 13 : i32
      %get3A_300 = arith.index_cast %get3A_299 : i32 to index
      %get3A_301 = arith.constant 16 : index
      %get3A_302 = tpu.vector_load %arg8[%get3A_300, %get3A_301] {strides = array<i32>} : memref<32x256xf32, #tpu.memory_space<vmem>>, vector<16xf32>,
      %max3A_303 = arith.maximumf %max3A_298, %get3A_302 : vector<16xf32>
      %get3A_304 = arith.constant 14 : i32
      %get3A_305 = arith.index_cast %get3A_304 : i32 to index
      %get3A_306 = arith.constant 16 : index
      %get3A_307 = tpu.vector_load %arg8[%get3A_305, %get3A_306] {strides = array<i32>} : memref<32x256xf32, #tpu.memory_space<vmem>>, vector<16xf32>,
      %max3A_308 = arith.maximumf %max3A_303, %get3A_307 : vector<16xf32>
      %get3A_309 = arith.constant 15 : i32
      %get3A_310 = arith.index_cast %get3A_309 : i32 to index
      %get3A_311 = arith.constant 16 : index
      %get3A_312 = tpu.vector_load %arg8[%get3A_310, %get3A_311] {strides = array<i32>} : memref<32x256xf32, #tpu.memory_space<vmem>>, vector<16xf32>,
      %max3A_313 = arith.maximumf %max3A_308, %get3A_312 : vector<16xf32>
      %get3A_314 = arith.constant 16 : i32
      %get3A_315 = arith.index_cast %get3A_314 : i32 to index
      %get3A_316 = arith.constant 16 : index
      %get3A_317 = tpu.vector_load %arg8[%get3A_315, %get3A_316] {strides = array<i32>} : memref<32x256xf32, #tpu.memory_space<vmem>>, vector<16xf32>,
      %max3A_318 = arith.maximumf %max3A_313, %get3A_317 : vector<16xf32>
      %get3A_319 = arith.constant 17 : i32
      %get3A_320 = arith.index_cast %get3A_319 : i32 to index
      %get3A_321 = arith.constant 16 : index
      %get3A_322 = tpu.vector_load %arg8[%get3A_320, %get3A_321] {strides = array<i32>} : memref<32x256xf32, #tpu.memory_space<vmem>>, vector<16xf32>,
      %max3A_323 = arith.maximumf %max3A_318, %get3A_322 : vector<16xf32>
      %get3A_324 = arith.constant 18 : i32
      %get3A_325 = arith.index_cast %get3A_324 : i32 to index
      %get3A_326 = arith.constant 16 : index
      %get3A_327 = tpu.vector_load %arg8[%get3A_325, %get3A_326] {strides = array<i32>} : memref<32x256xf32, #tpu.memory_space<vmem>>, vector<16xf32>,
      %max3A_328 = arith.maximumf %max3A_323, %get3A_327 : vector<16xf32>
      %get3A_329 = arith.constant 19 : i32
      %get3A_330 = arith.index_cast %get3A_329 : i32 to index
      %get3A_331 = arith.constant 16 : index
      %get3A_332 = tpu.vector_load %arg8[%get3A_330, %get3A_331] {strides = array<i32>} : memref<32x256xf32, #tpu.memory_space<vmem>>, vector<16xf32>,
      %max3A_333 = arith.maximumf %max3A_328, %get3A_332 : vector<16xf32>
      %get3A_334 = arith.constant 20 : i32
      %get3A_335 = arith.index_cast %get3A_334 : i32 to index
      %get3A_336 = arith.constant 16 : index
      %get3A_337 = tpu.vector_load %arg8[%get3A_335, %get3A_336] {strides = array<i32>} : memref<32x256xf32, #tpu.memory_space<vmem>>, vector<16xf32>,
      %max3A_338 = arith.maximumf %max3A_333, %get3A_337 : vector<16xf32>
      %get3A_339 = arith.constant 21 : i32
      %get3A_340 = arith.index_cast %get3A_339 : i32 to index
      %get3A_341 = arith.constant 16 : index
      %get3A_342 = tpu.vector_load %arg8[%get3A_340, %get3A_341] {strides = array<i32>} : memref<32x256xf32, #tpu.memory_space<vmem>>, vector<16xf32>,
      %max3A_343 = arith.maximumf %max3A_338, %get3A_342 : vector<16xf32>
      %get3A_344 = arith.constant 22 : i32
      %get3A_345 = arith.index_cast %get3A_344 : i32 to index
      %get3A_346 = arith.constant 16 : index
      %get3A_347 = tpu.vector_load %arg8[%get3A_345, %get3A_346] {strides = array<i32>} : memref<32x256xf32, #tpu.memory_space<vmem>>, vector<16xf32>,
      %max3A_348 = arith.maximumf %max3A_343, %get3A_347 : vector<16xf32>
      %get3A_349 = arith.constant 23 : i32
      %get3A_350 = arith.index_cast %get3A_349 : i32 to index
      %get3A_351 = arith.constant 16 : index
      %get3A_352 = tpu.vector_load %arg8[%get3A_350, %get3A_351] {strides = array<i32>} : memref<32x256xf32, #tpu.memory_space<vmem>>, vector<16xf32>,
      %max3A_353 = arith.maximumf %max3A_348, %get3A_352 : vector<16xf32>
      %get3A_354 = arith.constant 24 : i32
      %get3A_355 = arith.index_cast %get3A_354 : i32 to index
      %get3A_356 = arith.constant 16 : index
      %get3A_357 = tpu.vector_load %arg8[%get3A_355, %get3A_356] {strides = array<i32>} : memref<32x256xf32, #tpu.memory_space<vmem>>, vector<16xf32>,
      %max3A_358 = arith.maximumf %max3A_353, %get3A_357 : vector<16xf32>
      %get3A_359 = arith.constant 25 : i32
      %get3A_360 = arith.index_cast %get3A_359 : i32 to index
      %get3A_361 = arith.constant 16 : index
      %get3A_362 = tpu.vector_load %arg8[%get3A_360, %get3A_361] {strides = array<i32>} : memref<32x256xf32, #tpu.memory_space<vmem>>, vector<16xf32>,
      %max3A_363 = arith.maximumf %max3A_358, %get3A_362 : vector<16xf32>
      %get3A_364 = arith.constant 26 : i32
      %get3A_365 = arith.index_cast %get3A_364 : i32 to index
      %get3A_366 = arith.constant 16 : index
      %get3A_367 = tpu.vector_load %arg8[%get3A_365, %get3A_366] {strides = array<i32>} : memref<32x256xf32, #tpu.memory_space<vmem>>, vector<16xf32>,
      %max3A_368 = arith.maximumf %max3A_363, %get3A_367 : vector<16xf32>
      %get3A_369 = arith.constant 27 : i32
      %get3A_370 = arith.index_cast %get3A_369 : i32 to index
      %get3A_371 = arith.constant 16 : index
      %get3A_372 = tpu.vector_load %arg8[%get3A_370, %get3A_371] {strides = array<i32>} : memref<32x256xf32, #tpu.memory_space<vmem>>, vector<16xf32>,
      %max3A_373 = arith.maximumf %max3A_368, %get3A_372 : vector<16xf32>
      %get3A_374 = arith.constant 28 : i32
      %get3A_375 = arith.index_cast %get3A_374 : i32 to index
      %get3A_376 = arith.constant 16 : index
      %get3A_377 = tpu.vector_load %arg8[%get3A_375, %get3A_376] {strides = array<i32>} : memref<32x256xf32, #tpu.memory_space<vmem>>, vector<16xf32>,
      %max3A_378 = arith.maximumf %max3A_373, %get3A_377 : vector<16xf32>
      %get3A_379 = arith.constant 29 : i32
      %get3A_380 = arith.index_cast %get3A_379 : i32 to index
      %get3A_381 = arith.constant 16 : index
      %get3A_382 = tpu.vector_load %arg8[%get3A_380, %get3A_381] {strides = array<i32>} : memref<32x256xf32, #tpu.memory_space<vmem>>, vector<16xf32>,
      %max3A_383 = arith.maximumf %max3A_378, %get3A_382 : vector<16xf32>
      %get3A_384 = arith.constant 30 : i32
      %get3A_385 = arith.index_cast %get3A_384 : i32 to index
      %get3A_386 = arith.constant 16 : index
      %get3A_387 = tpu.vector_load %arg8[%get3A_385, %get3A_386] {strides = array<i32>} : memref<32x256xf32, #tpu.memory_space<vmem>>, vector<16xf32>,
      %max3A_388 = arith.maximumf %max3A_383, %get3A_387 : vector<16xf32>
      %get3A_389 = arith.constant 31 : i32
      %get3A_390 = arith.index_cast %get3A_389 : i32 to index
      %get3A_391 = arith.constant 16 : index
      %get3A_392 = tpu.vector_load %arg8[%get3A_390, %get3A_391] {strides = array<i32>} : memref<32x256xf32, #tpu.memory_space<vmem>>, vector<16xf32>,
      %max3A_393 = arith.maximumf %max3A_388, %get3A_392 : vector<16xf32>
      %swap3A_394 = arith.constant 16 : index
      %swap3A_395 = tpu.vector_load %arg9[%swap3A_394] {strides = array<i32>} : memref<256xf32, #tpu.memory_space<vmem>>, vector<16xf32>,
      tpu.vector_store %arg9[%swap3A_394], %max3A_393 {strides = array<i32>} : memref<256xf32, #tpu.memory_space<vmem>>, vector<16xf32>,
      %get3A_396 = arith.constant 0 : i32
      %get3A_397 = arith.index_cast %get3A_396 : i32 to index
      %get3A_398 = arith.constant 32 : index
      %get3A_399 = tpu.vector_load %arg8[%get3A_397, %get3A_398] {strides = array<i32>} : memref<32x256xf32, #tpu.memory_space<vmem>>, vector<16xf32>,
      %get3A_400 = arith.constant 1 : i32
      %get3A_401 = arith.index_cast %get3A_400 : i32 to index
      %get3A_402 = arith.constant 32 : index
      %get3A_403 = tpu.vector_load %arg8[%get3A_401, %get3A_402] {strides = array<i32>} : memref<32x256xf32, #tpu.memory_space<vmem>>, vector<16xf32>,
      %max3A_404 = arith.maximumf %get3A_399, %get3A_403 : vector<16xf32>
      %get3A_405 = arith.constant 2 : i32
      %get3A_406 = arith.index_cast %get3A_405 : i32 to index
      %get3A_407 = arith.constant 32 : index
      %get3A_408 = tpu.vector_load %arg8[%get3A_406, %get3A_407] {strides = array<i32>} : memref<32x256xf32, #tpu.memory_space<vmem>>, vector<16xf32>,
      %max3A_409 = arith.maximumf %max3A_404, %get3A_408 : vector<16xf32>
      %get3A_410 = arith.constant 3 : i32
      %get3A_411 = arith.index_cast %get3A_410 : i32 to index
      %get3A_412 = arith.constant 32 : index
      %get3A_413 = tpu.vector_load %arg8[%get3A_411, %get3A_412] {strides = array<i32>} : memref<32x256xf32, #tpu.memory_space<vmem>>, vector<16xf32>,
      %max3A_414 = arith.maximumf %max3A_409, %get3A_413 : vector<16xf32>
      %get3A_415 = arith.constant 4 : i32
      %get3A_416 = arith.index_cast %get3A_415 : i32 to index
      %get3A_417 = arith.constant 32 : index
      %get3A_418 = tpu.vector_load %arg8[%get3A_416, %get3A_417] {strides = array<i32>} : memref<32x256xf32, #tpu.memory_space<vmem>>, vector<16xf32>,
      %max3A_419 = arith.maximumf %max3A_414, %get3A_418 : vector<16xf32>
      %get3A_420 = arith.constant 5 : i32
      %get3A_421 = arith.index_cast %get3A_420 : i32 to index
      %get3A_422 = arith.constant 32 : index
      %get3A_423 = tpu.vector_load %arg8[%get3A_421, %get3A_422] {strides = array<i32>} : memref<32x256xf32, #tpu.memory_space<vmem>>, vector<16xf32>,
      %max3A_424 = arith.maximumf %max3A_419, %get3A_423 : vector<16xf32>
      %get3A_425 = arith.constant 6 : i32
      %get3A_426 = arith.index_cast %get3A_425 : i32 to index
      %get3A_427 = arith.constant 32 : index
      %get3A_428 = tpu.vector_load %arg8[%get3A_426, %get3A_427] {strides = array<i32>} : memref<32x256xf32, #tpu.memory_space<vmem>>, vector<16xf32>,
      %max3A_429 = arith.maximumf %max3A_424, %get3A_428 : vector<16xf32>
      %get3A_430 = arith.constant 7 : i32
      %get3A_431 = arith.index_cast %get3A_430 : i32 to index
      %get3A_432 = arith.constant 32 : index
      %get3A_433 = tpu.vector_load %arg8[%get3A_431, %get3A_432] {strides = array<i32>} : memref<32x256xf32, #tpu.memory_space<vmem>>, vector<16xf32>,
      %max3A_434 = arith.maximumf %max3A_429, %get3A_433 : vector<16xf32>
      %get3A_435 = arith.constant 8 : i32
      %get3A_436 = arith.index_cast %get3A_435 : i32 to index
      %get3A_437 = arith.constant 32 : index
      %get3A_438 = tpu.vector_load %arg8[%get3A_436, %get3A_437] {strides = array<i32>} : memref<32x256xf32, #tpu.memory_space<vmem>>, vector<16xf32>,
      %max3A_439 = arith.maximumf %max3A_434, %get3A_438 : vector<16xf32>
      %get3A_440 = arith.constant 9 : i32
      %get3A_441 = arith.index_cast %get3A_440 : i32 to index
      %get3A_442 = arith.constant 32 : index
      %get3A_443 = tpu.vector_load %arg8[%get3A_441, %get3A_442] {strides = array<i32>} : memref<32x256xf32, #tpu.memory_space<vmem>>, vector<16xf32>,
      %max3A_444 = arith.maximumf %max3A_439, %get3A_443 : vector<16xf32>
      %get3A_445 = arith.constant 10 : i32
      %get3A_446 = arith.index_cast %get3A_445 : i32 to index
      %get3A_447 = arith.constant 32 : index
      %get3A_448 = tpu.vector_load %arg8[%get3A_446, %get3A_447] {strides = array<i32>} : memref<32x256xf32, #tpu.memory_space<vmem>>, vector<16xf32>,
      %max3A_449 = arith.maximumf %max3A_444, %get3A_448 : vector<16xf32>
      %get3A_450 = arith.constant 11 : i32
      %get3A_451 = arith.index_cast %get3A_450 : i32 to index
      %get3A_452 = arith.constant 32 : index
      %get3A_453 = tpu.vector_load %arg8[%get3A_451, %get3A_452] {strides = array<i32>} : memref<32x256xf32, #tpu.memory_space<vmem>>, vector<16xf32>,
      %max3A_454 = arith.maximumf %max3A_449, %get3A_453 : vector<16xf32>
      %get3A_455 = arith.constant 12 : i32
      %get3A_456 = arith.index_cast %get3A_455 : i32 to index
      %get3A_457 = arith.constant 32 : index
      %get3A_458 = tpu.vector_load %arg8[%get3A_456, %get3A_457] {strides = array<i32>} : memref<32x256xf32, #tpu.memory_space<vmem>>, vector<16xf32>,
      %max3A_459 = arith.maximumf %max3A_454, %get3A_458 : vector<16xf32>
      %get3A_460 = arith.constant 13 : i32
      %get3A_461 = arith.index_cast %get3A_460 : i32 to index
      %get3A_462 = arith.constant 32 : index
      %get3A_463 = tpu.vector_load %arg8[%get3A_461, %get3A_462] {strides = array<i32>} : memref<32x256xf32, #tpu.memory_space<vmem>>, vector<16xf32>,
      %max3A_464 = arith.maximumf %max3A_459, %get3A_463 : vector<16xf32>
      %get3A_465 = arith.constant 14 : i32
      %get3A_466 = arith.index_cast %get3A_465 : i32 to index
      %get3A_467 = arith.constant 32 : index
      %get3A_468 = tpu.vector_load %arg8[%get3A_466, %get3A_467] {strides = array<i32>} : memref<32x256xf32, #tpu.memory_space<vmem>>, vector<16xf32>,
      %max3A_469 = arith.maximumf %max3A_464, %get3A_468 : vector<16xf32>
      %get3A_470 = arith.constant 15 : i32
      %get3A_471 = arith.index_cast %get3A_470 : i32 to index
      %get3A_472 = arith.constant 32 : index
      %get3A_473 = tpu.vector_load %arg8[%get3A_471, %get3A_472] {strides = array<i32>} : memref<32x256xf32, #tpu.memory_space<vmem>>, vector<16xf32>,
      %max3A_474 = arith.maximumf %max3A_469, %get3A_473 : vector<16xf32>
      %get3A_475 = arith.constant 16 : i32
      %get3A_476 = arith.index_cast %get3A_475 : i32 to index
      %get3A_477 = arith.constant 32 : index
      %get3A_478 = tpu.vector_load %arg8[%get3A_476, %get3A_477] {strides = array<i32>} : memref<32x256xf32, #tpu.memory_space<vmem>>, vector<16xf32>,
      %max3A_479 = arith.maximumf %max3A_474, %get3A_478 : vector<16xf32>
      %get3A_480 = arith.constant 17 : i32
      %get3A_481 = arith.index_cast %get3A_480 : i32 to index
      %get3A_482 = arith.constant 32 : index
      %get3A_483 = tpu.vector_load %arg8[%get3A_481, %get3A_482] {strides = array<i32>} : memref<32x256xf32, #tpu.memory_space<vmem>>, vector<16xf32>,
      %max3A_484 = arith.maximumf %max3A_479, %get3A_483 : vector<16xf32>
      %get3A_485 = arith.constant 18 : i32
      %get3A_486 = arith.index_cast %get3A_485 : i32 to index
      %get3A_487 = arith.constant 32 : index
      %get3A_488 = tpu.vector_load %arg8[%get3A_486, %get3A_487] {strides = array<i32>} : memref<32x256xf32, #tpu.memory_space<vmem>>, vector<16xf32>,
      %max3A_489 = arith.maximumf %max3A_484, %get3A_488 : vector<16xf32>
      %get3A_490 = arith.constant 19 : i32
      %get3A_491 = arith.index_cast %get3A_490 : i32 to index
      %get3A_492 = arith.constant 32 : index
      %get3A_493 = tpu.vector_load %arg8[%get3A_491, %get3A_492] {strides = array<i32>} : memref<32x256xf32, #tpu.memory_space<vmem>>, vector<16xf32>,
      %max3A_494 = arith.maximumf %max3A_489, %get3A_493 : vector<16xf32>
      %get3A_495 = arith.constant 20 : i32
      %get3A_496 = arith.index_cast %get3A_495 : i32 to index
      %get3A_497 = arith.constant 32 : index
      %get3A_498 = tpu.vector_load %arg8[%get3A_496, %get3A_497] {strides = array<i32>} : memref<32x256xf32, #tpu.memory_space<vmem>>, vector<16xf32>,
      %max3A_499 = arith.maximumf %max3A_494, %get3A_498 : vector<16xf32>
      %get3A_500 = arith.constant 21 : i32
      %get3A_501 = arith.index_cast %get3A_500 : i32 to index
      %get3A_502 = arith.constant 32 : index
      %get3A_503 = tpu.vector_load %arg8[%get3A_501, %get3A_502] {strides = array<i32>} : memref<32x256xf32, #tpu.memory_space<vmem>>, vector<16xf32>,
      %max3A_504 = arith.maximumf %max3A_499, %get3A_503 : vector<16xf32>
      %get3A_505 = arith.constant 22 : i32
      %get3A_506 = arith.index_cast %get3A_505 : i32 to index
      %get3A_507 = arith.constant 32 : index
      %get3A_508 = tpu.vector_load %arg8[%get3A_506, %get3A_507] {strides = array<i32>} : memref<32x256xf32, #tpu.memory_space<vmem>>, vector<16xf32>,
      %max3A_509 = arith.maximumf %max3A_504, %get3A_508 : vector<16xf32>
      %get3A_510 = arith.constant 23 : i32
      %get3A_511 = arith.index_cast %get3A_510 : i32 to index
      %get3A_512 = arith.constant 32 : index
      %get3A_513 = tpu.vector_load %arg8[%get3A_511, %get3A_512] {strides = array<i32>} : memref<32x256xf32, #tpu.memory_space<vmem>>, vector<16xf32>,
      %max3A_514 = arith.maximumf %max3A_509, %get3A_513 : vector<16xf32>
      %get3A_515 = arith.constant 24 : i32
      %get3A_516 = arith.index_cast %get3A_515 : i32 to index
      %get3A_517 = arith.constant 32 : index
      %get3A_518 = tpu.vector_load %arg8[%get3A_516, %get3A_517] {strides = array<i32>} : memref<32x256xf32, #tpu.memory_space<vmem>>, vector<16xf32>,
      %max3A_519 = arith.maximumf %max3A_514, %get3A_518 : vector<16xf32>
      %get3A_520 = arith.constant 25 : i32
      %get3A_521 = arith.index_cast %get3A_520 : i32 to index
      %get3A_522 = arith.constant 32 : index
      %get3A_523 = tpu.vector_load %arg8[%get3A_521, %get3A_522] {strides = array<i32>} : memref<32x256xf32, #tpu.memory_space<vmem>>, vector<16xf32>,
      %max3A_524 = arith.maximumf %max3A_519, %get3A_523 : vector<16xf32>
      %get3A_525 = arith.constant 26 : i32
      %get3A_526 = arith.index_cast %get3A_525 : i32 to index
      %get3A_527 = arith.constant 32 : index
      %get3A_528 = tpu.vector_load %arg8[%get3A_526, %get3A_527] {strides = array<i32>} : memref<32x256xf32, #tpu.memory_space<vmem>>, vector<16xf32>,
      %max3A_529 = arith.maximumf %max3A_524, %get3A_528 : vector<16xf32>
      %get3A_530 = arith.constant 27 : i32
      %get3A_531 = arith.index_cast %get3A_530 : i32 to index
      %get3A_532 = arith.constant 32 : index
      %get3A_533 = tpu.vector_load %arg8[%get3A_531, %get3A_532] {strides = array<i32>} : memref<32x256xf32, #tpu.memory_space<vmem>>, vector<16xf32>,
      %max3A_534 = arith.maximumf %max3A_529, %get3A_533 : vector<16xf32>
      %get3A_535 = arith.constant 28 : i32
      %get3A_536 = arith.index_cast %get3A_535 : i32 to index
      %get3A_537 = arith.constant 32 : index
      %get3A_538 = tpu.vector_load %arg8[%get3A_536, %get3A_537] {strides = array<i32>} : memref<32x256xf32, #tpu.memory_space<vmem>>, vector<16xf32>,
      %max3A_539 = arith.maximumf %max3A_534, %get3A_538 : vector<16xf32>
      %get3A_540 = arith.constant 29 : i32
      %get3A_541 = arith.index_cast %get3A_540 : i32 to index
      %get3A_542 = arith.constant 32 : index
      %get3A_543 = tpu.vector_load %arg8[%get3A_541, %get3A_542] {strides = array<i32>} : memref<32x256xf32, #tpu.memory_space<vmem>>, vector<16xf32>,
      %max3A_544 = arith.maximumf %max3A_539, %get3A_543 : vector<16xf32>
      %get3A_545 = arith.constant 30 : i32
      %get3A_546 = arith.index_cast %get3A_545 : i32 to index
      %get3A_547 = arith.constant 32 : index
      %get3A_548 = tpu.vector_load %arg8[%get3A_546, %get3A_547] {strides = array<i32>} : memref<32x256xf32, #tpu.memory_space<vmem>>, vector<16xf32>,
      %max3A_549 = arith.maximumf %max3A_544, %get3A_548 : vector<16xf32>
      %get3A_550 = arith.constant 31 : i32
      %get3A_551 = arith.index_cast %get3A_550 : i32 to index
      %get3A_552 = arith.constant 32 : index
      %get3A_553 = tpu.vector_load %arg8[%get3A_551, %get3A_552] {strides = array<i32>} : memref<32x256xf32, #tpu.memory_space<vmem>>, vector<16xf32>,
      %max3A_554 = arith.maximumf %max3A_549, %get3A_553 : vector<16xf32>
      %swap3A_555 = arith.constant 32 : index
      %swap3A_556 = tpu.vector_load %arg9[%swap3A_555] {strides = array<i32>} : memref<256xf32, #tpu.memory_space<vmem>>, vector<16xf32>,
      tpu.vector_store %arg9[%swap3A_555], %max3A_554 {strides = array<i32>} : memref<256xf32, #tpu.memory_space<vmem>>, vector<16xf32>,
      %get3A_557 = arith.constant 0 : i32
      %get3A_558 = arith.index_cast %get3A_557 : i32 to index
      %get3A_559 = arith.constant 48 : index
      %get3A_560 = tpu.vector_load %arg8[%get3A_558, %get3A_559] {strides = array<i32>} : memref<32x256xf32, #tpu.memory_space<vmem>>, vector<16xf32>,
      %get3A_561 = arith.constant 1 : i32
      %get3A_562 = arith.index_cast %get3A_561 : i32 to index
      %get3A_563 = arith.constant 48 : index
      %get3A_564 = tpu.vector_load %arg8[%get3A_562, %get3A_563] {strides = array<i32>} : memref<32x256xf32, #tpu.memory_space<vmem>>, vector<16xf32>,
      %max3A_565 = arith.maximumf %get3A_560, %get3A_564 : vector<16xf32>
      %get3A_566 = arith.constant 2 : i32
      %get3A_567 = arith.index_cast %get3A_566 : i32 to index
      %get3A_568 = arith.constant 48 : index
      %get3A_569 = tpu.vector_load %arg8[%get3A_567, %get3A_568] {strides = array<i32>} : memref<32x256xf32, #tpu.memory_space<vmem>>, vector<16xf32>,
      %max3A_570 = arith.maximumf %max3A_565, %get3A_569 : vector<16xf32>
      %get3A_571 = arith.constant 3 : i32
      %get3A_572 = arith.index_cast %get3A_571 : i32 to index
      %get3A_573 = arith.constant 48 : index
      %get3A_574 = tpu.vector_load %arg8[%get3A_572, %get3A_573] {strides = array<i32>} : memref<32x256xf32, #tpu.memory_space<vmem>>, vector<16xf32>,
      %max3A_575 = arith.maximumf %max3A_570, %get3A_574 : vector<16xf32>
      %get3A_576 = arith.constant 4 : i32
      %get3A_577 = arith.index_cast %get3A_576 : i32 to index
      %get3A_578 = arith.constant 48 : index
      %get3A_579 = tpu.vector_load %arg8[%get3A_577, %get3A_578] {strides = array<i32>} : memref<32x256xf32, #tpu.memory_space<vmem>>, vector<16xf32>,
      %max3A_580 = arith.maximumf %max3A_575, %get3A_579 : vector<16xf32>
      %get3A_581 = arith.constant 5 : i32
      %get3A_582 = arith.index_cast %get3A_581 : i32 to index
      %get3A_583 = arith.constant 48 : index
      %get3A_584 = tpu.vector_load %arg8[%get3A_582, %get3A_583] {strides = array<i32>} : memref<32x256xf32, #tpu.memory_space<vmem>>, vector<16xf32>,
      %max3A_585 = arith.maximumf %max3A_580, %get3A_584 : vector<16xf32>
      %get3A_586 = arith.constant 6 : i32
      %get3A_587 = arith.index_cast %get3A_586 : i32 to index
      %get3A_588 = arith.constant 48 : index
      %get3A_589 = tpu.vector_load %arg8[%get3A_587, %get3A_588] {strides = array<i32>} : memref<32x256xf32, #tpu.memory_space<vmem>>, vector<16xf32>,
      %max3A_590 = arith.maximumf %max3A_585, %get3A_589 : vector<16xf32>
      %get3A_591 = arith.constant 7 : i32
      %get3A_592 = arith.index_cast %get3A_591 : i32 to index
      %get3A_593 = arith.constant 48 : index
      %get3A_594 = tpu.vector_load %arg8[%get3A_592, %get3A_593] {strides = array<i32>} : memref<32x256xf32, #tpu.memory_space<vmem>>, vector<16xf32>,
      %max3A_595 = arith.maximumf %max3A_590, %get3A_594 : vector<16xf32>
      %get3A_596 = arith.constant 8 : i32
      %get3A_597 = arith.index_cast %get3A_596 : i32 to index
      %get3A_598 = arith.constant 48 : index
      %get3A_599 = tpu.vector_load %arg8[%get3A_597, %get3A_598] {strides = array<i32>} : memref<32x256xf32, #tpu.memory_space<vmem>>, vector<16xf32>,
      %max3A_600 = arith.maximumf %max3A_595, %get3A_599 : vector<16xf32>
      %get3A_601 = arith.constant 9 : i32
      %get3A_602 = arith.index_cast %get3A_601 : i32 to index
      %get3A_603 = arith.constant 48 : index
      %get3A_604 = tpu.vector_load %arg8[%get3A_602, %get3A_603] {strides = array<i32>} : memref<32x256xf32, #tpu.memory_space<vmem>>, vector<16xf32>,
      %max3A_605 = arith.maximumf %max3A_600, %get3A_604 : vector<16xf32>
      %get3A_606 = arith.constant 10 : i32
      %get3A_607 = arith.index_cast %get3A_606 : i32 to index
      %get3A_608 = arith.constant 48 : index
      %get3A_609 = tpu.vector_load %arg8[%get3A_607, %get3A_608] {strides = array<i32>} : memref<32x256xf32, #tpu.memory_space<vmem>>, vector<16xf32>,
      %max3A_610 = arith.maximumf %max3A_605, %get3A_609 : vector<16xf32>
      %get3A_611 = arith.constant 11 : i32
      %get3A_612 = arith.index_cast %get3A_611 : i32 to index
      %get3A_613 = arith.constant 48 : index
      %get3A_614 = tpu.vector_load %arg8[%get3A_612, %get3A_613] {strides = array<i32>} : memref<32x256xf32, #tpu.memory_space<vmem>>, vector<16xf32>,
      %max3A_615 = arith.maximumf %max3A_610, %get3A_614 : vector<16xf32>
      %get3A_616 = arith.constant 12 : i32
      %get3A_617 = arith.index_cast %get3A_616 : i32 to index
      %get3A_618 = arith.constant 48 : index
      %get3A_619 = tpu.vector_load %arg8[%get3A_617, %get3A_618] {strides = array<i32>} : memref<32x256xf32, #tpu.memory_space<vmem>>, vector<16xf32>,
      %max3A_620 = arith.maximumf %max3A_615, %get3A_619 : vector<16xf32>
      %get3A_621 = arith.constant 13 : i32
      %get3A_622 = arith.index_cast %get3A_621 : i32 to index
      %get3A_623 = arith.constant 48 : index
      %get3A_624 = tpu.vector_load %arg8[%get3A_622, %get3A_623] {strides = array<i32>} : memref<32x256xf32, #tpu.memory_space<vmem>>, vector<16xf32>,
      %max3A_625 = arith.maximumf %max3A_620, %get3A_624 : vector<16xf32>
      %get3A_626 = arith.constant 14 : i32
      %get3A_627 = arith.index_cast %get3A_626 : i32 to index
      %get3A_628 = arith.constant 48 : index
      %get3A_629 = tpu.vector_load %arg8[%get3A_627, %get3A_628] {strides = array<i32>} : memref<32x256xf32, #tpu.memory_space<vmem>>, vector<16xf32>,
      %max3A_630 = arith.maximumf %max3A_625, %get3A_629 : vector<16xf32>
      %get3A_631 = arith.constant 15 : i32
      %get3A_632 = arith.index_cast %get3A_631 : i32 to index
      %get3A_633 = arith.constant 48 : index
      %get3A_634 = tpu.vector_load %arg8[%get3A_632, %get3A_633] {strides = array<i32>} : memref<32x256xf32, #tpu.memory_space<vmem>>, vector<16xf32>,
      %max3A_635 = arith.maximumf %max3A_630, %get3A_634 : vector<16xf32>
      %get3A_636 = arith.constant 16 : i32
      %get3A_637 = arith.index_cast %get3A_636 : i32 to index
      %get3A_638 = arith.constant 48 : index
      %get3A_639 = tpu.vector_load %arg8[%get3A_637, %get3A_638] {strides = array<i32>} : memref<32x256xf32, #tpu.memory_space<vmem>>, vector<16xf32>,
      %max3A_640 = arith.maximumf %max3A_635, %get3A_639 : vector<16xf32>
      %get3A_641 = arith.constant 17 : i32
      %get3A_642 = arith.index_cast %get3A_641 : i32 to index
      %get3A_643 = arith.constant 48 : index
      %get3A_644 = tpu.vector_load %arg8[%get3A_642, %get3A_643] {strides = array<i32>} : memref<32x256xf32, #tpu.memory_space<vmem>>, vector<16xf32>,
      %max3A_645 = arith.maximumf %max3A_640, %get3A_644 : vector<16xf32>
      %get3A_646 = arith.constant 18 : i32
      %get3A_647 = arith.index_cast %get3A_646 : i32 to index
      %get3A_648 = arith.constant 48 : index
      %get3A_649 = tpu.vector_load %arg8[%get3A_647, %get3A_648] {strides = array<i32>} : memref<32x256xf32, #tpu.memory_space<vmem>>, vector<16xf32>,
      %max3A_650 = arith.maximumf %max3A_645, %get3A_649 : vector<16xf32>
      %get3A_651 = arith.constant 19 : i32
      %get3A_652 = arith.index_cast %get3A_651 : i32 to index
      %get3A_653 = arith.constant 48 : index
      %get3A_654 = tpu.vector_load %arg8[%get3A_652, %get3A_653] {strides = array<i32>} : memref<32x256xf32, #tpu.memory_space<vmem>>, vector<16xf32>,
      %max3A_655 = arith.maximumf %max3A_650, %get3A_654 : vector<16xf32>
      %get3A_656 = arith.constant 20 : i32
      %get3A_657 = arith.index_cast %get3A_656 : i32 to index
      %get3A_658 = arith.constant 48 : index
      %get3A_659 = tpu.vector_load %arg8[%get3A_657, %get3A_658] {strides = array<i32>} : memref<32x256xf32, #tpu.memory_space<vmem>>, vector<16xf32>,
      %max3A_660 = arith.maximumf %max3A_655, %get3A_659 : vector<16xf32>
      %get3A_661 = arith.constant 21 : i32
      %get3A_662 = arith.index_cast %get3A_661 : i32 to index
      %get3A_663 = arith.constant 48 : index
      %get3A_664 = tpu.vector_load %arg8[%get3A_662, %get3A_663] {strides = array<i32>} : memref<32x256xf32, #tpu.memory_space<vmem>>, vector<16xf32>,
      %max3A_665 = arith.maximumf %max3A_660, %get3A_664 : vector<16xf32>
      %get3A_666 = arith.constant 22 : i32
      %get3A_667 = arith.index_cast %get3A_666 : i32 to index
      %get3A_668 = arith.constant 48 : index
      %get3A_669 = tpu.vector_load %arg8[%get3A_667, %get3A_668] {strides = array<i32>} : memref<32x256xf32, #tpu.memory_space<vmem>>, vector<16xf32>,
      %max3A_670 = arith.maximumf %max3A_665, %get3A_669 : vector<16xf32>
      %get3A_671 = arith.constant 23 : i32
      %get3A_672 = arith.index_cast %get3A_671 : i32 to index
      %get3A_673 = arith.constant 48 : index
      %get3A_674 = tpu.vector_load %arg8[%get3A_672, %get3A_673] {strides = array<i32>} : memref<32x256xf32, #tpu.memory_space<vmem>>, vector<16xf32>,
      %max3A_675 = arith.maximumf %max3A_670, %get3A_674 : vector<16xf32>
      %get3A_676 = arith.constant 24 : i32
      %get3A_677 = arith.index_cast %get3A_676 : i32 to index
      %get3A_678 = arith.constant 48 : index
      %get3A_679 = tpu.vector_load %arg8[%get3A_677, %get3A_678] {strides = array<i32>} : memref<32x256xf32, #tpu.memory_space<vmem>>, vector<16xf32>,
      %max3A_680 = arith.maximumf %max3A_675, %get3A_679 : vector<16xf32>
      %get3A_681 = arith.constant 25 : i32
      %get3A_682 = arith.index_cast %get3A_681 : i32 to index
      %get3A_683 = arith.constant 48 : index
      %get3A_684 = tpu.vector_load %arg8[%get3A_682, %get3A_683] {strides = array<i32>} : memref<32x256xf32, #tpu.memory_space<vmem>>, vector<16xf32>,
      %max3A_685 = arith.maximumf %max3A_680, %get3A_684 : vector<16xf32>
      %get3A_686 = arith.constant 26 : i32
      %get3A_687 = arith.index_cast %get3A_686 : i32 to index
      %get3A_688 = arith.constant 48 : index
      %get3A_689 = tpu.vector_load %arg8[%get3A_687, %get3A_688] {strides = array<i32>} : memref<32x256xf32, #tpu.memory_space<vmem>>, vector<16xf32>,
      %max3A_690 = arith.maximumf %max3A_685, %get3A_689 : vector<16xf32>
      %get3A_691 = arith.constant 27 : i32
      %get3A_692 = arith.index_cast %get3A_691 : i32 to index
      %get3A_693 = arith.constant 48 : index
      %get3A_694 = tpu.vector_load %arg8[%get3A_692, %get3A_693] {strides = array<i32>} : memref<32x256xf32, #tpu.memory_space<vmem>>, vector<16xf32>,
      %max3A_695 = arith.maximumf %max3A_690, %get3A_694 : vector<16xf32>
      %get3A_696 = arith.constant 28 : i32
      %get3A_697 = arith.index_cast %get3A_696 : i32 to index
      %get3A_698 = arith.constant 48 : index
      %get3A_699 = tpu.vector_load %arg8[%get3A_697, %get3A_698] {strides = array<i32>} : memref<32x256xf32, #tpu.memory_space<vmem>>, vector<16xf32>,
      %max3A_700 = arith.maximumf %max3A_695, %get3A_699 : vector<16xf32>
      %get3A_701 = arith.constant 29 : i32
      %get3A_702 = arith.index_cast %get3A_701 : i32 to index
      %get3A_703 = arith.constant 48 : index
      %get3A_704 = tpu.vector_load %arg8[%get3A_702, %get3A_703] {strides = array<i32>} : memref<32x256xf32, #tpu.memory_space<vmem>>, vector<16xf32>,
      %max3A_705 = arith.maximumf %max3A_700, %get3A_704 : vector<16xf32>
      %get3A_706 = arith.constant 30 : i32
      %get3A_707 = arith.index_cast %get3A_706 : i32 to index
      %get3A_708 = arith.constant 48 : index
      %get3A_709 = tpu.vector_load %arg8[%get3A_707, %get3A_708] {strides = array<i32>} : memref<32x256xf32, #tpu.memory_space<vmem>>, vector<16xf32>,
      %max3A_710 = arith.maximumf %max3A_705, %get3A_709 : vector<16xf32>
      %get3A_711 = arith.constant 31 : i32
      %get3A_712 = arith.index_cast %get3A_711 : i32 to index
      %get3A_713 = arith.constant 48 : index
      %get3A_714 = tpu.vector_load %arg8[%get3A_712, %get3A_713] {strides = array<i32>} : memref<32x256xf32, #tpu.memory_space<vmem>>, vector<16xf32>,
      %max3A_715 = arith.maximumf %max3A_710, %get3A_714 : vector<16xf32>
      %swap3A_716 = arith.constant 48 : index
      %swap3A_717 = tpu.vector_load %arg9[%swap3A_716] {strides = array<i32>} : memref<256xf32, #tpu.memory_space<vmem>>, vector<16xf32>,
      tpu.vector_store %arg9[%swap3A_716], %max3A_715 {strides = array<i32>} : memref<256xf32, #tpu.memory_space<vmem>>, vector<16xf32>,
      %get3A_718 = arith.constant 0 : i32
      %get3A_719 = arith.index_cast %get3A_718 : i32 to index
      %get3A_720 = arith.constant 64 : index
      %get3A_721 = tpu.vector_load %arg8[%get3A_719, %get3A_720] {strides = array<i32>} : memref<32x256xf32, #tpu.memory_space<vmem>>, vector<16xf32>,
      %get3A_722 = arith.constant 1 : i32
      %get3A_723 = arith.index_cast %get3A_722 : i32 to index
      %get3A_724 = arith.constant 64 : index
      %get3A_725 = tpu.vector_load %arg8[%get3A_723, %get3A_724] {strides = array<i32>} : memref<32x256xf32, #tpu.memory_space<vmem>>, vector<16xf32>,
      %max3A_726 = arith.maximumf %get3A_721, %get3A_725 : vector<16xf32>
      %get3A_727 = arith.constant 2 : i32
      %get3A_728 = arith.index_cast %get3A_727 : i32 to index
      %get3A_729 = arith.constant 64 : index
      %get3A_730 = tpu.vector_load %arg8[%get3A_728, %get3A_729] {strides = array<i32>} : memref<32x256xf32, #tpu.memory_space<vmem>>, vector<16xf32>,
      %max3A_731 = arith.maximumf %max3A_726, %get3A_730 : vector<16xf32>
      %get3A_732 = arith.constant 3 : i32
      %get3A_733 = arith.index_cast %get3A_732 : i32 to index
      %get3A_734 = arith.constant 64 : index
      %get3A_735 = tpu.vector_load %arg8[%get3A_733, %get3A_734] {strides = array<i32>} : memref<32x256xf32, #tpu.memory_space<vmem>>, vector<16xf32>,
      %max3A_736 = arith.maximumf %max3A_731, %get3A_735 : vector<16xf32>
      %get3A_737 = arith.constant 4 : i32
      %get3A_738 = arith.index_cast %get3A_737 : i32 to index
      %get3A_739 = arith.constant 64 : index
      %get3A_740 = tpu.vector_load %arg8[%get3A_738, %get3A_739] {strides = array<i32>} : memref<32x256xf32, #tpu.memory_space<vmem>>, vector<16xf32>,
      %max3A_741 = arith.maximumf %max3A_736, %get3A_740 : vector<16xf32>
      %get3A_742 = arith.constant 5 : i32
      %get3A_743 = arith.index_cast %get3A_742 : i32 to index
      %get3A_744 = arith.constant 64 : index
      %get3A_745 = tpu.vector_load %arg8[%get3A_743, %get3A_744] {strides = array<i32>} : memref<32x256xf32, #tpu.memory_space<vmem>>, vector<16xf32>,
      %max3A_746 = arith.maximumf %max3A_741, %get3A_745 : vector<16xf32>
      %get3A_747 = arith.constant 6 : i32
      %get3A_748 = arith.index_cast %get3A_747 : i32 to index
      %get3A_749 = arith.constant 64 : index
      %get3A_750 = tpu.vector_load %arg8[%get3A_748, %get3A_749] {strides = array<i32>} : memref<32x256xf32, #tpu.memory_space<vmem>>, vector<16xf32>,
      %max3A_751 = arith.maximumf %max3A_746, %get3A_750 : vector<16xf32>
      %get3A_752 = arith.constant 7 : i32
      %get3A_753 = arith.index_cast %get3A_752 : i32 to index
      %get3A_754 = arith.constant 64 : index
      %get3A_755 = tpu.vector_load %arg8[%get3A_753, %get3A_754] {strides = array<i32>} : memref<32x256xf32, #tpu.memory_space<vmem>>, vector<16xf32>,
      %max3A_756 = arith.maximumf %max3A_751, %get3A_755 : vector<16xf32>
      %get3A_757 = arith.constant 8 : i32
      %get3A_758 = arith.index_cast %get3A_757 : i32 to index
      %get3A_759 = arith.constant 64 : index
      %get3A_760 = tpu.vector_load %arg8[%get3A_758, %get3A_759] {strides = array<i32>} : memref<32x256xf32, #tpu.memory_space<vmem>>, vector<16xf32>,
      %max3A_761 = arith.maximumf %max3A_756, %get3A_760 : vector<16xf32>
      %get3A_762 = arith.constant 9 : i32
      %get3A_763 = arith.index_cast %get3A_762 : i32 to index
      %get3A_764 = arith.constant 64 : index
      %get3A_765 = tpu.vector_load %arg8[%get3A_763, %get3A_764] {strides = array<i32>} : memref<32x256xf32, #tpu.memory_space<vmem>>, vector<16xf32>,
      %max3A_766 = arith.maximumf %max3A_761, %get3A_765 : vector<16xf32>
      %get3A_767 = arith.constant 10 : i32
      %get3A_768 = arith.index_cast %get3A_767 : i32 to index
      %get3A_769 = arith.constant 64 : index
      %get3A_770 = tpu.vector_load %arg8[%get3A_768, %get3A_769] {strides = array<i32>} : memref<32x256xf32, #tpu.memory_space<vmem>>, vector<16xf32>,
      %max3A_771 = arith.maximumf %max3A_766, %get3A_770 : vector<16xf32>
      %get3A_772 = arith.constant 11 : i32
      %get3A_773 = arith.index_cast %get3A_772 : i32 to index
      %get3A_774 = arith.constant 64 : index
      %get3A_775 = tpu.vector_load %arg8[%get3A_773, %get3A_774] {strides = array<i32>} : memref<32x256xf32, #tpu.memory_space<vmem>>, vector<16xf32>,
      %max3A_776 = arith.maximumf %max3A_771, %get3A_775 : vector<16xf32>
      %get3A_777 = arith.constant 12 : i32
      %get3A_778 = arith.index_cast %get3A_777 : i32 to index
      %get3A_779 = arith.constant 64 : index
      %get3A_780 = tpu.vector_load %arg8[%get3A_778, %get3A_779] {strides = array<i32>} : memref<32x256xf32, #tpu.memory_space<vmem>>, vector<16xf32>,
      %max3A_781 = arith.maximumf %max3A_776, %get3A_780 : vector<16xf32>
      %get3A_782 = arith.constant 13 : i32
      %get3A_783 = arith.index_cast %get3A_782 : i32 to index
      %get3A_784 = arith.constant 64 : index
      %get3A_785 = tpu.vector_load %arg8[%get3A_783, %get3A_784] {strides = array<i32>} : memref<32x256xf32, #tpu.memory_space<vmem>>, vector<16xf32>,
      %max3A_786 = arith.maximumf %max3A_781, %get3A_785 : vector<16xf32>
      %get3A_787 = arith.constant 14 : i32
      %get3A_788 = arith.index_cast %get3A_787 : i32 to index
      %get3A_789 = arith.constant 64 : index
      %get3A_790 = tpu.vector_load %arg8[%get3A_788, %get3A_789] {strides = array<i32>} : memref<32x256xf32, #tpu.memory_space<vmem>>, vector<16xf32>,
      %max3A_791 = arith.maximumf %max3A_786, %get3A_790 : vector<16xf32>
      %get3A_792 = arith.constant 15 : i32
      %get3A_793 = arith.index_cast %get3A_792 : i32 to index
      %get3A_794 = arith.constant 64 : index
      %get3A_795 = tpu.vector_load %arg8[%get3A_793, %get3A_794] {strides = array<i32>} : memref<32x256xf32, #tpu.memory_space<vmem>>, vector<16xf32>,
      %max3A_796 = arith.maximumf %max3A_791, %get3A_795 : vector<16xf32>
      %get3A_797 = arith.constant 16 : i32
      %get3A_798 = arith.index_cast %get3A_797 : i32 to index
      %get3A_799 = arith.constant 64 : index
      %get3A_800 = tpu.vector_load %arg8[%get3A_798, %get3A_799] {strides = array<i32>} : memref<32x256xf32, #tpu.memory_space<vmem>>, vector<16xf32>,
      %max3A_801 = arith.maximumf %max3A_796, %get3A_800 : vector<16xf32>
      %get3A_802 = arith.constant 17 : i32
      %get3A_803 = arith.index_cast %get3A_802 : i32 to index
      %get3A_804 = arith.constant 64 : index
      %get3A_805 = tpu.vector_load %arg8[%get3A_803, %get3A_804] {strides = array<i32>} : memref<32x256xf32, #tpu.memory_space<vmem>>, vector<16xf32>,
      %max3A_806 = arith.maximumf %max3A_801, %get3A_805 : vector<16xf32>
      %get3A_807 = arith.constant 18 : i32
      %get3A_808 = arith.index_cast %get3A_807 : i32 to index
      %get3A_809 = arith.constant 64 : index
      %get3A_810 = tpu.vector_load %arg8[%get3A_808, %get3A_809] {strides = array<i32>} : memref<32x256xf32, #tpu.memory_space<vmem>>, vector<16xf32>,
      %max3A_811 = arith.maximumf %max3A_806, %get3A_810 : vector<16xf32>
      %get3A_812 = arith.constant 19 : i32
      %get3A_813 = arith.index_cast %get3A_812 : i32 to index
      %get3A_814 = arith.constant 64 : index
      %get3A_815 = tpu.vector_load %arg8[%get3A_813, %get3A_814] {strides = array<i32>} : memref<32x256xf32, #tpu.memory_space<vmem>>, vector<16xf32>,
      %max3A_816 = arith.maximumf %max3A_811, %get3A_815 : vector<16xf32>
      %get3A_817 = arith.constant 20 : i32
      %get3A_818 = arith.index_cast %get3A_817 : i32 to index
      %get3A_819 = arith.constant 64 : index
      %get3A_820 = tpu.vector_load %arg8[%get3A_818, %get3A_819] {strides = array<i32>} : memref<32x256xf32, #tpu.memory_space<vmem>>, vector<16xf32>,
      %max3A_821 = arith.maximumf %max3A_816, %get3A_820 : vector<16xf32>
      %get3A_822 = arith.constant 21 : i32
      %get3A_823 = arith.index_cast %get3A_822 : i32 to index
      %get3A_824 = arith.constant 64 : index
      %get3A_825 = tpu.vector_load %arg8[%get3A_823, %get3A_824] {strides = array<i32>} : memref<32x256xf32, #tpu.memory_space<vmem>>, vector<16xf32>,
      %max3A_826 = arith.maximumf %max3A_821, %get3A_825 : vector<16xf32>
      %get3A_827 = arith.constant 22 : i32
      %get3A_828 = arith.index_cast %get3A_827 : i32 to index
      %get3A_829 = arith.constant 64 : index
      %get3A_830 = tpu.vector_load %arg8[%get3A_828, %get3A_829] {strides = array<i32>} : memref<32x256xf32, #tpu.memory_space<vmem>>, vector<16xf32>,
      %max3A_831 = arith.maximumf %max3A_826, %get3A_830 : vector<16xf32>
      %get3A_832 = arith.constant 23 : i32
      %get3A_833 = arith.index_cast %get3A_832 : i32 to index
      %get3A_834 = arith.constant 64 : index
      %get3A_835 = tpu.vector_load %arg8[%get3A_833, %get3A_834] {strides = array<i32>} : memref<32x256xf32, #tpu.memory_space<vmem>>, vector<16xf32>,
      %max3A_836 = arith.maximumf %max3A_831, %get3A_835 : vector<16xf32>
      %get3A_837 = arith.constant 24 : i32
      %get3A_838 = arith.index_cast %get3A_837 : i32 to index
      %get3A_839 = arith.constant 64 : index
      %get3A_840 = tpu.vector_load %arg8[%get3A_838, %get3A_839] {strides = array<i32>} : memref<32x256xf32, #tpu.memory_space<vmem>>, vector<16xf32>,
      %max3A_841 = arith.maximumf %max3A_836, %get3A_840 : vector<16xf32>
      %get3A_842 = arith.constant 25 : i32
      %get3A_843 = arith.index_cast %get3A_842 : i32 to index
      %get3A_844 = arith.constant 64 : index
      %get3A_845 = tpu.vector_load %arg8[%get3A_843, %get3A_844] {strides = array<i32>} : memref<32x256xf32, #tpu.memory_space<vmem>>, vector<16xf32>,
      %max3A_846 = arith.maximumf %max3A_841, %get3A_845 : vector<16xf32>
      %get3A_847 = arith.constant 26 : i32
      %get3A_848 = arith.index_cast %get3A_847 : i32 to index
      %get3A_849 = arith.constant 64 : index
      %get3A_850 = tpu.vector_load %arg8[%get3A_848, %get3A_849] {strides = array<i32>} : memref<32x256xf32, #tpu.memory_space<vmem>>, vector<16xf32>,
      %max3A_851 = arith.maximumf %max3A_846, %get3A_850 : vector<16xf32>
      %get3A_852 = arith.constant 27 : i32
      %get3A_853 = arith.index_cast %get3A_852 : i32 to index
      %get3A_854 = arith.constant 64 : index
      %get3A_855 = tpu.vector_load %arg8[%get3A_853, %get3A_854] {strides = array<i32>} : memref<32x256xf32, #tpu.memory_space<vmem>>, vector<16xf32>,
      %max3A_856 = arith.maximumf %max3A_851, %get3A_855 : vector<16xf32>
      %get3A_857 = arith.constant 28 : i32
      %get3A_858 = arith.index_cast %get3A_857 : i32 to index
      %get3A_859 = arith.constant 64 : index
      %get3A_860 = tpu.vector_load %arg8[%get3A_858, %get3A_859] {strides = array<i32>} : memref<32x256xf32, #tpu.memory_space<vmem>>, vector<16xf32>,
      %max3A_861 = arith.maximumf %max3A_856, %get3A_860 : vector<16xf32>
      %get3A_862 = arith.constant 29 : i32
      %get3A_863 = arith.index_cast %get3A_862 : i32 to index
      %get3A_864 = arith.constant 64 : index
      %get3A_865 = tpu.vector_load %arg8[%get3A_863, %get3A_864] {strides = array<i32>} : memref<32x256xf32, #tpu.memory_space<vmem>>, vector<16xf32>,
      %max3A_866 = arith.maximumf %max3A_861, %get3A_865 : vector<16xf32>
      %get3A_867 = arith.constant 30 : i32
      %get3A_868 = arith.index_cast %get3A_867 : i32 to index
      %get3A_869 = arith.constant 64 : index
      %get3A_870 = tpu.vector_load %arg8[%get3A_868, %get3A_869] {strides = array<i32>} : memref<32x256xf32, #tpu.memory_space<vmem>>, vector<16xf32>,
      %max3A_871 = arith.maximumf %max3A_866, %get3A_870 : vector<16xf32>
      %get3A_872 = arith.constant 31 : i32
      %get3A_873 = arith.index_cast %get3A_872 : i32 to index
      %get3A_874 = arith.constant 64 : index
      %get3A_875 = tpu.vector_load %arg8[%get3A_873, %get3A_874] {strides = array<i32>} : memref<32x256xf32, #tpu.memory_space<vmem>>, vector<16xf32>,
      %max3A_876 = arith.maximumf %max3A_871, %get3A_875 : vector<16xf32>
      %swap3A_877 = arith.constant 64 : index
      %swap3A_878 = tpu.vector_load %arg9[%swap3A_877] {strides = array<i32>} : memref<256xf32, #tpu.memory_space<vmem>>, vector<16xf32>,
      tpu.vector_store %arg9[%swap3A_877], %max3A_876 {strides = array<i32>} : memref<256xf32, #tpu.memory_space<vmem>>, vector<16xf32>,
      %get3A_879 = arith.constant 0 : i32
      %get3A_880 = arith.index_cast %get3A_879 : i32 to index
      %get3A_881 = arith.constant 80 : index
      %get3A_882 = tpu.vector_load %arg8[%get3A_880, %get3A_881] {strides = array<i32>} : memref<32x256xf32, #tpu.memory_space<vmem>>, vector<16xf32>,
      %get3A_883 = arith.constant 1 : i32
      %get3A_884 = arith.index_cast %get3A_883 : i32 to index
      %get3A_885 = arith.constant 80 : index
      %get3A_886 = tpu.vector_load %arg8[%get3A_884, %get3A_885] {strides = array<i32>} : memref<32x256xf32, #tpu.memory_space<vmem>>, vector<16xf32>,
      %max3A_887 = arith.maximumf %get3A_882, %get3A_886 : vector<16xf32>
      %get3A_888 = arith.constant 2 : i32
      %get3A_889 = arith.index_cast %get3A_888 : i32 to index
      %get3A_890 = arith.constant 80 : index
      %get3A_891 = tpu.vector_load %arg8[%get3A_889, %get3A_890] {strides = array<i32>} : memref<32x256xf32, #tpu.memory_space<vmem>>, vector<16xf32>,
      %max3A_892 = arith.maximumf %max3A_887, %get3A_891 : vector<16xf32>
      %get3A_893 = arith.constant 3 : i32
      %get3A_894 = arith.index_cast %get3A_893 : i32 to index
      %get3A_895 = arith.constant 80 : index
      %get3A_896 = tpu.vector_load %arg8[%get3A_894, %get3A_895] {strides = array<i32>} : memref<32x256xf32, #tpu.memory_space<vmem>>, vector<16xf32>,
      %max3A_897 = arith.maximumf %max3A_892, %get3A_896 : vector<16xf32>
      %get3A_898 = arith.constant 4 : i32
      %get3A_899 = arith.index_cast %get3A_898 : i32 to index
      %get3A_900 = arith.constant 80 : index
      %get3A_901 = tpu.vector_load %arg8[%get3A_899, %get3A_900] {strides = array<i32>} : memref<32x256xf32, #tpu.memory_space<vmem>>, vector<16xf32>,
      %max3A_902 = arith.maximumf %max3A_897, %get3A_901 : vector<16xf32>
      %get3A_903 = arith.constant 5 : i32
      %get3A_904 = arith.index_cast %get3A_903 : i32 to index
      %get3A_905 = arith.constant 80 : index
      %get3A_906 = tpu.vector_load %arg8[%get3A_904, %get3A_905] {strides = array<i32>} : memref<32x256xf32, #tpu.memory_space<vmem>>, vector<16xf32>,
      %max3A_907 = arith.maximumf %max3A_902, %get3A_906 : vector<16xf32>
      %get3A_908 = arith.constant 6 : i32
      %get3A_909 = arith.index_cast %get3A_908 : i32 to index
      %get3A_910 = arith.constant 80 : index
      %get3A_911 = tpu.vector_load %arg8[%get3A_909, %get3A_910] {strides = array<i32>} : memref<32x256xf32, #tpu.memory_space<vmem>>, vector<16xf32>,
      %max3A_912 = arith.maximumf %max3A_907, %get3A_911 : vector<16xf32>
      %get3A_913 = arith.constant 7 : i32
      %get3A_914 = arith.index_cast %get3A_913 : i32 to index
      %get3A_915 = arith.constant 80 : index
      %get3A_916 = tpu.vector_load %arg8[%get3A_914, %get3A_915] {strides = array<i32>} : memref<32x256xf32, #tpu.memory_space<vmem>>, vector<16xf32>,
      %max3A_917 = arith.maximumf %max3A_912, %get3A_916 : vector<16xf32>
      %get3A_918 = arith.constant 8 : i32
      %get3A_919 = arith.index_cast %get3A_918 : i32 to index
      %get3A_920 = arith.constant 80 : index
      %get3A_921 = tpu.vector_load %arg8[%get3A_919, %get3A_920] {strides = array<i32>} : memref<32x256xf32, #tpu.memory_space<vmem>>, vector<16xf32>,
      %max3A_922 = arith.maximumf %max3A_917, %get3A_921 : vector<16xf32>
      %get3A_923 = arith.constant 9 : i32
      %get3A_924 = arith.index_cast %get3A_923 : i32 to index
      %get3A_925 = arith.constant 80 : index
      %get3A_926 = tpu.vector_load %arg8[%get3A_924, %get3A_925] {strides = array<i32>} : memref<32x256xf32, #tpu.memory_space<vmem>>, vector<16xf32>,
      %max3A_927 = arith.maximumf %max3A_922, %get3A_926 : vector<16xf32>
      %get3A_928 = arith.constant 10 : i32
      %get3A_929 = arith.index_cast %get3A_928 : i32 to index
      %get3A_930 = arith.constant 80 : index
      %get3A_931 = tpu.vector_load %arg8[%get3A_929, %get3A_930] {strides = array<i32>} : memref<32x256xf32, #tpu.memory_space<vmem>>, vector<16xf32>,
      %max3A_932 = arith.maximumf %max3A_927, %get3A_931 : vector<16xf32>
      %get3A_933 = arith.constant 11 : i32
      %get3A_934 = arith.index_cast %get3A_933 : i32 to index
      %get3A_935 = arith.constant 80 : index
      %get3A_936 = tpu.vector_load %arg8[%get3A_934, %get3A_935] {strides = array<i32>} : memref<32x256xf32, #tpu.memory_space<vmem>>, vector<16xf32>,
      %max3A_937 = arith.maximumf %max3A_932, %get3A_936 : vector<16xf32>
      %get3A_938 = arith.constant 12 : i32
      %get3A_939 = arith.index_cast %get3A_938 : i32 to index
      %get3A_940 = arith.constant 80 : index
      %get3A_941 = tpu.vector_load %arg8[%get3A_939, %get3A_940] {strides = array<i32>} : memref<32x256xf32, #tpu.memory_space<vmem>>, vector<16xf32>,
      %max3A_942 = arith.maximumf %max3A_937, %get3A_941 : vector<16xf32>
      %get3A_943 = arith.constant 13 : i32
      %get3A_944 = arith.index_cast %get3A_943 : i32 to index
      %get3A_945 = arith.constant 80 : index
      %get3A_946 = tpu.vector_load %arg8[%get3A_944, %get3A_945] {strides = array<i32>} : memref<32x256xf32, #tpu.memory_space<vmem>>, vector<16xf32>,
      %max3A_947 = arith.maximumf %max3A_942, %get3A_946 : vector<16xf32>
      %get3A_948 = arith.constant 14 : i32
      %get3A_949 = arith.index_cast %get3A_948 : i32 to index
      %get3A_950 = arith.constant 80 : index
      %get3A_951 = tpu.vector_load %arg8[%get3A_949, %get3A_950] {strides = array<i32>} : memref<32x256xf32, #tpu.memory_space<vmem>>, vector<16xf32>,
      %max3A_952 = arith.maximumf %max3A_947, %get3A_951 : vector<16xf32>
      %get3A_953 = arith.constant 15 : i32
      %get3A_954 = arith.index_cast %get3A_953 : i32 to index
      %get3A_955 = arith.constant 80 : index
      %get3A_956 = tpu.vector_load %arg8[%get3A_954, %get3A_955] {strides = array<i32>} : memref<32x256xf32, #tpu.memory_space<vmem>>, vector<16xf32>,
      %max3A_957 = arith.maximumf %max3A_952, %get3A_956 : vector<16xf32>
      %get3A_958 = arith.constant 16 : i32
      %get3A_959 = arith.index_cast %get3A_958 : i32 to index
      %get3A_960 = arith.constant 80 : index
      %get3A_961 = tpu.vector_load %arg8[%get3A_959, %get3A_960] {strides = array<i32>} : memref<32x256xf32, #tpu.memory_space<vmem>>, vector<16xf32>,
      %max3A_962 = arith.maximumf %max3A_957, %get3A_961 : vector<16xf32>
      %get3A_963 = arith.constant 17 : i32
      %get3A_964 = arith.index_cast %get3A_963 : i32 to index
      %get3A_965 = arith.constant 80 : index
      %get3A_966 = tpu.vector_load %arg8[%get3A_964, %get3A_965] {strides = array<i32>} : memref<32x256xf32, #tpu.memory_space<vmem>>, vector<16xf32>,
      %max3A_967 = arith.maximumf %max3A_962, %get3A_966 : vector<16xf32>
      %get3A_968 = arith.constant 18 : i32
      %get3A_969 = arith.index_cast %get3A_968 : i32 to index
      %get3A_970 = arith.constant 80 : index
      %get3A_971 = tpu.vector_load %arg8[%get3A_969, %get3A_970] {strides = array<i32>} : memref<32x256xf32, #tpu.memory_space<vmem>>, vector<16xf32>,
      %max3A_972 = arith.maximumf %max3A_967, %get3A_971 : vector<16xf32>
      %get3A_973 = arith.constant 19 : i32
      %get3A_974 = arith.index_cast %get3A_973 : i32 to index
      %get3A_975 = arith.constant 80 : index
      %get3A_976 = tpu.vector_load %arg8[%get3A_974, %get3A_975] {strides = array<i32>} : memref<32x256xf32, #tpu.memory_space<vmem>>, vector<16xf32>,
      %max3A_977 = arith.maximumf %max3A_972, %get3A_976 : vector<16xf32>
      %get3A_978 = arith.constant 20 : i32
      %get3A_979 = arith.index_cast %get3A_978 : i32 to index
      %get3A_980 = arith.constant 80 : index
      %get3A_981 = tpu.vector_load %arg8[%get3A_979, %get3A_980] {strides = array<i32>} : memref<32x256xf32, #tpu.memory_space<vmem>>, vector<16xf32>,
      %max3A_982 = arith.maximumf %max3A_977, %get3A_981 : vector<16xf32>
      %get3A_983 = arith.constant 21 : i32
      %get3A_984 = arith.index_cast %get3A_983 : i32 to index
      %get3A_985 = arith.constant 80 : index
      %get3A_986 = tpu.vector_load %arg8[%get3A_984, %get3A_985] {strides = array<i32>} : memref<32x256xf32, #tpu.memory_space<vmem>>, vector<16xf32>,
      %max3A_987 = arith.maximumf %max3A_982, %get3A_986 : vector<16xf32>
      %get3A_988 = arith.constant 22 : i32
      %get3A_989 = arith.index_cast %get3A_988 : i32 to index
      %get3A_990 = arith.constant 80 : index
      %get3A_991 = tpu.vector_load %arg8[%get3A_989, %get3A_990] {strides = array<i32>} : memref<32x256xf32, #tpu.memory_space<vmem>>, vector<16xf32>,
      %max3A_992 = arith.maximumf %max3A_987, %get3A_991 : vector<16xf32>
      %get3A_993 = arith.constant 23 : i32
      %get3A_994 = arith.index_cast %get3A_993 : i32 to index
      %get3A_995 = arith.constant 80 : index
      %get3A_996 = tpu.vector_load %arg8[%get3A_994, %get3A_995] {strides = array<i32>} : memref<32x256xf32, #tpu.memory_space<vmem>>, vector<16xf32>,
      %max3A_997 = arith.maximumf %max3A_992, %get3A_996 : vector<16xf32>
      %get3A_998 = arith.constant 24 : i32
      %get3A_999 = arith.index_cast %get3A_998 : i32 to index
      %get3A_1000 = arith.constant 80 : index
      %get3A_1001 = tpu.vector_load %arg8[%get3A_999, %get3A_1000] {strides = array<i32>} : memref<32x256xf32, #tpu.memory_space<vmem>>, vector<16xf32>,
      %max3A_1002 = arith.maximumf %max3A_997, %get3A_1001 : vector<16xf32>
      %get3A_1003 = arith.constant 25 : i32
      %get3A_1004 = arith.index_cast %get3A_1003 : i32 to index
      %get3A_1005 = arith.constant 80 : index
      %get3A_1006 = tpu.vector_load %arg8[%get3A_1004, %get3A_1005] {strides = array<i32>} : memref<32x256xf32, #tpu.memory_space<vmem>>, vector<16xf32>,
      %max3A_1007 = arith.maximumf %max3A_1002, %get3A_1006 : vector<16xf32>
      %get3A_1008 = arith.constant 26 : i32
      %get3A_1009 = arith.index_cast %get3A_1008 : i32 to index
      %get3A_1010 = arith.constant 80 : index
      %get3A_1011 = tpu.vector_load %arg8[%get3A_1009, %get3A_1010] {strides = array<i32>} : memref<32x256xf32, #tpu.memory_space<vmem>>, vector<16xf32>,
      %max3A_1012 = arith.maximumf %max3A_1007, %get3A_1011 : vector<16xf32>
      %get3A_1013 = arith.constant 27 : i32
      %get3A_1014 = arith.index_cast %get3A_1013 : i32 to index
      %get3A_1015 = arith.constant 80 : index
      %get3A_1016 = tpu.vector_load %arg8[%get3A_1014, %get3A_1015] {strides = array<i32>} : memref<32x256xf32, #tpu.memory_space<vmem>>, vector<16xf32>,
      %max3A_1017 = arith.maximumf %max3A_1012, %get3A_1016 : vector<16xf32>
      %get3A_1018 = arith.constant 28 : i32
      %get3A_1019 = arith.index_cast %get3A_1018 : i32 to index
      %get3A_1020 = arith.constant 80 : index
      %get3A_1021 = tpu.vector_load %arg8[%get3A_1019, %get3A_1020] {strides = array<i32>} : memref<32x256xf32, #tpu.memory_space<vmem>>, vector<16xf32>,
      %max3A_1022 = arith.maximumf %max3A_1017, %get3A_1021 : vector<16xf32>
      %get3A_1023 = arith.constant 29 : i32
      %get3A_1024 = arith.index_cast %get3A_1023 : i32 to index
      %get3A_1025 = arith.constant 80 : index
      %get3A_1026 = tpu.vector_load %arg8[%get3A_1024, %get3A_1025] {strides = array<i32>} : memref<32x256xf32, #tpu.memory_space<vmem>>, vector<16xf32>,
      %max3A_1027 = arith.maximumf %max3A_1022, %get3A_1026 : vector<16xf32>
      %get3A_1028 = arith.constant 30 : i32
      %get3A_1029 = arith.index_cast %get3A_1028 : i32 to index
      %get3A_1030 = arith.constant 80 : index
      %get3A_1031 = tpu.vector_load %arg8[%get3A_1029, %get3A_1030] {strides = array<i32>} : memref<32x256xf32, #tpu.memory_space<vmem>>, vector<16xf32>,
      %max3A_1032 = arith.maximumf %max3A_1027, %get3A_1031 : vector<16xf32>
      %get3A_1033 = arith.constant 31 : i32
      %get3A_1034 = arith.index_cast %get3A_1033 : i32 to index
      %get3A_1035 = arith.constant 80 : index
      %get3A_1036 = tpu.vector_load %arg8[%get3A_1034, %get3A_1035] {strides = array<i32>} : memref<32x256xf32, #tpu.memory_space<vmem>>, vector<16xf32>,
      %max3A_1037 = arith.maximumf %max3A_1032, %get3A_1036 : vector<16xf32>
      %swap3A_1038 = arith.constant 80 : index
      %swap3A_1039 = tpu.vector_load %arg9[%swap3A_1038] {strides = array<i32>} : memref<256xf32, #tpu.memory_space<vmem>>, vector<16xf32>,
      tpu.vector_store %arg9[%swap3A_1038], %max3A_1037 {strides = array<i32>} : memref<256xf32, #tpu.memory_space<vmem>>, vector<16xf32>,
      %get3A_1040 = arith.constant 0 : i32
      %get3A_1041 = arith.index_cast %get3A_1040 : i32 to index
      %get3A_1042 = arith.constant 96 : index
      %get3A_1043 = tpu.vector_load %arg8[%get3A_1041, %get3A_1042] {strides = array<i32>} : memref<32x256xf32, #tpu.memory_space<vmem>>, vector<16xf32>,
      %get3A_1044 = arith.constant 1 : i32
      %get3A_1045 = arith.index_cast %get3A_1044 : i32 to index
      %get3A_1046 = arith.constant 96 : index
      %get3A_1047 = tpu.vector_load %arg8[%get3A_1045, %get3A_1046] {strides = array<i32>} : memref<32x256xf32, #tpu.memory_space<vmem>>, vector<16xf32>,
      %max3A_1048 = arith.maximumf %get3A_1043, %get3A_1047 : vector<16xf32>
      %get3A_1049 = arith.constant 2 : i32
      %get3A_1050 = arith.index_cast %get3A_1049 : i32 to index
      %get3A_1051 = arith.constant 96 : index
      %get3A_1052 = tpu.vector_load %arg8[%get3A_1050, %get3A_1051] {strides = array<i32>} : memref<32x256xf32, #tpu.memory_space<vmem>>, vector<16xf32>,
      %max3A_1053 = arith.maximumf %max3A_1048, %get3A_1052 : vector<16xf32>
      %get3A_1054 = arith.constant 3 : i32
      %get3A_1055 = arith.index_cast %get3A_1054 : i32 to index
      %get3A_1056 = arith.constant 96 : index
      %get3A_1057 = tpu.vector_load %arg8[%get3A_1055, %get3A_1056] {strides = array<i32>} : memref<32x256xf32, #tpu.memory_space<vmem>>, vector<16xf32>,
      %max3A_1058 = arith.maximumf %max3A_1053, %get3A_1057 : vector<16xf32>
      %get3A_1059 = arith.constant 4 : i32
      %get3A_1060 = arith.index_cast %get3A_1059 : i32 to index
      %get3A_1061 = arith.constant 96 : index
      %get3A_1062 = tpu.vector_load %arg8[%get3A_1060, %get3A_1061] {strides = array<i32>} : memref<32x256xf32, #tpu.memory_space<vmem>>, vector<16xf32>,
      %max3A_1063 = arith.maximumf %max3A_1058, %get3A_1062 : vector<16xf32>
      %get3A_1064 = arith.constant 5 : i32
      %get3A_1065 = arith.index_cast %get3A_1064 : i32 to index
      %get3A_1066 = arith.constant 96 : index
      %get3A_1067 = tpu.vector_load %arg8[%get3A_1065, %get3A_1066] {strides = array<i32>} : memref<32x256xf32, #tpu.memory_space<vmem>>, vector<16xf32>,
      %max3A_1068 = arith.maximumf %max3A_1063, %get3A_1067 : vector<16xf32>
      %get3A_1069 = arith.constant 6 : i32
      %get3A_1070 = arith.index_cast %get3A_1069 : i32 to index
      %get3A_1071 = arith.constant 96 : index
      %get3A_1072 = tpu.vector_load %arg8[%get3A_1070, %get3A_1071] {strides = array<i32>} : memref<32x256xf32, #tpu.memory_space<vmem>>, vector<16xf32>,
      %max3A_1073 = arith.maximumf %max3A_1068, %get3A_1072 : vector<16xf32>
      %get3A_1074 = arith.constant 7 : i32
      %get3A_1075 = arith.index_cast %get3A_1074 : i32 to index
      %get3A_1076 = arith.constant 96 : index
      %get3A_1077 = tpu.vector_load %arg8[%get3A_1075, %get3A_1076] {strides = array<i32>} : memref<32x256xf32, #tpu.memory_space<vmem>>, vector<16xf32>,
      %max3A_1078 = arith.maximumf %max3A_1073, %get3A_1077 : vector<16xf32>
      %get3A_1079 = arith.constant 8 : i32
      %get3A_1080 = arith.index_cast %get3A_1079 : i32 to index
      %get3A_1081 = arith.constant 96 : index
      %get3A_1082 = tpu.vector_load %arg8[%get3A_1080, %get3A_1081] {strides = array<i32>} : memref<32x256xf32, #tpu.memory_space<vmem>>, vector<16xf32>,
      %max3A_1083 = arith.maximumf %max3A_1078, %get3A_1082 : vector<16xf32>
      %get3A_1084 = arith.constant 9 : i32
      %get3A_1085 = arith.index_cast %get3A_1084 : i32 to index
      %get3A_1086 = arith.constant 96 : index
      %get3A_1087 = tpu.vector_load %arg8[%get3A_1085, %get3A_1086] {strides = array<i32>} : memref<32x256xf32, #tpu.memory_space<vmem>>, vector<16xf32>,
      %max3A_1088 = arith.maximumf %max3A_1083, %get3A_1087 : vector<16xf32>
      %get3A_1089 = arith.constant 10 : i32
      %get3A_1090 = arith.index_cast %get3A_1089 : i32 to index
      %get3A_1091 = arith.constant 96 : index
      %get3A_1092 = tpu.vector_load %arg8[%get3A_1090, %get3A_1091] {strides = array<i32>} : memref<32x256xf32, #tpu.memory_space<vmem>>, vector<16xf32>,
      %max3A_1093 = arith.maximumf %max3A_1088, %get3A_1092 : vector<16xf32>
      %get3A_1094 = arith.constant 11 : i32
      %get3A_1095 = arith.index_cast %get3A_1094 : i32 to index
      %get3A_1096 = arith.constant 96 : index
      %get3A_1097 = tpu.vector_load %arg8[%get3A_1095, %get3A_1096] {strides = array<i32>} : memref<32x256xf32, #tpu.memory_space<vmem>>, vector<16xf32>,
      %max3A_1098 = arith.maximumf %max3A_1093, %get3A_1097 : vector<16xf32>
      %get3A_1099 = arith.constant 12 : i32
      %get3A_1100 = arith.index_cast %get3A_1099 : i32 to index
      %get3A_1101 = arith.constant 96 : index
      %get3A_1102 = tpu.vector_load %arg8[%get3A_1100, %get3A_1101] {strides = array<i32>} : memref<32x256xf32, #tpu.memory_space<vmem>>, vector<16xf32>,
      %max3A_1103 = arith.maximumf %max3A_1098, %get3A_1102 : vector<16xf32>
      %get3A_1104 = arith.constant 13 : i32
      %get3A_1105 = arith.index_cast %get3A_1104 : i32 to index
      %get3A_1106 = arith.constant 96 : index
      %get3A_1107 = tpu.vector_load %arg8[%get3A_1105, %get3A_1106] {strides = array<i32>} : memref<32x256xf32, #tpu.memory_space<vmem>>, vector<16xf32>,
      %max3A_1108 = arith.maximumf %max3A_1103, %get3A_1107 : vector<16xf32>
      %get3A_1109 = arith.constant 14 : i32
      %get3A_1110 = arith.index_cast %get3A_1109 : i32 to index
      %get3A_1111 = arith.constant 96 : index
      %get3A_1112 = tpu.vector_load %arg8[%get3A_1110, %get3A_1111] {strides = array<i32>} : memref<32x256xf32, #tpu.memory_space<vmem>>, vector<16xf32>,
      %max3A_1113 = arith.maximumf %max3A_1108, %get3A_1112 : vector<16xf32>
      %get3A_1114 = arith.constant 15 : i32
      %get3A_1115 = arith.index_cast %get3A_1114 : i32 to index
      %get3A_1116 = arith.constant 96 : index
      %get3A_1117 = tpu.vector_load %arg8[%get3A_1115, %get3A_1116] {strides = array<i32>} : memref<32x256xf32, #tpu.memory_space<vmem>>, vector<16xf32>,
      %max3A_1118 = arith.maximumf %max3A_1113, %get3A_1117 : vector<16xf32>
      %get3A_1119 = arith.constant 16 : i32
      %get3A_1120 = arith.index_cast %get3A_1119 : i32 to index
      %get3A_1121 = arith.constant 96 : index
      %get3A_1122 = tpu.vector_load %arg8[%get3A_1120, %get3A_1121] {strides = array<i32>} : memref<32x256xf32, #tpu.memory_space<vmem>>, vector<16xf32>,
      %max3A_1123 = arith.maximumf %max3A_1118, %get3A_1122 : vector<16xf32>
      %get3A_1124 = arith.constant 17 : i32
      %get3A_1125 = arith.index_cast %get3A_1124 : i32 to index
      %get3A_1126 = arith.constant 96 : index
      %get3A_1127 = tpu.vector_load %arg8[%get3A_1125, %get3A_1126] {strides = array<i32>} : memref<32x256xf32, #tpu.memory_space<vmem>>, vector<16xf32>,
      %max3A_1128 = arith.maximumf %max3A_1123, %get3A_1127 : vector<16xf32>
      %get3A_1129 = arith.constant 18 : i32
      %get3A_1130 = arith.index_cast %get3A_1129 : i32 to index
      %get3A_1131 = arith.constant 96 : index
      %get3A_1132 = tpu.vector_load %arg8[%get3A_1130, %get3A_1131] {strides = array<i32>} : memref<32x256xf32, #tpu.memory_space<vmem>>, vector<16xf32>,
      %max3A_1133 = arith.maximumf %max3A_1128, %get3A_1132 : vector<16xf32>
      %get3A_1134 = arith.constant 19 : i32
      %get3A_1135 = arith.index_cast %get3A_1134 : i32 to index
      %get3A_1136 = arith.constant 96 : index
      %get3A_1137 = tpu.vector_load %arg8[%get3A_1135, %get3A_1136] {strides = array<i32>} : memref<32x256xf32, #tpu.memory_space<vmem>>, vector<16xf32>,
      %max3A_1138 = arith.maximumf %max3A_1133, %get3A_1137 : vector<16xf32>
      %get3A_1139 = arith.constant 20 : i32
      %get3A_1140 = arith.index_cast %get3A_1139 : i32 to index
      %get3A_1141 = arith.constant 96 : index
      %get3A_1142 = tpu.vector_load %arg8[%get3A_1140, %get3A_1141] {strides = array<i32>} : memref<32x256xf32, #tpu.memory_space<vmem>>, vector<16xf32>,
      %max3A_1143 = arith.maximumf %max3A_1138, %get3A_1142 : vector<16xf32>
      %get3A_1144 = arith.constant 21 : i32
      %get3A_1145 = arith.index_cast %get3A_1144 : i32 to index
      %get3A_1146 = arith.constant 96 : index
      %get3A_1147 = tpu.vector_load %arg8[%get3A_1145, %get3A_1146] {strides = array<i32>} : memref<32x256xf32, #tpu.memory_space<vmem>>, vector<16xf32>,
      %max3A_1148 = arith.maximumf %max3A_1143, %get3A_1147 : vector<16xf32>
      %get3A_1149 = arith.constant 22 : i32
      %get3A_1150 = arith.index_cast %get3A_1149 : i32 to index
      %get3A_1151 = arith.constant 96 : index
      %get3A_1152 = tpu.vector_load %arg8[%get3A_1150, %get3A_1151] {strides = array<i32>} : memref<32x256xf32, #tpu.memory_space<vmem>>, vector<16xf32>,
      %max3A_1153 = arith.maximumf %max3A_1148, %get3A_1152 : vector<16xf32>
      %get3A_1154 = arith.constant 23 : i32
      %get3A_1155 = arith.index_cast %get3A_1154 : i32 to index
      %get3A_1156 = arith.constant 96 : index
      %get3A_1157 = tpu.vector_load %arg8[%get3A_1155, %get3A_1156] {strides = array<i32>} : memref<32x256xf32, #tpu.memory_space<vmem>>, vector<16xf32>,
      %max3A_1158 = arith.maximumf %max3A_1153, %get3A_1157 : vector<16xf32>
      %get3A_1159 = arith.constant 24 : i32
      %get3A_1160 = arith.index_cast %get3A_1159 : i32 to index
      %get3A_1161 = arith.constant 96 : index
      %get3A_1162 = tpu.vector_load %arg8[%get3A_1160, %get3A_1161] {strides = array<i32>} : memref<32x256xf32, #tpu.memory_space<vmem>>, vector<16xf32>,
      %max3A_1163 = arith.maximumf %max3A_1158, %get3A_1162 : vector<16xf32>
      %get3A_1164 = arith.constant 25 : i32
      %get3A_1165 = arith.index_cast %get3A_1164 : i32 to index
      %get3A_1166 = arith.constant 96 : index
      %get3A_1167 = tpu.vector_load %arg8[%get3A_1165, %get3A_1166] {strides = array<i32>} : memref<32x256xf32, #tpu.memory_space<vmem>>, vector<16xf32>,
      %max3A_1168 = arith.maximumf %max3A_1163, %get3A_1167 : vector<16xf32>
      %get3A_1169 = arith.constant 26 : i32
      %get3A_1170 = arith.index_cast %get3A_1169 : i32 to index
      %get3A_1171 = arith.constant 96 : index
      %get3A_1172 = tpu.vector_load %arg8[%get3A_1170, %get3A_1171] {strides = array<i32>} : memref<32x256xf32, #tpu.memory_space<vmem>>, vector<16xf32>,
      %max3A_1173 = arith.maximumf %max3A_1168, %get3A_1172 : vector<16xf32>
      %get3A_1174 = arith.constant 27 : i32
      %get3A_1175 = arith.index_cast %get3A_1174 : i32 to index
      %get3A_1176 = arith.constant 96 : index
      %get3A_1177 = tpu.vector_load %arg8[%get3A_1175, %get3A_1176] {strides = array<i32>} : memref<32x256xf32, #tpu.memory_space<vmem>>, vector<16xf32>,
      %max3A_1178 = arith.maximumf %max3A_1173, %get3A_1177 : vector<16xf32>
      %get3A_1179 = arith.constant 28 : i32
      %get3A_1180 = arith.index_cast %get3A_1179 : i32 to index
      %get3A_1181 = arith.constant 96 : index
      %get3A_1182 = tpu.vector_load %arg8[%get3A_1180, %get3A_1181] {strides = array<i32>} : memref<32x256xf32, #tpu.memory_space<vmem>>, vector<16xf32>,
      %max3A_1183 = arith.maximumf %max3A_1178, %get3A_1182 : vector<16xf32>
      %get3A_1184 = arith.constant 29 : i32
      %get3A_1185 = arith.index_cast %get3A_1184 : i32 to index
      %get3A_1186 = arith.constant 96 : index
      %get3A_1187 = tpu.vector_load %arg8[%get3A_1185, %get3A_1186] {strides = array<i32>} : memref<32x256xf32, #tpu.memory_space<vmem>>, vector<16xf32>,
      %max3A_1188 = arith.maximumf %max3A_1183, %get3A_1187 : vector<16xf32>
      %get3A_1189 = arith.constant 30 : i32
      %get3A_1190 = arith.index_cast %get3A_1189 : i32 to index
      %get3A_1191 = arith.constant 96 : index
      %get3A_1192 = tpu.vector_load %arg8[%get3A_1190, %get3A_1191] {strides = array<i32>} : memref<32x256xf32, #tpu.memory_space<vmem>>, vector<16xf32>,
      %max3A_1193 = arith.maximumf %max3A_1188, %get3A_1192 : vector<16xf32>
      %get3A_1194 = arith.constant 31 : i32
      %get3A_1195 = arith.index_cast %get3A_1194 : i32 to index
      %get3A_1196 = arith.constant 96 : index
      %get3A_1197 = tpu.vector_load %arg8[%get3A_1195, %get3A_1196] {strides = array<i32>} : memref<32x256xf32, #tpu.memory_space<vmem>>, vector<16xf32>,
      %max3A_1198 = arith.maximumf %max3A_1193, %get3A_1197 : vector<16xf32>
      %swap3A_1199 = arith.constant 96 : index
      %swap3A_1200 = tpu.vector_load %arg9[%swap3A_1199] {strides = array<i32>} : memref<256xf32, #tpu.memory_space<vmem>>, vector<16xf32>,
      tpu.vector_store %arg9[%swap3A_1199], %max3A_1198 {strides = array<i32>} : memref<256xf32, #tpu.memory_space<vmem>>, vector<16xf32>,
      %get3A_1201 = arith.constant 0 : i32
      %get3A_1202 = arith.index_cast %get3A_1201 : i32 to index
      %get3A_1203 = arith.constant 112 : index
      %get3A_1204 = tpu.vector_load %arg8[%get3A_1202, %get3A_1203] {strides = array<i32>} : memref<32x256xf32, #tpu.memory_space<vmem>>, vector<16xf32>,
      %get3A_1205 = arith.constant 1 : i32
      %get3A_1206 = arith.index_cast %get3A_1205 : i32 to index
      %get3A_1207 = arith.constant 112 : index
      %get3A_1208 = tpu.vector_load %arg8[%get3A_1206, %get3A_1207] {strides = array<i32>} : memref<32x256xf32, #tpu.memory_space<vmem>>, vector<16xf32>,
      %max3A_1209 = arith.maximumf %get3A_1204, %get3A_1208 : vector<16xf32>
      %get3A_1210 = arith.constant 2 : i32
      %get3A_1211 = arith.index_cast %get3A_1210 : i32 to index
      %get3A_1212 = arith.constant 112 : index
      %get3A_1213 = tpu.vector_load %arg8[%get3A_1211, %get3A_1212] {strides = array<i32>} : memref<32x256xf32, #tpu.memory_space<vmem>>, vector<16xf32>,
      %max3A_1214 = arith.maximumf %max3A_1209, %get3A_1213 : vector<16xf32>
      %get3A_1215 = arith.constant 3 : i32
      %get3A_1216 = arith.index_cast %get3A_1215 : i32 to index
      %get3A_1217 = arith.constant 112 : index
      %get3A_1218 = tpu.vector_load %arg8[%get3A_1216, %get3A_1217] {strides = array<i32>} : memref<32x256xf32, #tpu.memory_space<vmem>>, vector<16xf32>,
      %max3A_1219 = arith.maximumf %max3A_1214, %get3A_1218 : vector<16xf32>
      %get3A_1220 = arith.constant 4 : i32
      %get3A_1221 = arith.index_cast %get3A_1220 : i32 to index
      %get3A_1222 = arith.constant 112 : index
      %get3A_1223 = tpu.vector_load %arg8[%get3A_1221, %get3A_1222] {strides = array<i32>} : memref<32x256xf32, #tpu.memory_space<vmem>>, vector<16xf32>,
      %max3A_1224 = arith.maximumf %max3A_1219, %get3A_1223 : vector<16xf32>
      %get3A_1225 = arith.constant 5 : i32
      %get3A_1226 = arith.index_cast %get3A_1225 : i32 to index
      %get3A_1227 = arith.constant 112 : index
      %get3A_1228 = tpu.vector_load %arg8[%get3A_1226, %get3A_1227] {strides = array<i32>} : memref<32x256xf32, #tpu.memory_space<vmem>>, vector<16xf32>,
      %max3A_1229 = arith.maximumf %max3A_1224, %get3A_1228 : vector<16xf32>
      %get3A_1230 = arith.constant 6 : i32
      %get3A_1231 = arith.index_cast %get3A_1230 : i32 to index
      %get3A_1232 = arith.constant 112 : index
      %get3A_1233 = tpu.vector_load %arg8[%get3A_1231, %get3A_1232] {strides = array<i32>} : memref<32x256xf32, #tpu.memory_space<vmem>>, vector<16xf32>,
      %max3A_1234 = arith.maximumf %max3A_1229, %get3A_1233 : vector<16xf32>
      %get3A_1235 = arith.constant 7 : i32
      %get3A_1236 = arith.index_cast %get3A_1235 : i32 to index
      %get3A_1237 = arith.constant 112 : index
      %get3A_1238 = tpu.vector_load %arg8[%get3A_1236, %get3A_1237] {strides = array<i32>} : memref<32x256xf32, #tpu.memory_space<vmem>>, vector<16xf32>,
      %max3A_1239 = arith.maximumf %max3A_1234, %get3A_1238 : vector<16xf32>
      %get3A_1240 = arith.constant 8 : i32
      %get3A_1241 = arith.index_cast %get3A_1240 : i32 to index
      %get3A_1242 = arith.constant 112 : index
      %get3A_1243 = tpu.vector_load %arg8[%get3A_1241, %get3A_1242] {strides = array<i32>} : memref<32x256xf32, #tpu.memory_space<vmem>>, vector<16xf32>,
      %max3A_1244 = arith.maximumf %max3A_1239, %get3A_1243 : vector<16xf32>
      %get3A_1245 = arith.constant 9 : i32
      %get3A_1246 = arith.index_cast %get3A_1245 : i32 to index
      %get3A_1247 = arith.constant 112 : index
      %get3A_1248 = tpu.vector_load %arg8[%get3A_1246, %get3A_1247] {strides = array<i32>} : memref<32x256xf32, #tpu.memory_space<vmem>>, vector<16xf32>,
      %max3A_1249 = arith.maximumf %max3A_1244, %get3A_1248 : vector<16xf32>
      %get3A_1250 = arith.constant 10 : i32
      %get3A_1251 = arith.index_cast %get3A_1250 : i32 to index
      %get3A_1252 = arith.constant 112 : index
      %get3A_1253 = tpu.vector_load %arg8[%get3A_1251, %get3A_1252] {strides = array<i32>} : memref<32x256xf32, #tpu.memory_space<vmem>>, vector<16xf32>,
      %max3A_1254 = arith.maximumf %max3A_1249, %get3A_1253 : vector<16xf32>
      %get3A_1255 = arith.constant 11 : i32
      %get3A_1256 = arith.index_cast %get3A_1255 : i32 to index
      %get3A_1257 = arith.constant 112 : index
      %get3A_1258 = tpu.vector_load %arg8[%get3A_1256, %get3A_1257] {strides = array<i32>} : memref<32x256xf32, #tpu.memory_space<vmem>>, vector<16xf32>,
      %max3A_1259 = arith.maximumf %max3A_1254, %get3A_1258 : vector<16xf32>
      %get3A_1260 = arith.constant 12 : i32
      %get3A_1261 = arith.index_cast %get3A_1260 : i32 to index
      %get3A_1262 = arith.constant 112 : index
      %get3A_1263 = tpu.vector_load %arg8[%get3A_1261, %get3A_1262] {strides = array<i32>} : memref<32x256xf32, #tpu.memory_space<vmem>>, vector<16xf32>,
      %max3A_1264 = arith.maximumf %max3A_1259, %get3A_1263 : vector<16xf32>
      %get3A_1265 = arith.constant 13 : i32
      %get3A_1266 = arith.index_cast %get3A_1265 : i32 to index
      %get3A_1267 = arith.constant 112 : index
      %get3A_1268 = tpu.vector_load %arg8[%get3A_1266, %get3A_1267] {strides = array<i32>} : memref<32x256xf32, #tpu.memory_space<vmem>>, vector<16xf32>,
      %max3A_1269 = arith.maximumf %max3A_1264, %get3A_1268 : vector<16xf32>
      %get3A_1270 = arith.constant 14 : i32
      %get3A_1271 = arith.index_cast %get3A_1270 : i32 to index
      %get3A_1272 = arith.constant 112 : index
      %get3A_1273 = tpu.vector_load %arg8[%get3A_1271, %get3A_1272] {strides = array<i32>} : memref<32x256xf32, #tpu.memory_space<vmem>>, vector<16xf32>,
      %max3A_1274 = arith.maximumf %max3A_1269, %get3A_1273 : vector<16xf32>
      %get3A_1275 = arith.constant 15 : i32
      %get3A_1276 = arith.index_cast %get3A_1275 : i32 to index
      %get3A_1277 = arith.constant 112 : index
      %get3A_1278 = tpu.vector_load %arg8[%get3A_1276, %get3A_1277] {strides = array<i32>} : memref<32x256xf32, #tpu.memory_space<vmem>>, vector<16xf32>,
      %max3A_1279 = arith.maximumf %max3A_1274, %get3A_1278 : vector<16xf32>
      %get3A_1280 = arith.constant 16 : i32
      %get3A_1281 = arith.index_cast %get3A_1280 : i32 to index
      %get3A_1282 = arith.constant 112 : index
      %get3A_1283 = tpu.vector_load %arg8[%get3A_1281, %get3A_1282] {strides = array<i32>} : memref<32x256xf32, #tpu.memory_space<vmem>>, vector<16xf32>,
      %max3A_1284 = arith.maximumf %max3A_1279, %get3A_1283 : vector<16xf32>
      %get3A_1285 = arith.constant 17 : i32
      %get3A_1286 = arith.index_cast %get3A_1285 : i32 to index
      %get3A_1287 = arith.constant 112 : index
      %get3A_1288 = tpu.vector_load %arg8[%get3A_1286, %get3A_1287] {strides = array<i32>} : memref<32x256xf32, #tpu.memory_space<vmem>>, vector<16xf32>,
      %max3A_1289 = arith.maximumf %max3A_1284, %get3A_1288 : vector<16xf32>
      %get3A_1290 = arith.constant 18 : i32
      %get3A_1291 = arith.index_cast %get3A_1290 : i32 to index
      %get3A_1292 = arith.constant 112 : index
      %get3A_1293 = tpu.vector_load %arg8[%get3A_1291, %get3A_1292] {strides = array<i32>} : memref<32x256xf32, #tpu.memory_space<vmem>>, vector<16xf32>,
      %max3A_1294 = arith.maximumf %max3A_1289, %get3A_1293 : vector<16xf32>
      %get3A_1295 = arith.constant 19 : i32
      %get3A_1296 = arith.index_cast %get3A_1295 : i32 to index
      %get3A_1297 = arith.constant 112 : index
      %get3A_1298 = tpu.vector_load %arg8[%get3A_1296, %get3A_1297] {strides = array<i32>} : memref<32x256xf32, #tpu.memory_space<vmem>>, vector<16xf32>,
      %max3A_1299 = arith.maximumf %max3A_1294, %get3A_1298 : vector<16xf32>
      %get3A_1300 = arith.constant 20 : i32
      %get3A_1301 = arith.index_cast %get3A_1300 : i32 to index
      %get3A_1302 = arith.constant 112 : index
      %get3A_1303 = tpu.vector_load %arg8[%get3A_1301, %get3A_1302] {strides = array<i32>} : memref<32x256xf32, #tpu.memory_space<vmem>>, vector<16xf32>,
      %max3A_1304 = arith.maximumf %max3A_1299, %get3A_1303 : vector<16xf32>
      %get3A_1305 = arith.constant 21 : i32
      %get3A_1306 = arith.index_cast %get3A_1305 : i32 to index
      %get3A_1307 = arith.constant 112 : index
      %get3A_1308 = tpu.vector_load %arg8[%get3A_1306, %get3A_1307] {strides = array<i32>} : memref<32x256xf32, #tpu.memory_space<vmem>>, vector<16xf32>,
      %max3A_1309 = arith.maximumf %max3A_1304, %get3A_1308 : vector<16xf32>
      %get3A_1310 = arith.constant 22 : i32
      %get3A_1311 = arith.index_cast %get3A_1310 : i32 to index
      %get3A_1312 = arith.constant 112 : index
      %get3A_1313 = tpu.vector_load %arg8[%get3A_1311, %get3A_1312] {strides = array<i32>} : memref<32x256xf32, #tpu.memory_space<vmem>>, vector<16xf32>,
      %max3A_1314 = arith.maximumf %max3A_1309, %get3A_1313 : vector<16xf32>
      %get3A_1315 = arith.constant 23 : i32
      %get3A_1316 = arith.index_cast %get3A_1315 : i32 to index
      %get3A_1317 = arith.constant 112 : index
      %get3A_1318 = tpu.vector_load %arg8[%get3A_1316, %get3A_1317] {strides = array<i32>} : memref<32x256xf32, #tpu.memory_space<vmem>>, vector<16xf32>,
      %max3A_1319 = arith.maximumf %max3A_1314, %get3A_1318 : vector<16xf32>
      %get3A_1320 = arith.constant 24 : i32
      %get3A_1321 = arith.index_cast %get3A_1320 : i32 to index
      %get3A_1322 = arith.constant 112 : index
      %get3A_1323 = tpu.vector_load %arg8[%get3A_1321, %get3A_1322] {strides = array<i32>} : memref<32x256xf32, #tpu.memory_space<vmem>>, vector<16xf32>,
      %max3A_1324 = arith.maximumf %max3A_1319, %get3A_1323 : vector<16xf32>
      %get3A_1325 = arith.constant 25 : i32
      %get3A_1326 = arith.index_cast %get3A_1325 : i32 to index
      %get3A_1327 = arith.constant 112 : index
      %get3A_1328 = tpu.vector_load %arg8[%get3A_1326, %get3A_1327] {strides = array<i32>} : memref<32x256xf32, #tpu.memory_space<vmem>>, vector<16xf32>,
      %max3A_1329 = arith.maximumf %max3A_1324, %get3A_1328 : vector<16xf32>
      %get3A_1330 = arith.constant 26 : i32
      %get3A_1331 = arith.index_cast %get3A_1330 : i32 to index
      %get3A_1332 = arith.constant 112 : index
      %get3A_1333 = tpu.vector_load %arg8[%get3A_1331, %get3A_1332] {strides = array<i32>} : memref<32x256xf32, #tpu.memory_space<vmem>>, vector<16xf32>,
      %max3A_1334 = arith.maximumf %max3A_1329, %get3A_1333 : vector<16xf32>
      %get3A_1335 = arith.constant 27 : i32
      %get3A_1336 = arith.index_cast %get3A_1335 : i32 to index
      %get3A_1337 = arith.constant 112 : index
      %get3A_1338 = tpu.vector_load %arg8[%get3A_1336, %get3A_1337] {strides = array<i32>} : memref<32x256xf32, #tpu.memory_space<vmem>>, vector<16xf32>,
      %max3A_1339 = arith.maximumf %max3A_1334, %get3A_1338 : vector<16xf32>
      %get3A_1340 = arith.constant 28 : i32
      %get3A_1341 = arith.index_cast %get3A_1340 : i32 to index
      %get3A_1342 = arith.constant 112 : index
      %get3A_1343 = tpu.vector_load %arg8[%get3A_1341, %get3A_1342] {strides = array<i32>} : memref<32x256xf32, #tpu.memory_space<vmem>>, vector<16xf32>,
      %max3A_1344 = arith.maximumf %max3A_1339, %get3A_1343 : vector<16xf32>
      %get3A_1345 = arith.constant 29 : i32
      %get3A_1346 = arith.index_cast %get3A_1345 : i32 to index
      %get3A_1347 = arith.constant 112 : index
      %get3A_1348 = tpu.vector_load %arg8[%get3A_1346, %get3A_1347] {strides = array<i32>} : memref<32x256xf32, #tpu.memory_space<vmem>>, vector<16xf32>,
      %max3A_1349 = arith.maximumf %max3A_1344, %get3A_1348 : vector<16xf32>
      %get3A_1350 = arith.constant 30 : i32
      %get3A_1351 = arith.index_cast %get3A_1350 : i32 to index
      %get3A_1352 = arith.constant 112 : index
      %get3A_1353 = tpu.vector_load %arg8[%get3A_1351, %get3A_1352] {strides = array<i32>} : memref<32x256xf32, #tpu.memory_space<vmem>>, vector<16xf32>,
      %max3A_1354 = arith.maximumf %max3A_1349, %get3A_1353 : vector<16xf32>
      %get3A_1355 = arith.constant 31 : i32
      %get3A_1356 = arith.index_cast %get3A_1355 : i32 to index
      %get3A_1357 = arith.constant 112 : index
      %get3A_1358 = tpu.vector_load %arg8[%get3A_1356, %get3A_1357] {strides = array<i32>} : memref<32x256xf32, #tpu.memory_space<vmem>>, vector<16xf32>,
      %max3A_1359 = arith.maximumf %max3A_1354, %get3A_1358 : vector<16xf32>
      %swap3A_1360 = arith.constant 112 : index
      %swap3A_1361 = tpu.vector_load %arg9[%swap3A_1360] {strides = array<i32>} : memref<256xf32, #tpu.memory_space<vmem>>, vector<16xf32>,
      tpu.vector_store %arg9[%swap3A_1360], %max3A_1359 {strides = array<i32>} : memref<256xf32, #tpu.memory_space<vmem>>, vector<16xf32>,
      %get3A_1362 = arith.constant 0 : i32
      %get3A_1363 = arith.index_cast %get3A_1362 : i32 to index
      %get3A_1364 = arith.constant 128 : index
      %get3A_1365 = tpu.vector_load %arg8[%get3A_1363, %get3A_1364] {strides = array<i32>} : memref<32x256xf32, #tpu.memory_space<vmem>>, vector<16xf32>,
      %get3A_1366 = arith.constant 1 : i32
      %get3A_1367 = arith.index_cast %get3A_1366 : i32 to index
      %get3A_1368 = arith.constant 128 : index
      %get3A_1369 = tpu.vector_load %arg8[%get3A_1367, %get3A_1368] {strides = array<i32>} : memref<32x256xf32, #tpu.memory_space<vmem>>, vector<16xf32>,
      %max3A_1370 = arith.maximumf %get3A_1365, %get3A_1369 : vector<16xf32>
      %get3A_1371 = arith.constant 2 : i32
      %get3A_1372 = arith.index_cast %get3A_1371 : i32 to index
      %get3A_1373 = arith.constant 128 : index
      %get3A_1374 = tpu.vector_load %arg8[%get3A_1372, %get3A_1373] {strides = array<i32>} : memref<32x256xf32, #tpu.memory_space<vmem>>, vector<16xf32>,
      %max3A_1375 = arith.maximumf %max3A_1370, %get3A_1374 : vector<16xf32>
      %get3A_1376 = arith.constant 3 : i32
      %get3A_1377 = arith.index_cast %get3A_1376 : i32 to index
      %get3A_1378 = arith.constant 128 : index
      %get3A_1379 = tpu.vector_load %arg8[%get3A_1377, %get3A_1378] {strides = array<i32>} : memref<32x256xf32, #tpu.memory_space<vmem>>, vector<16xf32>,
      %max3A_1380 = arith.maximumf %max3A_1375, %get3A_1379 : vector<16xf32>
      %get3A_1381 = arith.constant 4 : i32
      %get3A_1382 = arith.index_cast %get3A_1381 : i32 to index
      %get3A_1383 = arith.constant 128 : index
      %get3A_1384 = tpu.vector_load %arg8[%get3A_1382, %get3A_1383] {strides = array<i32>} : memref<32x256xf32, #tpu.memory_space<vmem>>, vector<16xf32>,
      %max3A_1385 = arith.maximumf %max3A_1380, %get3A_1384 : vector<16xf32>
      %get3A_1386 = arith.constant 5 : i32
      %get3A_1387 = arith.index_cast %get3A_1386 : i32 to index
      %get3A_1388 = arith.constant 128 : index
      %get3A_1389 = tpu.vector_load %arg8[%get3A_1387, %get3A_1388] {strides = array<i32>} : memref<32x256xf32, #tpu.memory_space<vmem>>, vector<16xf32>,
      %max3A_1390 = arith.maximumf %max3A_1385, %get3A_1389 : vector<16xf32>
      %get3A_1391 = arith.constant 6 : i32
      %get3A_1392 = arith.index_cast %get3A_1391 : i32 to index
      %get3A_1393 = arith.constant 128 : index
      %get3A_1394 = tpu.vector_load %arg8[%get3A_1392, %get3A_1393] {strides = array<i32>} : memref<32x256xf32, #tpu.memory_space<vmem>>, vector<16xf32>,
      %max3A_1395 = arith.maximumf %max3A_1390, %get3A_1394 : vector<16xf32>
      %get3A_1396 = arith.constant 7 : i32
      %get3A_1397 = arith.index_cast %get3A_1396 : i32 to index
      %get3A_1398 = arith.constant 128 : index
      %get3A_1399 = tpu.vector_load %arg8[%get3A_1397, %get3A_1398] {strides = array<i32>} : memref<32x256xf32, #tpu.memory_space<vmem>>, vector<16xf32>,
      %max3A_1400 = arith.maximumf %max3A_1395, %get3A_1399 : vector<16xf32>
      %get3A_1401 = arith.constant 8 : i32
      %get3A_1402 = arith.index_cast %get3A_1401 : i32 to index
      %get3A_1403 = arith.constant 128 : index
      %get3A_1404 = tpu.vector_load %arg8[%get3A_1402, %get3A_1403] {strides = array<i32>} : memref<32x256xf32, #tpu.memory_space<vmem>>, vector<16xf32>,
      %max3A_1405 = arith.maximumf %max3A_1400, %get3A_1404 : vector<16xf32>
      %get3A_1406 = arith.constant 9 : i32
      %get3A_1407 = arith.index_cast %get3A_1406 : i32 to index
      %get3A_1408 = arith.constant 128 : index
      %get3A_1409 = tpu.vector_load %arg8[%get3A_1407, %get3A_1408] {strides = array<i32>} : memref<32x256xf32, #tpu.memory_space<vmem>>, vector<16xf32>,
      %max3A_1410 = arith.maximumf %max3A_1405, %get3A_1409 : vector<16xf32>
      %get3A_1411 = arith.constant 10 : i32
      %get3A_1412 = arith.index_cast %get3A_1411 : i32 to index
      %get3A_1413 = arith.constant 128 : index
      %get3A_1414 = tpu.vector_load %arg8[%get3A_1412, %get3A_1413] {strides = array<i32>} : memref<32x256xf32, #tpu.memory_space<vmem>>, vector<16xf32>,
      %max3A_1415 = arith.maximumf %max3A_1410, %get3A_1414 : vector<16xf32>
      %get3A_1416 = arith.constant 11 : i32
      %get3A_1417 = arith.index_cast %get3A_1416 : i32 to index
      %get3A_1418 = arith.constant 128 : index
      %get3A_1419 = tpu.vector_load %arg8[%get3A_1417, %get3A_1418] {strides = array<i32>} : memref<32x256xf32, #tpu.memory_space<vmem>>, vector<16xf32>,
      %max3A_1420 = arith.maximumf %max3A_1415, %get3A_1419 : vector<16xf32>
      %get3A_1421 = arith.constant 12 : i32
      %get3A_1422 = arith.index_cast %get3A_1421 : i32 to index
      %get3A_1423 = arith.constant 128 : index
      %get3A_1424 = tpu.vector_load %arg8[%get3A_1422, %get3A_1423] {strides = array<i32>} : memref<32x256xf32, #tpu.memory_space<vmem>>, vector<16xf32>,
      %max3A_1425 = arith.maximumf %max3A_1420, %get3A_1424 : vector<16xf32>
      %get3A_1426 = arith.constant 13 : i32
      %get3A_1427 = arith.index_cast %get3A_1426 : i32 to index
      %get3A_1428 = arith.constant 128 : index
      %get3A_1429 = tpu.vector_load %arg8[%get3A_1427, %get3A_1428] {strides = array<i32>} : memref<32x256xf32, #tpu.memory_space<vmem>>, vector<16xf32>,
      %max3A_1430 = arith.maximumf %max3A_1425, %get3A_1429 : vector<16xf32>
      %get3A_1431 = arith.constant 14 : i32
      %get3A_1432 = arith.index_cast %get3A_1431 : i32 to index
      %get3A_1433 = arith.constant 128 : index
      %get3A_1434 = tpu.vector_load %arg8[%get3A_1432, %get3A_1433] {strides = array<i32>} : memref<32x256xf32, #tpu.memory_space<vmem>>, vector<16xf32>,
      %max3A_1435 = arith.maximumf %max3A_1430, %get3A_1434 : vector<16xf32>
      %get3A_1436 = arith.constant 15 : i32
      %get3A_1437 = arith.index_cast %get3A_1436 : i32 to index
      %get3A_1438 = arith.constant 128 : index
      %get3A_1439 = tpu.vector_load %arg8[%get3A_1437, %get3A_1438] {strides = array<i32>} : memref<32x256xf32, #tpu.memory_space<vmem>>, vector<16xf32>,
      %max3A_1440 = arith.maximumf %max3A_1435, %get3A_1439 : vector<16xf32>
      %get3A_1441 = arith.constant 16 : i32
      %get3A_1442 = arith.index_cast %get3A_1441 : i32 to index
      %get3A_1443 = arith.constant 128 : index
      %get3A_1444 = tpu.vector_load %arg8[%get3A_1442, %get3A_1443] {strides = array<i32>} : memref<32x256xf32, #tpu.memory_space<vmem>>, vector<16xf32>,
      %max3A_1445 = arith.maximumf %max3A_1440, %get3A_1444 : vector<16xf32>
      %get3A_1446 = arith.constant 17 : i32
      %get3A_1447 = arith.index_cast %get3A_1446 : i32 to index
      %get3A_1448 = arith.constant 128 : index
      %get3A_1449 = tpu.vector_load %arg8[%get3A_1447, %get3A_1448] {strides = array<i32>} : memref<32x256xf32, #tpu.memory_space<vmem>>, vector<16xf32>,
      %max3A_1450 = arith.maximumf %max3A_1445, %get3A_1449 : vector<16xf32>
      %get3A_1451 = arith.constant 18 : i32
      %get3A_1452 = arith.index_cast %get3A_1451 : i32 to index
      %get3A_1453 = arith.constant 128 : index
      %get3A_1454 = tpu.vector_load %arg8[%get3A_1452, %get3A_1453] {strides = array<i32>} : memref<32x256xf32, #tpu.memory_space<vmem>>, vector<16xf32>,
      %max3A_1455 = arith.maximumf %max3A_1450, %get3A_1454 : vector<16xf32>
      %get3A_1456 = arith.constant 19 : i32
      %get3A_1457 = arith.index_cast %get3A_1456 : i32 to index
      %get3A_1458 = arith.constant 128 : index
      %get3A_1459 = tpu.vector_load %arg8[%get3A_1457, %get3A_1458] {strides = array<i32>} : memref<32x256xf32, #tpu.memory_space<vmem>>, vector<16xf32>,
      %max3A_1460 = arith.maximumf %max3A_1455, %get3A_1459 : vector<16xf32>
      %get3A_1461 = arith.constant 20 : i32
      %get3A_1462 = arith.index_cast %get3A_1461 : i32 to index
      %get3A_1463 = arith.constant 128 : index
      %get3A_1464 = tpu.vector_load %arg8[%get3A_1462, %get3A_1463] {strides = array<i32>} : memref<32x256xf32, #tpu.memory_space<vmem>>, vector<16xf32>,
      %max3A_1465 = arith.maximumf %max3A_1460, %get3A_1464 : vector<16xf32>
      %get3A_1466 = arith.constant 21 : i32
      %get3A_1467 = arith.index_cast %get3A_1466 : i32 to index
      %get3A_1468 = arith.constant 128 : index
      %get3A_1469 = tpu.vector_load %arg8[%get3A_1467, %get3A_1468] {strides = array<i32>} : memref<32x256xf32, #tpu.memory_space<vmem>>, vector<16xf32>,
      %max3A_1470 = arith.maximumf %max3A_1465, %get3A_1469 : vector<16xf32>
      %get3A_1471 = arith.constant 22 : i32
      %get3A_1472 = arith.index_cast %get3A_1471 : i32 to index
      %get3A_1473 = arith.constant 128 : index
      %get3A_1474 = tpu.vector_load %arg8[%get3A_1472, %get3A_1473] {strides = array<i32>} : memref<32x256xf32, #tpu.memory_space<vmem>>, vector<16xf32>,
      %max3A_1475 = arith.maximumf %max3A_1470, %get3A_1474 : vector<16xf32>
      %get3A_1476 = arith.constant 23 : i32
      %get3A_1477 = arith.index_cast %get3A_1476 : i32 to index
      %get3A_1478 = arith.constant 128 : index
      %get3A_1479 = tpu.vector_load %arg8[%get3A_1477, %get3A_1478] {strides = array<i32>} : memref<32x256xf32, #tpu.memory_space<vmem>>, vector<16xf32>,
      %max3A_1480 = arith.maximumf %max3A_1475, %get3A_1479 : vector<16xf32>
      %get3A_1481 = arith.constant 24 : i32
      %get3A_1482 = arith.index_cast %get3A_1481 : i32 to index
      %get3A_1483 = arith.constant 128 : index
      %get3A_1484 = tpu.vector_load %arg8[%get3A_1482, %get3A_1483] {strides = array<i32>} : memref<32x256xf32, #tpu.memory_space<vmem>>, vector<16xf32>,
      %max3A_1485 = arith.maximumf %max3A_1480, %get3A_1484 : vector<16xf32>
      %get3A_1486 = arith.constant 25 : i32
      %get3A_1487 = arith.index_cast %get3A_1486 : i32 to index
      %get3A_1488 = arith.constant 128 : index
      %get3A_1489 = tpu.vector_load %arg8[%get3A_1487, %get3A_1488] {strides = array<i32>} : memref<32x256xf32, #tpu.memory_space<vmem>>, vector<16xf32>,
      %max3A_1490 = arith.maximumf %max3A_1485, %get3A_1489 : vector<16xf32>
      %get3A_1491 = arith.constant 26 : i32
      %get3A_1492 = arith.index_cast %get3A_1491 : i32 to index
      %get3A_1493 = arith.constant 128 : index
      %get3A_1494 = tpu.vector_load %arg8[%get3A_1492, %get3A_1493] {strides = array<i32>} : memref<32x256xf32, #tpu.memory_space<vmem>>, vector<16xf32>,
      %max3A_1495 = arith.maximumf %max3A_1490, %get3A_1494 : vector<16xf32>
      %get3A_1496 = arith.constant 27 : i32
      %get3A_1497 = arith.index_cast %get3A_1496 : i32 to index
      %get3A_1498 = arith.constant 128 : index
      %get3A_1499 = tpu.vector_load %arg8[%get3A_1497, %get3A_1498] {strides = array<i32>} : memref<32x256xf32, #tpu.memory_space<vmem>>, vector<16xf32>,
      %max3A_1500 = arith.maximumf %max3A_1495, %get3A_1499 : vector<16xf32>
      %get3A_1501 = arith.constant 28 : i32
      %get3A_1502 = arith.index_cast %get3A_1501 : i32 to index
      %get3A_1503 = arith.constant 128 : index
      %get3A_1504 = tpu.vector_load %arg8[%get3A_1502, %get3A_1503] {strides = array<i32>} : memref<32x256xf32, #tpu.memory_space<vmem>>, vector<16xf32>,
      %max3A_1505 = arith.maximumf %max3A_1500, %get3A_1504 : vector<16xf32>
      %get3A_1506 = arith.constant 29 : i32
      %get3A_1507 = arith.index_cast %get3A_1506 : i32 to index
      %get3A_1508 = arith.constant 128 : index
      %get3A_1509 = tpu.vector_load %arg8[%get3A_1507, %get3A_1508] {strides = array<i32>} : memref<32x256xf32, #tpu.memory_space<vmem>>, vector<16xf32>,
      %max3A_1510 = arith.maximumf %max3A_1505, %get3A_1509 : vector<16xf32>
      %get3A_1511 = arith.constant 30 : i32
      %get3A_1512 = arith.index_cast %get3A_1511 : i32 to index
      %get3A_1513 = arith.constant 128 : index
      %get3A_1514 = tpu.vector_load %arg8[%get3A_1512, %get3A_1513] {strides = array<i32>} : memref<32x256xf32, #tpu.memory_space<vmem>>, vector<16xf32>,
      %max3A_1515 = arith.maximumf %max3A_1510, %get3A_1514 : vector<16xf32>
      %get3A_1516 = arith.constant 31 : i32
      %get3A_1517 = arith.index_cast %get3A_1516 : i32 to index
      %get3A_1518 = arith.constant 128 : index
      %get3A_1519 = tpu.vector_load %arg8[%get3A_1517, %get3A_1518] {strides = array<i32>} : memref<32x256xf32, #tpu.memory_space<vmem>>, vector<16xf32>,
      %max3A_1520 = arith.maximumf %max3A_1515, %get3A_1519 : vector<16xf32>
      %swap3A_1521 = arith.constant 128 : index
      %swap3A_1522 = tpu.vector_load %arg9[%swap3A_1521] {strides = array<i32>} : memref<256xf32, #tpu.memory_space<vmem>>, vector<16xf32>,
      tpu.vector_store %arg9[%swap3A_1521], %max3A_1520 {strides = array<i32>} : memref<256xf32, #tpu.memory_space<vmem>>, vector<16xf32>,
      %get3A_1523 = arith.constant 0 : i32
      %get3A_1524 = arith.index_cast %get3A_1523 : i32 to index
      %get3A_1525 = arith.constant 144 : index
      %get3A_1526 = tpu.vector_load %arg8[%get3A_1524, %get3A_1525] {strides = array<i32>} : memref<32x256xf32, #tpu.memory_space<vmem>>, vector<16xf32>,
      %get3A_1527 = arith.constant 1 : i32
      %get3A_1528 = arith.index_cast %get3A_1527 : i32 to index
      %get3A_1529 = arith.constant 144 : index
      %get3A_1530 = tpu.vector_load %arg8[%get3A_1528, %get3A_1529] {strides = array<i32>} : memref<32x256xf32, #tpu.memory_space<vmem>>, vector<16xf32>,
      %max3A_1531 = arith.maximumf %get3A_1526, %get3A_1530 : vector<16xf32>
      %get3A_1532 = arith.constant 2 : i32
      %get3A_1533 = arith.index_cast %get3A_1532 : i32 to index
      %get3A_1534 = arith.constant 144 : index
      %get3A_1535 = tpu.vector_load %arg8[%get3A_1533, %get3A_1534] {strides = array<i32>} : memref<32x256xf32, #tpu.memory_space<vmem>>, vector<16xf32>,
      %max3A_1536 = arith.maximumf %max3A_1531, %get3A_1535 : vector<16xf32>
      %get3A_1537 = arith.constant 3 : i32
      %get3A_1538 = arith.index_cast %get3A_1537 : i32 to index
      %get3A_1539 = arith.constant 144 : index
      %get3A_1540 = tpu.vector_load %arg8[%get3A_1538, %get3A_1539] {strides = array<i32>} : memref<32x256xf32, #tpu.memory_space<vmem>>, vector<16xf32>,
      %max3A_1541 = arith.maximumf %max3A_1536, %get3A_1540 : vector<16xf32>
      %get3A_1542 = arith.constant 4 : i32
      %get3A_1543 = arith.index_cast %get3A_1542 : i32 to index
      %get3A_1544 = arith.constant 144 : index
      %get3A_1545 = tpu.vector_load %arg8[%get3A_1543, %get3A_1544] {strides = array<i32>} : memref<32x256xf32, #tpu.memory_space<vmem>>, vector<16xf32>,
      %max3A_1546 = arith.maximumf %max3A_1541, %get3A_1545 : vector<16xf32>
      %get3A_1547 = arith.constant 5 : i32
      %get3A_1548 = arith.index_cast %get3A_1547 : i32 to index
      %get3A_1549 = arith.constant 144 : index
      %get3A_1550 = tpu.vector_load %arg8[%get3A_1548, %get3A_1549] {strides = array<i32>} : memref<32x256xf32, #tpu.memory_space<vmem>>, vector<16xf32>,
      %max3A_1551 = arith.maximumf %max3A_1546, %get3A_1550 : vector<16xf32>
      %get3A_1552 = arith.constant 6 : i32
      %get3A_1553 = arith.index_cast %get3A_1552 : i32 to index
      %get3A_1554 = arith.constant 144 : index
      %get3A_1555 = tpu.vector_load %arg8[%get3A_1553, %get3A_1554] {strides = array<i32>} : memref<32x256xf32, #tpu.memory_space<vmem>>, vector<16xf32>,
      %max3A_1556 = arith.maximumf %max3A_1551, %get3A_1555 : vector<16xf32>
      %get3A_1557 = arith.constant 7 : i32
      %get3A_1558 = arith.index_cast %get3A_1557 : i32 to index
      %get3A_1559 = arith.constant 144 : index
      %get3A_1560 = tpu.vector_load %arg8[%get3A_1558, %get3A_1559] {strides = array<i32>} : memref<32x256xf32, #tpu.memory_space<vmem>>, vector<16xf32>,
      %max3A_1561 = arith.maximumf %max3A_1556, %get3A_1560 : vector<16xf32>
      %get3A_1562 = arith.constant 8 : i32
      %get3A_1563 = arith.index_cast %get3A_1562 : i32 to index
      %get3A_1564 = arith.constant 144 : index
      %get3A_1565 = tpu.vector_load %arg8[%get3A_1563, %get3A_1564] {strides = array<i32>} : memref<32x256xf32, #tpu.memory_space<vmem>>, vector<16xf32>,
      %max3A_1566 = arith.maximumf %max3A_1561, %get3A_1565 : vector<16xf32>
      %get3A_1567 = arith.constant 9 : i32
      %get3A_1568 = arith.index_cast %get3A_1567 : i32 to index
      %get3A_1569 = arith.constant 144 : index
      %get3A_1570 = tpu.vector_load %arg8[%get3A_1568, %get3A_1569] {strides = array<i32>} : memref<32x256xf32, #tpu.memory_space<vmem>>, vector<16xf32>,
      %max3A_1571 = arith.maximumf %max3A_1566, %get3A_1570 : vector<16xf32>
      %get3A_1572 = arith.constant 10 : i32
      %get3A_1573 = arith.index_cast %get3A_1572 : i32 to index
      %get3A_1574 = arith.constant 144 : index
      %get3A_1575 = tpu.vector_load %arg8[%get3A_1573, %get3A_1574] {strides = array<i32>} : memref<32x256xf32, #tpu.memory_space<vmem>>, vector<16xf32>,
      %max3A_1576 = arith.maximumf %max3A_1571, %get3A_1575 : vector<16xf32>
      %get3A_1577 = arith.constant 11 : i32
      %get3A_1578 = arith.index_cast %get3A_1577 : i32 to index
      %get3A_1579 = arith.constant 144 : index
      %get3A_1580 = tpu.vector_load %arg8[%get3A_1578, %get3A_1579] {strides = array<i32>} : memref<32x256xf32, #tpu.memory_space<vmem>>, vector<16xf32>,
      %max3A_1581 = arith.maximumf %max3A_1576, %get3A_1580 : vector<16xf32>
      %get3A_1582 = arith.constant 12 : i32
      %get3A_1583 = arith.index_cast %get3A_1582 : i32 to index
      %get3A_1584 = arith.constant 144 : index
      %get3A_1585 = tpu.vector_load %arg8[%get3A_1583, %get3A_1584] {strides = array<i32>} : memref<32x256xf32, #tpu.memory_space<vmem>>, vector<16xf32>,
      %max3A_1586 = arith.maximumf %max3A_1581, %get3A_1585 : vector<16xf32>
      %get3A_1587 = arith.constant 13 : i32
      %get3A_1588 = arith.index_cast %get3A_1587 : i32 to index
      %get3A_1589 = arith.constant 144 : index
      %get3A_1590 = tpu.vector_load %arg8[%get3A_1588, %get3A_1589] {strides = array<i32>} : memref<32x256xf32, #tpu.memory_space<vmem>>, vector<16xf32>,
      %max3A_1591 = arith.maximumf %max3A_1586, %get3A_1590 : vector<16xf32>
      %get3A_1592 = arith.constant 14 : i32
      %get3A_1593 = arith.index_cast %get3A_1592 : i32 to index
      %get3A_1594 = arith.constant 144 : index
      %get3A_1595 = tpu.vector_load %arg8[%get3A_1593, %get3A_1594] {strides = array<i32>} : memref<32x256xf32, #tpu.memory_space<vmem>>, vector<16xf32>,
      %max3A_1596 = arith.maximumf %max3A_1591, %get3A_1595 : vector<16xf32>
      %get3A_1597 = arith.constant 15 : i32
      %get3A_1598 = arith.index_cast %get3A_1597 : i32 to index
      %get3A_1599 = arith.constant 144 : index
      %get3A_1600 = tpu.vector_load %arg8[%get3A_1598, %get3A_1599] {strides = array<i32>} : memref<32x256xf32, #tpu.memory_space<vmem>>, vector<16xf32>,
      %max3A_1601 = arith.maximumf %max3A_1596, %get3A_1600 : vector<16xf32>
      %get3A_1602 = arith.constant 16 : i32
      %get3A_1603 = arith.index_cast %get3A_1602 : i32 to index
      %get3A_1604 = arith.constant 144 : index
      %get3A_1605 = tpu.vector_load %arg8[%get3A_1603, %get3A_1604] {strides = array<i32>} : memref<32x256xf32, #tpu.memory_space<vmem>>, vector<16xf32>,
      %max3A_1606 = arith.maximumf %max3A_1601, %get3A_1605 : vector<16xf32>
      %get3A_1607 = arith.constant 17 : i32
      %get3A_1608 = arith.index_cast %get3A_1607 : i32 to index
      %get3A_1609 = arith.constant 144 : index
      %get3A_1610 = tpu.vector_load %arg8[%get3A_1608, %get3A_1609] {strides = array<i32>} : memref<32x256xf32, #tpu.memory_space<vmem>>, vector<16xf32>,
      %max3A_1611 = arith.maximumf %max3A_1606, %get3A_1610 : vector<16xf32>
      %get3A_1612 = arith.constant 18 : i32
      %get3A_1613 = arith.index_cast %get3A_1612 : i32 to index
      %get3A_1614 = arith.constant 144 : index
      %get3A_1615 = tpu.vector_load %arg8[%get3A_1613, %get3A_1614] {strides = array<i32>} : memref<32x256xf32, #tpu.memory_space<vmem>>, vector<16xf32>,
      %max3A_1616 = arith.maximumf %max3A_1611, %get3A_1615 : vector<16xf32>
      %get3A_1617 = arith.constant 19 : i32
      %get3A_1618 = arith.index_cast %get3A_1617 : i32 to index
      %get3A_1619 = arith.constant 144 : index
      %get3A_1620 = tpu.vector_load %arg8[%get3A_1618, %get3A_1619] {strides = array<i32>} : memref<32x256xf32, #tpu.memory_space<vmem>>, vector<16xf32>,
      %max3A_1621 = arith.maximumf %max3A_1616, %get3A_1620 : vector<16xf32>
      %get3A_1622 = arith.constant 20 : i32
      %get3A_1623 = arith.index_cast %get3A_1622 : i32 to index
      %get3A_1624 = arith.constant 144 : index
      %get3A_1625 = tpu.vector_load %arg8[%get3A_1623, %get3A_1624] {strides = array<i32>} : memref<32x256xf32, #tpu.memory_space<vmem>>, vector<16xf32>,
      %max3A_1626 = arith.maximumf %max3A_1621, %get3A_1625 : vector<16xf32>
      %get3A_1627 = arith.constant 21 : i32
      %get3A_1628 = arith.index_cast %get3A_1627 : i32 to index
      %get3A_1629 = arith.constant 144 : index
      %get3A_1630 = tpu.vector_load %arg8[%get3A_1628, %get3A_1629] {strides = array<i32>} : memref<32x256xf32, #tpu.memory_space<vmem>>, vector<16xf32>,
      %max3A_1631 = arith.maximumf %max3A_1626, %get3A_1630 : vector<16xf32>
      %get3A_1632 = arith.constant 22 : i32
      %get3A_1633 = arith.index_cast %get3A_1632 : i32 to index
      %get3A_1634 = arith.constant 144 : index
      %get3A_1635 = tpu.vector_load %arg8[%get3A_1633, %get3A_1634] {strides = array<i32>} : memref<32x256xf32, #tpu.memory_space<vmem>>, vector<16xf32>,
      %max3A_1636 = arith.maximumf %max3A_1631, %get3A_1635 : vector<16xf32>
      %get3A_1637 = arith.constant 23 : i32
      %get3A_1638 = arith.index_cast %get3A_1637 : i32 to index
      %get3A_1639 = arith.constant 144 : index
      %get3A_1640 = tpu.vector_load %arg8[%get3A_1638, %get3A_1639] {strides = array<i32>} : memref<32x256xf32, #tpu.memory_space<vmem>>, vector<16xf32>,
      %max3A_1641 = arith.maximumf %max3A_1636, %get3A_1640 : vector<16xf32>
      %get3A_1642 = arith.constant 24 : i32
      %get3A_1643 = arith.index_cast %get3A_1642 : i32 to index
      %get3A_1644 = arith.constant 144 : index
      %get3A_1645 = tpu.vector_load %arg8[%get3A_1643, %get3A_1644] {strides = array<i32>} : memref<32x256xf32, #tpu.memory_space<vmem>>, vector<16xf32>,
      %max3A_1646 = arith.maximumf %max3A_1641, %get3A_1645 : vector<16xf32>
      %get3A_1647 = arith.constant 25 : i32
      %get3A_1648 = arith.index_cast %get3A_1647 : i32 to index
      %get3A_1649 = arith.constant 144 : index
      %get3A_1650 = tpu.vector_load %arg8[%get3A_1648, %get3A_1649] {strides = array<i32>} : memref<32x256xf32, #tpu.memory_space<vmem>>, vector<16xf32>,
      %max3A_1651 = arith.maximumf %max3A_1646, %get3A_1650 : vector<16xf32>
      %get3A_1652 = arith.constant 26 : i32
      %get3A_1653 = arith.index_cast %get3A_1652 : i32 to index
      %get3A_1654 = arith.constant 144 : index
      %get3A_1655 = tpu.vector_load %arg8[%get3A_1653, %get3A_1654] {strides = array<i32>} : memref<32x256xf32, #tpu.memory_space<vmem>>, vector<16xf32>,
      %max3A_1656 = arith.maximumf %max3A_1651, %get3A_1655 : vector<16xf32>
      %get3A_1657 = arith.constant 27 : i32
      %get3A_1658 = arith.index_cast %get3A_1657 : i32 to index
      %get3A_1659 = arith.constant 144 : index
      %get3A_1660 = tpu.vector_load %arg8[%get3A_1658, %get3A_1659] {strides = array<i32>} : memref<32x256xf32, #tpu.memory_space<vmem>>, vector<16xf32>,
      %max3A_1661 = arith.maximumf %max3A_1656, %get3A_1660 : vector<16xf32>
      %get3A_1662 = arith.constant 28 : i32
      %get3A_1663 = arith.index_cast %get3A_1662 : i32 to index
      %get3A_1664 = arith.constant 144 : index
      %get3A_1665 = tpu.vector_load %arg8[%get3A_1663, %get3A_1664] {strides = array<i32>} : memref<32x256xf32, #tpu.memory_space<vmem>>, vector<16xf32>,
      %max3A_1666 = arith.maximumf %max3A_1661, %get3A_1665 : vector<16xf32>
      %get3A_1667 = arith.constant 29 : i32
      %get3A_1668 = arith.index_cast %get3A_1667 : i32 to index
      %get3A_1669 = arith.constant 144 : index
      %get3A_1670 = tpu.vector_load %arg8[%get3A_1668, %get3A_1669] {strides = array<i32>} : memref<32x256xf32, #tpu.memory_space<vmem>>, vector<16xf32>,
      %max3A_1671 = arith.maximumf %max3A_1666, %get3A_1670 : vector<16xf32>
      %get3A_1672 = arith.constant 30 : i32
      %get3A_1673 = arith.index_cast %get3A_1672 : i32 to index
      %get3A_1674 = arith.constant 144 : index
      %get3A_1675 = tpu.vector_load %arg8[%get3A_1673, %get3A_1674] {strides = array<i32>} : memref<32x256xf32, #tpu.memory_space<vmem>>, vector<16xf32>,
      %max3A_1676 = arith.maximumf %max3A_1671, %get3A_1675 : vector<16xf32>
      %get3A_1677 = arith.constant 31 : i32
      %get3A_1678 = arith.index_cast %get3A_1677 : i32 to index
      %get3A_1679 = arith.constant 144 : index
      %get3A_1680 = tpu.vector_load %arg8[%get3A_1678, %get3A_1679] {strides = array<i32>} : memref<32x256xf32, #tpu.memory_space<vmem>>, vector<16xf32>,
      %max3A_1681 = arith.maximumf %max3A_1676, %get3A_1680 : vector<16xf32>
      %swap3A_1682 = arith.constant 144 : index
      %swap3A_1683 = tpu.vector_load %arg9[%swap3A_1682] {strides = array<i32>} : memref<256xf32, #tpu.memory_space<vmem>>, vector<16xf32>,
      tpu.vector_store %arg9[%swap3A_1682], %max3A_1681 {strides = array<i32>} : memref<256xf32, #tpu.memory_space<vmem>>, vector<16xf32>,
      %get3A_1684 = arith.constant 0 : i32
      %get3A_1685 = arith.index_cast %get3A_1684 : i32 to index
      %get3A_1686 = arith.constant 160 : index
      %get3A_1687 = tpu.vector_load %arg8[%get3A_1685, %get3A_1686] {strides = array<i32>} : memref<32x256xf32, #tpu.memory_space<vmem>>, vector<16xf32>,
      %get3A_1688 = arith.constant 1 : i32
      %get3A_1689 = arith.index_cast %get3A_1688 : i32 to index
      %get3A_1690 = arith.constant 160 : index
      %get3A_1691 = tpu.vector_load %arg8[%get3A_1689, %get3A_1690] {strides = array<i32>} : memref<32x256xf32, #tpu.memory_space<vmem>>, vector<16xf32>,
      %max3A_1692 = arith.maximumf %get3A_1687, %get3A_1691 : vector<16xf32>
      %get3A_1693 = arith.constant 2 : i32
      %get3A_1694 = arith.index_cast %get3A_1693 : i32 to index
      %get3A_1695 = arith.constant 160 : index
      %get3A_1696 = tpu.vector_load %arg8[%get3A_1694, %get3A_1695] {strides = array<i32>} : memref<32x256xf32, #tpu.memory_space<vmem>>, vector<16xf32>,
      %max3A_1697 = arith.maximumf %max3A_1692, %get3A_1696 : vector<16xf32>
      %get3A_1698 = arith.constant 3 : i32
      %get3A_1699 = arith.index_cast %get3A_1698 : i32 to index
      %get3A_1700 = arith.constant 160 : index
      %get3A_1701 = tpu.vector_load %arg8[%get3A_1699, %get3A_1700] {strides = array<i32>} : memref<32x256xf32, #tpu.memory_space<vmem>>, vector<16xf32>,
      %max3A_1702 = arith.maximumf %max3A_1697, %get3A_1701 : vector<16xf32>
      %get3A_1703 = arith.constant 4 : i32
      %get3A_1704 = arith.index_cast %get3A_1703 : i32 to index
      %get3A_1705 = arith.constant 160 : index
      %get3A_1706 = tpu.vector_load %arg8[%get3A_1704, %get3A_1705] {strides = array<i32>} : memref<32x256xf32, #tpu.memory_space<vmem>>, vector<16xf32>,
      %max3A_1707 = arith.maximumf %max3A_1702, %get3A_1706 : vector<16xf32>
      %get3A_1708 = arith.constant 5 : i32
      %get3A_1709 = arith.index_cast %get3A_1708 : i32 to index
      %get3A_1710 = arith.constant 160 : index
      %get3A_1711 = tpu.vector_load %arg8[%get3A_1709, %get3A_1710] {strides = array<i32>} : memref<32x256xf32, #tpu.memory_space<vmem>>, vector<16xf32>,
      %max3A_1712 = arith.maximumf %max3A_1707, %get3A_1711 : vector<16xf32>
      %get3A_1713 = arith.constant 6 : i32
      %get3A_1714 = arith.index_cast %get3A_1713 : i32 to index
      %get3A_1715 = arith.constant 160 : index
      %get3A_1716 = tpu.vector_load %arg8[%get3A_1714, %get3A_1715] {strides = array<i32>} : memref<32x256xf32, #tpu.memory_space<vmem>>, vector<16xf32>,
      %max3A_1717 = arith.maximumf %max3A_1712, %get3A_1716 : vector<16xf32>
      %get3A_1718 = arith.constant 7 : i32
      %get3A_1719 = arith.index_cast %get3A_1718 : i32 to index
      %get3A_1720 = arith.constant 160 : index
      %get3A_1721 = tpu.vector_load %arg8[%get3A_1719, %get3A_1720] {strides = array<i32>} : memref<32x256xf32, #tpu.memory_space<vmem>>, vector<16xf32>,
      %max3A_1722 = arith.maximumf %max3A_1717, %get3A_1721 : vector<16xf32>
      %get3A_1723 = arith.constant 8 : i32
      %get3A_1724 = arith.index_cast %get3A_1723 : i32 to index
      %get3A_1725 = arith.constant 160 : index
      %get3A_1726 = tpu.vector_load %arg8[%get3A_1724, %get3A_1725] {strides = array<i32>} : memref<32x256xf32, #tpu.memory_space<vmem>>, vector<16xf32>,
      %max3A_1727 = arith.maximumf %max3A_1722, %get3A_1726 : vector<16xf32>
      %get3A_1728 = arith.constant 9 : i32
      %get3A_1729 = arith.index_cast %get3A_1728 : i32 to index
      %get3A_1730 = arith.constant 160 : index
      %get3A_1731 = tpu.vector_load %arg8[%get3A_1729, %get3A_1730] {strides = array<i32>} : memref<32x256xf32, #tpu.memory_space<vmem>>, vector<16xf32>,
      %max3A_1732 = arith.maximumf %max3A_1727, %get3A_1731 : vector<16xf32>
      %get3A_1733 = arith.constant 10 : i32
      %get3A_1734 = arith.index_cast %get3A_1733 : i32 to index
      %get3A_1735 = arith.constant 160 : index
      %get3A_1736 = tpu.vector_load %arg8[%get3A_1734, %get3A_1735] {strides = array<i32>} : memref<32x256xf32, #tpu.memory_space<vmem>>, vector<16xf32>,
      %max3A_1737 = arith.maximumf %max3A_1732, %get3A_1736 : vector<16xf32>
      %get3A_1738 = arith.constant 11 : i32
      %get3A_1739 = arith.index_cast %get3A_1738 : i32 to index
      %get3A_1740 = arith.constant 160 : index
      %get3A_1741 = tpu.vector_load %arg8[%get3A_1739, %get3A_1740] {strides = array<i32>} : memref<32x256xf32, #tpu.memory_space<vmem>>, vector<16xf32>,
      %max3A_1742 = arith.maximumf %max3A_1737, %get3A_1741 : vector<16xf32>
      %get3A_1743 = arith.constant 12 : i32
      %get3A_1744 = arith.index_cast %get3A_1743 : i32 to index
      %get3A_1745 = arith.constant 160 : index
      %get3A_1746 = tpu.vector_load %arg8[%get3A_1744, %get3A_1745] {strides = array<i32>} : memref<32x256xf32, #tpu.memory_space<vmem>>, vector<16xf32>,
      %max3A_1747 = arith.maximumf %max3A_1742, %get3A_1746 : vector<16xf32>
      %get3A_1748 = arith.constant 13 : i32
      %get3A_1749 = arith.index_cast %get3A_1748 : i32 to index
      %get3A_1750 = arith.constant 160 : index
      %get3A_1751 = tpu.vector_load %arg8[%get3A_1749, %get3A_1750] {strides = array<i32>} : memref<32x256xf32, #tpu.memory_space<vmem>>, vector<16xf32>,
      %max3A_1752 = arith.maximumf %max3A_1747, %get3A_1751 : vector<16xf32>
      %get3A_1753 = arith.constant 14 : i32
      %get3A_1754 = arith.index_cast %get3A_1753 : i32 to index
      %get3A_1755 = arith.constant 160 : index
      %get3A_1756 = tpu.vector_load %arg8[%get3A_1754, %get3A_1755] {strides = array<i32>} : memref<32x256xf32, #tpu.memory_space<vmem>>, vector<16xf32>,
      %max3A_1757 = arith.maximumf %max3A_1752, %get3A_1756 : vector<16xf32>
      %get3A_1758 = arith.constant 15 : i32
      %get3A_1759 = arith.index_cast %get3A_1758 : i32 to index
      %get3A_1760 = arith.constant 160 : index
      %get3A_1761 = tpu.vector_load %arg8[%get3A_1759, %get3A_1760] {strides = array<i32>} : memref<32x256xf32, #tpu.memory_space<vmem>>, vector<16xf32>,
      %max3A_1762 = arith.maximumf %max3A_1757, %get3A_1761 : vector<16xf32>
      %get3A_1763 = arith.constant 16 : i32
      %get3A_1764 = arith.index_cast %get3A_1763 : i32 to index
      %get3A_1765 = arith.constant 160 : index
      %get3A_1766 = tpu.vector_load %arg8[%get3A_1764, %get3A_1765] {strides = array<i32>} : memref<32x256xf32, #tpu.memory_space<vmem>>, vector<16xf32>,
      %max3A_1767 = arith.maximumf %max3A_1762, %get3A_1766 : vector<16xf32>
      %get3A_1768 = arith.constant 17 : i32
      %get3A_1769 = arith.index_cast %get3A_1768 : i32 to index
      %get3A_1770 = arith.constant 160 : index
      %get3A_1771 = tpu.vector_load %arg8[%get3A_1769, %get3A_1770] {strides = array<i32>} : memref<32x256xf32, #tpu.memory_space<vmem>>, vector<16xf32>,
      %max3A_1772 = arith.maximumf %max3A_1767, %get3A_1771 : vector<16xf32>
      %get3A_1773 = arith.constant 18 : i32
      %get3A_1774 = arith.index_cast %get3A_1773 : i32 to index
      %get3A_1775 = arith.constant 160 : index
      %get3A_1776 = tpu.vector_load %arg8[%get3A_1774, %get3A_1775] {strides = array<i32>} : memref<32x256xf32, #tpu.memory_space<vmem>>, vector<16xf32>,
      %max3A_1777 = arith.maximumf %max3A_1772, %get3A_1776 : vector<16xf32>
      %get3A_1778 = arith.constant 19 : i32
      %get3A_1779 = arith.index_cast %get3A_1778 : i32 to index
      %get3A_1780 = arith.constant 160 : index
      %get3A_1781 = tpu.vector_load %arg8[%get3A_1779, %get3A_1780] {strides = array<i32>} : memref<32x256xf32, #tpu.memory_space<vmem>>, vector<16xf32>,
      %max3A_1782 = arith.maximumf %max3A_1777, %get3A_1781 : vector<16xf32>
      %get3A_1783 = arith.constant 20 : i32
      %get3A_1784 = arith.index_cast %get3A_1783 : i32 to index
      %get3A_1785 = arith.constant 160 : index
      %get3A_1786 = tpu.vector_load %arg8[%get3A_1784, %get3A_1785] {strides = array<i32>} : memref<32x256xf32, #tpu.memory_space<vmem>>, vector<16xf32>,
      %max3A_1787 = arith.maximumf %max3A_1782, %get3A_1786 : vector<16xf32>
      %get3A_1788 = arith.constant 21 : i32
      %get3A_1789 = arith.index_cast %get3A_1788 : i32 to index
      %get3A_1790 = arith.constant 160 : index
      %get3A_1791 = tpu.vector_load %arg8[%get3A_1789, %get3A_1790] {strides = array<i32>} : memref<32x256xf32, #tpu.memory_space<vmem>>, vector<16xf32>,
      %max3A_1792 = arith.maximumf %max3A_1787, %get3A_1791 : vector<16xf32>
      %get3A_1793 = arith.constant 22 : i32
      %get3A_1794 = arith.index_cast %get3A_1793 : i32 to index
      %get3A_1795 = arith.constant 160 : index
      %get3A_1796 = tpu.vector_load %arg8[%get3A_1794, %get3A_1795] {strides = array<i32>} : memref<32x256xf32, #tpu.memory_space<vmem>>, vector<16xf32>,
      %max3A_1797 = arith.maximumf %max3A_1792, %get3A_1796 : vector<16xf32>
      %get3A_1798 = arith.constant 23 : i32
      %get3A_1799 = arith.index_cast %get3A_1798 : i32 to index
      %get3A_1800 = arith.constant 160 : index
      %get3A_1801 = tpu.vector_load %arg8[%get3A_1799, %get3A_1800] {strides = array<i32>} : memref<32x256xf32, #tpu.memory_space<vmem>>, vector<16xf32>,
      %max3A_1802 = arith.maximumf %max3A_1797, %get3A_1801 : vector<16xf32>
      %get3A_1803 = arith.constant 24 : i32
      %get3A_1804 = arith.index_cast %get3A_1803 : i32 to index
      %get3A_1805 = arith.constant 160 : index
      %get3A_1806 = tpu.vector_load %arg8[%get3A_1804, %get3A_1805] {strides = array<i32>} : memref<32x256xf32, #tpu.memory_space<vmem>>, vector<16xf32>,
      %max3A_1807 = arith.maximumf %max3A_1802, %get3A_1806 : vector<16xf32>
      %get3A_1808 = arith.constant 25 : i32
      %get3A_1809 = arith.index_cast %get3A_1808 : i32 to index
      %get3A_1810 = arith.constant 160 : index
      %get3A_1811 = tpu.vector_load %arg8[%get3A_1809, %get3A_1810] {strides = array<i32>} : memref<32x256xf32, #tpu.memory_space<vmem>>, vector<16xf32>,
      %max3A_1812 = arith.maximumf %max3A_1807, %get3A_1811 : vector<16xf32>
      %get3A_1813 = arith.constant 26 : i32
      %get3A_1814 = arith.index_cast %get3A_1813 : i32 to index
      %get3A_1815 = arith.constant 160 : index
      %get3A_1816 = tpu.vector_load %arg8[%get3A_1814, %get3A_1815] {strides = array<i32>} : memref<32x256xf32, #tpu.memory_space<vmem>>, vector<16xf32>,
      %max3A_1817 = arith.maximumf %max3A_1812, %get3A_1816 : vector<16xf32>
      %get3A_1818 = arith.constant 27 : i32
      %get3A_1819 = arith.index_cast %get3A_1818 : i32 to index
      %get3A_1820 = arith.constant 160 : index
      %get3A_1821 = tpu.vector_load %arg8[%get3A_1819, %get3A_1820] {strides = array<i32>} : memref<32x256xf32, #tpu.memory_space<vmem>>, vector<16xf32>,
      %max3A_1822 = arith.maximumf %max3A_1817, %get3A_1821 : vector<16xf32>
      %get3A_1823 = arith.constant 28 : i32
      %get3A_1824 = arith.index_cast %get3A_1823 : i32 to index
      %get3A_1825 = arith.constant 160 : index
      %get3A_1826 = tpu.vector_load %arg8[%get3A_1824, %get3A_1825] {strides = array<i32>} : memref<32x256xf32, #tpu.memory_space<vmem>>, vector<16xf32>,
      %max3A_1827 = arith.maximumf %max3A_1822, %get3A_1826 : vector<16xf32>
      %get3A_1828 = arith.constant 29 : i32
      %get3A_1829 = arith.index_cast %get3A_1828 : i32 to index
      %get3A_1830 = arith.constant 160 : index
      %get3A_1831 = tpu.vector_load %arg8[%get3A_1829, %get3A_1830] {strides = array<i32>} : memref<32x256xf32, #tpu.memory_space<vmem>>, vector<16xf32>,
      %max3A_1832 = arith.maximumf %max3A_1827, %get3A_1831 : vector<16xf32>
      %get3A_1833 = arith.constant 30 : i32
      %get3A_1834 = arith.index_cast %get3A_1833 : i32 to index
      %get3A_1835 = arith.constant 160 : index
      %get3A_1836 = tpu.vector_load %arg8[%get3A_1834, %get3A_1835] {strides = array<i32>} : memref<32x256xf32, #tpu.memory_space<vmem>>, vector<16xf32>,
      %max3A_1837 = arith.maximumf %max3A_1832, %get3A_1836 : vector<16xf32>
      %get3A_1838 = arith.constant 31 : i32
      %get3A_1839 = arith.index_cast %get3A_1838 : i32 to index
      %get3A_1840 = arith.constant 160 : index
      %get3A_1841 = tpu.vector_load %arg8[%get3A_1839, %get3A_1840] {strides = array<i32>} : memref<32x256xf32, #tpu.memory_space<vmem>>, vector<16xf32>,
      %max3A_1842 = arith.maximumf %max3A_1837, %get3A_1841 : vector<16xf32>
      %swap3A_1843 = arith.constant 160 : index
      %swap3A_1844 = tpu.vector_load %arg9[%swap3A_1843] {strides = array<i32>} : memref<256xf32, #tpu.memory_space<vmem>>, vector<16xf32>,
      tpu.vector_store %arg9[%swap3A_1843], %max3A_1842 {strides = array<i32>} : memref<256xf32, #tpu.memory_space<vmem>>, vector<16xf32>,
      %get3A_1845 = arith.constant 0 : i32
      %get3A_1846 = arith.index_cast %get3A_1845 : i32 to index
      %get3A_1847 = arith.constant 176 : index
      %get3A_1848 = tpu.vector_load %arg8[%get3A_1846, %get3A_1847] {strides = array<i32>} : memref<32x256xf32, #tpu.memory_space<vmem>>, vector<16xf32>,
      %get3A_1849 = arith.constant 1 : i32
      %get3A_1850 = arith.index_cast %get3A_1849 : i32 to index
      %get3A_1851 = arith.constant 176 : index
      %get3A_1852 = tpu.vector_load %arg8[%get3A_1850, %get3A_1851] {strides = array<i32>} : memref<32x256xf32, #tpu.memory_space<vmem>>, vector<16xf32>,
      %max3A_1853 = arith.maximumf %get3A_1848, %get3A_1852 : vector<16xf32>
      %get3A_1854 = arith.constant 2 : i32
      %get3A_1855 = arith.index_cast %get3A_1854 : i32 to index
      %get3A_1856 = arith.constant 176 : index
      %get3A_1857 = tpu.vector_load %arg8[%get3A_1855, %get3A_1856] {strides = array<i32>} : memref<32x256xf32, #tpu.memory_space<vmem>>, vector<16xf32>,
      %max3A_1858 = arith.maximumf %max3A_1853, %get3A_1857 : vector<16xf32>
      %get3A_1859 = arith.constant 3 : i32
      %get3A_1860 = arith.index_cast %get3A_1859 : i32 to index
      %get3A_1861 = arith.constant 176 : index
      %get3A_1862 = tpu.vector_load %arg8[%get3A_1860, %get3A_1861] {strides = array<i32>} : memref<32x256xf32, #tpu.memory_space<vmem>>, vector<16xf32>,
      %max3A_1863 = arith.maximumf %max3A_1858, %get3A_1862 : vector<16xf32>
      %get3A_1864 = arith.constant 4 : i32
      %get3A_1865 = arith.index_cast %get3A_1864 : i32 to index
      %get3A_1866 = arith.constant 176 : index
      %get3A_1867 = tpu.vector_load %arg8[%get3A_1865, %get3A_1866] {strides = array<i32>} : memref<32x256xf32, #tpu.memory_space<vmem>>, vector<16xf32>,
      %max3A_1868 = arith.maximumf %max3A_1863, %get3A_1867 : vector<16xf32>
      %get3A_1869 = arith.constant 5 : i32
      %get3A_1870 = arith.index_cast %get3A_1869 : i32 to index
      %get3A_1871 = arith.constant 176 : index
      %get3A_1872 = tpu.vector_load %arg8[%get3A_1870, %get3A_1871] {strides = array<i32>} : memref<32x256xf32, #tpu.memory_space<vmem>>, vector<16xf32>,
      %max3A_1873 = arith.maximumf %max3A_1868, %get3A_1872 : vector<16xf32>
      %get3A_1874 = arith.constant 6 : i32
      %get3A_1875 = arith.index_cast %get3A_1874 : i32 to index
      %get3A_1876 = arith.constant 176 : index
      %get3A_1877 = tpu.vector_load %arg8[%get3A_1875, %get3A_1876] {strides = array<i32>} : memref<32x256xf32, #tpu.memory_space<vmem>>, vector<16xf32>,
      %max3A_1878 = arith.maximumf %max3A_1873, %get3A_1877 : vector<16xf32>
      %get3A_1879 = arith.constant 7 : i32
      %get3A_1880 = arith.index_cast %get3A_1879 : i32 to index
      %get3A_1881 = arith.constant 176 : index
      %get3A_1882 = tpu.vector_load %arg8[%get3A_1880, %get3A_1881] {strides = array<i32>} : memref<32x256xf32, #tpu.memory_space<vmem>>, vector<16xf32>,
      %max3A_1883 = arith.maximumf %max3A_1878, %get3A_1882 : vector<16xf32>
      %get3A_1884 = arith.constant 8 : i32
      %get3A_1885 = arith.index_cast %get3A_1884 : i32 to index
      %get3A_1886 = arith.constant 176 : index
      %get3A_1887 = tpu.vector_load %arg8[%get3A_1885, %get3A_1886] {strides = array<i32>} : memref<32x256xf32, #tpu.memory_space<vmem>>, vector<16xf32>,
      %max3A_1888 = arith.maximumf %max3A_1883, %get3A_1887 : vector<16xf32>
      %get3A_1889 = arith.constant 9 : i32
      %get3A_1890 = arith.index_cast %get3A_1889 : i32 to index
      %get3A_1891 = arith.constant 176 : index
      %get3A_1892 = tpu.vector_load %arg8[%get3A_1890, %get3A_1891] {strides = array<i32>} : memref<32x256xf32, #tpu.memory_space<vmem>>, vector<16xf32>,
      %max3A_1893 = arith.maximumf %max3A_1888, %get3A_1892 : vector<16xf32>
      %get3A_1894 = arith.constant 10 : i32
      %get3A_1895 = arith.index_cast %get3A_1894 : i32 to index
      %get3A_1896 = arith.constant 176 : index
      %get3A_1897 = tpu.vector_load %arg8[%get3A_1895, %get3A_1896] {strides = array<i32>} : memref<32x256xf32, #tpu.memory_space<vmem>>, vector<16xf32>,
      %max3A_1898 = arith.maximumf %max3A_1893, %get3A_1897 : vector<16xf32>
      %get3A_1899 = arith.constant 11 : i32
      %get3A_1900 = arith.index_cast %get3A_1899 : i32 to index
      %get3A_1901 = arith.constant 176 : index
      %get3A_1902 = tpu.vector_load %arg8[%get3A_1900, %get3A_1901] {strides = array<i32>} : memref<32x256xf32, #tpu.memory_space<vmem>>, vector<16xf32>,
      %max3A_1903 = arith.maximumf %max3A_1898, %get3A_1902 : vector<16xf32>
      %get3A_1904 = arith.constant 12 : i32
      %get3A_1905 = arith.index_cast %get3A_1904 : i32 to index
      %get3A_1906 = arith.constant 176 : index
      %get3A_1907 = tpu.vector_load %arg8[%get3A_1905, %get3A_1906] {strides = array<i32>} : memref<32x256xf32, #tpu.memory_space<vmem>>, vector<16xf32>,
      %max3A_1908 = arith.maximumf %max3A_1903, %get3A_1907 : vector<16xf32>
      %get3A_1909 = arith.constant 13 : i32
      %get3A_1910 = arith.index_cast %get3A_1909 : i32 to index
      %get3A_1911 = arith.constant 176 : index
      %get3A_1912 = tpu.vector_load %arg8[%get3A_1910, %get3A_1911] {strides = array<i32>} : memref<32x256xf32, #tpu.memory_space<vmem>>, vector<16xf32>,
      %max3A_1913 = arith.maximumf %max3A_1908, %get3A_1912 : vector<16xf32>
      %get3A_1914 = arith.constant 14 : i32
      %get3A_1915 = arith.index_cast %get3A_1914 : i32 to index
      %get3A_1916 = arith.constant 176 : index
      %get3A_1917 = tpu.vector_load %arg8[%get3A_1915, %get3A_1916] {strides = array<i32>} : memref<32x256xf32, #tpu.memory_space<vmem>>, vector<16xf32>,
      %max3A_1918 = arith.maximumf %max3A_1913, %get3A_1917 : vector<16xf32>
      %get3A_1919 = arith.constant 15 : i32
      %get3A_1920 = arith.index_cast %get3A_1919 : i32 to index
      %get3A_1921 = arith.constant 176 : index
      %get3A_1922 = tpu.vector_load %arg8[%get3A_1920, %get3A_1921] {strides = array<i32>} : memref<32x256xf32, #tpu.memory_space<vmem>>, vector<16xf32>,
      %max3A_1923 = arith.maximumf %max3A_1918, %get3A_1922 : vector<16xf32>
      %get3A_1924 = arith.constant 16 : i32
      %get3A_1925 = arith.index_cast %get3A_1924 : i32 to index
      %get3A_1926 = arith.constant 176 : index
      %get3A_1927 = tpu.vector_load %arg8[%get3A_1925, %get3A_1926] {strides = array<i32>} : memref<32x256xf32, #tpu.memory_space<vmem>>, vector<16xf32>,
      %max3A_1928 = arith.maximumf %max3A_1923, %get3A_1927 : vector<16xf32>
      %get3A_1929 = arith.constant 17 : i32
      %get3A_1930 = arith.index_cast %get3A_1929 : i32 to index
      %get3A_1931 = arith.constant 176 : index
      %get3A_1932 = tpu.vector_load %arg8[%get3A_1930, %get3A_1931] {strides = array<i32>} : memref<32x256xf32, #tpu.memory_space<vmem>>, vector<16xf32>,
      %max3A_1933 = arith.maximumf %max3A_1928, %get3A_1932 : vector<16xf32>
      %get3A_1934 = arith.constant 18 : i32
      %get3A_1935 = arith.index_cast %get3A_1934 : i32 to index
      %get3A_1936 = arith.constant 176 : index
      %get3A_1937 = tpu.vector_load %arg8[%get3A_1935, %get3A_1936] {strides = array<i32>} : memref<32x256xf32, #tpu.memory_space<vmem>>, vector<16xf32>,
      %max3A_1938 = arith.maximumf %max3A_1933, %get3A_1937 : vector<16xf32>
      %get3A_1939 = arith.constant 19 : i32
      %get3A_1940 = arith.index_cast %get3A_1939 : i32 to index
      %get3A_1941 = arith.constant 176 : index
      %get3A_1942 = tpu.vector_load %arg8[%get3A_1940, %get3A_1941] {strides = array<i32>} : memref<32x256xf32, #tpu.memory_space<vmem>>, vector<16xf32>,
      %max3A_1943 = arith.maximumf %max3A_1938, %get3A_1942 : vector<16xf32>
      %get3A_1944 = arith.constant 20 : i32
      %get3A_1945 = arith.index_cast %get3A_1944 : i32 to index
      %get3A_1946 = arith.constant 176 : index
      %get3A_1947 = tpu.vector_load %arg8[%get3A_1945, %get3A_1946] {strides = array<i32>} : memref<32x256xf32, #tpu.memory_space<vmem>>, vector<16xf32>,
      %max3A_1948 = arith.maximumf %max3A_1943, %get3A_1947 : vector<16xf32>
      %get3A_1949 = arith.constant 21 : i32
      %get3A_1950 = arith.index_cast %get3A_1949 : i32 to index
      %get3A_1951 = arith.constant 176 : index
      %get3A_1952 = tpu.vector_load %arg8[%get3A_1950, %get3A_1951] {strides = array<i32>} : memref<32x256xf32, #tpu.memory_space<vmem>>, vector<16xf32>,
      %max3A_1953 = arith.maximumf %max3A_1948, %get3A_1952 : vector<16xf32>
      %get3A_1954 = arith.constant 22 : i32
      %get3A_1955 = arith.index_cast %get3A_1954 : i32 to index
      %get3A_1956 = arith.constant 176 : index
      %get3A_1957 = tpu.vector_load %arg8[%get3A_1955, %get3A_1956] {strides = array<i32>} : memref<32x256xf32, #tpu.memory_space<vmem>>, vector<16xf32>,
      %max3A_1958 = arith.maximumf %max3A_1953, %get3A_1957 : vector<16xf32>
      %get3A_1959 = arith.constant 23 : i32
      %get3A_1960 = arith.index_cast %get3A_1959 : i32 to index
      %get3A_1961 = arith.constant 176 : index
      %get3A_1962 = tpu.vector_load %arg8[%get3A_1960, %get3A_1961] {strides = array<i32>} : memref<32x256xf32, #tpu.memory_space<vmem>>, vector<16xf32>,
      %max3A_1963 = arith.maximumf %max3A_1958, %get3A_1962 : vector<16xf32>
      %get3A_1964 = arith.constant 24 : i32
      %get3A_1965 = arith.index_cast %get3A_1964 : i32 to index
      %get3A_1966 = arith.constant 176 : index
      %get3A_1967 = tpu.vector_load %arg8[%get3A_1965, %get3A_1966] {strides = array<i32>} : memref<32x256xf32, #tpu.memory_space<vmem>>, vector<16xf32>,
      %max3A_1968 = arith.maximumf %max3A_1963, %get3A_1967 : vector<16xf32>
      %get3A_1969 = arith.constant 25 : i32
      %get3A_1970 = arith.index_cast %get3A_1969 : i32 to index
      %get3A_1971 = arith.constant 176 : index
      %get3A_1972 = tpu.vector_load %arg8[%get3A_1970, %get3A_1971] {strides = array<i32>} : memref<32x256xf32, #tpu.memory_space<vmem>>, vector<16xf32>,
      %max3A_1973 = arith.maximumf %max3A_1968, %get3A_1972 : vector<16xf32>
      %get3A_1974 = arith.constant 26 : i32
      %get3A_1975 = arith.index_cast %get3A_1974 : i32 to index
      %get3A_1976 = arith.constant 176 : index
      %get3A_1977 = tpu.vector_load %arg8[%get3A_1975, %get3A_1976] {strides = array<i32>} : memref<32x256xf32, #tpu.memory_space<vmem>>, vector<16xf32>,
      %max3A_1978 = arith.maximumf %max3A_1973, %get3A_1977 : vector<16xf32>
      %get3A_1979 = arith.constant 27 : i32
      %get3A_1980 = arith.index_cast %get3A_1979 : i32 to index
      %get3A_1981 = arith.constant 176 : index
      %get3A_1982 = tpu.vector_load %arg8[%get3A_1980, %get3A_1981] {strides = array<i32>} : memref<32x256xf32, #tpu.memory_space<vmem>>, vector<16xf32>,
      %max3A_1983 = arith.maximumf %max3A_1978, %get3A_1982 : vector<16xf32>
      %get3A_1984 = arith.constant 28 : i32
      %get3A_1985 = arith.index_cast %get3A_1984 : i32 to index
      %get3A_1986 = arith.constant 176 : index
      %get3A_1987 = tpu.vector_load %arg8[%get3A_1985, %get3A_1986] {strides = array<i32>} : memref<32x256xf32, #tpu.memory_space<vmem>>, vector<16xf32>,
      %max3A_1988 = arith.maximumf %max3A_1983, %get3A_1987 : vector<16xf32>
      %get3A_1989 = arith.constant 29 : i32
      %get3A_1990 = arith.index_cast %get3A_1989 : i32 to index
      %get3A_1991 = arith.constant 176 : index
      %get3A_1992 = tpu.vector_load %arg8[%get3A_1990, %get3A_1991] {strides = array<i32>} : memref<32x256xf32, #tpu.memory_space<vmem>>, vector<16xf32>,
      %max3A_1993 = arith.maximumf %max3A_1988, %get3A_1992 : vector<16xf32>
      %get3A_1994 = arith.constant 30 : i32
      %get3A_1995 = arith.index_cast %get3A_1994 : i32 to index
      %get3A_1996 = arith.constant 176 : index
      %get3A_1997 = tpu.vector_load %arg8[%get3A_1995, %get3A_1996] {strides = array<i32>} : memref<32x256xf32, #tpu.memory_space<vmem>>, vector<16xf32>,
      %max3A_1998 = arith.maximumf %max3A_1993, %get3A_1997 : vector<16xf32>
      %get3A_1999 = arith.constant 31 : i32
      %get3A_2000 = arith.index_cast %get3A_1999 : i32 to index
      %get3A_2001 = arith.constant 176 : index
      %get3A_2002 = tpu.vector_load %arg8[%get3A_2000, %get3A_2001] {strides = array<i32>} : memref<32x256xf32, #tpu.memory_space<vmem>>, vector<16xf32>,
      %max3A_2003 = arith.maximumf %max3A_1998, %get3A_2002 : vector<16xf32>
      %swap3A_2004 = arith.constant 176 : index
      %swap3A_2005 = tpu.vector_load %arg9[%swap3A_2004] {strides = array<i32>} : memref<256xf32, #tpu.memory_space<vmem>>, vector<16xf32>,
      tpu.vector_store %arg9[%swap3A_2004], %max3A_2003 {strides = array<i32>} : memref<256xf32, #tpu.memory_space<vmem>>, vector<16xf32>,
      %get3A_2006 = arith.constant 0 : i32
      %get3A_2007 = arith.index_cast %get3A_2006 : i32 to index
      %get3A_2008 = arith.constant 192 : index
      %get3A_2009 = tpu.vector_load %arg8[%get3A_2007, %get3A_2008] {strides = array<i32>} : memref<32x256xf32, #tpu.memory_space<vmem>>, vector<16xf32>,
      %get3A_2010 = arith.constant 1 : i32
      %get3A_2011 = arith.index_cast %get3A_2010 : i32 to index
      %get3A_2012 = arith.constant 192 : index
      %get3A_2013 = tpu.vector_load %arg8[%get3A_2011, %get3A_2012] {strides = array<i32>} : memref<32x256xf32, #tpu.memory_space<vmem>>, vector<16xf32>,
      %max3A_2014 = arith.maximumf %get3A_2009, %get3A_2013 : vector<16xf32>
      %get3A_2015 = arith.constant 2 : i32
      %get3A_2016 = arith.index_cast %get3A_2015 : i32 to index
      %get3A_2017 = arith.constant 192 : index
      %get3A_2018 = tpu.vector_load %arg8[%get3A_2016, %get3A_2017] {strides = array<i32>} : memref<32x256xf32, #tpu.memory_space<vmem>>, vector<16xf32>,
      %max3A_2019 = arith.maximumf %max3A_2014, %get3A_2018 : vector<16xf32>
      %get3A_2020 = arith.constant 3 : i32
      %get3A_2021 = arith.index_cast %get3A_2020 : i32 to index
      %get3A_2022 = arith.constant 192 : index
      %get3A_2023 = tpu.vector_load %arg8[%get3A_2021, %get3A_2022] {strides = array<i32>} : memref<32x256xf32, #tpu.memory_space<vmem>>, vector<16xf32>,
      %max3A_2024 = arith.maximumf %max3A_2019, %get3A_2023 : vector<16xf32>
      %get3A_2025 = arith.constant 4 : i32
      %get3A_2026 = arith.index_cast %get3A_2025 : i32 to index
      %get3A_2027 = arith.constant 192 : index
      %get3A_2028 = tpu.vector_load %arg8[%get3A_2026, %get3A_2027] {strides = array<i32>} : memref<32x256xf32, #tpu.memory_space<vmem>>, vector<16xf32>,
      %max3A_2029 = arith.maximumf %max3A_2024, %get3A_2028 : vector<16xf32>
      %get3A_2030 = arith.constant 5 : i32
      %get3A_2031 = arith.index_cast %get3A_2030 : i32 to index
      %get3A_2032 = arith.constant 192 : index
      %get3A_2033 = tpu.vector_load %arg8[%get3A_2031, %get3A_2032] {strides = array<i32>} : memref<32x256xf32, #tpu.memory_space<vmem>>, vector<16xf32>,
      %max3A_2034 = arith.maximumf %max3A_2029, %get3A_2033 : vector<16xf32>
      %get3A_2035 = arith.constant 6 : i32
      %get3A_2036 = arith.index_cast %get3A_2035 : i32 to index
      %get3A_2037 = arith.constant 192 : index
      %get3A_2038 = tpu.vector_load %arg8[%get3A_2036, %get3A_2037] {strides = array<i32>} : memref<32x256xf32, #tpu.memory_space<vmem>>, vector<16xf32>,
      %max3A_2039 = arith.maximumf %max3A_2034, %get3A_2038 : vector<16xf32>
      %get3A_2040 = arith.constant 7 : i32
      %get3A_2041 = arith.index_cast %get3A_2040 : i32 to index
      %get3A_2042 = arith.constant 192 : index
      %get3A_2043 = tpu.vector_load %arg8[%get3A_2041, %get3A_2042] {strides = array<i32>} : memref<32x256xf32, #tpu.memory_space<vmem>>, vector<16xf32>,
      %max3A_2044 = arith.maximumf %max3A_2039, %get3A_2043 : vector<16xf32>
      %get3A_2045 = arith.constant 8 : i32
      %get3A_2046 = arith.index_cast %get3A_2045 : i32 to index
      %get3A_2047 = arith.constant 192 : index
      %get3A_2048 = tpu.vector_load %arg8[%get3A_2046, %get3A_2047] {strides = array<i32>} : memref<32x256xf32, #tpu.memory_space<vmem>>, vector<16xf32>,
      %max3A_2049 = arith.maximumf %max3A_2044, %get3A_2048 : vector<16xf32>
      %get3A_2050 = arith.constant 9 : i32
      %get3A_2051 = arith.index_cast %get3A_2050 : i32 to index
      %get3A_2052 = arith.constant 192 : index
      %get3A_2053 = tpu.vector_load %arg8[%get3A_2051, %get3A_2052] {strides = array<i32>} : memref<32x256xf32, #tpu.memory_space<vmem>>, vector<16xf32>,
      %max3A_2054 = arith.maximumf %max3A_2049, %get3A_2053 : vector<16xf32>
      %get3A_2055 = arith.constant 10 : i32
      %get3A_2056 = arith.index_cast %get3A_2055 : i32 to index
      %get3A_2057 = arith.constant 192 : index
      %get3A_2058 = tpu.vector_load %arg8[%get3A_2056, %get3A_2057] {strides = array<i32>} : memref<32x256xf32, #tpu.memory_space<vmem>>, vector<16xf32>,
      %max3A_2059 = arith.maximumf %max3A_2054, %get3A_2058 : vector<16xf32>
      %get3A_2060 = arith.constant 11 : i32
      %get3A_2061 = arith.index_cast %get3A_2060 : i32 to index
      %get3A_2062 = arith.constant 192 : index
      %get3A_2063 = tpu.vector_load %arg8[%get3A_2061, %get3A_2062] {strides = array<i32>} : memref<32x256xf32, #tpu.memory_space<vmem>>, vector<16xf32>,
      %max3A_2064 = arith.maximumf %max3A_2059, %get3A_2063 : vector<16xf32>
      %get3A_2065 = arith.constant 12 : i32
      %get3A_2066 = arith.index_cast %get3A_2065 : i32 to index
      %get3A_2067 = arith.constant 192 : index
      %get3A_2068 = tpu.vector_load %arg8[%get3A_2066, %get3A_2067] {strides = array<i32>} : memref<32x256xf32, #tpu.memory_space<vmem>>, vector<16xf32>,
      %max3A_2069 = arith.maximumf %max3A_2064, %get3A_2068 : vector<16xf32>
      %get3A_2070 = arith.constant 13 : i32
      %get3A_2071 = arith.index_cast %get3A_2070 : i32 to index
      %get3A_2072 = arith.constant 192 : index
      %get3A_2073 = tpu.vector_load %arg8[%get3A_2071, %get3A_2072] {strides = array<i32>} : memref<32x256xf32, #tpu.memory_space<vmem>>, vector<16xf32>,
      %max3A_2074 = arith.maximumf %max3A_2069, %get3A_2073 : vector<16xf32>
      %get3A_2075 = arith.constant 14 : i32
      %get3A_2076 = arith.index_cast %get3A_2075 : i32 to index
      %get3A_2077 = arith.constant 192 : index
      %get3A_2078 = tpu.vector_load %arg8[%get3A_2076, %get3A_2077] {strides = array<i32>} : memref<32x256xf32, #tpu.memory_space<vmem>>, vector<16xf32>,
      %max3A_2079 = arith.maximumf %max3A_2074, %get3A_2078 : vector<16xf32>
      %get3A_2080 = arith.constant 15 : i32
      %get3A_2081 = arith.index_cast %get3A_2080 : i32 to index
      %get3A_2082 = arith.constant 192 : index
      %get3A_2083 = tpu.vector_load %arg8[%get3A_2081, %get3A_2082] {strides = array<i32>} : memref<32x256xf32, #tpu.memory_space<vmem>>, vector<16xf32>,
      %max3A_2084 = arith.maximumf %max3A_2079, %get3A_2083 : vector<16xf32>
      %get3A_2085 = arith.constant 16 : i32
      %get3A_2086 = arith.index_cast %get3A_2085 : i32 to index
      %get3A_2087 = arith.constant 192 : index
      %get3A_2088 = tpu.vector_load %arg8[%get3A_2086, %get3A_2087] {strides = array<i32>} : memref<32x256xf32, #tpu.memory_space<vmem>>, vector<16xf32>,
      %max3A_2089 = arith.maximumf %max3A_2084, %get3A_2088 : vector<16xf32>
      %get3A_2090 = arith.constant 17 : i32
      %get3A_2091 = arith.index_cast %get3A_2090 : i32 to index
      %get3A_2092 = arith.constant 192 : index
      %get3A_2093 = tpu.vector_load %arg8[%get3A_2091, %get3A_2092] {strides = array<i32>} : memref<32x256xf32, #tpu.memory_space<vmem>>, vector<16xf32>,
      %max3A_2094 = arith.maximumf %max3A_2089, %get3A_2093 : vector<16xf32>
      %get3A_2095 = arith.constant 18 : i32
      %get3A_2096 = arith.index_cast %get3A_2095 : i32 to index
      %get3A_2097 = arith.constant 192 : index
      %get3A_2098 = tpu.vector_load %arg8[%get3A_2096, %get3A_2097] {strides = array<i32>} : memref<32x256xf32, #tpu.memory_space<vmem>>, vector<16xf32>,
      %max3A_2099 = arith.maximumf %max3A_2094, %get3A_2098 : vector<16xf32>
      %get3A_2100 = arith.constant 19 : i32
      %get3A_2101 = arith.index_cast %get3A_2100 : i32 to index
      %get3A_2102 = arith.constant 192 : index
      %get3A_2103 = tpu.vector_load %arg8[%get3A_2101, %get3A_2102] {strides = array<i32>} : memref<32x256xf32, #tpu.memory_space<vmem>>, vector<16xf32>,
      %max3A_2104 = arith.maximumf %max3A_2099, %get3A_2103 : vector<16xf32>
      %get3A_2105 = arith.constant 20 : i32
      %get3A_2106 = arith.index_cast %get3A_2105 : i32 to index
      %get3A_2107 = arith.constant 192 : index
      %get3A_2108 = tpu.vector_load %arg8[%get3A_2106, %get3A_2107] {strides = array<i32>} : memref<32x256xf32, #tpu.memory_space<vmem>>, vector<16xf32>,
      %max3A_2109 = arith.maximumf %max3A_2104, %get3A_2108 : vector<16xf32>
      %get3A_2110 = arith.constant 21 : i32
      %get3A_2111 = arith.index_cast %get3A_2110 : i32 to index
      %get3A_2112 = arith.constant 192 : index
      %get3A_2113 = tpu.vector_load %arg8[%get3A_2111, %get3A_2112] {strides = array<i32>} : memref<32x256xf32, #tpu.memory_space<vmem>>, vector<16xf32>,
      %max3A_2114 = arith.maximumf %max3A_2109, %get3A_2113 : vector<16xf32>
      %get3A_2115 = arith.constant 22 : i32
      %get3A_2116 = arith.index_cast %get3A_2115 : i32 to index
      %get3A_2117 = arith.constant 192 : index
      %get3A_2118 = tpu.vector_load %arg8[%get3A_2116, %get3A_2117] {strides = array<i32>} : memref<32x256xf32, #tpu.memory_space<vmem>>, vector<16xf32>,
      %max3A_2119 = arith.maximumf %max3A_2114, %get3A_2118 : vector<16xf32>
      %get3A_2120 = arith.constant 23 : i32
      %get3A_2121 = arith.index_cast %get3A_2120 : i32 to index
      %get3A_2122 = arith.constant 192 : index
      %get3A_2123 = tpu.vector_load %arg8[%get3A_2121, %get3A_2122] {strides = array<i32>} : memref<32x256xf32, #tpu.memory_space<vmem>>, vector<16xf32>,
      %max3A_2124 = arith.maximumf %max3A_2119, %get3A_2123 : vector<16xf32>
      %get3A_2125 = arith.constant 24 : i32
      %get3A_2126 = arith.index_cast %get3A_2125 : i32 to index
      %get3A_2127 = arith.constant 192 : index
      %get3A_2128 = tpu.vector_load %arg8[%get3A_2126, %get3A_2127] {strides = array<i32>} : memref<32x256xf32, #tpu.memory_space<vmem>>, vector<16xf32>,
      %max3A_2129 = arith.maximumf %max3A_2124, %get3A_2128 : vector<16xf32>
      %get3A_2130 = arith.constant 25 : i32
      %get3A_2131 = arith.index_cast %get3A_2130 : i32 to index
      %get3A_2132 = arith.constant 192 : index
      %get3A_2133 = tpu.vector_load %arg8[%get3A_2131, %get3A_2132] {strides = array<i32>} : memref<32x256xf32, #tpu.memory_space<vmem>>, vector<16xf32>,
      %max3A_2134 = arith.maximumf %max3A_2129, %get3A_2133 : vector<16xf32>
      %get3A_2135 = arith.constant 26 : i32
      %get3A_2136 = arith.index_cast %get3A_2135 : i32 to index
      %get3A_2137 = arith.constant 192 : index
      %get3A_2138 = tpu.vector_load %arg8[%get3A_2136, %get3A_2137] {strides = array<i32>} : memref<32x256xf32, #tpu.memory_space<vmem>>, vector<16xf32>,
      %max3A_2139 = arith.maximumf %max3A_2134, %get3A_2138 : vector<16xf32>
      %get3A_2140 = arith.constant 27 : i32
      %get3A_2141 = arith.index_cast %get3A_2140 : i32 to index
      %get3A_2142 = arith.constant 192 : index
      %get3A_2143 = tpu.vector_load %arg8[%get3A_2141, %get3A_2142] {strides = array<i32>} : memref<32x256xf32, #tpu.memory_space<vmem>>, vector<16xf32>,
      %max3A_2144 = arith.maximumf %max3A_2139, %get3A_2143 : vector<16xf32>
      %get3A_2145 = arith.constant 28 : i32
      %get3A_2146 = arith.index_cast %get3A_2145 : i32 to index
      %get3A_2147 = arith.constant 192 : index
      %get3A_2148 = tpu.vector_load %arg8[%get3A_2146, %get3A_2147] {strides = array<i32>} : memref<32x256xf32, #tpu.memory_space<vmem>>, vector<16xf32>,
      %max3A_2149 = arith.maximumf %max3A_2144, %get3A_2148 : vector<16xf32>
      %get3A_2150 = arith.constant 29 : i32
      %get3A_2151 = arith.index_cast %get3A_2150 : i32 to index
      %get3A_2152 = arith.constant 192 : index
      %get3A_2153 = tpu.vector_load %arg8[%get3A_2151, %get3A_2152] {strides = array<i32>} : memref<32x256xf32, #tpu.memory_space<vmem>>, vector<16xf32>,
      %max3A_2154 = arith.maximumf %max3A_2149, %get3A_2153 : vector<16xf32>
      %get3A_2155 = arith.constant 30 : i32
      %get3A_2156 = arith.index_cast %get3A_2155 : i32 to index
      %get3A_2157 = arith.constant 192 : index
      %get3A_2158 = tpu.vector_load %arg8[%get3A_2156, %get3A_2157] {strides = array<i32>} : memref<32x256xf32, #tpu.memory_space<vmem>>, vector<16xf32>,
      %max3A_2159 = arith.maximumf %max3A_2154, %get3A_2158 : vector<16xf32>
      %get3A_2160 = arith.constant 31 : i32
      %get3A_2161 = arith.index_cast %get3A_2160 : i32 to index
      %get3A_2162 = arith.constant 192 : index
      %get3A_2163 = tpu.vector_load %arg8[%get3A_2161, %get3A_2162] {strides = array<i32>} : memref<32x256xf32, #tpu.memory_space<vmem>>, vector<16xf32>,
      %max3A_2164 = arith.maximumf %max3A_2159, %get3A_2163 : vector<16xf32>
      %swap3A_2165 = arith.constant 192 : index
      %swap3A_2166 = tpu.vector_load %arg9[%swap3A_2165] {strides = array<i32>} : memref<256xf32, #tpu.memory_space<vmem>>, vector<16xf32>,
      tpu.vector_store %arg9[%swap3A_2165], %max3A_2164 {strides = array<i32>} : memref<256xf32, #tpu.memory_space<vmem>>, vector<16xf32>,
      %get3A_2167 = arith.constant 0 : i32
      %get3A_2168 = arith.index_cast %get3A_2167 : i32 to index
      %get3A_2169 = arith.constant 208 : index
      %get3A_2170 = tpu.vector_load %arg8[%get3A_2168, %get3A_2169] {strides = array<i32>} : memref<32x256xf32, #tpu.memory_space<vmem>>, vector<16xf32>,
      %get3A_2171 = arith.constant 1 : i32
      %get3A_2172 = arith.index_cast %get3A_2171 : i32 to index
      %get3A_2173 = arith.constant 208 : index
      %get3A_2174 = tpu.vector_load %arg8[%get3A_2172, %get3A_2173] {strides = array<i32>} : memref<32x256xf32, #tpu.memory_space<vmem>>, vector<16xf32>,
      %max3A_2175 = arith.maximumf %get3A_2170, %get3A_2174 : vector<16xf32>
      %get3A_2176 = arith.constant 2 : i32
      %get3A_2177 = arith.index_cast %get3A_2176 : i32 to index
      %get3A_2178 = arith.constant 208 : index
      %get3A_2179 = tpu.vector_load %arg8[%get3A_2177, %get3A_2178] {strides = array<i32>} : memref<32x256xf32, #tpu.memory_space<vmem>>, vector<16xf32>,
      %max3A_2180 = arith.maximumf %max3A_2175, %get3A_2179 : vector<16xf32>
      %get3A_2181 = arith.constant 3 : i32
      %get3A_2182 = arith.index_cast %get3A_2181 : i32 to index
      %get3A_2183 = arith.constant 208 : index
      %get3A_2184 = tpu.vector_load %arg8[%get3A_2182, %get3A_2183] {strides = array<i32>} : memref<32x256xf32, #tpu.memory_space<vmem>>, vector<16xf32>,
      %max3A_2185 = arith.maximumf %max3A_2180, %get3A_2184 : vector<16xf32>
      %get3A_2186 = arith.constant 4 : i32
      %get3A_2187 = arith.index_cast %get3A_2186 : i32 to index
      %get3A_2188 = arith.constant 208 : index
      %get3A_2189 = tpu.vector_load %arg8[%get3A_2187, %get3A_2188] {strides = array<i32>} : memref<32x256xf32, #tpu.memory_space<vmem>>, vector<16xf32>,
      %max3A_2190 = arith.maximumf %max3A_2185, %get3A_2189 : vector<16xf32>
      %get3A_2191 = arith.constant 5 : i32
      %get3A_2192 = arith.index_cast %get3A_2191 : i32 to index
      %get3A_2193 = arith.constant 208 : index
      %get3A_2194 = tpu.vector_load %arg8[%get3A_2192, %get3A_2193] {strides = array<i32>} : memref<32x256xf32, #tpu.memory_space<vmem>>, vector<16xf32>,
      %max3A_2195 = arith.maximumf %max3A_2190, %get3A_2194 : vector<16xf32>
      %get3A_2196 = arith.constant 6 : i32
      %get3A_2197 = arith.index_cast %get3A_2196 : i32 to index
      %get3A_2198 = arith.constant 208 : index
      %get3A_2199 = tpu.vector_load %arg8[%get3A_2197, %get3A_2198] {strides = array<i32>} : memref<32x256xf32, #tpu.memory_space<vmem>>, vector<16xf32>,
      %max3A_2200 = arith.maximumf %max3A_2195, %get3A_2199 : vector<16xf32>
      %get3A_2201 = arith.constant 7 : i32
      %get3A_2202 = arith.index_cast %get3A_2201 : i32 to index
      %get3A_2203 = arith.constant 208 : index
      %get3A_2204 = tpu.vector_load %arg8[%get3A_2202, %get3A_2203] {strides = array<i32>} : memref<32x256xf32, #tpu.memory_space<vmem>>, vector<16xf32>,
      %max3A_2205 = arith.maximumf %max3A_2200, %get3A_2204 : vector<16xf32>
      %get3A_2206 = arith.constant 8 : i32
      %get3A_2207 = arith.index_cast %get3A_2206 : i32 to index
      %get3A_2208 = arith.constant 208 : index
      %get3A_2209 = tpu.vector_load %arg8[%get3A_2207, %get3A_2208] {strides = array<i32>} : memref<32x256xf32, #tpu.memory_space<vmem>>, vector<16xf32>,
      %max3A_2210 = arith.maximumf %max3A_2205, %get3A_2209 : vector<16xf32>
      %get3A_2211 = arith.constant 9 : i32
      %get3A_2212 = arith.index_cast %get3A_2211 : i32 to index
      %get3A_2213 = arith.constant 208 : index
      %get3A_2214 = tpu.vector_load %arg8[%get3A_2212, %get3A_2213] {strides = array<i32>} : memref<32x256xf32, #tpu.memory_space<vmem>>, vector<16xf32>,
      %max3A_2215 = arith.maximumf %max3A_2210, %get3A_2214 : vector<16xf32>
      %get3A_2216 = arith.constant 10 : i32
      %get3A_2217 = arith.index_cast %get3A_2216 : i32 to index
      %get3A_2218 = arith.constant 208 : index
      %get3A_2219 = tpu.vector_load %arg8[%get3A_2217, %get3A_2218] {strides = array<i32>} : memref<32x256xf32, #tpu.memory_space<vmem>>, vector<16xf32>,
      %max3A_2220 = arith.maximumf %max3A_2215, %get3A_2219 : vector<16xf32>
      %get3A_2221 = arith.constant 11 : i32
      %get3A_2222 = arith.index_cast %get3A_2221 : i32 to index
      %get3A_2223 = arith.constant 208 : index
      %get3A_2224 = tpu.vector_load %arg8[%get3A_2222, %get3A_2223] {strides = array<i32>} : memref<32x256xf32, #tpu.memory_space<vmem>>, vector<16xf32>,
      %max3A_2225 = arith.maximumf %max3A_2220, %get3A_2224 : vector<16xf32>
      %get3A_2226 = arith.constant 12 : i32
      %get3A_2227 = arith.index_cast %get3A_2226 : i32 to index
      %get3A_2228 = arith.constant 208 : index
      %get3A_2229 = tpu.vector_load %arg8[%get3A_2227, %get3A_2228] {strides = array<i32>} : memref<32x256xf32, #tpu.memory_space<vmem>>, vector<16xf32>,
      %max3A_2230 = arith.maximumf %max3A_2225, %get3A_2229 : vector<16xf32>
      %get3A_2231 = arith.constant 13 : i32
      %get3A_2232 = arith.index_cast %get3A_2231 : i32 to index
      %get3A_2233 = arith.constant 208 : index
      %get3A_2234 = tpu.vector_load %arg8[%get3A_2232, %get3A_2233] {strides = array<i32>} : memref<32x256xf32, #tpu.memory_space<vmem>>, vector<16xf32>,
      %max3A_2235 = arith.maximumf %max3A_2230, %get3A_2234 : vector<16xf32>
      %get3A_2236 = arith.constant 14 : i32
      %get3A_2237 = arith.index_cast %get3A_2236 : i32 to index
      %get3A_2238 = arith.constant 208 : index
      %get3A_2239 = tpu.vector_load %arg8[%get3A_2237, %get3A_2238] {strides = array<i32>} : memref<32x256xf32, #tpu.memory_space<vmem>>, vector<16xf32>,
      %max3A_2240 = arith.maximumf %max3A_2235, %get3A_2239 : vector<16xf32>
      %get3A_2241 = arith.constant 15 : i32
      %get3A_2242 = arith.index_cast %get3A_2241 : i32 to index
      %get3A_2243 = arith.constant 208 : index
      %get3A_2244 = tpu.vector_load %arg8[%get3A_2242, %get3A_2243] {strides = array<i32>} : memref<32x256xf32, #tpu.memory_space<vmem>>, vector<16xf32>,
      %max3A_2245 = arith.maximumf %max3A_2240, %get3A_2244 : vector<16xf32>
      %get3A_2246 = arith.constant 16 : i32
      %get3A_2247 = arith.index_cast %get3A_2246 : i32 to index
      %get3A_2248 = arith.constant 208 : index
      %get3A_2249 = tpu.vector_load %arg8[%get3A_2247, %get3A_2248] {strides = array<i32>} : memref<32x256xf32, #tpu.memory_space<vmem>>, vector<16xf32>,
      %max3A_2250 = arith.maximumf %max3A_2245, %get3A_2249 : vector<16xf32>
      %get3A_2251 = arith.constant 17 : i32
      %get3A_2252 = arith.index_cast %get3A_2251 : i32 to index
      %get3A_2253 = arith.constant 208 : index
      %get3A_2254 = tpu.vector_load %arg8[%get3A_2252, %get3A_2253] {strides = array<i32>} : memref<32x256xf32, #tpu.memory_space<vmem>>, vector<16xf32>,
      %max3A_2255 = arith.maximumf %max3A_2250, %get3A_2254 : vector<16xf32>
      %get3A_2256 = arith.constant 18 : i32
      %get3A_2257 = arith.index_cast %get3A_2256 : i32 to index
      %get3A_2258 = arith.constant 208 : index
      %get3A_2259 = tpu.vector_load %arg8[%get3A_2257, %get3A_2258] {strides = array<i32>} : memref<32x256xf32, #tpu.memory_space<vmem>>, vector<16xf32>,
      %max3A_2260 = arith.maximumf %max3A_2255, %get3A_2259 : vector<16xf32>
      %get3A_2261 = arith.constant 19 : i32
      %get3A_2262 = arith.index_cast %get3A_2261 : i32 to index
      %get3A_2263 = arith.constant 208 : index
      %get3A_2264 = tpu.vector_load %arg8[%get3A_2262, %get3A_2263] {strides = array<i32>} : memref<32x256xf32, #tpu.memory_space<vmem>>, vector<16xf32>,
      %max3A_2265 = arith.maximumf %max3A_2260, %get3A_2264 : vector<16xf32>
      %get3A_2266 = arith.constant 20 : i32
      %get3A_2267 = arith.index_cast %get3A_2266 : i32 to index
      %get3A_2268 = arith.constant 208 : index
      %get3A_2269 = tpu.vector_load %arg8[%get3A_2267, %get3A_2268] {strides = array<i32>} : memref<32x256xf32, #tpu.memory_space<vmem>>, vector<16xf32>,
      %max3A_2270 = arith.maximumf %max3A_2265, %get3A_2269 : vector<16xf32>
      %get3A_2271 = arith.constant 21 : i32
      %get3A_2272 = arith.index_cast %get3A_2271 : i32 to index
      %get3A_2273 = arith.constant 208 : index
      %get3A_2274 = tpu.vector_load %arg8[%get3A_2272, %get3A_2273] {strides = array<i32>} : memref<32x256xf32, #tpu.memory_space<vmem>>, vector<16xf32>,
      %max3A_2275 = arith.maximumf %max3A_2270, %get3A_2274 : vector<16xf32>
      %get3A_2276 = arith.constant 22 : i32
      %get3A_2277 = arith.index_cast %get3A_2276 : i32 to index
      %get3A_2278 = arith.constant 208 : index
      %get3A_2279 = tpu.vector_load %arg8[%get3A_2277, %get3A_2278] {strides = array<i32>} : memref<32x256xf32, #tpu.memory_space<vmem>>, vector<16xf32>,
      %max3A_2280 = arith.maximumf %max3A_2275, %get3A_2279 : vector<16xf32>
      %get3A_2281 = arith.constant 23 : i32
      %get3A_2282 = arith.index_cast %get3A_2281 : i32 to index
      %get3A_2283 = arith.constant 208 : index
      %get3A_2284 = tpu.vector_load %arg8[%get3A_2282, %get3A_2283] {strides = array<i32>} : memref<32x256xf32, #tpu.memory_space<vmem>>, vector<16xf32>,
      %max3A_2285 = arith.maximumf %max3A_2280, %get3A_2284 : vector<16xf32>
      %get3A_2286 = arith.constant 24 : i32
      %get3A_2287 = arith.index_cast %get3A_2286 : i32 to index
      %get3A_2288 = arith.constant 208 : index
      %get3A_2289 = tpu.vector_load %arg8[%get3A_2287, %get3A_2288] {strides = array<i32>} : memref<32x256xf32, #tpu.memory_space<vmem>>, vector<16xf32>,
      %max3A_2290 = arith.maximumf %max3A_2285, %get3A_2289 : vector<16xf32>
      %get3A_2291 = arith.constant 25 : i32
      %get3A_2292 = arith.index_cast %get3A_2291 : i32 to index
      %get3A_2293 = arith.constant 208 : index
      %get3A_2294 = tpu.vector_load %arg8[%get3A_2292, %get3A_2293] {strides = array<i32>} : memref<32x256xf32, #tpu.memory_space<vmem>>, vector<16xf32>,
      %max3A_2295 = arith.maximumf %max3A_2290, %get3A_2294 : vector<16xf32>
      %get3A_2296 = arith.constant 26 : i32
      %get3A_2297 = arith.index_cast %get3A_2296 : i32 to index
      %get3A_2298 = arith.constant 208 : index
      %get3A_2299 = tpu.vector_load %arg8[%get3A_2297, %get3A_2298] {strides = array<i32>} : memref<32x256xf32, #tpu.memory_space<vmem>>, vector<16xf32>,
      %max3A_2300 = arith.maximumf %max3A_2295, %get3A_2299 : vector<16xf32>
      %get3A_2301 = arith.constant 27 : i32
      %get3A_2302 = arith.index_cast %get3A_2301 : i32 to index
      %get3A_2303 = arith.constant 208 : index
      %get3A_2304 = tpu.vector_load %arg8[%get3A_2302, %get3A_2303] {strides = array<i32>} : memref<32x256xf32, #tpu.memory_space<vmem>>, vector<16xf32>,
      %max3A_2305 = arith.maximumf %max3A_2300, %get3A_2304 : vector<16xf32>
      %get3A_2306 = arith.constant 28 : i32
      %get3A_2307 = arith.index_cast %get3A_2306 : i32 to index
      %get3A_2308 = arith.constant 208 : index
      %get3A_2309 = tpu.vector_load %arg8[%get3A_2307, %get3A_2308] {strides = array<i32>} : memref<32x256xf32, #tpu.memory_space<vmem>>, vector<16xf32>,
      %max3A_2310 = arith.maximumf %max3A_2305, %get3A_2309 : vector<16xf32>
      %get3A_2311 = arith.constant 29 : i32
      %get3A_2312 = arith.index_cast %get3A_2311 : i32 to index
      %get3A_2313 = arith.constant 208 : index
      %get3A_2314 = tpu.vector_load %arg8[%get3A_2312, %get3A_2313] {strides = array<i32>} : memref<32x256xf32, #tpu.memory_space<vmem>>, vector<16xf32>,
      %max3A_2315 = arith.maximumf %max3A_2310, %get3A_2314 : vector<16xf32>
      %get3A_2316 = arith.constant 30 : i32
      %get3A_2317 = arith.index_cast %get3A_2316 : i32 to index
      %get3A_2318 = arith.constant 208 : index
      %get3A_2319 = tpu.vector_load %arg8[%get3A_2317, %get3A_2318] {strides = array<i32>} : memref<32x256xf32, #tpu.memory_space<vmem>>, vector<16xf32>,
      %max3A_2320 = arith.maximumf %max3A_2315, %get3A_2319 : vector<16xf32>
      %get3A_2321 = arith.constant 31 : i32
      %get3A_2322 = arith.index_cast %get3A_2321 : i32 to index
      %get3A_2323 = arith.constant 208 : index
      %get3A_2324 = tpu.vector_load %arg8[%get3A_2322, %get3A_2323] {strides = array<i32>} : memref<32x256xf32, #tpu.memory_space<vmem>>, vector<16xf32>,
      %max3A_2325 = arith.maximumf %max3A_2320, %get3A_2324 : vector<16xf32>
      %swap3A_2326 = arith.constant 208 : index
      %swap3A_2327 = tpu.vector_load %arg9[%swap3A_2326] {strides = array<i32>} : memref<256xf32, #tpu.memory_space<vmem>>, vector<16xf32>,
      tpu.vector_store %arg9[%swap3A_2326], %max3A_2325 {strides = array<i32>} : memref<256xf32, #tpu.memory_space<vmem>>, vector<16xf32>,
      %get3A_2328 = arith.constant 0 : i32
      %get3A_2329 = arith.index_cast %get3A_2328 : i32 to index
      %get3A_2330 = arith.constant 224 : index
      %get3A_2331 = tpu.vector_load %arg8[%get3A_2329, %get3A_2330] {strides = array<i32>} : memref<32x256xf32, #tpu.memory_space<vmem>>, vector<16xf32>,
      %get3A_2332 = arith.constant 1 : i32
      %get3A_2333 = arith.index_cast %get3A_2332 : i32 to index
      %get3A_2334 = arith.constant 224 : index
      %get3A_2335 = tpu.vector_load %arg8[%get3A_2333, %get3A_2334] {strides = array<i32>} : memref<32x256xf32, #tpu.memory_space<vmem>>, vector<16xf32>,
      %max3A_2336 = arith.maximumf %get3A_2331, %get3A_2335 : vector<16xf32>
      %get3A_2337 = arith.constant 2 : i32
      %get3A_2338 = arith.index_cast %get3A_2337 : i32 to index
      %get3A_2339 = arith.constant 224 : index
      %get3A_2340 = tpu.vector_load %arg8[%get3A_2338, %get3A_2339] {strides = array<i32>} : memref<32x256xf32, #tpu.memory_space<vmem>>, vector<16xf32>,
      %max3A_2341 = arith.maximumf %max3A_2336, %get3A_2340 : vector<16xf32>
      %get3A_2342 = arith.constant 3 : i32
      %get3A_2343 = arith.index_cast %get3A_2342 : i32 to index
      %get3A_2344 = arith.constant 224 : index
      %get3A_2345 = tpu.vector_load %arg8[%get3A_2343, %get3A_2344] {strides = array<i32>} : memref<32x256xf32, #tpu.memory_space<vmem>>, vector<16xf32>,
      %max3A_2346 = arith.maximumf %max3A_2341, %get3A_2345 : vector<16xf32>
      %get3A_2347 = arith.constant 4 : i32
      %get3A_2348 = arith.index_cast %get3A_2347 : i32 to index
      %get3A_2349 = arith.constant 224 : index
      %get3A_2350 = tpu.vector_load %arg8[%get3A_2348, %get3A_2349] {strides = array<i32>} : memref<32x256xf32, #tpu.memory_space<vmem>>, vector<16xf32>,
      %max3A_2351 = arith.maximumf %max3A_2346, %get3A_2350 : vector<16xf32>
      %get3A_2352 = arith.constant 5 : i32
      %get3A_2353 = arith.index_cast %get3A_2352 : i32 to index
      %get3A_2354 = arith.constant 224 : index
      %get3A_2355 = tpu.vector_load %arg8[%get3A_2353, %get3A_2354] {strides = array<i32>} : memref<32x256xf32, #tpu.memory_space<vmem>>, vector<16xf32>,
      %max3A_2356 = arith.maximumf %max3A_2351, %get3A_2355 : vector<16xf32>
      %get3A_2357 = arith.constant 6 : i32
      %get3A_2358 = arith.index_cast %get3A_2357 : i32 to index
      %get3A_2359 = arith.constant 224 : index
      %get3A_2360 = tpu.vector_load %arg8[%get3A_2358, %get3A_2359] {strides = array<i32>} : memref<32x256xf32, #tpu.memory_space<vmem>>, vector<16xf32>,
      %max3A_2361 = arith.maximumf %max3A_2356, %get3A_2360 : vector<16xf32>
      %get3A_2362 = arith.constant 7 : i32
      %get3A_2363 = arith.index_cast %get3A_2362 : i32 to index
      %get3A_2364 = arith.constant 224 : index
      %get3A_2365 = tpu.vector_load %arg8[%get3A_2363, %get3A_2364] {strides = array<i32>} : memref<32x256xf32, #tpu.memory_space<vmem>>, vector<16xf32>,
      %max3A_2366 = arith.maximumf %max3A_2361, %get3A_2365 : vector<16xf32>
      %get3A_2367 = arith.constant 8 : i32
      %get3A_2368 = arith.index_cast %get3A_2367 : i32 to index
      %get3A_2369 = arith.constant 224 : index
      %get3A_2370 = tpu.vector_load %arg8[%get3A_2368, %get3A_2369] {strides = array<i32>} : memref<32x256xf32, #tpu.memory_space<vmem>>, vector<16xf32>,
      %max3A_2371 = arith.maximumf %max3A_2366, %get3A_2370 : vector<16xf32>
      %get3A_2372 = arith.constant 9 : i32
      %get3A_2373 = arith.index_cast %get3A_2372 : i32 to index
      %get3A_2374 = arith.constant 224 : index
      %get3A_2375 = tpu.vector_load %arg8[%get3A_2373, %get3A_2374] {strides = array<i32>} : memref<32x256xf32, #tpu.memory_space<vmem>>, vector<16xf32>,
      %max3A_2376 = arith.maximumf %max3A_2371, %get3A_2375 : vector<16xf32>
      %get3A_2377 = arith.constant 10 : i32
      %get3A_2378 = arith.index_cast %get3A_2377 : i32 to index
      %get3A_2379 = arith.constant 224 : index
      %get3A_2380 = tpu.vector_load %arg8[%get3A_2378, %get3A_2379] {strides = array<i32>} : memref<32x256xf32, #tpu.memory_space<vmem>>, vector<16xf32>,
      %max3A_2381 = arith.maximumf %max3A_2376, %get3A_2380 : vector<16xf32>
      %get3A_2382 = arith.constant 11 : i32
      %get3A_2383 = arith.index_cast %get3A_2382 : i32 to index
      %get3A_2384 = arith.constant 224 : index
      %get3A_2385 = tpu.vector_load %arg8[%get3A_2383, %get3A_2384] {strides = array<i32>} : memref<32x256xf32, #tpu.memory_space<vmem>>, vector<16xf32>,
      %max3A_2386 = arith.maximumf %max3A_2381, %get3A_2385 : vector<16xf32>
      %get3A_2387 = arith.constant 12 : i32
      %get3A_2388 = arith.index_cast %get3A_2387 : i32 to index
      %get3A_2389 = arith.constant 224 : index
      %get3A_2390 = tpu.vector_load %arg8[%get3A_2388, %get3A_2389] {strides = array<i32>} : memref<32x256xf32, #tpu.memory_space<vmem>>, vector<16xf32>,
      %max3A_2391 = arith.maximumf %max3A_2386, %get3A_2390 : vector<16xf32>
      %get3A_2392 = arith.constant 13 : i32
      %get3A_2393 = arith.index_cast %get3A_2392 : i32 to index
      %get3A_2394 = arith.constant 224 : index
      %get3A_2395 = tpu.vector_load %arg8[%get3A_2393, %get3A_2394] {strides = array<i32>} : memref<32x256xf32, #tpu.memory_space<vmem>>, vector<16xf32>,
      %max3A_2396 = arith.maximumf %max3A_2391, %get3A_2395 : vector<16xf32>
      %get3A_2397 = arith.constant 14 : i32
      %get3A_2398 = arith.index_cast %get3A_2397 : i32 to index
      %get3A_2399 = arith.constant 224 : index
      %get3A_2400 = tpu.vector_load %arg8[%get3A_2398, %get3A_2399] {strides = array<i32>} : memref<32x256xf32, #tpu.memory_space<vmem>>, vector<16xf32>,
      %max3A_2401 = arith.maximumf %max3A_2396, %get3A_2400 : vector<16xf32>
      %get3A_2402 = arith.constant 15 : i32
      %get3A_2403 = arith.index_cast %get3A_2402 : i32 to index
      %get3A_2404 = arith.constant 224 : index
      %get3A_2405 = tpu.vector_load %arg8[%get3A_2403, %get3A_2404] {strides = array<i32>} : memref<32x256xf32, #tpu.memory_space<vmem>>, vector<16xf32>,
      %max3A_2406 = arith.maximumf %max3A_2401, %get3A_2405 : vector<16xf32>
      %get3A_2407 = arith.constant 16 : i32
      %get3A_2408 = arith.index_cast %get3A_2407 : i32 to index
      %get3A_2409 = arith.constant 224 : index
      %get3A_2410 = tpu.vector_load %arg8[%get3A_2408, %get3A_2409] {strides = array<i32>} : memref<32x256xf32, #tpu.memory_space<vmem>>, vector<16xf32>,
      %max3A_2411 = arith.maximumf %max3A_2406, %get3A_2410 : vector<16xf32>
      %get3A_2412 = arith.constant 17 : i32
      %get3A_2413 = arith.index_cast %get3A_2412 : i32 to index
      %get3A_2414 = arith.constant 224 : index
      %get3A_2415 = tpu.vector_load %arg8[%get3A_2413, %get3A_2414] {strides = array<i32>} : memref<32x256xf32, #tpu.memory_space<vmem>>, vector<16xf32>,
      %max3A_2416 = arith.maximumf %max3A_2411, %get3A_2415 : vector<16xf32>
      %get3A_2417 = arith.constant 18 : i32
      %get3A_2418 = arith.index_cast %get3A_2417 : i32 to index
      %get3A_2419 = arith.constant 224 : index
      %get3A_2420 = tpu.vector_load %arg8[%get3A_2418, %get3A_2419] {strides = array<i32>} : memref<32x256xf32, #tpu.memory_space<vmem>>, vector<16xf32>,
      %max3A_2421 = arith.maximumf %max3A_2416, %get3A_2420 : vector<16xf32>
      %get3A_2422 = arith.constant 19 : i32
      %get3A_2423 = arith.index_cast %get3A_2422 : i32 to index
      %get3A_2424 = arith.constant 224 : index
      %get3A_2425 = tpu.vector_load %arg8[%get3A_2423, %get3A_2424] {strides = array<i32>} : memref<32x256xf32, #tpu.memory_space<vmem>>, vector<16xf32>,
      %max3A_2426 = arith.maximumf %max3A_2421, %get3A_2425 : vector<16xf32>
      %get3A_2427 = arith.constant 20 : i32
      %get3A_2428 = arith.index_cast %get3A_2427 : i32 to index
      %get3A_2429 = arith.constant 224 : index
      %get3A_2430 = tpu.vector_load %arg8[%get3A_2428, %get3A_2429] {strides = array<i32>} : memref<32x256xf32, #tpu.memory_space<vmem>>, vector<16xf32>,
      %max3A_2431 = arith.maximumf %max3A_2426, %get3A_2430 : vector<16xf32>
      %get3A_2432 = arith.constant 21 : i32
      %get3A_2433 = arith.index_cast %get3A_2432 : i32 to index
      %get3A_2434 = arith.constant 224 : index
      %get3A_2435 = tpu.vector_load %arg8[%get3A_2433, %get3A_2434] {strides = array<i32>} : memref<32x256xf32, #tpu.memory_space<vmem>>, vector<16xf32>,
      %max3A_2436 = arith.maximumf %max3A_2431, %get3A_2435 : vector<16xf32>
      %get3A_2437 = arith.constant 22 : i32
      %get3A_2438 = arith.index_cast %get3A_2437 : i32 to index
      %get3A_2439 = arith.constant 224 : index
      %get3A_2440 = tpu.vector_load %arg8[%get3A_2438, %get3A_2439] {strides = array<i32>} : memref<32x256xf32, #tpu.memory_space<vmem>>, vector<16xf32>,
      %max3A_2441 = arith.maximumf %max3A_2436, %get3A_2440 : vector<16xf32>
      %get3A_2442 = arith.constant 23 : i32
      %get3A_2443 = arith.index_cast %get3A_2442 : i32 to index
      %get3A_2444 = arith.constant 224 : index
      %get3A_2445 = tpu.vector_load %arg8[%get3A_2443, %get3A_2444] {strides = array<i32>} : memref<32x256xf32, #tpu.memory_space<vmem>>, vector<16xf32>,
      %max3A_2446 = arith.maximumf %max3A_2441, %get3A_2445 : vector<16xf32>
      %get3A_2447 = arith.constant 24 : i32
      %get3A_2448 = arith.index_cast %get3A_2447 : i32 to index
      %get3A_2449 = arith.constant 224 : index
      %get3A_2450 = tpu.vector_load %arg8[%get3A_2448, %get3A_2449] {strides = array<i32>} : memref<32x256xf32, #tpu.memory_space<vmem>>, vector<16xf32>,
      %max3A_2451 = arith.maximumf %max3A_2446, %get3A_2450 : vector<16xf32>
      %get3A_2452 = arith.constant 25 : i32
      %get3A_2453 = arith.index_cast %get3A_2452 : i32 to index
      %get3A_2454 = arith.constant 224 : index
      %get3A_2455 = tpu.vector_load %arg8[%get3A_2453, %get3A_2454] {strides = array<i32>} : memref<32x256xf32, #tpu.memory_space<vmem>>, vector<16xf32>,
      %max3A_2456 = arith.maximumf %max3A_2451, %get3A_2455 : vector<16xf32>
      %get3A_2457 = arith.constant 26 : i32
      %get3A_2458 = arith.index_cast %get3A_2457 : i32 to index
      %get3A_2459 = arith.constant 224 : index
      %get3A_2460 = tpu.vector_load %arg8[%get3A_2458, %get3A_2459] {strides = array<i32>} : memref<32x256xf32, #tpu.memory_space<vmem>>, vector<16xf32>,
      %max3A_2461 = arith.maximumf %max3A_2456, %get3A_2460 : vector<16xf32>
      %get3A_2462 = arith.constant 27 : i32
      %get3A_2463 = arith.index_cast %get3A_2462 : i32 to index
      %get3A_2464 = arith.constant 224 : index
      %get3A_2465 = tpu.vector_load %arg8[%get3A_2463, %get3A_2464] {strides = array<i32>} : memref<32x256xf32, #tpu.memory_space<vmem>>, vector<16xf32>,
      %max3A_2466 = arith.maximumf %max3A_2461, %get3A_2465 : vector<16xf32>
      %get3A_2467 = arith.constant 28 : i32
      %get3A_2468 = arith.index_cast %get3A_2467 : i32 to index
      %get3A_2469 = arith.constant 224 : index
      %get3A_2470 = tpu.vector_load %arg8[%get3A_2468, %get3A_2469] {strides = array<i32>} : memref<32x256xf32, #tpu.memory_space<vmem>>, vector<16xf32>,
      %max3A_2471 = arith.maximumf %max3A_2466, %get3A_2470 : vector<16xf32>
      %get3A_2472 = arith.constant 29 : i32
      %get3A_2473 = arith.index_cast %get3A_2472 : i32 to index
      %get3A_2474 = arith.constant 224 : index
      %get3A_2475 = tpu.vector_load %arg8[%get3A_2473, %get3A_2474] {strides = array<i32>} : memref<32x256xf32, #tpu.memory_space<vmem>>, vector<16xf32>,
      %max3A_2476 = arith.maximumf %max3A_2471, %get3A_2475 : vector<16xf32>
      %get3A_2477 = arith.constant 30 : i32
      %get3A_2478 = arith.index_cast %get3A_2477 : i32 to index
      %get3A_2479 = arith.constant 224 : index
      %get3A_2480 = tpu.vector_load %arg8[%get3A_2478, %get3A_2479] {strides = array<i32>} : memref<32x256xf32, #tpu.memory_space<vmem>>, vector<16xf32>,
      %max3A_2481 = arith.maximumf %max3A_2476, %get3A_2480 : vector<16xf32>
      %get3A_2482 = arith.constant 31 : i32
      %get3A_2483 = arith.index_cast %get3A_2482 : i32 to index
      %get3A_2484 = arith.constant 224 : index
      %get3A_2485 = tpu.vector_load %arg8[%get3A_2483, %get3A_2484] {strides = array<i32>} : memref<32x256xf32, #tpu.memory_space<vmem>>, vector<16xf32>,
      %max3A_2486 = arith.maximumf %max3A_2481, %get3A_2485 : vector<16xf32>
      %swap3A_2487 = arith.constant 224 : index
      %swap3A_2488 = tpu.vector_load %arg9[%swap3A_2487] {strides = array<i32>} : memref<256xf32, #tpu.memory_space<vmem>>, vector<16xf32>,
      tpu.vector_store %arg9[%swap3A_2487], %max3A_2486 {strides = array<i32>} : memref<256xf32, #tpu.memory_space<vmem>>, vector<16xf32>,
      %get3A_2489 = arith.constant 0 : i32
      %get3A_2490 = arith.index_cast %get3A_2489 : i32 to index
      %get3A_2491 = arith.constant 240 : index
      %get3A_2492 = tpu.vector_load %arg8[%get3A_2490, %get3A_2491] {strides = array<i32>} : memref<32x256xf32, #tpu.memory_space<vmem>>, vector<16xf32>,
      %get3A_2493 = arith.constant 1 : i32
      %get3A_2494 = arith.index_cast %get3A_2493 : i32 to index
      %get3A_2495 = arith.constant 240 : index
      %get3A_2496 = tpu.vector_load %arg8[%get3A_2494, %get3A_2495] {strides = array<i32>} : memref<32x256xf32, #tpu.memory_space<vmem>>, vector<16xf32>,
      %max3A_2497 = arith.maximumf %get3A_2492, %get3A_2496 : vector<16xf32>
      %get3A_2498 = arith.constant 2 : i32
      %get3A_2499 = arith.index_cast %get3A_2498 : i32 to index
      %get3A_2500 = arith.constant 240 : index
      %get3A_2501 = tpu.vector_load %arg8[%get3A_2499, %get3A_2500] {strides = array<i32>} : memref<32x256xf32, #tpu.memory_space<vmem>>, vector<16xf32>,
      %max3A_2502 = arith.maximumf %max3A_2497, %get3A_2501 : vector<16xf32>
      %get3A_2503 = arith.constant 3 : i32
      %get3A_2504 = arith.index_cast %get3A_2503 : i32 to index
      %get3A_2505 = arith.constant 240 : index
      %get3A_2506 = tpu.vector_load %arg8[%get3A_2504, %get3A_2505] {strides = array<i32>} : memref<32x256xf32, #tpu.memory_space<vmem>>, vector<16xf32>,
      %max3A_2507 = arith.maximumf %max3A_2502, %get3A_2506 : vector<16xf32>
      %get3A_2508 = arith.constant 4 : i32
      %get3A_2509 = arith.index_cast %get3A_2508 : i32 to index
      %get3A_2510 = arith.constant 240 : index
      %get3A_2511 = tpu.vector_load %arg8[%get3A_2509, %get3A_2510] {strides = array<i32>} : memref<32x256xf32, #tpu.memory_space<vmem>>, vector<16xf32>,
      %max3A_2512 = arith.maximumf %max3A_2507, %get3A_2511 : vector<16xf32>
      %get3A_2513 = arith.constant 5 : i32
      %get3A_2514 = arith.index_cast %get3A_2513 : i32 to index
      %get3A_2515 = arith.constant 240 : index
      %get3A_2516 = tpu.vector_load %arg8[%get3A_2514, %get3A_2515] {strides = array<i32>} : memref<32x256xf32, #tpu.memory_space<vmem>>, vector<16xf32>,
      %max3A_2517 = arith.maximumf %max3A_2512, %get3A_2516 : vector<16xf32>
      %get3A_2518 = arith.constant 6 : i32
      %get3A_2519 = arith.index_cast %get3A_2518 : i32 to index
      %get3A_2520 = arith.constant 240 : index
      %get3A_2521 = tpu.vector_load %arg8[%get3A_2519, %get3A_2520] {strides = array<i32>} : memref<32x256xf32, #tpu.memory_space<vmem>>, vector<16xf32>,
      %max3A_2522 = arith.maximumf %max3A_2517, %get3A_2521 : vector<16xf32>
      %get3A_2523 = arith.constant 7 : i32
      %get3A_2524 = arith.index_cast %get3A_2523 : i32 to index
      %get3A_2525 = arith.constant 240 : index
      %get3A_2526 = tpu.vector_load %arg8[%get3A_2524, %get3A_2525] {strides = array<i32>} : memref<32x256xf32, #tpu.memory_space<vmem>>, vector<16xf32>,
      %max3A_2527 = arith.maximumf %max3A_2522, %get3A_2526 : vector<16xf32>
      %get3A_2528 = arith.constant 8 : i32
      %get3A_2529 = arith.index_cast %get3A_2528 : i32 to index
      %get3A_2530 = arith.constant 240 : index
      %get3A_2531 = tpu.vector_load %arg8[%get3A_2529, %get3A_2530] {strides = array<i32>} : memref<32x256xf32, #tpu.memory_space<vmem>>, vector<16xf32>,
      %max3A_2532 = arith.maximumf %max3A_2527, %get3A_2531 : vector<16xf32>
      %get3A_2533 = arith.constant 9 : i32
      %get3A_2534 = arith.index_cast %get3A_2533 : i32 to index
      %get3A_2535 = arith.constant 240 : index
      %get3A_2536 = tpu.vector_load %arg8[%get3A_2534, %get3A_2535] {strides = array<i32>} : memref<32x256xf32, #tpu.memory_space<vmem>>, vector<16xf32>,
      %max3A_2537 = arith.maximumf %max3A_2532, %get3A_2536 : vector<16xf32>
      %get3A_2538 = arith.constant 10 : i32
      %get3A_2539 = arith.index_cast %get3A_2538 : i32 to index
      %get3A_2540 = arith.constant 240 : index
      %get3A_2541 = tpu.vector_load %arg8[%get3A_2539, %get3A_2540] {strides = array<i32>} : memref<32x256xf32, #tpu.memory_space<vmem>>, vector<16xf32>,
      %max3A_2542 = arith.maximumf %max3A_2537, %get3A_2541 : vector<16xf32>
      %get3A_2543 = arith.constant 11 : i32
      %get3A_2544 = arith.index_cast %get3A_2543 : i32 to index
      %get3A_2545 = arith.constant 240 : index
      %get3A_2546 = tpu.vector_load %arg8[%get3A_2544, %get3A_2545] {strides = array<i32>} : memref<32x256xf32, #tpu.memory_space<vmem>>, vector<16xf32>,
      %max3A_2547 = arith.maximumf %max3A_2542, %get3A_2546 : vector<16xf32>
      %get3A_2548 = arith.constant 12 : i32
      %get3A_2549 = arith.index_cast %get3A_2548 : i32 to index
      %get3A_2550 = arith.constant 240 : index
      %get3A_2551 = tpu.vector_load %arg8[%get3A_2549, %get3A_2550] {strides = array<i32>} : memref<32x256xf32, #tpu.memory_space<vmem>>, vector<16xf32>,
      %max3A_2552 = arith.maximumf %max3A_2547, %get3A_2551 : vector<16xf32>
      %get3A_2553 = arith.constant 13 : i32
      %get3A_2554 = arith.index_cast %get3A_2553 : i32 to index
      %get3A_2555 = arith.constant 240 : index
      %get3A_2556 = tpu.vector_load %arg8[%get3A_2554, %get3A_2555] {strides = array<i32>} : memref<32x256xf32, #tpu.memory_space<vmem>>, vector<16xf32>,
      %max3A_2557 = arith.maximumf %max3A_2552, %get3A_2556 : vector<16xf32>
      %get3A_2558 = arith.constant 14 : i32
      %get3A_2559 = arith.index_cast %get3A_2558 : i32 to index
      %get3A_2560 = arith.constant 240 : index
      %get3A_2561 = tpu.vector_load %arg8[%get3A_2559, %get3A_2560] {strides = array<i32>} : memref<32x256xf32, #tpu.memory_space<vmem>>, vector<16xf32>,
      %max3A_2562 = arith.maximumf %max3A_2557, %get3A_2561 : vector<16xf32>
      %get3A_2563 = arith.constant 15 : i32
      %get3A_2564 = arith.index_cast %get3A_2563 : i32 to index
      %get3A_2565 = arith.constant 240 : index
      %get3A_2566 = tpu.vector_load %arg8[%get3A_2564, %get3A_2565] {strides = array<i32>} : memref<32x256xf32, #tpu.memory_space<vmem>>, vector<16xf32>,
      %max3A_2567 = arith.maximumf %max3A_2562, %get3A_2566 : vector<16xf32>
      %get3A_2568 = arith.constant 16 : i32
      %get3A_2569 = arith.index_cast %get3A_2568 : i32 to index
      %get3A_2570 = arith.constant 240 : index
      %get3A_2571 = tpu.vector_load %arg8[%get3A_2569, %get3A_2570] {strides = array<i32>} : memref<32x256xf32, #tpu.memory_space<vmem>>, vector<16xf32>,
      %max3A_2572 = arith.maximumf %max3A_2567, %get3A_2571 : vector<16xf32>
      %get3A_2573 = arith.constant 17 : i32
      %get3A_2574 = arith.index_cast %get3A_2573 : i32 to index
      %get3A_2575 = arith.constant 240 : index
      %get3A_2576 = tpu.vector_load %arg8[%get3A_2574, %get3A_2575] {strides = array<i32>} : memref<32x256xf32, #tpu.memory_space<vmem>>, vector<16xf32>,
      %max3A_2577 = arith.maximumf %max3A_2572, %get3A_2576 : vector<16xf32>
      %get3A_2578 = arith.constant 18 : i32
      %get3A_2579 = arith.index_cast %get3A_2578 : i32 to index
      %get3A_2580 = arith.constant 240 : index
      %get3A_2581 = tpu.vector_load %arg8[%get3A_2579, %get3A_2580] {strides = array<i32>} : memref<32x256xf32, #tpu.memory_space<vmem>>, vector<16xf32>,
      %max3A_2582 = arith.maximumf %max3A_2577, %get3A_2581 : vector<16xf32>
      %get3A_2583 = arith.constant 19 : i32
      %get3A_2584 = arith.index_cast %get3A_2583 : i32 to index
      %get3A_2585 = arith.constant 240 : index
      %get3A_2586 = tpu.vector_load %arg8[%get3A_2584, %get3A_2585] {strides = array<i32>} : memref<32x256xf32, #tpu.memory_space<vmem>>, vector<16xf32>,
      %max3A_2587 = arith.maximumf %max3A_2582, %get3A_2586 : vector<16xf32>
      %get3A_2588 = arith.constant 20 : i32
      %get3A_2589 = arith.index_cast %get3A_2588 : i32 to index
      %get3A_2590 = arith.constant 240 : index
      %get3A_2591 = tpu.vector_load %arg8[%get3A_2589, %get3A_2590] {strides = array<i32>} : memref<32x256xf32, #tpu.memory_space<vmem>>, vector<16xf32>,
      %max3A_2592 = arith.maximumf %max3A_2587, %get3A_2591 : vector<16xf32>
      %get3A_2593 = arith.constant 21 : i32
      %get3A_2594 = arith.index_cast %get3A_2593 : i32 to index
      %get3A_2595 = arith.constant 240 : index
      %get3A_2596 = tpu.vector_load %arg8[%get3A_2594, %get3A_2595] {strides = array<i32>} : memref<32x256xf32, #tpu.memory_space<vmem>>, vector<16xf32>,
      %max3A_2597 = arith.maximumf %max3A_2592, %get3A_2596 : vector<16xf32>
      %get3A_2598 = arith.constant 22 : i32
      %get3A_2599 = arith.index_cast %get3A_2598 : i32 to index
      %get3A_2600 = arith.constant 240 : index
      %get3A_2601 = tpu.vector_load %arg8[%get3A_2599, %get3A_2600] {strides = array<i32>} : memref<32x256xf32, #tpu.memory_space<vmem>>, vector<16xf32>,
      %max3A_2602 = arith.maximumf %max3A_2597, %get3A_2601 : vector<16xf32>
      %get3A_2603 = arith.constant 23 : i32
      %get3A_2604 = arith.index_cast %get3A_2603 : i32 to index
      %get3A_2605 = arith.constant 240 : index
      %get3A_2606 = tpu.vector_load %arg8[%get3A_2604, %get3A_2605] {strides = array<i32>} : memref<32x256xf32, #tpu.memory_space<vmem>>, vector<16xf32>,
      %max3A_2607 = arith.maximumf %max3A_2602, %get3A_2606 : vector<16xf32>
      %get3A_2608 = arith.constant 24 : i32
      %get3A_2609 = arith.index_cast %get3A_2608 : i32 to index
      %get3A_2610 = arith.constant 240 : index
      %get3A_2611 = tpu.vector_load %arg8[%get3A_2609, %get3A_2610] {strides = array<i32>} : memref<32x256xf32, #tpu.memory_space<vmem>>, vector<16xf32>,
      %max3A_2612 = arith.maximumf %max3A_2607, %get3A_2611 : vector<16xf32>
      %get3A_2613 = arith.constant 25 : i32
      %get3A_2614 = arith.index_cast %get3A_2613 : i32 to index
      %get3A_2615 = arith.constant 240 : index
      %get3A_2616 = tpu.vector_load %arg8[%get3A_2614, %get3A_2615] {strides = array<i32>} : memref<32x256xf32, #tpu.memory_space<vmem>>, vector<16xf32>,
      %max3A_2617 = arith.maximumf %max3A_2612, %get3A_2616 : vector<16xf32>
      %get3A_2618 = arith.constant 26 : i32
      %get3A_2619 = arith.index_cast %get3A_2618 : i32 to index
      %get3A_2620 = arith.constant 240 : index
      %get3A_2621 = tpu.vector_load %arg8[%get3A_2619, %get3A_2620] {strides = array<i32>} : memref<32x256xf32, #tpu.memory_space<vmem>>, vector<16xf32>,
      %max3A_2622 = arith.maximumf %max3A_2617, %get3A_2621 : vector<16xf32>
      %get3A_2623 = arith.constant 27 : i32
      %get3A_2624 = arith.index_cast %get3A_2623 : i32 to index
      %get3A_2625 = arith.constant 240 : index
      %get3A_2626 = tpu.vector_load %arg8[%get3A_2624, %get3A_2625] {strides = array<i32>} : memref<32x256xf32, #tpu.memory_space<vmem>>, vector<16xf32>,
      %max3A_2627 = arith.maximumf %max3A_2622, %get3A_2626 : vector<16xf32>
      %get3A_2628 = arith.constant 28 : i32
      %get3A_2629 = arith.index_cast %get3A_2628 : i32 to index
      %get3A_2630 = arith.constant 240 : index
      %get3A_2631 = tpu.vector_load %arg8[%get3A_2629, %get3A_2630] {strides = array<i32>} : memref<32x256xf32, #tpu.memory_space<vmem>>, vector<16xf32>,
      %max3A_2632 = arith.maximumf %max3A_2627, %get3A_2631 : vector<16xf32>
      %get3A_2633 = arith.constant 29 : i32
      %get3A_2634 = arith.index_cast %get3A_2633 : i32 to index
      %get3A_2635 = arith.constant 240 : index
      %get3A_2636 = tpu.vector_load %arg8[%get3A_2634, %get3A_2635] {strides = array<i32>} : memref<32x256xf32, #tpu.memory_space<vmem>>, vector<16xf32>,
      %max3A_2637 = arith.maximumf %max3A_2632, %get3A_2636 : vector<16xf32>
      %get3A_2638 = arith.constant 30 : i32
      %get3A_2639 = arith.index_cast %get3A_2638 : i32 to index
      %get3A_2640 = arith.constant 240 : index
      %get3A_2641 = tpu.vector_load %arg8[%get3A_2639, %get3A_2640] {strides = array<i32>} : memref<32x256xf32, #tpu.memory_space<vmem>>, vector<16xf32>,
      %max3A_2642 = arith.maximumf %max3A_2637, %get3A_2641 : vector<16xf32>
      %get3A_2643 = arith.constant 31 : i32
      %get3A_2644 = arith.index_cast %get3A_2643 : i32 to index
      %get3A_2645 = arith.constant 240 : index
      %get3A_2646 = tpu.vector_load %arg8[%get3A_2644, %get3A_2645] {strides = array<i32>} : memref<32x256xf32, #tpu.memory_space<vmem>>, vector<16xf32>,
      %max3A_2647 = arith.maximumf %max3A_2642, %get3A_2646 : vector<16xf32>
      %swap3A_2648 = arith.constant 240 : index
      %swap3A_2649 = tpu.vector_load %arg9[%swap3A_2648] {strides = array<i32>} : memref<256xf32, #tpu.memory_space<vmem>>, vector<16xf32>,
      tpu.vector_store %arg9[%swap3A_2648], %max3A_2647 {strides = array<i32>} : memref<256xf32, #tpu.memory_space<vmem>>, vector<16xf32>,
      "tpu.region"() ({
        %run_scoped3A = tpu.sem_alloc : memref<!tpu.dma_semaphore, #tpu.memory_space<semaphore_mem>>
        %dma_start3A_2651 = arith.constant 0 : i32
        %dma_start3A_2652 = tpu.memref_slice %arg5[%add3A_32, %dma_start3A_2651] : memref<2048x256xf32, #tpu.memory_space<hbm>> -> memref<1x256xf32, #tpu.memory_space<hbm>>
        %dma_start3A_2653 = tpu.memref_squeeze %dma_start3A_2652 : memref<1x256xf32, #tpu.memory_space<hbm>> -> memref<256xf32, #tpu.memory_space<hbm>>
        %dma_start3A_2654 = arith.constant 0 : i32
        %dma_start3A_2655 = tpu.memref_slice %arg5[%add3A_32, %dma_start3A_2654] : memref<2048x256xf32, #tpu.memory_space<hbm>> -> memref<1x256xf32, #tpu.memory_space<hbm>>
        %dma_start3A_2656 = tpu.memref_squeeze %dma_start3A_2655 : memref<1x256xf32, #tpu.memory_space<hbm>> -> memref<256xf32, #tpu.memory_space<hbm>>
        tpu.enqueue_dma source(%arg9 : memref<256xf32, #tpu.memory_space<vmem>>) target(%dma_start3A_2656 : memref<256xf32, #tpu.memory_space<hbm>>) target_semaphore(%run_scoped3A : memref<!tpu.dma_semaphore, #tpu.memory_space<semaphore_mem>>)
        %dma_wait3A_2657 = arith.constant 0 : i32
        %dma_wait3A_2658 = tpu.memref_slice %arg5[%add3A_32, %dma_wait3A_2657] : memref<2048x256xf32, #tpu.memory_space<hbm>> -> memref<1x256xf32, #tpu.memory_space<hbm>>
        %dma_wait3A_2659 = tpu.memref_squeeze %dma_wait3A_2658 : memref<1x256xf32, #tpu.memory_space<hbm>> -> memref<256xf32, #tpu.memory_space<hbm>>
        %dma_wait3A_2660 = arith.constant 0 : i32
        %dma_wait3A_2661 = tpu.memref_slice %arg5[%add3A_32, %dma_wait3A_2660] : memref<2048x256xf32, #tpu.memory_space<hbm>> -> memref<1x256xf32, #tpu.memory_space<hbm>>
        %dma_wait3A_2662 = tpu.memref_squeeze %dma_wait3A_2661 : memref<1x256xf32, #tpu.memory_space<hbm>> -> memref<256xf32, #tpu.memory_space<hbm>>
        tpu.wait_dma2 semaphore(%run_scoped3A : memref<!tpu.dma_semaphore, #tpu.memory_space<semaphore_mem>>) src(%arg9 : memref<256xf32, #tpu.memory_space<vmem>>) dst(%dma_wait3A_2662 : memref<256xf32, #tpu.memory_space<hbm>>)
        tpu.yield
      }) : () -> ()
      %scan3A_2650 = arith.constant 0 : i32
      scf.yield %scan3A_2650 : i32
    }
    %scan3A_27 = arith.constant 64 : i32
    return
  }
}

module attributes {stable_mosaic.version = 14 : i64} {
  func.func @_fps_body(%arg0: memref<4x3x8x512xf32, #tpu.memory_space<vmem>>, %arg1: memref<4x3x4096xf32, #tpu.memory_space<smem>>, %arg2: memref<4x3x512xf32, #tpu.memory_space<smem>>) attributes {dimension_semantics = [], scalar_prefetch = 0 : i64, scratch_operands = 0 : i64, tpu.core_type = #tpu.core_type<tc>} {
    %broadcast_in_dim3A = arith.constant 1.000000e+10 : f32
    %broadcast_in_dim3A_0 = vector.broadcast %broadcast_in_dim3A : f32 to vector<8x512xf32>
    %scan3A = arith.constant 0 : i32
    %scan3A_1 = arith.constant 0 : i32
    %scan3A_2 = arith.constant 0 : i32
    %scan3A_3 = arith.constant 0 : i32
    %scan3A_4 = arith.constant 0 : i32
    %scan3A_5 = arith.constant 512 : i32
    %scan3A_6 = arith.addi %scan3A_4, %scan3A_5 : i32
    %scan3A_7 = arith.constant 1 : i32
    %scan3A_8:8 = scf.for %scan3A_10 = %scan3A_4 to %scan3A_6 step %scan3A_7 iter_args(%scan3A_11 = %broadcast_in_dim3A_0, %scan3A_12 = %broadcast_in_dim3A_0, %scan3A_13 = %broadcast_in_dim3A_0, %scan3A_14 = %broadcast_in_dim3A_0, %scan3A_15 = %scan3A, %scan3A_16 = %scan3A_1, %scan3A_17 = %scan3A_2, %scan3A_18 = %scan3A_3) -> (vector<8x512xf32>, vector<8x512xf32>, vector<8x512xf32>, vector<8x512xf32>, i32, i32, i32, i32)  : i32 {
      %get3A = arith.constant 0 : index
      %get3A_19 = arith.constant 0 : index
      %get3A_20 = arith.index_cast %scan3A_15 : i32 to index
      %get3A_21 = memref.load %arg1[%get3A, %get3A_19, %get3A_20] : memref<4x3x4096xf32, #tpu.memory_space<smem>>
      %get3A_22 = arith.constant 0 : index
      %get3A_23 = arith.constant 1 : index
      %get3A_24 = arith.index_cast %scan3A_15 : i32 to index
      %get3A_25 = memref.load %arg1[%get3A_22, %get3A_23, %get3A_24] : memref<4x3x4096xf32, #tpu.memory_space<smem>>
      %get3A_26 = arith.constant 0 : index
      %get3A_27 = arith.constant 2 : index
      %get3A_28 = arith.index_cast %scan3A_15 : i32 to index
      %get3A_29 = memref.load %arg1[%get3A_26, %get3A_27, %get3A_28] : memref<4x3x4096xf32, #tpu.memory_space<smem>>
      %swap3A = arith.constant 0 : index
      %swap3A_30 = arith.constant 0 : index
      %swap3A_31 = arith.index_cast %scan3A_10 : i32 to index
      %swap3A_32 = memref.load %arg2[%swap3A, %swap3A_30, %swap3A_31] : memref<4x3x512xf32, #tpu.memory_space<smem>>
      memref.store %get3A_21, %arg2[%swap3A, %swap3A_30, %swap3A_31] : memref<4x3x512xf32, #tpu.memory_space<smem>>
      %swap3A_33 = arith.constant 0 : index
      %swap3A_34 = arith.constant 1 : index
      %swap3A_35 = arith.index_cast %scan3A_10 : i32 to index
      %swap3A_36 = memref.load %arg2[%swap3A_33, %swap3A_34, %swap3A_35] : memref<4x3x512xf32, #tpu.memory_space<smem>>
      memref.store %get3A_25, %arg2[%swap3A_33, %swap3A_34, %swap3A_35] : memref<4x3x512xf32, #tpu.memory_space<smem>>
      %swap3A_37 = arith.constant 0 : index
      %swap3A_38 = arith.constant 2 : index
      %swap3A_39 = arith.index_cast %scan3A_10 : i32 to index
      %swap3A_40 = memref.load %arg2[%swap3A_37, %swap3A_38, %swap3A_39] : memref<4x3x512xf32, #tpu.memory_space<smem>>
      memref.store %get3A_29, %arg2[%swap3A_37, %swap3A_38, %swap3A_39] : memref<4x3x512xf32, #tpu.memory_space<smem>>
      %get3A_41 = arith.constant 0 : index
      %get3A_42 = arith.constant 0 : index
      %get3A_43 = arith.constant 0 : index
      %get3A_44 = arith.constant 0 : index
      %get3A_45 = vector.load %arg0[%get3A_41, %get3A_42, %get3A_43, %get3A_44] : memref<4x3x8x512xf32, #tpu.memory_space<vmem>>, vector<1x1x8x512xf32>
      %get3A_46 = vector.shape_cast %get3A_45 : vector<1x1x8x512xf32> to vector<8x512xf32>
      %get3A_47 = arith.constant 0 : index
      %get3A_48 = arith.constant 1 : index
      %get3A_49 = arith.constant 0 : index
      %get3A_50 = arith.constant 0 : index
      %get3A_51 = vector.load %arg0[%get3A_47, %get3A_48, %get3A_49, %get3A_50] : memref<4x3x8x512xf32, #tpu.memory_space<vmem>>, vector<1x1x8x512xf32>
      %get3A_52 = vector.shape_cast %get3A_51 : vector<1x1x8x512xf32> to vector<8x512xf32>
      %get3A_53 = arith.constant 0 : index
      %get3A_54 = arith.constant 2 : index
      %get3A_55 = arith.constant 0 : index
      %get3A_56 = arith.constant 0 : index
      %get3A_57 = vector.load %arg0[%get3A_53, %get3A_54, %get3A_55, %get3A_56] : memref<4x3x8x512xf32, #tpu.memory_space<vmem>>, vector<1x1x8x512xf32>
      %get3A_58 = vector.shape_cast %get3A_57 : vector<1x1x8x512xf32> to vector<8x512xf32>
      %sub3A = vector.broadcast %get3A_21 : f32 to vector<8x512xf32>
      %sub3A_59 = arith.subf %get3A_46, %sub3A : vector<8x512xf32>
      %integer_pow3A = arith.mulf %sub3A_59, %sub3A_59 : vector<8x512xf32>
      %sub3A_60 = vector.broadcast %get3A_25 : f32 to vector<8x512xf32>
      %sub3A_61 = arith.subf %get3A_52, %sub3A_60 : vector<8x512xf32>
      %integer_pow3A_62 = arith.mulf %sub3A_61, %sub3A_61 : vector<8x512xf32>
      %add3A = arith.addf %integer_pow3A, %integer_pow3A_62 : vector<8x512xf32>
      %sub3A_63 = vector.broadcast %get3A_29 : f32 to vector<8x512xf32>
      %sub3A_64 = arith.subf %get3A_58, %sub3A_63 : vector<8x512xf32>
      %integer_pow3A_65 = arith.mulf %sub3A_64, %sub3A_64 : vector<8x512xf32>
      %add3A_66 = arith.addf %add3A, %integer_pow3A_65 : vector<8x512xf32>
      %min3A = arith.minimumf %scan3A_11, %add3A_66 : vector<8x512xf32>
      %reshape3A = vector.shape_cast %min3A : vector<8x512xf32> to vector<4096xf32>
      %argmax3A = vector.shape_cast %reshape3A : vector<4096xf32> to vector<1x4096xf32>
      %argmax3A_67 = tpu.reduce_index %argmax3A {axis = 1 : i32, kind = #tpu.reduction_kind<arg_max>} : vector<1x4096xf32> -> vector<1xi32>
      %argmax3A_68 = vector.extract %argmax3A_67[0] : i32 from vector<1xi32>
      %get3A_69 = arith.constant 1 : index
      %get3A_70 = arith.constant 0 : index
      %get3A_71 = arith.index_cast %scan3A_16 : i32 to index
      %get3A_72 = memref.load %arg1[%get3A_69, %get3A_70, %get3A_71] : memref<4x3x4096xf32, #tpu.memory_space<smem>>
      %get3A_73 = arith.constant 1 : index
      %get3A_74 = arith.constant 1 : index
      %get3A_75 = arith.index_cast %scan3A_16 : i32 to index
      %get3A_76 = memref.load %arg1[%get3A_73, %get3A_74, %get3A_75] : memref<4x3x4096xf32, #tpu.memory_space<smem>>
      %get3A_77 = arith.constant 1 : index
      %get3A_78 = arith.constant 2 : index
      %get3A_79 = arith.index_cast %scan3A_16 : i32 to index
      %get3A_80 = memref.load %arg1[%get3A_77, %get3A_78, %get3A_79] : memref<4x3x4096xf32, #tpu.memory_space<smem>>
      %swap3A_81 = arith.constant 1 : index
      %swap3A_82 = arith.constant 0 : index
      %swap3A_83 = arith.index_cast %scan3A_10 : i32 to index
      %swap3A_84 = memref.load %arg2[%swap3A_81, %swap3A_82, %swap3A_83] : memref<4x3x512xf32, #tpu.memory_space<smem>>
      memref.store %get3A_72, %arg2[%swap3A_81, %swap3A_82, %swap3A_83] : memref<4x3x512xf32, #tpu.memory_space<smem>>
      %swap3A_85 = arith.constant 1 : index
      %swap3A_86 = arith.constant 1 : index
      %swap3A_87 = arith.index_cast %scan3A_10 : i32 to index
      %swap3A_88 = memref.load %arg2[%swap3A_85, %swap3A_86, %swap3A_87] : memref<4x3x512xf32, #tpu.memory_space<smem>>
      memref.store %get3A_76, %arg2[%swap3A_85, %swap3A_86, %swap3A_87] : memref<4x3x512xf32, #tpu.memory_space<smem>>
      %swap3A_89 = arith.constant 1 : index
      %swap3A_90 = arith.constant 2 : index
      %swap3A_91 = arith.index_cast %scan3A_10 : i32 to index
      %swap3A_92 = memref.load %arg2[%swap3A_89, %swap3A_90, %swap3A_91] : memref<4x3x512xf32, #tpu.memory_space<smem>>
      memref.store %get3A_80, %arg2[%swap3A_89, %swap3A_90, %swap3A_91] : memref<4x3x512xf32, #tpu.memory_space<smem>>
      %get3A_93 = arith.constant 1 : index
      %get3A_94 = arith.constant 0 : index
      %get3A_95 = arith.constant 0 : index
      %get3A_96 = arith.constant 0 : index
      %get3A_97 = vector.load %arg0[%get3A_93, %get3A_94, %get3A_95, %get3A_96] : memref<4x3x8x512xf32, #tpu.memory_space<vmem>>, vector<1x1x8x512xf32>
      %get3A_98 = vector.shape_cast %get3A_97 : vector<1x1x8x512xf32> to vector<8x512xf32>
      %get3A_99 = arith.constant 1 : index
      %get3A_100 = arith.constant 1 : index
      %get3A_101 = arith.constant 0 : index
      %get3A_102 = arith.constant 0 : index
      %get3A_103 = vector.load %arg0[%get3A_99, %get3A_100, %get3A_101, %get3A_102] : memref<4x3x8x512xf32, #tpu.memory_space<vmem>>, vector<1x1x8x512xf32>
      %get3A_104 = vector.shape_cast %get3A_103 : vector<1x1x8x512xf32> to vector<8x512xf32>
      %get3A_105 = arith.constant 1 : index
      %get3A_106 = arith.constant 2 : index
      %get3A_107 = arith.constant 0 : index
      %get3A_108 = arith.constant 0 : index
      %get3A_109 = vector.load %arg0[%get3A_105, %get3A_106, %get3A_107, %get3A_108] : memref<4x3x8x512xf32, #tpu.memory_space<vmem>>, vector<1x1x8x512xf32>
      %get3A_110 = vector.shape_cast %get3A_109 : vector<1x1x8x512xf32> to vector<8x512xf32>
      %sub3A_111 = vector.broadcast %get3A_72 : f32 to vector<8x512xf32>
      %sub3A_112 = arith.subf %get3A_98, %sub3A_111 : vector<8x512xf32>
      %integer_pow3A_113 = arith.mulf %sub3A_112, %sub3A_112 : vector<8x512xf32>
      %sub3A_114 = vector.broadcast %get3A_76 : f32 to vector<8x512xf32>
      %sub3A_115 = arith.subf %get3A_104, %sub3A_114 : vector<8x512xf32>
      %integer_pow3A_116 = arith.mulf %sub3A_115, %sub3A_115 : vector<8x512xf32>
      %add3A_117 = arith.addf %integer_pow3A_113, %integer_pow3A_116 : vector<8x512xf32>
      %sub3A_118 = vector.broadcast %get3A_80 : f32 to vector<8x512xf32>
      %sub3A_119 = arith.subf %get3A_110, %sub3A_118 : vector<8x512xf32>
      %integer_pow3A_120 = arith.mulf %sub3A_119, %sub3A_119 : vector<8x512xf32>
      %add3A_121 = arith.addf %add3A_117, %integer_pow3A_120 : vector<8x512xf32>
      %min3A_122 = arith.minimumf %scan3A_12, %add3A_121 : vector<8x512xf32>
      %reshape3A_123 = vector.shape_cast %min3A_122 : vector<8x512xf32> to vector<4096xf32>
      %argmax3A_124 = vector.shape_cast %reshape3A_123 : vector<4096xf32> to vector<1x4096xf32>
      %argmax3A_125 = tpu.reduce_index %argmax3A_124 {axis = 1 : i32, kind = #tpu.reduction_kind<arg_max>} : vector<1x4096xf32> -> vector<1xi32>
      %argmax3A_126 = vector.extract %argmax3A_125[0] : i32 from vector<1xi32>
      %get3A_127 = arith.constant 2 : index
      %get3A_128 = arith.constant 0 : index
      %get3A_129 = arith.index_cast %scan3A_17 : i32 to index
      %get3A_130 = memref.load %arg1[%get3A_127, %get3A_128, %get3A_129] : memref<4x3x4096xf32, #tpu.memory_space<smem>>
      %get3A_131 = arith.constant 2 : index
      %get3A_132 = arith.constant 1 : index
      %get3A_133 = arith.index_cast %scan3A_17 : i32 to index
      %get3A_134 = memref.load %arg1[%get3A_131, %get3A_132, %get3A_133] : memref<4x3x4096xf32, #tpu.memory_space<smem>>
      %get3A_135 = arith.constant 2 : index
      %get3A_136 = arith.constant 2 : index
      %get3A_137 = arith.index_cast %scan3A_17 : i32 to index
      %get3A_138 = memref.load %arg1[%get3A_135, %get3A_136, %get3A_137] : memref<4x3x4096xf32, #tpu.memory_space<smem>>
      %swap3A_139 = arith.constant 2 : index
      %swap3A_140 = arith.constant 0 : index
      %swap3A_141 = arith.index_cast %scan3A_10 : i32 to index
      %swap3A_142 = memref.load %arg2[%swap3A_139, %swap3A_140, %swap3A_141] : memref<4x3x512xf32, #tpu.memory_space<smem>>
      memref.store %get3A_130, %arg2[%swap3A_139, %swap3A_140, %swap3A_141] : memref<4x3x512xf32, #tpu.memory_space<smem>>
      %swap3A_143 = arith.constant 2 : index
      %swap3A_144 = arith.constant 1 : index
      %swap3A_145 = arith.index_cast %scan3A_10 : i32 to index
      %swap3A_146 = memref.load %arg2[%swap3A_143, %swap3A_144, %swap3A_145] : memref<4x3x512xf32, #tpu.memory_space<smem>>
      memref.store %get3A_134, %arg2[%swap3A_143, %swap3A_144, %swap3A_145] : memref<4x3x512xf32, #tpu.memory_space<smem>>
      %swap3A_147 = arith.constant 2 : index
      %swap3A_148 = arith.constant 2 : index
      %swap3A_149 = arith.index_cast %scan3A_10 : i32 to index
      %swap3A_150 = memref.load %arg2[%swap3A_147, %swap3A_148, %swap3A_149] : memref<4x3x512xf32, #tpu.memory_space<smem>>
      memref.store %get3A_138, %arg2[%swap3A_147, %swap3A_148, %swap3A_149] : memref<4x3x512xf32, #tpu.memory_space<smem>>
      %get3A_151 = arith.constant 2 : index
      %get3A_152 = arith.constant 0 : index
      %get3A_153 = arith.constant 0 : index
      %get3A_154 = arith.constant 0 : index
      %get3A_155 = vector.load %arg0[%get3A_151, %get3A_152, %get3A_153, %get3A_154] : memref<4x3x8x512xf32, #tpu.memory_space<vmem>>, vector<1x1x8x512xf32>
      %get3A_156 = vector.shape_cast %get3A_155 : vector<1x1x8x512xf32> to vector<8x512xf32>
      %get3A_157 = arith.constant 2 : index
      %get3A_158 = arith.constant 1 : index
      %get3A_159 = arith.constant 0 : index
      %get3A_160 = arith.constant 0 : index
      %get3A_161 = vector.load %arg0[%get3A_157, %get3A_158, %get3A_159, %get3A_160] : memref<4x3x8x512xf32, #tpu.memory_space<vmem>>, vector<1x1x8x512xf32>
      %get3A_162 = vector.shape_cast %get3A_161 : vector<1x1x8x512xf32> to vector<8x512xf32>
      %get3A_163 = arith.constant 2 : index
      %get3A_164 = arith.constant 2 : index
      %get3A_165 = arith.constant 0 : index
      %get3A_166 = arith.constant 0 : index
      %get3A_167 = vector.load %arg0[%get3A_163, %get3A_164, %get3A_165, %get3A_166] : memref<4x3x8x512xf32, #tpu.memory_space<vmem>>, vector<1x1x8x512xf32>
      %get3A_168 = vector.shape_cast %get3A_167 : vector<1x1x8x512xf32> to vector<8x512xf32>
      %sub3A_169 = vector.broadcast %get3A_130 : f32 to vector<8x512xf32>
      %sub3A_170 = arith.subf %get3A_156, %sub3A_169 : vector<8x512xf32>
      %integer_pow3A_171 = arith.mulf %sub3A_170, %sub3A_170 : vector<8x512xf32>
      %sub3A_172 = vector.broadcast %get3A_134 : f32 to vector<8x512xf32>
      %sub3A_173 = arith.subf %get3A_162, %sub3A_172 : vector<8x512xf32>
      %integer_pow3A_174 = arith.mulf %sub3A_173, %sub3A_173 : vector<8x512xf32>
      %add3A_175 = arith.addf %integer_pow3A_171, %integer_pow3A_174 : vector<8x512xf32>
      %sub3A_176 = vector.broadcast %get3A_138 : f32 to vector<8x512xf32>
      %sub3A_177 = arith.subf %get3A_168, %sub3A_176 : vector<8x512xf32>
      %integer_pow3A_178 = arith.mulf %sub3A_177, %sub3A_177 : vector<8x512xf32>
      %add3A_179 = arith.addf %add3A_175, %integer_pow3A_178 : vector<8x512xf32>
      %min3A_180 = arith.minimumf %scan3A_13, %add3A_179 : vector<8x512xf32>
      %reshape3A_181 = vector.shape_cast %min3A_180 : vector<8x512xf32> to vector<4096xf32>
      %argmax3A_182 = vector.shape_cast %reshape3A_181 : vector<4096xf32> to vector<1x4096xf32>
      %argmax3A_183 = tpu.reduce_index %argmax3A_182 {axis = 1 : i32, kind = #tpu.reduction_kind<arg_max>} : vector<1x4096xf32> -> vector<1xi32>
      %argmax3A_184 = vector.extract %argmax3A_183[0] : i32 from vector<1xi32>
      %get3A_185 = arith.constant 3 : index
      %get3A_186 = arith.constant 0 : index
      %get3A_187 = arith.index_cast %scan3A_18 : i32 to index
      %get3A_188 = memref.load %arg1[%get3A_185, %get3A_186, %get3A_187] : memref<4x3x4096xf32, #tpu.memory_space<smem>>
      %get3A_189 = arith.constant 3 : index
      %get3A_190 = arith.constant 1 : index
      %get3A_191 = arith.index_cast %scan3A_18 : i32 to index
      %get3A_192 = memref.load %arg1[%get3A_189, %get3A_190, %get3A_191] : memref<4x3x4096xf32, #tpu.memory_space<smem>>
      %get3A_193 = arith.constant 3 : index
      %get3A_194 = arith.constant 2 : index
      %get3A_195 = arith.index_cast %scan3A_18 : i32 to index
      %get3A_196 = memref.load %arg1[%get3A_193, %get3A_194, %get3A_195] : memref<4x3x4096xf32, #tpu.memory_space<smem>>
      %swap3A_197 = arith.constant 3 : index
      %swap3A_198 = arith.constant 0 : index
      %swap3A_199 = arith.index_cast %scan3A_10 : i32 to index
      %swap3A_200 = memref.load %arg2[%swap3A_197, %swap3A_198, %swap3A_199] : memref<4x3x512xf32, #tpu.memory_space<smem>>
      memref.store %get3A_188, %arg2[%swap3A_197, %swap3A_198, %swap3A_199] : memref<4x3x512xf32, #tpu.memory_space<smem>>
      %swap3A_201 = arith.constant 3 : index
      %swap3A_202 = arith.constant 1 : index
      %swap3A_203 = arith.index_cast %scan3A_10 : i32 to index
      %swap3A_204 = memref.load %arg2[%swap3A_201, %swap3A_202, %swap3A_203] : memref<4x3x512xf32, #tpu.memory_space<smem>>
      memref.store %get3A_192, %arg2[%swap3A_201, %swap3A_202, %swap3A_203] : memref<4x3x512xf32, #tpu.memory_space<smem>>
      %swap3A_205 = arith.constant 3 : index
      %swap3A_206 = arith.constant 2 : index
      %swap3A_207 = arith.index_cast %scan3A_10 : i32 to index
      %swap3A_208 = memref.load %arg2[%swap3A_205, %swap3A_206, %swap3A_207] : memref<4x3x512xf32, #tpu.memory_space<smem>>
      memref.store %get3A_196, %arg2[%swap3A_205, %swap3A_206, %swap3A_207] : memref<4x3x512xf32, #tpu.memory_space<smem>>
      %get3A_209 = arith.constant 3 : index
      %get3A_210 = arith.constant 0 : index
      %get3A_211 = arith.constant 0 : index
      %get3A_212 = arith.constant 0 : index
      %get3A_213 = vector.load %arg0[%get3A_209, %get3A_210, %get3A_211, %get3A_212] : memref<4x3x8x512xf32, #tpu.memory_space<vmem>>, vector<1x1x8x512xf32>
      %get3A_214 = vector.shape_cast %get3A_213 : vector<1x1x8x512xf32> to vector<8x512xf32>
      %get3A_215 = arith.constant 3 : index
      %get3A_216 = arith.constant 1 : index
      %get3A_217 = arith.constant 0 : index
      %get3A_218 = arith.constant 0 : index
      %get3A_219 = vector.load %arg0[%get3A_215, %get3A_216, %get3A_217, %get3A_218] : memref<4x3x8x512xf32, #tpu.memory_space<vmem>>, vector<1x1x8x512xf32>
      %get3A_220 = vector.shape_cast %get3A_219 : vector<1x1x8x512xf32> to vector<8x512xf32>
      %get3A_221 = arith.constant 3 : index
      %get3A_222 = arith.constant 2 : index
      %get3A_223 = arith.constant 0 : index
      %get3A_224 = arith.constant 0 : index
      %get3A_225 = vector.load %arg0[%get3A_221, %get3A_222, %get3A_223, %get3A_224] : memref<4x3x8x512xf32, #tpu.memory_space<vmem>>, vector<1x1x8x512xf32>
      %get3A_226 = vector.shape_cast %get3A_225 : vector<1x1x8x512xf32> to vector<8x512xf32>
      %sub3A_227 = vector.broadcast %get3A_188 : f32 to vector<8x512xf32>
      %sub3A_228 = arith.subf %get3A_214, %sub3A_227 : vector<8x512xf32>
      %integer_pow3A_229 = arith.mulf %sub3A_228, %sub3A_228 : vector<8x512xf32>
      %sub3A_230 = vector.broadcast %get3A_192 : f32 to vector<8x512xf32>
      %sub3A_231 = arith.subf %get3A_220, %sub3A_230 : vector<8x512xf32>
      %integer_pow3A_232 = arith.mulf %sub3A_231, %sub3A_231 : vector<8x512xf32>
      %add3A_233 = arith.addf %integer_pow3A_229, %integer_pow3A_232 : vector<8x512xf32>
      %sub3A_234 = vector.broadcast %get3A_196 : f32 to vector<8x512xf32>
      %sub3A_235 = arith.subf %get3A_226, %sub3A_234 : vector<8x512xf32>
      %integer_pow3A_236 = arith.mulf %sub3A_235, %sub3A_235 : vector<8x512xf32>
      %add3A_237 = arith.addf %add3A_233, %integer_pow3A_236 : vector<8x512xf32>
      %min3A_238 = arith.minimumf %scan3A_14, %add3A_237 : vector<8x512xf32>
      %reshape3A_239 = vector.shape_cast %min3A_238 : vector<8x512xf32> to vector<4096xf32>
      %argmax3A_240 = vector.shape_cast %reshape3A_239 : vector<4096xf32> to vector<1x4096xf32>
      %argmax3A_241 = tpu.reduce_index %argmax3A_240 {axis = 1 : i32, kind = #tpu.reduction_kind<arg_max>} : vector<1x4096xf32> -> vector<1xi32>
      %argmax3A_242 = vector.extract %argmax3A_241[0] : i32 from vector<1xi32>
      scf.yield %min3A, %min3A_122, %min3A_180, %min3A_238, %argmax3A_68, %argmax3A_126, %argmax3A_184, %argmax3A_242 : vector<8x512xf32>, vector<8x512xf32>, vector<8x512xf32>, vector<8x512xf32>, i32, i32, i32, i32
    }
    %scan3A_9 = arith.constant 512 : i32
    return
  }
}

module attributes {stable_mosaic.version = 14 : i64} {
  func.func @_mask_body(%arg0: i32, %arg1: memref<1x512x3xf32, #tpu.memory_space<vmem>>, %arg2: memref<1x3x4096xf32, #tpu.memory_space<vmem>>, %arg3: memref<1x512x4096xi32, #tpu.memory_space<vmem>>, %arg4: memref<1x1x512xi32, #tpu.memory_space<vmem>>) attributes {dimension_semantics = [#tpu.dimension_semantics<arbitrary>], iteration_bounds = array<i64: 4>, scalar_prefetch = 0 : i64, scratch_operands = 0 : i64, tpu.core_type = #tpu.core_type<tc>, window_params = [{transform_indices = @transform_0, window_bounds = array<i64: 1, 512, 3>}, {transform_indices = @transform_1, window_bounds = array<i64: 1, 3, 4096>}, {transform_indices = @transform_2, window_bounds = array<i64: 1, 512, 4096>}, {transform_indices = @transform_3, window_bounds = array<i64: 1, 1, 512>}]} {
    %get3A = arith.constant 0 : index
    %get3A_0 = arith.constant 0 : index
    %get3A_1 = arith.constant 0 : index
    %get3A_2 = vector.load %arg1[%get3A, %get3A_0, %get3A_1] : memref<1x512x3xf32, #tpu.memory_space<vmem>>, vector<1x512x3xf32>
    %get3A_3 = vector.shape_cast %get3A_2 : vector<1x512x3xf32> to vector<512x3xf32>
    %get3A_4 = arith.constant 0 : index
    %get3A_5 = arith.constant 0 : index
    %get3A_6 = arith.constant 0 : index
    %get3A_7 = vector.load %arg2[%get3A_4, %get3A_5, %get3A_6] : memref<1x3x4096xf32, #tpu.memory_space<vmem>>, vector<1x3x4096xf32>
    %get3A_8 = vector.shape_cast %get3A_7 : vector<1x3x4096xf32> to vector<3x4096xf32>
    %convert_element_type3A = arith.truncf %get3A_3 : vector<512x3xf32> to vector<512x3xbf16>
    %convert_element_type3A_9 = arith.truncf %get3A_8 : vector<3x4096xf32> to vector<3x4096xbf16>
    %dot_general3A = arith.constant dense<0.000000e+00> : vector<512x4096xf32>
    %dot_general3A_10 = tpu.matmul %convert_element_type3A, %convert_element_type3A_9, %dot_general3A {dimension_numbers = #tpu.dot_dimension_numbers<[1], [0], [0], [1], [0, 0, 1, 1], [], []>, transpose_lhs_hint = false} : vector<512x3xbf16>, vector<3x4096xbf16>, vector<512x4096xf32> -> vector<512x4096xf32>
    %mul3A = arith.constant -2.000000e+00 : f32
    %mul3A_11 = vector.broadcast %mul3A : f32 to vector<512x4096xf32>
    %mul3A_12 = arith.mulf %mul3A_11, %dot_general3A_10 : vector<512x4096xf32>
    %mul3A_13 = arith.mulf %get3A_3, %get3A_3 : vector<512x3xf32>
    %reduce_sum3A = arith.constant dense<0.000000e+00> : vector<512xf32>
    %reduce_sum3A_14 = vector.multi_reduction <add>, %mul3A_13, %reduce_sum3A [1] : vector<512x3xf32> to vector<512xf32>
    %broadcast_in_dim3A = vector.shape_cast %reduce_sum3A_14 : vector<512xf32> to vector<512x1xf32>
    %add3A = vector.broadcast %broadcast_in_dim3A : vector<512x1xf32> to vector<512x4096xf32>
    %add3A_15 = arith.addf %mul3A_12, %add3A : vector<512x4096xf32>
    %mul3A_16 = arith.mulf %get3A_8, %get3A_8 : vector<3x4096xf32>
    %reduce_sum3A_17 = arith.constant dense<0.000000e+00> : vector<4096xf32>
    %reduce_sum3A_18 = vector.multi_reduction <add>, %mul3A_16, %reduce_sum3A_17 [0] : vector<3x4096xf32> to vector<4096xf32>
    %broadcast_in_dim3A_19 = vector.shape_cast %reduce_sum3A_18 : vector<4096xf32> to vector<1x4096xf32>
    %add3A_20 = vector.broadcast %broadcast_in_dim3A_19 : vector<1x4096xf32> to vector<512x4096xf32>
    %add3A_21 = arith.addf %add3A_15, %add3A_20 : vector<512x4096xf32>
    %le3A = arith.constant 4.000000e-02 : f32
    %le3A_22 = vector.broadcast %le3A : f32 to vector<512x4096xf32>
    %le3A_23 = arith.cmpf ole, %add3A_21, %le3A_22 : vector<512x4096xf32>
    %convert_element_type3A_24 = arith.extui %le3A_23 : vector<512x4096xi1> to vector<512x4096xi32>
    %swap3A = arith.constant 0 : index
    %swap3A_25 = arith.constant 0 : index
    %swap3A_26 = arith.constant 0 : index
    %swap3A_27 = vector.load %arg3[%swap3A, %swap3A_25, %swap3A_26] : memref<1x512x4096xi32, #tpu.memory_space<vmem>>, vector<1x512x4096xi32>
    %swap3A_28 = vector.shape_cast %swap3A_27 : vector<1x512x4096xi32> to vector<512x4096xi32>
    %swap3A_29 = vector.shape_cast %convert_element_type3A_24 : vector<512x4096xi32> to vector<1x512x4096xi32>
    tpu.vector_store %arg3[%swap3A, %swap3A_25, %swap3A_26], %swap3A_29 {strides = array<i32>} : memref<1x512x4096xi32, #tpu.memory_space<vmem>>, vector<1x512x4096xi32>,
    %broadcast_in_dim3A_30 = arith.constant 0 : i32
    %broadcast_in_dim3A_31 = vector.broadcast %broadcast_in_dim3A_30 : i32 to vector<512x1xi32>
    %slice3A = vector.extract_strided_slice %convert_element_type3A_24 {offsets = [0, 0], sizes = [512, 4095], strides = [1, 1]} : vector<512x4096xi32> to vector<512x4095xi32>
    %concatenate3A = tpu.concatenate %broadcast_in_dim3A_31, %slice3A in 1 : vector<512x1xi32>, vector<512x4095xi32> -> vector<512x4096xi32>
    %add3A_32 = arith.addi %convert_element_type3A_24, %concatenate3A : vector<512x4096xi32>
    %broadcast_in_dim3A_33 = arith.constant 0 : i32
    %broadcast_in_dim3A_34 = vector.broadcast %broadcast_in_dim3A_33 : i32 to vector<512x2xi32>
    %slice3A_35 = vector.extract_strided_slice %add3A_32 {offsets = [0, 0], sizes = [512, 4094], strides = [1, 1]} : vector<512x4096xi32> to vector<512x4094xi32>
    %concatenate3A_36 = tpu.concatenate %broadcast_in_dim3A_34, %slice3A_35 in 1 : vector<512x2xi32>, vector<512x4094xi32> -> vector<512x4096xi32>
    %add3A_37 = arith.addi %add3A_32, %concatenate3A_36 : vector<512x4096xi32>
    %broadcast_in_dim3A_38 = arith.constant 0 : i32
    %broadcast_in_dim3A_39 = vector.broadcast %broadcast_in_dim3A_38 : i32 to vector<512x4xi32>
    %slice3A_40 = vector.extract_strided_slice %add3A_37 {offsets = [0, 0], sizes = [512, 4092], strides = [1, 1]} : vector<512x4096xi32> to vector<512x4092xi32>
    %concatenate3A_41 = tpu.concatenate %broadcast_in_dim3A_39, %slice3A_40 in 1 : vector<512x4xi32>, vector<512x4092xi32> -> vector<512x4096xi32>
    %add3A_42 = arith.addi %add3A_37, %concatenate3A_41 : vector<512x4096xi32>
    %broadcast_in_dim3A_43 = arith.constant 0 : i32
    %broadcast_in_dim3A_44 = vector.broadcast %broadcast_in_dim3A_43 : i32 to vector<512x8xi32>
    %slice3A_45 = vector.extract_strided_slice %add3A_42 {offsets = [0, 0], sizes = [512, 4088], strides = [1, 1]} : vector<512x4096xi32> to vector<512x4088xi32>
    %concatenate3A_46 = tpu.concatenate %broadcast_in_dim3A_44, %slice3A_45 in 1 : vector<512x8xi32>, vector<512x4088xi32> -> vector<512x4096xi32>
    %add3A_47 = arith.addi %add3A_42, %concatenate3A_46 : vector<512x4096xi32>
    %broadcast_in_dim3A_48 = arith.constant 0 : i32
    %broadcast_in_dim3A_49 = vector.broadcast %broadcast_in_dim3A_48 : i32 to vector<512x16xi32>
    %slice3A_50 = vector.extract_strided_slice %add3A_47 {offsets = [0, 0], sizes = [512, 4080], strides = [1, 1]} : vector<512x4096xi32> to vector<512x4080xi32>
    %concatenate3A_51 = tpu.concatenate %broadcast_in_dim3A_49, %slice3A_50 in 1 : vector<512x16xi32>, vector<512x4080xi32> -> vector<512x4096xi32>
    %add3A_52 = arith.addi %add3A_47, %concatenate3A_51 : vector<512x4096xi32>
    %broadcast_in_dim3A_53 = arith.constant 0 : i32
    %broadcast_in_dim3A_54 = vector.broadcast %broadcast_in_dim3A_53 : i32 to vector<512x32xi32>
    %slice3A_55 = vector.extract_strided_slice %add3A_52 {offsets = [0, 0], sizes = [512, 4064], strides = [1, 1]} : vector<512x4096xi32> to vector<512x4064xi32>
    %concatenate3A_56 = tpu.concatenate %broadcast_in_dim3A_54, %slice3A_55 in 1 : vector<512x32xi32>, vector<512x4064xi32> -> vector<512x4096xi32>
    %add3A_57 = arith.addi %add3A_52, %concatenate3A_56 : vector<512x4096xi32>
    %broadcast_in_dim3A_58 = arith.constant 0 : i32
    %broadcast_in_dim3A_59 = vector.broadcast %broadcast_in_dim3A_58 : i32 to vector<512x64xi32>
    %slice3A_60 = vector.extract_strided_slice %add3A_57 {offsets = [0, 0], sizes = [512, 4032], strides = [1, 1]} : vector<512x4096xi32> to vector<512x4032xi32>
    %concatenate3A_61 = tpu.concatenate %broadcast_in_dim3A_59, %slice3A_60 in 1 : vector<512x64xi32>, vector<512x4032xi32> -> vector<512x4096xi32>
    %add3A_62 = arith.addi %add3A_57, %concatenate3A_61 : vector<512x4096xi32>
    %broadcast_in_dim3A_63 = arith.constant 0 : i32
    %broadcast_in_dim3A_64 = vector.broadcast %broadcast_in_dim3A_63 : i32 to vector<512x128xi32>
    %slice3A_65 = vector.extract_strided_slice %add3A_62 {offsets = [0, 0], sizes = [512, 3968], strides = [1, 1]} : vector<512x4096xi32> to vector<512x3968xi32>
    %concatenate3A_66 = tpu.concatenate %broadcast_in_dim3A_64, %slice3A_65 in 1 : vector<512x128xi32>, vector<512x3968xi32> -> vector<512x4096xi32>
    %add3A_67 = arith.addi %add3A_62, %concatenate3A_66 : vector<512x4096xi32>
    %broadcast_in_dim3A_68 = arith.constant 0 : i32
    %broadcast_in_dim3A_69 = vector.broadcast %broadcast_in_dim3A_68 : i32 to vector<512x256xi32>
    %slice3A_70 = vector.extract_strided_slice %add3A_67 {offsets = [0, 0], sizes = [512, 3840], strides = [1, 1]} : vector<512x4096xi32> to vector<512x3840xi32>
    %concatenate3A_71 = tpu.concatenate %broadcast_in_dim3A_69, %slice3A_70 in 1 : vector<512x256xi32>, vector<512x3840xi32> -> vector<512x4096xi32>
    %add3A_72 = arith.addi %add3A_67, %concatenate3A_71 : vector<512x4096xi32>
    %broadcast_in_dim3A_73 = arith.constant 0 : i32
    %broadcast_in_dim3A_74 = vector.broadcast %broadcast_in_dim3A_73 : i32 to vector<512x512xi32>
    %slice3A_75 = vector.extract_strided_slice %add3A_72 {offsets = [0, 0], sizes = [512, 3584], strides = [1, 1]} : vector<512x4096xi32> to vector<512x3584xi32>
    %concatenate3A_76 = tpu.concatenate %broadcast_in_dim3A_74, %slice3A_75 in 1 : vector<512x512xi32>, vector<512x3584xi32> -> vector<512x4096xi32>
    %add3A_77 = arith.addi %add3A_72, %concatenate3A_76 : vector<512x4096xi32>
    %broadcast_in_dim3A_78 = arith.constant 0 : i32
    %broadcast_in_dim3A_79 = vector.broadcast %broadcast_in_dim3A_78 : i32 to vector<512x1024xi32>
    %slice3A_80 = vector.extract_strided_slice %add3A_77 {offsets = [0, 0], sizes = [512, 3072], strides = [1, 1]} : vector<512x4096xi32> to vector<512x3072xi32>
    %concatenate3A_81 = tpu.concatenate %broadcast_in_dim3A_79, %slice3A_80 in 1 : vector<512x1024xi32>, vector<512x3072xi32> -> vector<512x4096xi32>
    %add3A_82 = arith.addi %add3A_77, %concatenate3A_81 : vector<512x4096xi32>
    %broadcast_in_dim3A_83 = arith.constant 0 : i32
    %broadcast_in_dim3A_84 = vector.broadcast %broadcast_in_dim3A_83 : i32 to vector<512x2048xi32>
    %slice3A_85 = vector.extract_strided_slice %add3A_82 {offsets = [0, 0], sizes = [512, 2048], strides = [1, 1]} : vector<512x4096xi32> to vector<512x2048xi32>
    %concatenate3A_86 = tpu.concatenate %broadcast_in_dim3A_84, %slice3A_85 in 1 : vector<512x2048xi32>, vector<512x2048xi32> -> vector<512x4096xi32>
    %add3A_87 = arith.addi %add3A_82, %concatenate3A_86 : vector<512x4096xi32>
    %lt3A = arith.constant 32 : i32
    %lt3A_88 = vector.broadcast %lt3A : i32 to vector<512x4096xi32>
    %lt3A_89 = arith.cmpi slt, %add3A_87, %lt3A_88 : vector<512x4096xi32>
    %convert_element_type3A_90 = arith.extui %lt3A_89 : vector<512x4096xi1> to vector<512x4096xi32>
    %reduce_sum3A_91 = arith.constant dense<0> : vector<512xi32>
    %reduce_sum3A_92 = vector.multi_reduction <add>, %convert_element_type3A_90, %reduce_sum3A_91 [1] : vector<512x4096xi32> to vector<512xi32>
    %jit3A = arith.constant 16 : i32
    %div3A = vector.broadcast %jit3A : i32 to vector<512xi32>
    %div3A_93 = arith.divsi %reduce_sum3A_92, %div3A : vector<512xi32>
    %sign3A = arith.constant 0 : i32
    %sign3A_94 = vector.broadcast %sign3A : i32 to vector<512xi32>
    %sign3A_95 = arith.cmpi sgt, %reduce_sum3A_92, %sign3A_94 : vector<512xi32>
    %sign3A_96 = arith.extui %sign3A_95 : vector<512xi1> to vector<512xi32>
    %sign3A_97 = arith.constant 0 : i32
    %sign3A_98 = vector.broadcast %sign3A_97 : i32 to vector<512xi32>
    %sign3A_99 = arith.cmpi slt, %reduce_sum3A_92, %sign3A_98 : vector<512xi32>
    %sign3A_100 = arith.extui %sign3A_99 : vector<512xi1> to vector<512xi32>
    %sign3A_101 = arith.subi %sign3A_96, %sign3A_100 : vector<512xi32>
    %sign3A_102 = arith.constant 0 : i32
    %sign3A_103 = arith.cmpi sgt, %jit3A, %sign3A_102 : i32
    %sign3A_104 = arith.extui %sign3A_103 : i1 to i32
    %sign3A_105 = arith.constant 0 : i32
    %sign3A_106 = arith.cmpi slt, %jit3A, %sign3A_105 : i32
    %sign3A_107 = arith.extui %sign3A_106 : i1 to i32
    %sign3A_108 = arith.subi %sign3A_104, %sign3A_107 : i32
    %ne3A = vector.broadcast %sign3A_108 : i32 to vector<512xi32>
    %ne3A_109 = arith.cmpi ne, %sign3A_101, %ne3A : vector<512xi32>
    %rem3A = vector.broadcast %jit3A : i32 to vector<512xi32>
    %rem3A_110 = arith.remsi %reduce_sum3A_92, %rem3A : vector<512xi32>
    %ne3A_111 = arith.constant 0 : i32
    %ne3A_112 = vector.broadcast %ne3A_111 : i32 to vector<512xi32>
    %ne3A_113 = arith.cmpi ne, %rem3A_110, %ne3A_112 : vector<512xi32>
    %and3A = arith.andi %ne3A_109, %ne3A_113 : vector<512xi1>
    %sub3A = arith.constant 1 : i32
    %sub3A_114 = vector.broadcast %sub3A : i32 to vector<512xi32>
    %sub3A_115 = arith.subi %div3A_93, %sub3A_114 : vector<512xi32>
    %select_n3A = arith.select %and3A, %sub3A_115, %div3A_93 : vector<512xi1>, vector<512xi32>
    %add3A_116 = arith.constant 1 : i32
    %add3A_117 = vector.broadcast %add3A_116 : i32 to vector<512xi32>
    %add3A_118 = arith.addi %select_n3A, %add3A_117 : vector<512xi32>
    %min3A = arith.constant 256 : i32
    %min3A_119 = vector.broadcast %min3A : i32 to vector<512xi32>
    %min3A_120 = arith.minsi %add3A_118, %min3A_119 : vector<512xi32>
    %reshape3A = vector.shape_cast %min3A_120 : vector<512xi32> to vector<1x512xi32>
    %swap3A_121 = arith.constant 0 : index
    %swap3A_122 = arith.constant 0 : index
    %swap3A_123 = arith.constant 0 : index
    %swap3A_124 = vector.load %arg4[%swap3A_121, %swap3A_122, %swap3A_123] : memref<1x1x512xi32, #tpu.memory_space<vmem>>, vector<1x1x512xi32>
    %swap3A_125 = vector.shape_cast %swap3A_124 : vector<1x1x512xi32> to vector<1x512xi32>
    %swap3A_126 = vector.shape_cast %reshape3A : vector<1x512xi32> to vector<1x1x512xi32>
    tpu.vector_store %arg4[%swap3A_121, %swap3A_122, %swap3A_123], %swap3A_126 {strides = array<i32>} : memref<1x1x512xi32, #tpu.memory_space<vmem>>, vector<1x1x512xi32>,
    return
  }
  func.func @transform_0(%arg0: i32) -> (i32, i32, i32) {
    %c0_i32 = arith.constant 0 : i32
    %c0_i32_0 = arith.constant 0 : i32
    %c0_i32_1 = arith.constant 0 : i32
    return %arg0, %c0_i32, %c0_i32_0 : i32, i32, i32
  }
  func.func @transform_1(%arg0: i32) -> (i32, i32, i32) {
    %c0_i32 = arith.constant 0 : i32
    %c0_i32_0 = arith.constant 0 : i32
    %c0_i32_1 = arith.constant 0 : i32
    return %arg0, %c0_i32, %c0_i32_0 : i32, i32, i32
  }
  func.func @transform_2(%arg0: i32) -> (i32, i32, i32) {
    %c0_i32 = arith.constant 0 : i32
    %c0_i32_0 = arith.constant 0 : i32
    %c0_i32_1 = arith.constant 0 : i32
    return %arg0, %c0_i32, %c0_i32_0 : i32, i32, i32
  }
  func.func @transform_3(%arg0: i32) -> (i32, i32, i32) {
    %c0_i32 = arith.constant 0 : i32
    %c0_i32_0 = arith.constant 0 : i32
    %c0_i32_1 = arith.constant 0 : i32
    return %arg0, %c0_i32, %c0_i32_0 : i32, i32, i32
  }
}

</mosaic_0001>

<sc_bundles>
// kernel: kernel.5.cloned.1.call-start
scs
__scs_entry_jumppad:
0x0: {  	(pc) =	sbr.rel $0x88, $3  }
0x1: {  	(tag) =	ssettag $0x0;
	lr =	simm.s32 $0x1  }
0x2: {  	[smem:$0x3F9F] =	sst lr;
	_ =	strace $0xD0000000  }
0x3: {  	_ = 	snop  }
0x4: {  	_ = 	snop  }
0x5: {  	_ = 	snop  }
0x6: {  	_ = 	snop  }
0x7: {  	_ = 	snop  }
__scs_overlays_trampoline_lowered:
0x8: {  	[smem:$0x3FAE] =	sst s0  }
0x9: {  	[smem:$0x3FAF] =	sst s1  }
0xa: {  	[smem:$0x3FB0] =	sst s2  }
0xb: {  	[smem:$0x3FB1] =	sst s3  }
0xc: {  	[smem:$0x3FB2] =	sst s4  }
0xd: {  	[smem:$0x3FB3] =	sst s5  }
0xe: {  	[smem:$0x3FB4] =	sst s6  }
0xf: {  	[smem:$0x3FB5] =	sst s7  }
0x10: {  	[smem:$0x3FB6] =	sst s8  }
0x11: {  	[smem:$0x3FB7] =	sst s9;
	s0 =	simm.s32 @!p0 $0x0  }
0x12: {  	s1 =	sld [smem:$0x3F9D];
	s0 =	simm.s32 @p0 $0x1  }
0x13: {  	[smem:$0x3FB8] =	sst s0;
	s0 =	simm.s32 @!p1 $0x0  }
0x14: {  	s2 =	sld [smem:$0x3F9C];
	s0 =	simm.s32 @p1 $0x1  }
0x15: {  	[smem:$0x3FB9] =	sst s0;
	s0 =	simm.s32 @!p2 $0x0  }
0x16: {  	s3 =	sld [smem:$0x3FDB];
	s0 =	simm.s32 @p2 $0x1  }
0x17: {  	s4 =	simm.s32 $0x1BF5;
	[smem:$0x3FBB] =	sst s0  }
0x18: {  	s0 =	sld [smem:$0x3F9E];
	_ =	swait.ge [sflag:s4], $0x0  }
0x19: {  	s7 =	sld [smem:$0x3F9F]  }
0x1a: {  	s8 =	sadd.s32 $0xFFFFE003, lr  }
0x1b: {  	s9 =	sadd.s32 $0xFFFFFEF7, lr;
	s5 =	simm.s32 $0xFFFFFFFF;
	p2 =	slt.u32 s8, $0xFFFFF086  }
0x1c: {  	p1 =	slt.u32 s9, $0xF7A;
	s5 =	simm.s32 @!p2 $0x0  }
0x1d: {  	s5 =	simm.s32 @p1 $0x1;
	p0 =	seq.s32 s7, s2  }
0x1e: {  	s7 =	smul.u32 @!p0 $0xF7A, s2;
	p2 =	seq.s32 @!p0 s5, $0x0  }
0x1f: {  	s9 =	smul.u32 $0xF7A, s1;
	s8 =	simm.s32 @!p0 $0x1BF5;
	p2 =	por !p2, p0  }
0x20: {  	[sflag:s8] =	ssyncset.s32 @!p0 $0xFFFFF086;
	s6 =	sadd.s32 @!p0 s3, s7;
	s7 =	simm.s32 @!p0 $0x108  }
0x21: {  	s3 =	sadd.s32 s3, s9;
	s6 =	sadd.s32 @!p0 $0x88, s6;
	s7 =	simm.s32 @p2 $0x1082  }
0x22: {  	[simem:s7], [sflag:s8] =	dma.local @!p0 [hbm:s6], $0xF7A  }
0x23: {  	s9 =	sor.u32 $0xD0000000, s2;
	s6 =	simm.s32 $0x108;
	_ =	swait.ge @!p0 [sflag:s8], $0x0  }
0x24: {  	s3 =	sadd.s32 $0x88, s3;
	s6 =	simm.s32 @!p1 $0x1082;
	[sflag:s4] =	ssyncset.s32 $0xFFFFF086  }
0x25: {  	[simem:s6], [sflag:s4] =	dma.local [hbm:s3], $0xF7A  }
0x26: {  	[smem:$0x3F9F] =	sst s1;
	(tag) =	ssettag s2;
	_ =	strace s9  }
0x27: {  	s1 =	sld [smem:$0x3FAF]  }
0x28: {  	s2 =	sld [smem:$0x3FB0]  }
0x29: {  	s4 =	sld [smem:$0x3FB2]  }
0x2a: {  	p0 =	seq.s32 s5, $0x0;
	s5 =	sld [smem:$0x3FB3]  }
0x2b: {  	s6 =	sld [smem:$0x3FB4]  }
0x2c: {  	s7 =	sld [smem:$0x3FB5]  }
0x2d: {  	s3 =	simm.s32 $0x108;
	s8 =	sld [smem:$0x3FB6]  }
0x2e: {  	s3 =	simm.s32 @!p0 $0x1082;
	s9 =	sld [smem:$0x3FB7]  }
0x2f: {  	lr =	sadd.s32 s0, s3;
	s0 =	sld [smem:$0x3FAE]  }
0x30: {  	s3 =	sld [smem:$0x3FB1]  }
0x31: {  	[smem:$0x3FBA] =	sst s10  }
0x32: {  	s10 =	sld [smem:$0x3FB8];
	_ =	sdelay $0x3  }
0x33: {  	p0 =	seq.s32 s10, $0x1;
	s10 =	sld [smem:$0x3FBA];
	_ =	sdelay $0x3  }
0x34: {  	[smem:$0x3FBA] =	sst s10  }
0x35: {  	s10 =	sld [smem:$0x3FB9];
	_ =	sdelay $0x3  }
0x36: {  	p1 =	seq.s32 s10, $0x1;
	s10 =	sld [smem:$0x3FBA];
	_ =	sdelay $0x3  }
0x37: {  	[smem:$0x3FBA] =	sst s10  }
0x38: {  	s10 =	sld [smem:$0x3FBB]  }
0x39: {  	_ = 	snop;
	(pc) =	sbr.ind lr, $3  }
0x3a: {  	_ = 	snop  }
0x3b: {  	_ = 	snop  }
0x3c: {  	p2 =	seq.s32 s10, $0x1;
	s10 =	sld [smem:$0x3FBA]  }
0x3d: {  	_ =	shalt  }
0x3e: {  	_ =	shalt  }
0x3f: {  	_ =	shalt  }
0x40: {  	_ =	shalt  }
0x41: {  	_ =	shalt  }
0x42: {  	_ =	shalt  }
0x43: {  	_ =	shalt  }
0x44: {  	_ =	shalt  }
0x45: {  	_ =	shalt  }
0x46: {  	_ =	shalt  }
0x47: {  	_ =	shalt  }
0x48: {  	_ =	shalt  }
0x49: {  	_ =	shalt  }
0x4a: {  	_ =	shalt  }
0x4b: {  	_ =	shalt  }
0x4c: {  	_ =	shalt  }
0x4d: {  	_ =	shalt  }
0x4e: {  	_ =	shalt  }
0x4f: {  	_ =	shalt  }
0x50: {  	_ =	shalt  }
0x51: {  	_ =	shalt  }
0x52: {  	_ =	shalt  }
0x53: {  	_ =	shalt  }
0x54: {  	_ =	shalt  }
0x55: {  	_ =	shalt  }
0x56: {  	_ =	shalt  }
0x57: {  	_ =	shalt  }
0x58: {  	_ =	shalt  }
0x59: {  	_ =	shalt  }
0x5a: {  	_ =	shalt  }
0x5b: {  	_ =	shalt  }
0x5c: {  	_ =	shalt  }
0x5d: {  	_ =	shalt  }
0x5e: {  	_ =	shalt  }
0x5f: {  	_ =	shalt  }
0x60: {  	_ =	shalt  }
0x61: {  	_ =	shalt  }
0x62: {  	_ =	shalt  }
0x63: {  	_ =	shalt  }
0x64: {  	_ =	shalt  }
0x65: {  	_ =	shalt  }
0x66: {  	_ =	shalt  }
0x67: {  	_ =	shalt  }
0x68: {  	_ =	shalt  }
0x69: {  	_ =	shalt  }
0x6a: {  	_ =	shalt  }
0x6b: {  	_ =	shalt  }
0x6c: {  	_ =	shalt  }
0x6d: {  	_ =	shalt  }
0x6e: {  	_ =	shalt  }
0x6f: {  	_ =	shalt  }
0x70: {  	_ =	shalt  }
0x71: {  	_ =	shalt  }
0x72: {  	_ =	shalt  }
0x73: {  	_ =	shalt  }
0x74: {  	_ =	shalt  }
0x75: {  	_ =	shalt  }
0x76: {  	_ =	shalt  }
0x77: {  	_ =	shalt  }
0x78: {  	_ =	shalt  }
0x79: {  	_ =	shalt  }
0x7a: {  	_ =	shalt  }
0x7b: {  	_ =	shalt  }
0x7c: {  	_ =	shalt  }
0x7d: {  	_ =	shalt  }
0x7e: {  	_ =	shalt  }
0x7f: {  	_ =	shalt  }
0x80: {  	_ =	shalt  }
0x81: {  	_ =	shalt  }
0x82: {  	_ =	shalt  }
0x83: {  	_ =	shalt  }
0x84: {  	_ =	shalt  }
0x85: {  	_ =	shalt  }
0x86: {  	_ =	shalt  }
0x87: {  	_ =	shalt  }
.Lfunc_end0:
.L_simem_size_0:
called_computation_lowered:
.L_overlay_start_0:
0x88: {  	s2 =	sld [smem:$0x3FD9]  }
0x89: {  	s3 =	sld [smem:$0x3FFE];
	_ =	sdelay $0x1  }
0x8a: {  	s1 =	srdreg.scid  }
0x8b: {  	s0 =	sand.u32 $0x1, s1  }
0x8c: {  	s14 =	sshll.u32 s0, $0xA;
	s2 =	sadd.s32 s3, s2  }
0x8d: {  	s2 =	sadd.s32 s2, s14  }
0x8e: {  	[smem:$0x3FC6] =	sst s2  }
0x8f: {  	_ = 	snop  }
0x90: {  	s2 =	sld [smem:$0x3FD0];
	_ =	sdelay $0x2  }
0x91: {  	s15 =	simm.s32 $0xA;
	s4 =	simm.s32 $0x10  }
0x92: {  	[smem:s4], [sflag:s15] =	dma.local [hbm:s2], $0x1  }
0x93: {  	_ =	swait.eq [sflag:s15], $0x1  }
0x94: {  	[sflag:s15] =	ssyncset.done $0x0  }
0x95: {  	[sflag:s15] =	ssyncadd.s32 $0xFFFFFFFF  }
0x96: {  	s16 =	sld [smem:$0x11];
	(tm) =	ssettm $0x1  }
0x97: {  	s17 =	sld [smem:$0x3FFB];
	_ =	sdelay $0x3  }
0x98: {  	_ =	strace s17  }
0x99: {  	s3 =	sld [smem:$0x3FFC];
	_ =	sdelay $0x3  }
0x9a: {  	_ =	strace s3  }
0x9b: {  	s3 =	sld [smem:$0x3FFD];
	_ =	sdelay $0x3  }
0x9c: {  	_ =	strace s3  }
0x9d: {  	_ =	strace $0x8FFFFFFF  }
0x9e: {  	s18 =	sld [smem:$0x3FDB];
	_ =	sdelay $0x1  }
0x9f: {  	s19 =	simm.s32 $_scs_section_size  }
0xa0: {  	s5 =	simm.s32 $_size__tile_overlayer_lowered;
	s6 =	simm.s32 $_tile_overlayer_lowered  }
0xa1: {  	s22 =	simm.s32 $0x1BFF;
	s21 =	sshll.u32 s6, $0x1;
	s3 =	sadd.s32 s19, s18  }
0xa2: {  	s7 =	simm.s32 $0x0;
	s20 =	sshll.u32 s5, $0x1;
	s5 =	sadd.s32 s21, s3  }
0xa3: {  	[timem:s7], [sflag:s22] =	dma.local [hbm:s5], s20  }
0xa4: {  	_ =	swait.ge [sflag:s22], s20  }
0xa5: {  	s4 =	ssub.s32 $0x0, s20;
	[sflag:s22] =	ssyncset.done $0x0  }
0xa6: {  	[sflag:s22] =	ssyncadd.s32 s4;
	_ =	sdelay $0x1  }
0xa7: {  	s23 =	simm.s32 $0x1B8B  }
0xa8: {  	_ =	swait.ge [sflag:s23], $0x1  }
0xa9: {  	[sflag:s23] =	ssyncset.done $0x0  }
0xaa: {  	s25 =	simm.s32 $0x1B8E;
	s24 =	sld [smem:$0x3FFE];
	[sflag:s23] =	ssyncadd.s32 $0xFFFFFFFF  }
0xab: {  	s26 =	simm.s32 $execute0_lowered;
	[smem:$0x3FD2] =	sst s25  }
0xac: {  	s5 =	sshll.u32 s26, $0x1;
	_ =	strace $0x80000046;
	[dreg:$0x1] =	wrdreg $0xFFFFFFFF  }
0xad: {  	s28 =	simm.s32 $_size_execute0_lowered;
	s3 =	sadd.s32 s3, s5;
	[dreg:$0x0] =	wrdreg $0x0  }
0xae: {  	s5 =	sshll.u32 s28, $0x1;
	[dreg:$0x2] =	wrdreg s3  }
0xaf: {  	[dreg:$0x3] =	wrdreg s5  }
0xb0: {  	[dreg:$0x4] =	wrdreg $0xC0  }
0xb1: {  	_ =	task [dreg:s7], $0x5FFFF  }
0xb2: {  	[dreg:$0x1] =	wrdreg $0xFFFFFFFF  }
0xb3: {  	[dreg:$0x0] =	wrdreg $0x60  }
0xb4: {  	[dreg:$0x2] =	wrdreg s24  }
0xb5: {  	[dreg:$0x3] =	wrdreg s16  }
0xb6: {  	[dreg:$0x4] =	wrdreg $0x9  }
0xb7: {  	_ =	task.clear_ibuf [dreg:s7], $0x5FFFF;
	_ =	strace $0x90000046  }
0xb8: {  	s29 =	simm.s32 $0x9;
	_ =	strace $0x80000048  }
0xb9: {  	_ =	swait.ge [sflag:s29], $0x1  }
0xba: {  	[sflag:s29] =	ssyncadd.s32 $0xFFFFFFFF  }
0xbb: {  	_ =	strace $0x90000048  }
0xbc: {  	_ =	sfence  }
0xbd: {  	s30 =	sld [smem:$0x0];
	_ =	sdelay $0x2  }
0xbe: {  	s31 =	sshll.u32 s1, $0xD;
	s1 =	sshrl.u32 s1, $0x2  }
0xbf: {  	s3 =	sand.u32 $0x4000, s31;
	s1 =	sadd.s32 s1, s30  }
0xc0: {  	s0 =	sor.u32 s3, s0;
	s1 =	sshll.u32 s1, $0x11  }
0xc1: {  	s0 =	sor.u32 s1, s0  }
0xc2: {  	s0 =	sadd.s32 $0x8F2B, s0  }
0xc3: {  	[sflag:s0] =	ssyncadd.remote.s32 $0x1  }
0xc4: {  	_ =	sfence.sel $0xFFFF  }
0xc5: {  	[dreg:$0x0] =	wrdreg $0xFFFFFFFF;
	(pc) =	sbr.abs _section_cstart, $3  }
0xc6: {  	[dreg:$0x1] =	wrdreg $0xFFFFFFFF  }
0xc7: {  	_ =	task.clear_ibuf [dreg:s7], $0x2FFFF;
	_ =	strace $0x9FFFFFFF  }
0xc8: {  	(tm) =	ssettm $0x7FFFFFFF  }
0xc9: {  	_ =	shalt  }
tec
execute0_lowered:
.L_overlay_start_1:
0x0: {  	(tag) =	ssettag $0x1  }
0x1: {  	s5 =	rddreg [dreg:$0x0]  }
0x2: {  	s7 =	rddreg [dreg:$0x1]  }
0x3: {  	s0 =	rddreg [dreg:$0x2]  }
0x4: {  	s1 =	simm.s32 $0x0;
	s6 =	srdreg.scid;
	s2 =	stileid.u32  }
0x5: {  	s11 =	simm.s32 $0x80;
	s13 =	simm.s32 $0x1000;
	s14 =	simm.s32 $0x1080  }
0x6: {  	s15 =	simm.s32 $0x1880;
	s16 =	simm.s32 $0x2080;
	s17 =	simm.s32 $0x2880  }
0x7: {  	s18 =	simm.s32 $0x1;
	s19 =	simm.s32 $0x3080;
	s20 =	simm.s32 $0x0  }
0x8: {  	v1 =	vlaneseq.u32;
	[smem:$0x7FF] =	sst s1;
	s3 =	sadd.s32 $0x80800, s5;
	s4 =	sadd.s32 $0x800, s5  }
0x9: {  	s6 =	sand.u32 $0x1, s6;
	s5 =	sadd.s32 $0x180800, s5;
	s9 =	sshll.u32 s2, $0x1;
	v2 =	vor.u32 $0x10, v1  }
.Ltmp0:
0xa: {  	s30 =	sshll.u32 s2, $0xA;
	_ =	strace $0x80000047;
	[tilespmem:$0x1FFC0] =	vst v2;
	v2 =	vshrl.u32 v1, $0x3;
	(pc) =	sbr.rel .LBB2_1-.Ltmp0, $4  }
0xb: {  	v3 =	vand.u32 $0x7, v1;
	s8 =	ssub.s32 $0x2, s6;
	s6 =	sor.u32 s6, s9;
	s12 =	sand.u32 $0x3000, s30;
	v2 =	vmul.u32 $0x8, v2  }
0xc: {  	s9 =	simm.s32 $0x3180;
	[tilespmem:$0x1FFD0] =	vst v3;
	s10 =	sshrl.u32 s8, $0x1;
	s31 =	sshll.u32 s6, $0x3  }
0xd: {  	s6 =	sshll.u32 s6, $0x6;
	v0 =	vmov s12;
	s12 =	simm.s32 $0x400;
	s8 =	ssub.s32 s8, s10;
	[tilespmem:$0x1FFE0] =	vst v2;
	v2 =	vor.u32 $0x8, v1  }
0xe: {  	vm0 =	vmmov $0xffff;
	s7 =	sadd.s32 s7, s31;
	s10 =	simm.s32 $0x2;
	s8 =	smax.u32 s8, $0x1;
	[tilespmem:$0x1FFF0] =	vst v2  }
.LBB2_11:
0xf: {  	s20 =	sadd.s32 $0x1, s20  }
0x10: {  	p0 =	sne.s32 s20, s8  }
.Ltmp1:
0x11: {  	_ = 	snop;
	(pc) =	sbr.rel @!p0 .LBB2_12-.Ltmp1, $1  }
0x12: {  	_ =	sdelay $0x3  }
.LBB2_1:
.Ltmp2:
0x13: {  	(pc) =	sbr.rel .LBB2_2-.Ltmp2, $4  }
0x14: {  	[tilespmem:s9], [sflag:$0x2] =	stream.linear.gather [hbm4b:s7+s1], $0x40, $0x38;
	[tilespmem:$0x3200] =	vst v63  }
0x15: {  	_ =	swait.ge [sflag:s10], $0x40  }
0x16: {  	[sflag:s10] =	ssyncset.done $0x0  }
0x17: {  	s21 =	simm.s32 $0x0;
	[sflag:s10] =	ssyncadd.s32 $0xFFFFFFC0  }
.LBB2_4:
0x18: {  	s25 =	simm.s32 $0x0  }
.LBB2_9:
0x19: {  	_ =	sdelay $0x3  }
0x1a: {  	v4 =	vadd.s32 @p0 v0, v5  }
0x1b: {  	[tilespmem:v3+s13+$0x0] =	vst.idx.msk @p0 vm1, v4  }
0x1c: {  	v3 =	vld.idx.msk [tilespmem:v2+s1+$0x0], $0xffff;
	_ =	sdelay $0x4  }
0x1d: {  	(xrf0) =	vadd.scan.msk.s32 $0xffff, v3;
	_ =	sdelay $0x5  }
0x1e: {  	v63, _, _ =	vpop (xrf0)  }
0x1f: {  	(v2sf) =	vpush v63, $0xF;
	_ =	sdelay $0x6  }
0x20: {  	s26 =	spop @p0 (v2sf)  }
0x21: {  	s25 =	sadd.s32 @p0 s25, s26  }
0x22: {  	s24 =	smov.u32 @p0 s25  }
0x23: {  	v4 =	vadd.s32 s24, v63  }
0x24: {  	vm1 =	vgt.s32 v3, $0x0;
	vm2 =	vlt.s32 v4, $0x21  }
0x25: {  	v3 =	vadd.s32 $0xFFFFFFFF, v4;
	vm1 =	vmand vm1, vm2  }
0x26: {  	v3 =	vnsel vm1, $0x0, v3;
	_ =	sdelay $0x1  }
0x27: {  	s31 =	spop (v2sf)  }
0x28: {  	s24 =	sadd.s32 s24, s31  }
0x29: {  	v2 =	vadd.s32 v0, v2;
	p0 =	slt.s32 s24, $0x20  }
0x2a: {  	[tilespmem:v3+s13+$0x0] =	vst.idx.msk vm1, v2;
	s24 =	simm.s32 @!p0 $0x20  }
.LBB2_10:
0x2b: {  	v2 =	vld.msk [tilespmem:s13+$0x0], $0xffff  }
0x2c: {  	v3 =	vld [tilespmem:$0x1000];
	_ =	sdelay $0x2  }
0x2d: {  	v4 =	vmov s24  }
0x2e: {  	v9 =	vld [tilespmem:$0x1FFD0];
	vm1 =	vgt.s32 v4, v1  }
0x2f: {  	v10 =	vld [tilespmem:$0x1FFE0];
	v3 =	vsel vm1, v3, v2  }
0x30: {  	v11 =	vld [tilespmem:$0x1FFF0];
	v5 =	vshll.u32 v3, $0x1  }
0x31: {  	v6 =	vand.u32 $0x7, v3;
	v5 =	vand.u32 $0xFFFFFFF0, v5  }
0x32: {  	v8 =	vld [tilespmem:$0x1FFC0];
	v5 =	vor.u32 v6, v5  }
0x33: {  	v44 =	vld [tilespmem:$0x1010];
	v7 =	vperm.xlane v5, v9;
	_ =	sdelay $0x1  }
0x34: {  	v5 =	vperm.xlane v5, v11;
	v7 =	vadd.s32 v10, v7;
	_ =	sdelay $0x1  }
0x35: {  	vm1 =	vgt.s32 v4, v8;
	v45 =	vadd.s32 v10, v5  }
0x36: {  	[tilespmem:$0x1000] =	vst v3;
	v2 =	vsel vm1, v44, v2  }
0x37: {  	[tilespmem:$0x1010] =	vst v2  }
0x38: {  	[tilespmem:s14], [sflag:$0x1] =	stream.indirect_vreg.gather [hbm4b:s4+s1], $0x80, v7, vm0, $0xb8;
	[tilespmem:$0x3200] =	vst v63  }
0x39: {  	_ = 	snop  }
0x3a: {  	[tilespmem:s15], [sflag:$0x1] =	stream.indirect_vreg.gather [hbm4b:s4+s1], $0x80, v45, vm0, $0xb8;
	[tilespmem:$0x3200] =	vst v63  }
0x3b: {  	v2 =	vld [tilespmem:$0x1010];
	_ =	sdelay $0x4  }
0x3c: {  	v3 =	vshll.u32 v2, $0x1  }
0x3d: {  	v2 =	vand.u32 $0x7, v2;
	v3 =	vand.u32 $0xFFFFFFF0, v3  }
0x3e: {  	v2 =	vor.u32 v2, v3  }
0x3f: {  	v3 =	vperm.xlane v2, v9;
	_ =	sdelay $0x1  }
0x40: {  	v2 =	vperm.xlane v2, v11;
	v3 =	vadd.s32 v10, v3;
	_ =	sdelay $0x1  }
0x41: {  	v2 =	vadd.s32 v10, v2;
	_ =	sdelay $0x2  }
0x42: {  	[tilespmem:s16], [sflag:$0x1] =	stream.indirect_vreg.gather [hbm4b:s4+s1], $0x80, v3, vm0, $0xb8;
	[tilespmem:$0x3200] =	vst v63  }
0x43: {  	_ = 	snop  }
0x44: {  	[tilespmem:s17], [sflag:$0x1] =	stream.indirect_vreg.gather [hbm4b:s4+s1], $0x80, v2, vm0, $0xb8;
	[tilespmem:$0x3200] =	vst v63  }
0x45: {  	_ =	swait.ge [sflag:s18], $0x2000  }
0x46: {  	[sflag:s18] =	ssyncset.done $0x0  }
0x47: {  	[sflag:s18] =	ssyncadd.s32 $0xFFFFE000  }
0x48: {  	v2 =	vld [tilespmem:$0x2400];
	_ =	sdelay $0x4  }
0x49: {  	[tilespmem:$0x1E9D0] =	vst v2;
	v2 =	vld [tilespmem:$0x2880];
	_ =	sdelay $0x4  }
0x4a: {  	[tilespmem:$0x1E9E0] =	vst v2;
	v2 =	vld [tilespmem:$0x2900];
	_ =	sdelay $0x4  }
0x4b: {  	[tilespmem:$0x1E9F0] =	vst v2;
	v2 =	vld [tilespmem:$0x2980];
	_ =	sdelay $0x4  }
0x4c: {  	[tilespmem:$0x1EA00] =	vst v2;
	v2 =	vld [tilespmem:$0x2A00];
	_ =	sdelay $0x4  }
0x4d: {  	[tilespmem:$0x1EA10] =	vst v2;
	v2 =	vld [tilespmem:$0x2A80];
	_ =	sdelay $0x4  }
0x4e: {  	[tilespmem:$0x1EA20] =	vst v2;
	v2 =	vld [tilespmem:$0x2B00];
	_ =	sdelay $0x4  }
0x4f: {  	[tilespmem:$0x1EA30] =	vst v2;
	v2 =	vld [tilespmem:$0x2B80];
	_ =	sdelay $0x4  }
0x50: {  	[tilespmem:$0x1EA40] =	vst v2;
	v2 =	vld [tilespmem:$0x2C00];
	_ =	sdelay $0x4  }
0x51: {  	[tilespmem:$0x1EA70] =	vst v2;
	v2 =	vld [tilespmem:$0x1090];
	_ =	sdelay $0x4  }
0x52: {  	[tilespmem:$0x1EA50] =	vst v2;
	v2 =	vld [tilespmem:$0x1110];
	_ =	sdelay $0x4  }
0x53: {  	[tilespmem:$0x1EA60] =	vst v2;
	v2 =	vld [tilespmem:$0x1190];
	_ =	sdelay $0x4  }
0x54: {  	[tilespmem:$0x1EA80] =	vst v2;
	v2 =	vld [tilespmem:$0x1210];
	_ =	sdelay $0x4  }
0x55: {  	[tilespmem:$0x1EA90] =	vst v2;
	v2 =	vld [tilespmem:$0x1290];
	_ =	sdelay $0x4  }
0x56: {  	[tilespmem:$0x1EAA0] =	vst v2;
	v2 =	vld [tilespmem:$0x1310];
	_ =	sdelay $0x4  }
0x57: {  	[tilespmem:$0x1EAB0] =	vst v2;
	v2 =	vld [tilespmem:$0x1390];
	_ =	sdelay $0x4  }
0x58: {  	[tilespmem:$0x1EAC0] =	vst v2;
	v2 =	vld [tilespmem:$0x1410];
	_ =	sdelay $0x4  }
0x59: {  	[tilespmem:$0x1EAD0] =	vst v2;
	v2 =	vld [tilespmem:$0x1890];
	_ =	sdelay $0x4  }
0x5a: {  	[tilespmem:$0x1EAE0] =	vst v2;
	v2 =	vld [tilespmem:$0x1910];
	_ =	sdelay $0x4  }
0x5b: {  	[tilespmem:$0x1EAF0] =	vst v2;
	v2 =	vld [tilespmem:$0x1990];
	_ =	sdelay $0x4  }
0x5c: {  	[tilespmem:$0x1EB00] =	vst v2;
	v2 =	vld [tilespmem:$0x1A10];
	_ =	sdelay $0x4  }
0x5d: {  	[tilespmem:$0x1EB10] =	vst v2;
	v2 =	vld [tilespmem:$0x1A90];
	_ =	sdelay $0x4  }
0x5e: {  	[tilespmem:$0x1EB30] =	vst v2;
	v2 =	vld [tilespmem:$0x1B10];
	_ =	sdelay $0x4  }
0x5f: {  	[tilespmem:$0x1EB50] =	vst v2;
	v2 =	vld [tilespmem:$0x1B90];
	_ =	sdelay $0x4  }
0x60: {  	[tilespmem:$0x1EB70] =	vst v2;
	v2 =	vld [tilespmem:$0x1C10];
	_ =	sdelay $0x4  }
0x61: {  	[tilespmem:$0x1EB90] =	vst v2;
	v2 =	vld [tilespmem:$0x2090];
	_ =	sdelay $0x4  }
0x62: {  	[tilespmem:$0x1EBB0] =	vst v2;
	v2 =	vld [tilespmem:$0x2110];
	_ =	sdelay $0x4  }
0x63: {  	[tilespmem:$0x1EBD0] =	vst v2;
	v2 =	vld [tilespmem:$0x2190];
	_ =	sdelay $0x4  }
0x64: {  	[tilespmem:$0x1EBF0] =	vst v2;
	v2 =	vld [tilespmem:$0x2210];
	_ =	sdelay $0x4  }
0x65: {  	[tilespmem:$0x1EC10] =	vst v2;
	v2 =	vld [tilespmem:$0x2290];
	_ =	sdelay $0x4  }
0x66: {  	[tilespmem:$0x1EC30] =	vst v2;
	v2 =	vld [tilespmem:$0x2310];
	_ =	sdelay $0x4  }
0x67: {  	[tilespmem:$0x1EC50] =	vst v2;
	v2 =	vld [tilespmem:$0x2390];
	_ =	sdelay $0x4  }
0x68: {  	[tilespmem:$0x1EC80] =	vst v2;
	v2 =	vld [tilespmem:$0x2410];
	_ =	sdelay $0x4  }
0x69: {  	[tilespmem:$0x1ECB0] =	vst v2;
	v2 =	vld [tilespmem:$0x2890];
	_ =	sdelay $0x4  }
0x6a: {  	[tilespmem:$0x1ECE0] =	vst v2;
	v2 =	vld [tilespmem:$0x2910];
	_ =	sdelay $0x4  }
0x6b: {  	[tilespmem:$0x1ED10] =	vst v2;
	v2 =	vld [tilespmem:$0x2990];
	_ =	sdelay $0x4  }
0x6c: {  	[tilespmem:$0x1ED40] =	vst v2;
	v2 =	vld [tilespmem:$0x2A10];
	_ =	sdelay $0x4  }
0x6d: {  	[tilespmem:$0x1ED70] =	vst v2;
	v2 =	vld [tilespmem:$0x2A90];
	_ =	sdelay $0x4  }
0x6e: {  	[tilespmem:$0x1EDA0] =	vst v2;
	v2 =	vld [tilespmem:$0x2B10];
	_ =	sdelay $0x4  }
0x6f: {  	[tilespmem:$0x1EDD0] =	vst v2;
	v2 =	vld [tilespmem:$0x2B90];
	_ =	sdelay $0x4  }
0x70: {  	[tilespmem:$0x1EE00] =	vst v2;
	v2 =	vld [tilespmem:$0x2C10];
	_ =	sdelay $0x4  }
0x71: {  	[tilespmem:$0x1EE30] =	vst v2;
	v2 =	vld [tilespmem:$0x19A0];
	_ =	sdelay $0x4  }
0x72: {  	[tilespmem:$0x1EB20] =	vst v2;
	v2 =	vld [tilespmem:$0x1A20];
	_ =	sdelay $0x4  }
0x73: {  	[tilespmem:$0x1EB40] =	vst v2;
	v2 =	vld [tilespmem:$0x1AA0];
	_ =	sdelay $0x2  }
0x74: {  	v18 =	vld [tilespmem:$0x1080]  }
0x75: {  	v17 =	vld [tilespmem:$0x1100]  }
0x76: {  	[tilespmem:$0x1EB60] =	vst v2;
	v2 =	vld [tilespmem:$0x1B20]  }
0x77: {  	v19 =	vld [tilespmem:$0x1180]  }
0x78: {  	v22 =	vld [tilespmem:$0x1200]  }
0x79: {  	v24 =	vld [tilespmem:$0x1280]  }
0x7a: {  	v26 =	vld [tilespmem:$0x1300]  }
0x7b: {  	[tilespmem:$0x1EB80] =	vst v2;
	v2 =	vld [tilespmem:$0x1BA0]  }
0x7c: {  	v28 =	vld [tilespmem:$0x1380]  }
0x7d: {  	v30 =	vld [tilespmem:$0x1400]  }
0x7e: {  	v32 =	vld [tilespmem:$0x1880]  }
0x7f: {  	v34 =	vld [tilespmem:$0x1900]  }
0x80: {  	[tilespmem:$0x1EBA0] =	vst v2;
	v2 =	vld [tilespmem:$0x1C20]  }
0x81: {  	v36 =	vld [tilespmem:$0x1980]  }
0x82: {  	v37 =	vld [tilespmem:$0x1A00]  }
0x83: {  	v40 =	vld [tilespmem:$0x1A80]  }
0x84: {  	v42 =	vld [tilespmem:$0x1B00]  }
0x85: {  	[tilespmem:$0x1EBC0] =	vst v2;
	v2 =	vld [tilespmem:$0x20A0]  }
0x86: {  	v44 =	vld [tilespmem:$0x1B80]  }
0x87: {  	v47 =	vld [tilespmem:$0x1C00]  }
0x88: {  	v48 =	vld [tilespmem:$0x2080]  }
0x89: {  	v50 =	vld [tilespmem:$0x2100]  }
0x8a: {  	[tilespmem:$0x1EBE0] =	vst v2;
	v2 =	vld [tilespmem:$0x2120]  }
0x8b: {  	v52 =	vld [tilespmem:$0x2180]  }
0x8c: {  	v54 =	vld [tilespmem:$0x2200]  }
0x8d: {  	v56 =	vld [tilespmem:$0x2280]  }
0x8e: {  	v59 =	vld [tilespmem:$0x2300]  }
0x8f: {  	[tilespmem:$0x1EC00] =	vst v2;
	v2 =	vld [tilespmem:$0x21A0]  }
0x90: {  	v60 =	vld [tilespmem:$0x2380]  }
0x91: {  	v15 =	vld [tilespmem:$0x10A0]  }
0x92: {  	v14 =	vld [tilespmem:$0x1120]  }
0x93: {  	v20 =	vld [tilespmem:$0x11A0]  }
0x94: {  	[tilespmem:$0x1EC20] =	vst v2;
	v2 =	vld [tilespmem:$0x2220]  }
0x95: {  	v27 =	vld [tilespmem:$0x1220]  }
0x96: {  	v33 =	vld [tilespmem:$0x12A0]  }
0x97: {  	v39 =	vld [tilespmem:$0x1320]  }
0x98: {  	v45 =	vld [tilespmem:$0x13A0]  }
0x99: {  	[tilespmem:$0x1EC40] =	vst v2;
	v2 =	vld [tilespmem:$0x22A0]  }
0x9a: {  	v51 =	vld [tilespmem:$0x1420]  }
0x9b: {  	v57 =	vld [tilespmem:$0x18A0]  }
0x9c: {  	v63 =	vld [tilespmem:$0x1920]  }
0x9d: {  	v3 =	vld [tilespmem:$0x10B0]  }
0x9e: {  	[tilespmem:$0x1EC60] =	vst v2;
	v2 =	vld [tilespmem:$0x2320]  }
0x9f: {  	v4 =	vld [tilespmem:$0x11B0]  }
0xa0: {  	v5 =	vld [tilespmem:$0x1230]  }
0xa1: {  	v6 =	vld [tilespmem:$0x12B0]  }
0xa2: {  	v7 =	vld [tilespmem:$0x1330]  }
0xa3: {  	[tilespmem:$0x1EC90] =	vst v2;
	v2 =	vld [tilespmem:$0x23A0]  }
0xa4: {  	v8 =	vld [tilespmem:$0x13B0]  }
0xa5: {  	v9 =	vld [tilespmem:$0x1430]  }
0xa6: {  	v10 =	vld [tilespmem:$0x18B0]  }
0xa7: {  	v11 =	vld [tilespmem:$0x1930]  }
0xa8: {  	[tilespmem:$0x1ECC0] =	vst v2;
	v2 =	vld [tilespmem:$0x2420]  }
0xa9: {  	v12 =	vld [tilespmem:$0x19B0]  }
0xaa: {  	v21 =	vld [tilespmem:$0x1A30]  }
0xab: {  	v25 =	vld [tilespmem:$0x1AB0]  }
0xac: {  	v31 =	vld [tilespmem:$0x1B30]  }
0xad: {  	[tilespmem:$0x1ECF0] =	vst v2;
	v2 =	vld [tilespmem:$0x28A0]  }
0xae: {  	v38 =	vld [tilespmem:$0x1BB0]  }
0xaf: {  	v13 =	vld [tilespmem:$0x2230]  }
0xb0: {  	v46 =	vld [tilespmem:$0x22B0]  }
0xb1: {  	v53 =	vld [tilespmem:$0x2330]  }
0xb2: {  	[tilespmem:$0x1ED20] =	vst v2;
	v2 =	vld [tilespmem:$0x2920]  }
0xb3: {  	v58 =	vld [tilespmem:$0x23B0]  }
0xb4: {  	v61 =	vld [tilespmem:$0x2430];
	[tilespmem:$0x1EC70] =	vst v13  }
0xb5: {  	v16 =	vld [tilespmem:$0x28B0];
	[tilespmem:$0x1ECA0] =	vst v46  }
0xb6: {  	v23 =	vld [tilespmem:$0x2930];
	[tilespmem:$0x1ECD0] =	vst v53  }
0xb7: {  	[tilespmem:$0x1ED50] =	vst v2;
	v2 =	vld [tilespmem:$0x29A0]  }
0xb8: {  	v29 =	vld [tilespmem:$0x29B0];
	[tilespmem:$0x1ED00] =	vst v58  }
0xb9: {  	v35 =	vld [tilespmem:$0x2A30];
	[tilespmem:$0x1ED30] =	vst v61  }
0xba: {  	v41 =	vld [tilespmem:$0x2AB0];
	[tilespmem:$0x1ED60] =	vst v16  }
0xbb: {  	[tilespmem:$0x1ED90] =	vst v23;
	v46 =	vld [tilespmem:$0x2B30]  }
0xbc: {  	[tilespmem:$0x1ED80] =	vst v2;
	v2 =	vld [tilespmem:$0x2A20]  }
0xbd: {  	[tilespmem:$0x1EDC0] =	vst v29;
	v53 =	vld [tilespmem:$0x2BB0]  }
0xbe: {  	[tilespmem:$0x1EDF0] =	vst v35;
	v58 =	vld [tilespmem:$0x2C30]  }
0xbf: {  	[tilespmem:$0x1EE20] =	vst v41;
	v61 =	vld [tilespmem:$0x10C0]  }
0xc0: {  	v16 =	vld [tilespmem:$0x1140];
	[tilespmem:$0x1EE50] =	vst v46  }
0xc1: {  	[tilespmem:$0x1EDB0] =	vst v2;
	v2 =	vld [tilespmem:$0x2AA0]  }
0xc2: {  	v23 =	vld [tilespmem:$0x11C0];
	[tilespmem:$0x1EE70] =	vst v53  }
0xc3: {  	v29 =	vld [tilespmem:$0x1240];
	[tilespmem:$0x1EEA0] =	vst v58  }
0xc4: {  	v35 =	vld [tilespmem:$0x12C0];
	[tilespmem:$0x1EE80] =	vst v61  }
0xc5: {  	v41 =	vld [tilespmem:$0x1340];
	[tilespmem:$0x1EE90] =	vst v16  }
0xc6: {  	[tilespmem:$0x1EDE0] =	vst v2;
	v2 =	vld [tilespmem:$0x2B20]  }
0xc7: {  	[tilespmem:$0x1EEB0] =	vst v23;
	v46 =	vld [tilespmem:$0x13C0]  }
0xc8: {  	[tilespmem:$0x1EEE0] =	vst v29;
	v53 =	vld [tilespmem:$0x1440]  }
0xc9: {  	[tilespmem:$0x1EF00] =	vst v35;
	v58 =	vld [tilespmem:$0x18C0]  }
0xca: {  	[tilespmem:$0x1EF20] =	vst v41;
	v61 =	vld [tilespmem:$0x1940]  }
0xcb: {  	[tilespmem:$0x1EE10] =	vst v2;
	v2 =	vld [tilespmem:$0x2BA0]  }
0xcc: {  	v16 =	vld [tilespmem:$0x19C0];
	[tilespmem:$0x1EF40] =	vst v46  }
0xcd: {  	v23 =	vld [tilespmem:$0x1A40];
	[tilespmem:$0x1EF60] =	vst v53  }
0xce: {  	v29 =	vld [tilespmem:$0x1AC0];
	[tilespmem:$0x1EF80] =	vst v58  }
0xcf: {  	v35 =	vld [tilespmem:$0x1B40];
	[tilespmem:$0x1EFA0] =	vst v61  }
0xd0: {  	[tilespmem:$0x1EE40] =	vst v2;
	v2 =	vld [tilespmem:$0x2C20]  }
0xd1: {  	v41 =	vld [tilespmem:$0x1BC0];
	[tilespmem:$0x1EFC0] =	vst v16  }
0xd2: {  	v43 =	vld [tilespmem:$0x1C30];
	[tilespmem:$0x1EFE0] =	vst v23  }
0xd3: {  	v49 =	vld [tilespmem:$0x20B0];
	[tilespmem:$0x1F010] =	vst v29  }
0xd4: {  	v55 =	vld [tilespmem:$0x2130];
	[tilespmem:$0x1F040] =	vst v35  }
0xd5: {  	v62 =	vld [tilespmem:$0x21B0];
	[tilespmem:$0x1EE60] =	vst v2  }
0xd6: {  	v2 =	vld [tilespmem:$0x1130];
	[tilespmem:$0x1F070] =	vst v41  }
0xd7: {  	v61 =	vld [tilespmem:$0x2240];
	_ =	sdelay $0x4  }
0xd8: {  	[tilespmem:$0x1F160] =	vst v61;
	v61 =	vld [tilespmem:$0x2AC0];
	_ =	sdelay $0x4  }
0xd9: {  	[tilespmem:$0x1F310] =	vst v61;
	v61 =	vld [tilespmem:$0x1350];
	_ =	sdelay $0x4  }
0xda: {  	[tilespmem:$0x1EF50] =	vst v61;
	v61 =	vld [tilespmem:$0x1BD0];
	_ =	sdelay $0x4  }
0xdb: {  	[tilespmem:$0x1F0B0] =	vst v61;
	v61 =	vld [tilespmem:$0x2450];
	_ =	sdelay $0x4  }
0xdc: {  	[tilespmem:$0x1F260] =	vst v61;
	v61 =	vld [tilespmem:$0x1960];
	_ =	sdelay $0x4  }
0xdd: {  	[tilespmem:$0x1F000] =	vst v61;
	v61 =	vld [tilespmem:$0x19E0];
	_ =	sdelay $0x4  }
0xde: {  	[tilespmem:$0x1F030] =	vst v61;
	v61 =	vld [tilespmem:$0x1A60];
	_ =	sdelay $0x4  }
0xdf: {  	[tilespmem:$0x1F060] =	vst v61;
	v61 =	vld [tilespmem:$0x1AE0];
	_ =	sdelay $0x4  }
0xe0: {  	[tilespmem:$0x1F090] =	vst v61;
	v61 =	vld [tilespmem:$0x1B60];
	_ =	sdelay $0x4  }
0xe1: {  	[tilespmem:$0x1F0C0] =	vst v61;
	v61 =	vld [tilespmem:$0x1BE0];
	_ =	sdelay $0x4  }
0xe2: {  	[tilespmem:$0x1F0F0] =	vst v61;
	v61 =	vld [tilespmem:$0x1C60];
	_ =	sdelay $0x4  }
0xe3: {  	[tilespmem:$0x1F120] =	vst v61;
	v61 =	vld [tilespmem:$0x20E0];
	_ =	sdelay $0x4  }
0xe4: {  	[tilespmem:$0x1F150] =	vst v61;
	v61 =	vld [tilespmem:$0x2160];
	_ =	sdelay $0x4  }
0xe5: {  	[tilespmem:$0x1F180] =	vst v61;
	v61 =	vld [tilespmem:$0x21E0];
	_ =	sdelay $0x4  }
0xe6: {  	[tilespmem:$0x1F1B0] =	vst v61;
	v61 =	vld [tilespmem:$0x2260];
	_ =	sdelay $0x4  }
0xe7: {  	[tilespmem:$0x1F1E0] =	vst v61;
	v61 =	vld [tilespmem:$0x22E0];
	_ =	sdelay $0x4  }
0xe8: {  	[tilespmem:$0x1F210] =	vst v61;
	v61 =	vld [tilespmem:$0x2360];
	_ =	sdelay $0x4  }
0xe9: {  	[tilespmem:$0x1F240] =	vst v61;
	v61 =	vld [tilespmem:$0x23E0];
	_ =	sdelay $0x4  }
0xea: {  	[tilespmem:$0x1F270] =	vst v61;
	v61 =	vld [tilespmem:$0x2460];
	_ =	sdelay $0x4  }
0xeb: {  	[tilespmem:$0x1F2A0] =	vst v61;
	v61 =	vld [tilespmem:$0x28E0];
	_ =	sdelay $0x4  }
0xec: {  	[tilespmem:$0x1F2D0] =	vst v61;
	v61 =	vld [tilespmem:$0x2960];
	_ =	sdelay $0x4  }
0xed: {  	[tilespmem:$0x1F300] =	vst v61;
	v61 =	vld [tilespmem:$0x29E0];
	_ =	sdelay $0x4  }
0xee: {  	[tilespmem:$0x1F330] =	vst v61;
	v61 =	vld [tilespmem:$0x2A60];
	_ =	sdelay $0x4  }
0xef: {  	[tilespmem:$0x1F360] =	vst v61;
	v61 =	vld [tilespmem:$0x2AE0];
	_ =	sdelay $0x4  }
0xf0: {  	[tilespmem:$0x1F390] =	vst v61;
	v61 =	vld [tilespmem:$0x2B60];
	_ =	sdelay $0x4  }
0xf1: {  	[tilespmem:$0x1F3C0] =	vst v61;
	v61 =	vld [tilespmem:$0x2BE0];
	_ =	sdelay $0x4  }
0xf2: {  	[tilespmem:$0x1F3E0] =	vst v61;
	v61 =	vld [tilespmem:$0x2C60];
	_ =	sdelay $0x4  }
0xf3: {  	[tilespmem:$0x1F410] =	vst v61;
	v61 =	vld [tilespmem:$0x10F0];
	_ =	sdelay $0x4  }
0xf4: {  	[tilespmem:$0x1F3F0] =	vst v61;
	v61 =	vld [tilespmem:$0x1170];
	_ =	sdelay $0x4  }
0xf5: {  	[tilespmem:$0x1F400] =	vst v61;
	v61 =	vld [tilespmem:$0x11F0];
	_ =	sdelay $0x4  }
0xf6: {  	[tilespmem:$0x1F420] =	vst v61;
	v61 =	vld [tilespmem:$0x1270];
	_ =	sdelay $0x4  }
0xf7: {  	[tilespmem:$0x1F450] =	vst v61;
	v61 =	vld [tilespmem:$0x12F0];
	_ =	sdelay $0x4  }
0xf8: {  	[tilespmem:$0x1F490] =	vst v61;
	v61 =	vld [tilespmem:$0x1370];
	_ =	sdelay $0x4  }
0xf9: {  	[tilespmem:$0x1F4C0] =	vst v61;
	v61 =	vld [tilespmem:$0x13F0];
	_ =	sdelay $0x4  }
0xfa: {  	[tilespmem:$0x1F4F0] =	vst v61;
	v61 =	vld [tilespmem:$0x1470];
	_ =	sdelay $0x4  }
0xfb: {  	[tilespmem:$0x1F520] =	vst v61;
	v61 =	vld [tilespmem:$0x18F0];
	_ =	sdelay $0x4  }
0xfc: {  	[tilespmem:$0x1F550] =	vst v61;
	v61 =	vld [tilespmem:$0x1970];
	_ =	sdelay $0x4  }
0xfd: {  	[tilespmem:$0x1F580] =	vst v61;
	v61 =	vld [tilespmem:$0x19F0];
	_ =	sdelay $0x4  }
0xfe: {  	[tilespmem:$0x1F5B0] =	vst v61;
	v61 =	vld [tilespmem:$0x1A70];
	_ =	sdelay $0x4  }
0xff: {  	[tilespmem:$0x1F5E0] =	vst v61;
	v61 =	vld [tilespmem:$0x1AF0];
	_ =	sdelay $0x4  }
0x100: {  	[tilespmem:$0x1F610] =	vst v61;
	v61 =	vld [tilespmem:$0x1B70];
	_ =	sdelay $0x4  }
0x101: {  	[tilespmem:$0x1F640] =	vst v61;
	v61 =	vld [tilespmem:$0x1BF0];
	_ =	sdelay $0x4  }
0x102: {  	[tilespmem:$0x1F670] =	vst v61;
	v61 =	vld [tilespmem:$0x1C70];
	_ =	sdelay $0x4  }
0x103: {  	[tilespmem:$0x1F6A0] =	vst v61;
	v61 =	vld [tilespmem:$0x20F0];
	_ =	sdelay $0x4  }
0x104: {  	[tilespmem:$0x1F6D0] =	vst v61;
	v61 =	vld [tilespmem:$0x2170];
	_ =	sdelay $0x4  }
0x105: {  	[tilespmem:$0x1F700] =	vst v61;
	v61 =	vld [tilespmem:$0x21F0];
	_ =	sdelay $0x4  }
0x106: {  	[tilespmem:$0x1F730] =	vst v61;
	v61 =	vld [tilespmem:$0x2270];
	_ =	sdelay $0x4  }
0x107: {  	[tilespmem:$0x1F760] =	vst v61;
	v61 =	vld [tilespmem:$0x22F0];
	_ =	sdelay $0x4  }
0x108: {  	[tilespmem:$0x1F790] =	vst v61;
	v61 =	vld [tilespmem:$0x2370];
	_ =	sdelay $0x4  }
0x109: {  	[tilespmem:$0x1F7C0] =	vst v61;
	v61 =	vld [tilespmem:$0x23F0];
	_ =	sdelay $0x4  }
0x10a: {  	[tilespmem:$0x1F7F0] =	vst v61;
	v61 =	vld [tilespmem:$0x2470];
	_ =	sdelay $0x4  }
0x10b: {  	[tilespmem:$0x1F820] =	vst v61;
	v61 =	vld [tilespmem:$0x28F0];
	_ =	sdelay $0x4  }
0x10c: {  	[tilespmem:$0x1F850] =	vst v61;
	v61 =	vld [tilespmem:$0x2970];
	_ =	sdelay $0x4  }
0x10d: {  	[tilespmem:$0x1F880] =	vst v61;
	v61 =	vld [tilespmem:$0x29F0];
	_ =	sdelay $0x4  }
0x10e: {  	[tilespmem:$0x1F8B0] =	vst v61;
	v61 =	vld [tilespmem:$0x2A70];
	_ =	sdelay $0x4  }
0x10f: {  	[tilespmem:$0x1F8E0] =	vst v61;
	v61 =	vld [tilespmem:$0x2AF0];
	_ =	sdelay $0x4  }
0x110: {  	[tilespmem:$0x1F910] =	vst v61;
	v61 =	vld [tilespmem:$0x2B70];
	_ =	sdelay $0x4  }
0x111: {  	[tilespmem:$0x1F940] =	vst v61;
	v61 =	vld [tilespmem:$0x2BF0];
	_ =	sdelay $0x4  }
0x112: {  	[tilespmem:$0x1F970] =	vst v61;
	v61 =	vld [tilespmem:$0x2C70];
	_ =	sdelay $0x4  }
0x113: {  	[tilespmem:$0x1F990] =	vst v61;
	v61 =	vld [tilespmem:$0x1480];
	_ =	sdelay $0x4  }
0x114: {  	[tilespmem:$0x1F430] =	vst v61;
	v61 =	vld [tilespmem:$0x1500];
	_ =	sdelay $0x4  }
0x115: {  	[tilespmem:$0x1F440] =	vst v61;
	v61 =	vld [tilespmem:$0x1580];
	_ =	sdelay $0x4  }
0x116: {  	[tilespmem:$0x1F460] =	vst v61;
	v61 =	vld [tilespmem:$0x1600];
	_ =	sdelay $0x4  }
0x117: {  	[tilespmem:$0x1F4A0] =	vst v61;
	v61 =	vld [tilespmem:$0x1680];
	_ =	sdelay $0x4  }
0x118: {  	[tilespmem:$0x1F4D0] =	vst v61;
	v61 =	vld [tilespmem:$0x1700];
	_ =	sdelay $0x4  }
0x119: {  	[tilespmem:$0x1F500] =	vst v61;
	v61 =	vld [tilespmem:$0x1780];
	_ =	sdelay $0x4  }
0x11a: {  	[tilespmem:$0x1F530] =	vst v61;
	v61 =	vld [tilespmem:$0x1800];
	_ =	sdelay $0x4  }
0x11b: {  	[tilespmem:$0x1F560] =	vst v61;
	v61 =	vld [tilespmem:$0x1C80];
	_ =	sdelay $0x4  }
0x11c: {  	[tilespmem:$0x1F590] =	vst v61;
	v61 =	vld [tilespmem:$0x1D00];
	_ =	sdelay $0x4  }
0x11d: {  	[tilespmem:$0x1F5C0] =	vst v61;
	v61 =	vld [tilespmem:$0x1D80];
	_ =	sdelay $0x4  }
0x11e: {  	[tilespmem:$0x1F5F0] =	vst v61;
	v61 =	vld [tilespmem:$0x1E00];
	_ =	sdelay $0x4  }
0x11f: {  	[tilespmem:$0x1F620] =	vst v61;
	v61 =	vld [tilespmem:$0x1E80];
	_ =	sdelay $0x4  }
0x120: {  	[tilespmem:$0x1F650] =	vst v61;
	v61 =	vld [tilespmem:$0x1F00];
	_ =	sdelay $0x4  }
0x121: {  	[tilespmem:$0x1F680] =	vst v61;
	v61 =	vld [tilespmem:$0x1F80];
	_ =	sdelay $0x4  }
0x122: {  	[tilespmem:$0x1F6B0] =	vst v61;
	v61 =	vld [tilespmem:$0x2000];
	_ =	sdelay $0x4  }
0x123: {  	[tilespmem:$0x1F6E0] =	vst v61;
	v61 =	vld [tilespmem:$0x2480];
	_ =	sdelay $0x4  }
0x124: {  	[tilespmem:$0x1F710] =	vst v61;
	v61 =	vld [tilespmem:$0x2500];
	_ =	sdelay $0x4  }
0x125: {  	[tilespmem:$0x1F740] =	vst v61;
	v61 =	vld [tilespmem:$0x2580];
	_ =	sdelay $0x4  }
0x126: {  	[tilespmem:$0x1F770] =	vst v61;
	v61 =	vld [tilespmem:$0x2600];
	_ =	sdelay $0x4  }
0x127: {  	[tilespmem:$0x1F7A0] =	vst v61;
	v61 =	vld [tilespmem:$0x2680];
	_ =	sdelay $0x4  }
0x128: {  	[tilespmem:$0x1F7D0] =	vst v61;
	v61 =	vld [tilespmem:$0x2700];
	_ =	sdelay $0x4  }
0x129: {  	[tilespmem:$0x1F800] =	vst v61;
	v61 =	vld [tilespmem:$0x2780];
	_ =	sdelay $0x4  }
0x12a: {  	[tilespmem:$0x1F830] =	vst v61;
	v61 =	vld [tilespmem:$0x2800];
	_ =	sdelay $0x4  }
0x12b: {  	[tilespmem:$0x1F860] =	vst v61;
	v61 =	vld [tilespmem:$0x2C80];
	_ =	sdelay $0x4  }
0x12c: {  	[tilespmem:$0x1F890] =	vst v61;
	v61 =	vld [tilespmem:$0x2D00];
	_ =	sdelay $0x4  }
0x12d: {  	[tilespmem:$0x1F8C0] =	vst v61;
	v61 =	vld [tilespmem:$0x2D80];
	_ =	sdelay $0x4  }
0x12e: {  	[tilespmem:$0x1F8F0] =	vst v61;
	v61 =	vld [tilespmem:$0x2E00];
	_ =	sdelay $0x4  }
0x12f: {  	[tilespmem:$0x1F920] =	vst v61;
	v61 =	vld [tilespmem:$0x2E80];
	_ =	sdelay $0x4  }
0x130: {  	[tilespmem:$0x1F950] =	vst v61;
	v61 =	vld [tilespmem:$0x2F00];
	_ =	sdelay $0x4  }
0x131: {  	[tilespmem:$0x1F980] =	vst v61;
	v61 =	vld [tilespmem:$0x2F80];
	_ =	sdelay $0x4  }
0x132: {  	[tilespmem:$0x1F9A0] =	vst v61;
	v61 =	vld [tilespmem:$0x3000];
	_ =	sdelay $0x4  }
0x133: {  	[tilespmem:$0x1F9C0] =	vst v61;
	v61 =	vld [tilespmem:$0x1490];
	_ =	sdelay $0x4  }
0x134: {  	[tilespmem:$0x1F470] =	vst v61;
	v61 =	vld [tilespmem:$0x1510];
	_ =	sdelay $0x4  }
0x135: {  	[tilespmem:$0x1F480] =	vst v61;
	v61 =	vld [tilespmem:$0x1590];
	_ =	sdelay $0x4  }
0x136: {  	[tilespmem:$0x1F4B0] =	vst v61;
	v61 =	vld [tilespmem:$0x1610];
	_ =	sdelay $0x4  }
0x137: {  	[tilespmem:$0x1F4E0] =	vst v61;
	v61 =	vld [tilespmem:$0x1690];
	_ =	sdelay $0x4  }
0x138: {  	[tilespmem:$0x1F510] =	vst v61;
	v61 =	vld [tilespmem:$0x1710];
	_ =	sdelay $0x4  }
0x139: {  	[tilespmem:$0x1F540] =	vst v61;
	v61 =	vld [tilespmem:$0x1790];
	_ =	sdelay $0x4  }
0x13a: {  	[tilespmem:$0x1F570] =	vst v61;
	v61 =	vld [tilespmem:$0x1810];
	_ =	sdelay $0x4  }
0x13b: {  	[tilespmem:$0x1F5A0] =	vst v61;
	v61 =	vld [tilespmem:$0x1C90];
	_ =	sdelay $0x4  }
0x13c: {  	[tilespmem:$0x1F5D0] =	vst v61;
	v61 =	vld [tilespmem:$0x1D10];
	_ =	sdelay $0x4  }
0x13d: {  	[tilespmem:$0x1F600] =	vst v61;
	v61 =	vld [tilespmem:$0x1D90];
	_ =	sdelay $0x4  }
0x13e: {  	[tilespmem:$0x1F630] =	vst v61;
	v61 =	vld [tilespmem:$0x2C90];
	_ =	sdelay $0x4  }
0x13f: {  	[tilespmem:$0x1F8D0] =	vst v61;
	v61 =	vld [tilespmem:$0x1E10];
	_ =	sdelay $0x4  }
0x140: {  	[tilespmem:$0x1F660] =	vst v61;
	v61 =	vld [tilespmem:$0x2730];
	_ =	sdelay $0x4  }
0x141: {  	[tilespmem:$0x1FC90] =	vst v61;
	v61 =	vld [tilespmem:$0x1E90];
	_ =	sdelay $0x4  }
0x142: {  	[tilespmem:$0x1F690] =	vst v61;
	v61 =	vld [tilespmem:$0x2E30];
	_ =	sdelay $0x4  }
0x143: {  	[tilespmem:$0x1FDA0] =	vst v61;
	v61 =	vld [tilespmem:$0x1F10];
	_ =	sdelay $0x4  }
0x144: {  	[tilespmem:$0x1F6C0] =	vst v61;
	v61 =	vld [tilespmem:$0x2F20]  }
0x145: {  	v13 =	vld [tilespmem:$0x1C40]  }
0x146: {  	v46 =	vld [tilespmem:$0x20C0]  }
0x147: {  	v53 =	vld [tilespmem:$0x2140]  }
0x148: {  	v58 =	vld [tilespmem:$0x21C0]  }
0x149: {  	[tilespmem:$0x1FDC0] =	vst v61;
	v61 =	vld [tilespmem:$0x1F90]  }
0x14a: {  	v16 =	vld [tilespmem:$0x22C0]  }
0x14b: {  	v23 =	vld [tilespmem:$0x2340]  }
0x14c: {  	v29 =	vld [tilespmem:$0x23C0]  }
0x14d: {  	v35 =	vld [tilespmem:$0x2440]  }
0x14e: {  	v17 =	vmax.f32 v18, v17;
	[tilespmem:$0x1F6F0] =	vst v61;
	v61 =	vld [tilespmem:$0x2F30]  }
0x14f: {  	v17 =	vmax.f32 v17, v19;
	v41 =	vld [tilespmem:$0x28C0]  }
0x150: {  	v17 =	vmax.f32 v17, v22;
	v19 =	vld [tilespmem:$0x2E90]  }
0x151: {  	v17 =	vmax.f32 v17, v24;
	v24 =	vld [tilespmem:$0x1820]  }
0x152: {  	v17 =	vmax.f32 v17, v26;
	v26 =	vld [tilespmem:$0x2F10]  }
0x153: {  	v17 =	vmax.f32 v17, v28;
	[tilespmem:$0x1FE00] =	vst v61;
	v61 =	vld [tilespmem:$0x2010]  }
0x154: {  	v17 =	vmax.f32 v17, v30;
	v22 =	vld [tilespmem:$0x3010]  }
0x155: {  	v17 =	vmax.f32 v17, v32;
	v32 =	vld [tilespmem:$0x2720]  }
0x156: {  	v17 =	vmax.f32 v17, v34;
	v30 =	vld [tilespmem:$0x14A0]  }
0x157: {  	v17 =	vmax.f32 v17, v36;
	v36 =	vld [tilespmem:$0x26A0]  }
0x158: {  	[tilespmem:$0x1F720] =	vst v61;
	v61 =	vld [tilespmem:$0x2DB0]  }
0x159: {  	v28 =	vld [tilespmem:$0x15A0]  }
0x15a: {  	v34 =	vld [tilespmem:$0x1620]  }
0x15b: {  	v17 =	vmax.f32 v17, v37;
	v37 =	vld [tilespmem:$0x1720]  }
0x15c: {  	v17 =	vmax.f32 v17, v40;
	v40 =	vld [tilespmem:$0x17A0]  }
0x15d: {  	[tilespmem:$0x1FD70] =	vst v61;
	v61 =	vld [tilespmem:$0x2490]  }
0x15e: {  	v17 =	vmax.f32 v17, v42;
	v42 =	vld [tilespmem:$0x1CA0]  }
0x15f: {  	v17 =	vmax.f32 v17, v44;
	v44 =	vld [tilespmem:$0x1D20]  }
0x160: {  	v17 =	vmax.f32 v17, v47;
	v47 =	vld [tilespmem:$0x1DA0]  }
0x161: {  	v17 =	vmax.f32 v17, v48;
	v48 =	vld [tilespmem:$0x1E20]  }
0x162: {  	[tilespmem:$0x1F750] =	vst v61;
	v61 =	vld [tilespmem:$0x2EA0]  }
0x163: {  	v17 =	vmax.f32 v17, v50;
	v50 =	vld [tilespmem:$0x1E9D0]  }
0x164: {  	v17 =	vmax.f32 v17, v52;
	v52 =	vld [tilespmem:$0x1F20]  }
0x165: {  	v17 =	vmax.f32 v17, v54;
	v54 =	vld [tilespmem:$0x1E9E0]  }
0x166: {  	v17 =	vmax.f32 v17, v56;
	v56 =	vld [tilespmem:$0x2620]  }
0x167: {  	[tilespmem:$0x1FD90] =	vst v61;
	v61 =	vld [tilespmem:$0x2510]  }
0x168: {  	v17 =	vmax.f32 v17, v59;
	v59 =	vld [tilespmem:$0x1E9F0]  }
0x169: {  	v14 =	vmax.f32 v15, v14;
	v17 =	vmax.f32 v17, v60;
	v60 =	vld [tilespmem:$0x27A0]  }
0x16a: {  	v14 =	vmax.f32 v14, v20;
	v20 =	vld [tilespmem:$0x1D30]  }
0x16b: {  	v14 =	vmax.f32 v14, v27;
	v27 =	vld [tilespmem:$0x1DB0]  }
0x16c: {  	[tilespmem:$0x1F780] =	vst v61;
	v61 =	vld [tilespmem:$0x3020]  }
0x16d: {  	v2 =	vmax.f32 v3, v2;
	v3 =	vld [tilespmem:$0x16B0]  }
0x16e: {  	[tilespmem:$0x1F0D0] =	vst v46;
	v46 =	vld [tilespmem:$0x2940]  }
0x16f: {  	[tilespmem:$0x1F100] =	vst v53;
	v53 =	vld [tilespmem:$0x29C0]  }
0x170: {  	[tilespmem:$0x1F130] =	vst v58;
	v58 =	vld [tilespmem:$0x2A40]  }
0x171: {  	[tilespmem:$0x1FE20] =	vst v61;
	v61 =	vld [tilespmem:$0x2590]  }
0x172: {  	[tilespmem:$0x1F190] =	vst v16;
	v16 =	vld [tilespmem:$0x2B40]  }
0x173: {  	[tilespmem:$0x1F1C0] =	vst v23;
	v23 =	vld [tilespmem:$0x2BC0]  }
0x174: {  	[tilespmem:$0x1F1F0] =	vst v29;
	v29 =	vld [tilespmem:$0x2C40]  }
0x175: {  	[tilespmem:$0x1F220] =	vst v35;
	v35 =	vld [tilespmem:$0x10D0]  }
0x176: {  	[tilespmem:$0x1F7B0] =	vst v61;
	v61 =	vld [tilespmem:$0x2D30]  }
0x177: {  	[tilespmem:$0x1F250] =	vst v41;
	v41 =	vld [tilespmem:$0x1150]  }
0x178: {  	[tilespmem:$0x1F0A0] =	vst v13;
	v13 =	vld [tilespmem:$0x1160]  }
0x179: {  	[tilespmem:$0x1FA80] =	vst v24;
	v24 =	vld [tilespmem:$0x2F90]  }
0x17a: {  	[tilespmem:$0x1F9B0] =	vst v26;
	v26 =	vld [tilespmem:$0x25A0]  }
0x17b: {  	[tilespmem:$0x1FD40] =	vst v61;
	v61 =	vld [tilespmem:$0x2610]  }
0x17c: {  	[tilespmem:$0x1FC50] =	vst v32;
	v32 =	vld [tilespmem:$0x14B0]  }
0x17d: {  	[tilespmem:$0x1FC30] =	vst v36;
	v36 =	vld [tilespmem:$0x16A0]  }
0x17e: {  	[tilespmem:$0x1F9E0] =	vst v28;
	v28 =	vld [tilespmem:$0x1EA10]  }
0x17f: {  	[tilespmem:$0x1FA10] =	vst v34;
	v34 =	vld [tilespmem:$0x1EA20]  }
0x180: {  	[tilespmem:$0x1F7E0] =	vst v61;
	v61 =	vld [tilespmem:$0x2E20]  }
0x181: {  	[tilespmem:$0x1FA50] =	vst v37;
	v37 =	vld [tilespmem:$0x1EA30]  }
0x182: {  	[tilespmem:$0x1FA70] =	vst v40;
	v40 =	vld [tilespmem:$0x1530]  }
0x183: {  	[tilespmem:$0x1FAA0] =	vst v42;
	v42 =	vld [tilespmem:$0x1EA40]  }
0x184: {  	[tilespmem:$0x1FAB0] =	vst v44;
	v44 =	vld [tilespmem:$0x1EA50]  }
0x185: {  	[tilespmem:$0x1FD60] =	vst v61;
	v61 =	vld [tilespmem:$0x2690]  }
0x186: {  	[tilespmem:$0x1FAD0] =	vst v47;
	v47 =	vld [tilespmem:$0x1EA60]  }
0x187: {  	[tilespmem:$0x1FAF0] =	vst v48;
	v48 =	vld [tilespmem:$0x15B0]  }
0x188: {  	v17 =	vmax.f32 v17, v50;
	v50 =	vld [tilespmem:$0x1EA70]  }
0x189: {  	[tilespmem:$0x1FB40] =	vst v52;
	v52 =	vld [tilespmem:$0x1EA80]  }
0x18a: {  	[tilespmem:$0x1F810] =	vst v61;
	v61 =	vld [tilespmem:$0x2520]  }
0x18b: {  	[tilespmem:$0x1FC10] =	vst v56;
	v56 =	vld [tilespmem:$0x1EA90]  }
0x18c: {  	[tilespmem:$0x1FC80] =	vst v60;
	v60 =	vmax.f32 v14, v33;
	v14 =	vld [tilespmem:$0x1CB0]  }
0x18d: {  	v33 =	vld [tilespmem:$0x1EB00]  }
0x18e: {  	[tilespmem:$0x1FAE0] =	vst v20;
	v20 =	vld [tilespmem:$0x27B0]  }
0x18f: {  	[tilespmem:$0x1FBD0] =	vst v61;
	v61 =	vld [tilespmem:$0x2710]  }
0x190: {  	v17 =	vmax.f32 v17, v54;
	v54 =	vld [tilespmem:$0x1630]  }
0x191: {  	v2 =	vmax.f32 v2, v4;
	v4 =	vmax.f32 v60, v39;
	v39 =	vld [tilespmem:$0x1F30]  }
0x192: {  	v60 =	vld [tilespmem:$0x1EBC0]  }
0x193: {  	v17 =	vmax.f32 v17, v59;
	v59 =	vld [tilespmem:$0x1EAB0]  }
0x194: {  	[tilespmem:$0x1F840] =	vst v61;
	v61 =	vld [tilespmem:$0x1FA0]  }
0x195: {  	v4 =	vmax.f32 v4, v45;
	v45 =	vld [tilespmem:$0x1EB50]  }
0x196: {  	v4 =	vmax.f32 v4, v51;
	v51 =	vld [tilespmem:$0x1EB80]  }
0x197: {  	v2 =	vmax.f32 v2, v5;
	[tilespmem:$0x1FA60] =	vst v3;
	v3 =	vld [tilespmem:$0x1EAA0]  }
0x198: {  	v2 =	vmax.f32 v2, v6;
	v4 =	vmax.f32 v4, v57;
	v57 =	vld [tilespmem:$0x2530]  }
0x199: {  	v2 =	vmax.f32 v2, v7;
	[tilespmem:$0x1FB60] =	vst v61;
	v61 =	vld [tilespmem:$0x2790]  }
0x19a: {  	v2 =	vmax.f32 v2, v8;
	v8 =	vld [tilespmem:$0x1EBE0]  }
0x19b: {  	[tilespmem:$0x1F280] =	vst v46;
	v46 =	vld [tilespmem:$0x11D0]  }
0x19c: {  	[tilespmem:$0x1F2B0] =	vst v53;
	v53 =	vld [tilespmem:$0x1250]  }
0x19d: {  	[tilespmem:$0x1F2E0] =	vst v58;
	v58 =	vld [tilespmem:$0x12D0]  }
0x19e: {  	[tilespmem:$0x1F870] =	vst v61;
	v61 =	vld [tilespmem:$0x2DA0]  }
0x19f: {  	[tilespmem:$0x1F340] =	vst v16;
	v16 =	vld [tilespmem:$0x13D0]  }
0x1a0: {  	[tilespmem:$0x1F370] =	vst v23;
	v23 =	vld [tilespmem:$0x1450]  }
0x1a1: {  	[tilespmem:$0x1F3A0] =	vst v29;
	v29 =	vld [tilespmem:$0x18D0]  }
0x1a2: {  	[tilespmem:$0x1EEC0] =	vst v35;
	v35 =	vld [tilespmem:$0x1950]  }
0x1a3: {  	[tilespmem:$0x1FD30] =	vst v61;
	v61 =	vld [tilespmem:$0x2810]  }
0x1a4: {  	[tilespmem:$0x1EED0] =	vst v41;
	v41 =	vld [tilespmem:$0x19D0]  }
0x1a5: {  	[tilespmem:$0x1FBF0] =	vst v26;
	v26 =	vld [tilespmem:$0x2820]  }
0x1a6: {  	[tilespmem:$0x1F9F0] =	vst v32;
	v32 =	vld [tilespmem:$0x2CA0]  }
0x1a7: {  	[tilespmem:$0x1FA30] =	vst v36;
	v36 =	vld [tilespmem:$0x2FA0]  }
0x1a8: {  	[tilespmem:$0x1F8A0] =	vst v61;
	v61 =	vld [tilespmem:$0x2020]  }
0x1a9: {  	[tilespmem:$0x1FA00] =	vst v40;
	v40 =	vld [tilespmem:$0x1EB30]  }
0x1aa: {  	v18 =	vmax.f32 v44, v47;
	v44 =	vld [tilespmem:$0x1FB0]  }
0x1ab: {  	v47 =	vld [tilespmem:$0x1EB60]  }
0x1ac: {  	[tilespmem:$0x1FA20] =	vst v48;
	v48 =	vld [tilespmem:$0x2030]  }
0x1ad: {  	[tilespmem:$0x1FB80] =	vst v61;
	v61 =	vld [tilespmem:$0x2D10]  }
0x1ae: {  	v4 =	vmax.f32 v4, v63;
	v63 =	vld [tilespmem:$0x1EBD0]  }
0x1af: {  	v2 =	vmax.f32 v2, v9;
	v9 =	vld [tilespmem:$0x2630]  }
0x1b0: {  	[tilespmem:$0x1FAC0] =	vst v14;
	v14 =	vld [tilespmem:$0x1EC10]  }
0x1b1: {  	[tilespmem:$0x1FA40] =	vst v54;
	v54 =	vld [tilespmem:$0x1EB90]  }
0x1b2: {  	[tilespmem:$0x1F900] =	vst v61;
	v61 =	vld [tilespmem:$0x2D20]  }
0x1b3: {  	v2 =	vmax.f32 v2, v10;
	v10 =	vld [tilespmem:$0x1EBF0]  }
0x1b4: {  	v2 =	vmax.f32 v2, v11;
	v11 =	vld [tilespmem:$0x1EC00]  }
0x1b5: {  	v2 =	vmax.f32 v2, v12;
	v12 =	vld [tilespmem:$0x26B0]  }
0x1b6: {  	v2 =	vmax.f32 v2, v21;
	v21 =	vld [tilespmem:$0x1EC30]  }
0x1b7: {  	[tilespmem:$0x1FD00] =	vst v61;
	v61 =	vld [tilespmem:$0x2D90]  }
0x1b8: {  	[tilespmem:$0x1EEF0] =	vst v46;
	v46 =	vld [tilespmem:$0x1A50]  }
0x1b9: {  	[tilespmem:$0x1EF10] =	vst v53;
	v53 =	vld [tilespmem:$0x1AD0]  }
0x1ba: {  	[tilespmem:$0x1EF30] =	vst v58;
	v58 =	vld [tilespmem:$0x1B50]  }
0x1bb: {  	[tilespmem:$0x1EF70] =	vst v16;
	v16 =	vld [tilespmem:$0x1C50]  }
0x1bc: {  	[tilespmem:$0x1F930] =	vst v61;
	v61 =	vld [tilespmem:$0x1EA0]  }
0x1bd: {  	[tilespmem:$0x1EF90] =	vst v23;
	v23 =	vld [tilespmem:$0x20D0]  }
0x1be: {  	[tilespmem:$0x1EFB0] =	vst v29;
	v29 =	vld [tilespmem:$0x2150]  }
0x1bf: {  	[tilespmem:$0x1EFD0] =	vst v35;
	v35 =	vld [tilespmem:$0x21D0]  }
0x1c0: {  	[tilespmem:$0x1EFF0] =	vst v41;
	v41 =	vld [tilespmem:$0x2250]  }
0x1c1: {  	[tilespmem:$0x1FB20] =	vst v61;
	v61 =	vld [tilespmem:$0x24A0]  }
0x1c2: {  	[tilespmem:$0x1FCA0] =	vst v26;
	v26 =	vld [tilespmem:$0x1EAE0]  }
0x1c3: {  	[tilespmem:$0x1FCD0] =	vst v32;
	v32 =	vld [tilespmem:$0x1E30]  }
0x1c4: {  	[tilespmem:$0x1FDF0] =	vst v36;
	v36 =	vld [tilespmem:$0x1EB10]  }
0x1c5: {  	v2 =	vmax.f32 v2, v25;
	v25 =	vld [tilespmem:$0x1EC40]  }
0x1c6: {  	[tilespmem:$0x1FBA0] =	vst v61;
	v61 =	vld [tilespmem:$0x2E10]  }
0x1c7: {  	[tilespmem:$0x1F020] =	vst v46;
	v46 =	vld [tilespmem:$0x22D0]  }
0x1c8: {  	[tilespmem:$0x1F050] =	vst v53;
	v53 =	vld [tilespmem:$0x2350]  }
0x1c9: {  	[tilespmem:$0x1F080] =	vst v58;
	v58 =	vld [tilespmem:$0x23D0]  }
0x1ca: {  	[tilespmem:$0x1F0E0] =	vst v16;
	v16 =	vld [tilespmem:$0x28D0]  }
0x1cb: {  	[tilespmem:$0x1F960] =	vst v61;
	v61 =	vld [tilespmem:$0x17B0]  }
0x1cc: {  	[tilespmem:$0x1F110] =	vst v23;
	v23 =	vld [tilespmem:$0x2950]  }
0x1cd: {  	[tilespmem:$0x1F140] =	vst v29;
	v29 =	vld [tilespmem:$0x29D0]  }
0x1ce: {  	[tilespmem:$0x1F170] =	vst v35;
	v35 =	vld [tilespmem:$0x2A50]  }
0x1cf: {  	[tilespmem:$0x1F1A0] =	vst v41;
	v41 =	vld [tilespmem:$0x2AD0]  }
0x1d0: {  	[tilespmem:$0x1FA90] =	vst v61;
	v61 =	vld [tilespmem:$0x1520]  }
0x1d1: {  	[tilespmem:$0x1F1D0] =	vst v46;
	v46 =	vld [tilespmem:$0x2B50]  }
0x1d2: {  	[tilespmem:$0x1F200] =	vst v53;
	v53 =	vld [tilespmem:$0x2BD0]  }
0x1d3: {  	[tilespmem:$0x1F230] =	vst v58;
	v58 =	vld [tilespmem:$0x2C50]  }
0x1d4: {  	[tilespmem:$0x1F290] =	vst v16;
	v16 =	vld [tilespmem:$0x10E0]  }
0x1d5: {  	[tilespmem:$0x1F9D0] =	vst v61;
	v61 =	vld [tilespmem:$0x1EA00]  }
0x1d6: {  	[tilespmem:$0x1F2C0] =	vst v23;
	v23 =	vld [tilespmem:$0x11E0]  }
0x1d7: {  	[tilespmem:$0x1F2F0] =	vst v29;
	v29 =	vld [tilespmem:$0x1260]  }
0x1d8: {  	[tilespmem:$0x1F320] =	vst v35;
	v35 =	vld [tilespmem:$0x12E0]  }
0x1d9: {  	[tilespmem:$0x1F350] =	vst v41;
	v41 =	vld [tilespmem:$0x1360]  }
0x1da: {  	[tilespmem:$0x1F380] =	vst v46;
	v46 =	vld [tilespmem:$0x13E0];
	v17 =	vmax.f32 v17, v61  }
0x1db: {  	[tilespmem:$0x1F3B0] =	vst v53;
	v53 =	vld [tilespmem:$0x1460];
	v17 =	vmax.f32 v17, v28  }
0x1dc: {  	[tilespmem:$0x1F3D0] =	vst v58;
	v58 =	vld [tilespmem:$0x18E0];
	v17 =	vmax.f32 v17, v34  }
0x1dd: {  	v61 =	vld [tilespmem:$0x1EAC0];
	v17 =	vmax.f32 v17, v37  }
0x1de: {  	[tilespmem:$0x1FB00] =	vst v27;
	v28 =	vld [tilespmem:$0x1EAF0];
	v17 =	vmax.f32 v17, v42  }
0x1df: {  	[tilespmem:$0x1FCB0] =	vst v20;
	v34 =	vld [tilespmem:$0x1EB0];
	v17 =	vmax.f32 v17, v50  }
0x1e0: {  	[tilespmem:$0x1FE80] =	vst v17;
	v17 =	vmax.f32 v18, v52;
	v18 =	vld [tilespmem:$0x1EAD0]  }
0x1e1: {  	[tilespmem:$0x1FB70] =	vst v39;
	v37 =	vld [tilespmem:$0x1EB20];
	v15 =	vmax.f32 v17, v56  }
0x1e2: {  	[tilespmem:$0x1FC00] =	vst v57;
	v42 =	vld [tilespmem:$0x1EB40];
	v3 =	vmax.f32 v15, v3  }
0x1e3: {  	[tilespmem:$0x1FB90] =	vst v44;
	v50 =	vld [tilespmem:$0x1EB70];
	v3 =	vmax.f32 v3, v59  }
0x1e4: {  	[tilespmem:$0x1FBB0] =	vst v48;
	v52 =	vld [tilespmem:$0x24B0];
	v3 =	vmax.f32 v3, v61  }
0x1e5: {  	[tilespmem:$0x1FC40] =	vst v9;
	v61 =	vld [tilespmem:$0x25B0];
	v3 =	vmax.f32 v3, v18  }
0x1e6: {  	[tilespmem:$0x1FC60] =	vst v12;
	v3 =	vmax.f32 v3, v26;
	v26 =	vld [tilespmem:$0x2830]  }
0x1e7: {  	[tilespmem:$0x1FB30] =	vst v32;
	v17 =	vld [tilespmem:$0x1830]  }
0x1e8: {  	[tilespmem:$0x1FB50] =	vst v34;
	v56 =	vld [tilespmem:$0x1EBA0]  }
0x1e9: {  	v15 =	vld [tilespmem:$0x1730];
	[tilespmem:$0x1FBE0] =	vst v52  }
0x1ea: {  	v59 =	vld [tilespmem:$0x1EBB0];
	[tilespmem:$0x1FC20] =	vst v61  }
0x1eb: {  	v18 =	vld [tilespmem:$0x1EC20];
	[tilespmem:$0x1FCE0] =	vst v26  }
0x1ec: {  	v5 =	vld [tilespmem:$0x1EC50]  }
0x1ed: {  	v27 =	vld [tilespmem:$0x1EC60]  }
0x1ee: {  	v3 =	vmax.f32 v3, v28;
	v28 =	vld [tilespmem:$0x1EC70]  }
0x1ef: {  	v2 =	vmax.f32 v2, v31;
	v31 =	vld [tilespmem:$0x2CB0]  }
0x1f0: {  	v32 =	vld [tilespmem:$0x1EC80]  }
0x1f1: {  	v3 =	vmax.f32 v3, v33;
	v33 =	vld [tilespmem:$0x1EC90]  }
0x1f2: {  	v34 =	vld [tilespmem:$0x1ECA0]  }
0x1f3: {  	v4 =	vmax.f32 v4, v37;
	v37 =	vld [tilespmem:$0x1ECB0]  }
0x1f4: {  	v2 =	vmax.f32 v2, v38;
	v38 =	vld [tilespmem:$0x1ECC0]  }
0x1f5: {  	v3 =	vmax.f32 v3, v36;
	v39 =	vld [tilespmem:$0x1ECD0]  }
0x1f6: {  	v3 =	vmax.f32 v3, v40;
	v40 =	vld [tilespmem:$0x2FB0]  }
0x1f7: {  	v4 =	vmax.f32 v4, v42;
	v42 =	vld [tilespmem:$0x1ECE0]  }
0x1f8: {  	v2 =	vmax.f32 v2, v43;
	v43 =	vld [tilespmem:$0x1ECF0]  }
0x1f9: {  	v44 =	vld [tilespmem:$0x1ED00]  }
0x1fa: {  	v3 =	vmax.f32 v3, v45;
	v45 =	vld [tilespmem:$0x3030]  }
0x1fb: {  	v4 =	vmax.f32 v4, v47;
	v47 =	vld [tilespmem:$0x1ED10]  }
0x1fc: {  	v48 =	vld [tilespmem:$0x1ED20]  }
0x1fd: {  	v2 =	vmax.f32 v2, v49;
	v49 =	vld [tilespmem:$0x1ED30]  }
0x1fe: {  	v3 =	vmax.f32 v3, v50;
	v50 =	vld [tilespmem:$0x1ED40]  }
0x1ff: {  	v4 =	vmax.f32 v4, v51;
	v51 =	vld [tilespmem:$0x1ED50]  }
0x200: {  	v52 =	vld [tilespmem:$0x1ED60]  }
0x201: {  	v2 =	vmax.f32 v2, v55;
	v55 =	vld [tilespmem:$0x1ED80]  }
0x202: {  	v4 =	vmax.f32 v4, v56;
	v56 =	vld [tilespmem:$0x1ED90]  }
0x203: {  	v57 =	vld [tilespmem:$0x1EDA0]  }
0x204: {  	v4 =	vmax.f32 v4, v60;
	v60 =	vld [tilespmem:$0x1EDC0]  }
0x205: {  	v61 =	vld [tilespmem:$0x1EDD0]  }
0x206: {  	v2 =	vmax.f32 v2, v62;
	v62 =	vld [tilespmem:$0x1EDE0]  }
0x207: {  	v4 =	vmax.f32 v4, v8;
	v8 =	vld [tilespmem:$0x1EE00]  }
0x208: {  	v4 =	vmax.f32 v4, v11;
	v9 =	vld [tilespmem:$0x1EE10]  }
0x209: {  	v4 =	vmax.f32 v4, v18;
	v18 =	vld [tilespmem:$0x1EE20]  }
0x20a: {  	v20 =	vld [tilespmem:$0x1EE30]  }
0x20b: {  	v4 =	vmax.f32 v4, v25;
	v25 =	vld [tilespmem:$0x1EE60]  }
0x20c: {  	v26 =	vld [tilespmem:$0x1EE90]  }
0x20d: {  	v3 =	vmax.f32 v3, v54;
	v54 =	vld [tilespmem:$0x1ED70]  }
0x20e: {  	v3 =	vmax.f32 v3, v59;
	v59 =	vld [tilespmem:$0x1EDB0]  }
0x20f: {  	v3 =	vmax.f32 v3, v63;
	v63 =	vld [tilespmem:$0x1EDF0]  }
0x210: {  	v4 =	vmax.f32 v4, v27;
	v27 =	vld [tilespmem:$0x1EEA0]  }
0x211: {  	v2 =	vmax.f32 v2, v28;
	v28 =	vld [tilespmem:$0x1EED0]  }
0x212: {  	[tilespmem:$0x1FD10] =	vst v31;
	v31 =	vld [tilespmem:$0x1EEE0]  }
0x213: {  	v3 =	vmax.f32 v3, v10;
	[tilespmem:$0x1FE30] =	vst v40;
	v40 =	vld [tilespmem:$0x1EF10]  }
0x214: {  	v3 =	vmax.f32 v3, v14;
	[tilespmem:$0x1FE50] =	vst v45;
	v45 =	vld [tilespmem:$0x1EF30]  }
0x215: {  	v3 =	vmax.f32 v3, v21;
	v21 =	vld [tilespmem:$0x1EE50]  }
0x216: {  	v4 =	vmax.f32 v4, v33;
	v33 =	vmax.f32 v16, v13;
	v13 =	vld [tilespmem:$0x1F040]  }
0x217: {  	v2 =	vmax.f32 v2, v34;
	v16 =	vld [tilespmem:$0x1F050];
	v3 =	vmax.f32 v3, v5  }
0x218: {  	v2 =	vmax.f32 v2, v39;
	v3 =	vmax.f32 v3, v32;
	v32 =	vld [tilespmem:$0x1EEF0]  }
0x219: {  	v4 =	vmax.f32 v4, v38;
	v2 =	vmax.f32 v2, v44;
	v44 =	vld [tilespmem:$0x1EF20]  }
0x21a: {  	v4 =	vmax.f32 v4, v43;
	v3 =	vmax.f32 v3, v37;
	v37 =	vld [tilespmem:$0x1EF00]  }
0x21b: {  	v4 =	vmax.f32 v4, v48;
	v48 =	vld [tilespmem:$0x1EF50]  }
0x21c: {  	v2 =	vmax.f32 v2, v49;
	v49 =	vld [tilespmem:$0x1EF60]  }
0x21d: {  	v4 =	vmax.f32 v4, v51;
	v51 =	vld [tilespmem:$0x1EF80]  }
0x21e: {  	v3 =	vmax.f32 v3, v42;
	v2 =	vmax.f32 v2, v52;
	v52 =	vld [tilespmem:$0x1EF90]  }
0x21f: {  	v3 =	vmax.f32 v3, v47;
	v47 =	vld [tilespmem:$0x1EF40]  }
0x220: {  	v4 =	vmax.f32 v4, v55;
	v55 =	vld [tilespmem:$0x1EFA0]  }
0x221: {  	v2 =	vmax.f32 v2, v56;
	v56 =	vld [tilespmem:$0x1EFB0]  }
0x222: {  	v3 =	vmax.f32 v3, v50;
	v50 =	vld [tilespmem:$0x1EF70]  }
0x223: {  	v4 =	vmax.f32 v4, v59;
	v59 =	vld [tilespmem:$0x1EFD0]  }
0x224: {  	v2 =	vmax.f32 v2, v60;
	v60 =	vld [tilespmem:$0x1EFE0]  }
0x225: {  	v3 =	vmax.f32 v3, v54;
	v54 =	vld [tilespmem:$0x1FC0]  }
0x226: {  	v4 =	vmax.f32 v4, v62;
	v62 =	vld [tilespmem:$0x1F000]  }
0x227: {  	v2 =	vmax.f32 v2, v63;
	v63 =	vld [tilespmem:$0x1F010]  }
0x228: {  	v3 =	vmax.f32 v3, v57;
	v57 =	vld [tilespmem:$0x1EFC0]  }
0x229: {  	v4 =	vmax.f32 v4, v9;
	v9 =	vld [tilespmem:$0x1F030]  }
0x22a: {  	v2 =	vmax.f32 v2, v18;
	v18 =	vld [tilespmem:$0x1F060];
	v3 =	vmax.f32 v3, v61  }
0x22b: {  	v61 =	vld [tilespmem:$0x1EFF0];
	v3 =	vmax.f32 v3, v8  }
0x22c: {  	v3 =	vmax.f32 v3, v20;
	v20 =	vld [tilespmem:$0x2640]  }
0x22d: {  	[tilespmem:$0x1FEA0] =	vst v3;
	v3 =	vld [tilespmem:$0x1EE40]  }
0x22e: {  	v2 =	vmax.f32 v2, v21;
	v21 =	vld [tilespmem:$0x1F070]  }
0x22f: {  	v8 =	vld [tilespmem:$0x1F020]  }
0x230: {  	[tilespmem:$0x1FBC0] =	vst v54;
	v54 =	vld [tilespmem:$0x1F140]  }
0x231: {  	[tilespmem:$0x1FC70] =	vst v20;
	v20 =	vld [tilespmem:$0x1F1F0]  }
0x232: {  	v3 =	vmax.f32 v4, v3;
	v4 =	vmax.f32 v33, v23;
	v23 =	vld [tilespmem:$0x1F080]  }
0x233: {  	v33 =	vld [tilespmem:$0x1F0F0];
	v4 =	vmax.f32 v4, v29  }
0x234: {  	v3 =	vmax.f32 v3, v25;
	v29 =	vld [tilespmem:$0x2740];
	v4 =	vmax.f32 v4, v35  }
0x235: {  	[tilespmem:$0x1FEC0] =	vst v3;
	v3 =	vld [tilespmem:$0x1EE70];
	v4 =	vmax.f32 v4, v41  }
0x236: {  	v25 =	vld [tilespmem:$0x1F090];
	v4 =	vmax.f32 v4, v46  }
0x237: {  	v4 =	vmax.f32 v4, v53;
	v53 =	vld [tilespmem:$0x1F130]  }
0x238: {  	v4 =	vmax.f32 v4, v58;
	v58 =	vld [tilespmem:$0x1F170]  }
0x239: {  	[tilespmem:$0x1FCC0] =	vst v29;
	v29 =	vld [tilespmem:$0x2F40]  }
0x23a: {  	v2 =	vmax.f32 v2, v3;
	v3 =	vld [tilespmem:$0x1EE80]  }
0x23b: {  	v4 =	vmax.f32 v4, v62;
	v62 =	vld [tilespmem:$0x1F1A0]  }
0x23c: {  	v2 =	vmax.f32 v2, v27;
	v27 =	vld [tilespmem:$0x1F0B0]  }
0x23d: {  	v4 =	vmax.f32 v4, v9;
	v9 =	vld [tilespmem:$0x1F1C0]  }
0x23e: {  	[tilespmem:$0x1FEE0] =	vst v2;
	v2 =	vld [tilespmem:$0x1EEB0]  }
0x23f: {  	v4 =	vmax.f32 v4, v18;
	v18 =	vld [tilespmem:$0x2E40]  }
0x240: {  	v4 =	vmax.f32 v4, v25;
	v25 =	vld [tilespmem:$0x2EC0]  }
0x241: {  	[tilespmem:$0x1FE40] =	vst v29;
	v29 =	vld [tilespmem:$0x1F460]  }
0x242: {  	v3 =	vmax.f32 v3, v26;
	v26 =	vld [tilespmem:$0x1F0A0]  }
0x243: {  	v2 =	vmax.f32 v3, v2;
	v3 =	vld [tilespmem:$0x1EEC0]  }
0x244: {  	[tilespmem:$0x1FDE0] =	vst v18;
	v18 =	vld [tilespmem:$0x1F380]  }
0x245: {  	v2 =	vmax.f32 v2, v31;
	v31 =	vld [tilespmem:$0x1F0D0]  }
0x246: {  	[tilespmem:$0x1FE10] =	vst v25;
	v25 =	vld [tilespmem:$0x1F400];
	v2 =	vmax.f32 v2, v37  }
0x247: {  	v2 =	vmax.f32 v2, v44;
	v44 =	vld [tilespmem:$0x1F100]  }
0x248: {  	v2 =	vmax.f32 v2, v47;
	v3 =	vmax.f32 v3, v28;
	v28 =	vld [tilespmem:$0x1F0C0]  }
0x249: {  	v2 =	vmax.f32 v2, v49;
	v49 =	vld [tilespmem:$0x1F110]  }
0x24a: {  	v3 =	vmax.f32 v3, v32;
	v32 =	vld [tilespmem:$0x1F0E0]  }
0x24b: {  	v2 =	vmax.f32 v2, v51;
	v51 =	vld [tilespmem:$0x1F120]  }
0x24c: {  	v2 =	vmax.f32 v2, v55;
	v55 =	vld [tilespmem:$0x1F150]  }
0x24d: {  	v2 =	vmax.f32 v2, v57;
	v57 =	vld [tilespmem:$0x1F160]  }
0x24e: {  	v3 =	vmax.f32 v3, v40;
	v2 =	vmax.f32 v2, v60;
	v60 =	vld [tilespmem:$0x2D40]  }
0x24f: {  	v3 =	vmax.f32 v3, v45;
	v2 =	vmax.f32 v2, v63;
	v63 =	vld [tilespmem:$0x1F1B0]  }
0x250: {  	v3 =	vmax.f32 v3, v48;
	v4 =	vmax.f32 v4, v28;
	v28 =	vld [tilespmem:$0x1F240]  }
0x251: {  	v3 =	vmax.f32 v3, v50;
	v2 =	vmax.f32 v2, v13;
	v13 =	vld [tilespmem:$0x1F1D0]  }
0x252: {  	v3 =	vmax.f32 v3, v52;
	v4 =	vmax.f32 v4, v33;
	v33 =	vld [tilespmem:$0x1F270]  }
0x253: {  	v3 =	vmax.f32 v3, v56;
	v56 =	vld [tilespmem:$0x2CC0]  }
0x254: {  	v2 =	vmax.f32 v2, v21;
	v21 =	vld [tilespmem:$0x1F200]  }
0x255: {  	v4 =	vmax.f32 v4, v51;
	v51 =	vld [tilespmem:$0x1F2A0]  }
0x256: {  	v3 =	vmax.f32 v3, v59;
	v59 =	vld [tilespmem:$0x1F180]  }
0x257: {  	v2 =	vmax.f32 v2, v26;
	v26 =	vld [tilespmem:$0x1F220]  }
0x258: {  	v4 =	vmax.f32 v4, v55;
	v55 =	vld [tilespmem:$0x1F2D0]  }
0x259: {  	v3 =	vmax.f32 v3, v61;
	v61 =	vld [tilespmem:$0x1F190]  }
0x25a: {  	v2 =	vmax.f32 v2, v31;
	v31 =	vld [tilespmem:$0x1F250]  }
0x25b: {  	[tilespmem:$0x1FD80] =	vst v60;
	v60 =	vld [tilespmem:$0x1F320]  }
0x25c: {  	v3 =	vmax.f32 v3, v8;
	v8 =	vld [tilespmem:$0x2DC0]  }
0x25d: {  	v2 =	vmax.f32 v2, v44;
	v44 =	vld [tilespmem:$0x1F280]  }
0x25e: {  	v3 =	vmax.f32 v3, v16;
	v16 =	vld [tilespmem:$0x1F1E0]  }
0x25f: {  	v2 =	vmax.f32 v2, v53;
	v53 =	vld [tilespmem:$0x1F2B0]  }
0x260: {  	v3 =	vmax.f32 v3, v23;
	v23 =	vld [tilespmem:$0x1F210]  }
0x261: {  	[tilespmem:$0x1FD50] =	vst v56;
	v56 =	vld [tilespmem:$0x1F2E0]  }
0x262: {  	v2 =	vmax.f32 v2, v57;
	v57 =	vld [tilespmem:$0x1F2F0]  }
0x263: {  	v3 =	vmax.f32 v3, v27;
	v27 =	vld [tilespmem:$0x1F230]  }
0x264: {  	v4 =	vmax.f32 v4, v59;
	v59 =	vld [tilespmem:$0x1F310]  }
0x265: {  	v3 =	vmax.f32 v3, v32;
	v32 =	vld [tilespmem:$0x1F260]  }
0x266: {  	v4 =	vmax.f32 v4, v63;
	v63 =	vld [tilespmem:$0x1F330]  }
0x267: {  	v3 =	vmax.f32 v3, v49;
	v49 =	vld [tilespmem:$0x1F290]  }
0x268: {  	v2 =	vmax.f32 v2, v61;
	[tilespmem:$0x1FDB0] =	vst v8;
	v8 =	vld [tilespmem:$0x1F340]  }
0x269: {  	v2 =	vmax.f32 v2, v9;
	v9 =	vld [tilespmem:$0x1F350]  }
0x26a: {  	v3 =	vmax.f32 v3, v54;
	v54 =	vld [tilespmem:$0x1F2C0]  }
0x26b: {  	v4 =	vmax.f32 v4, v16;
	v16 =	vld [tilespmem:$0x1F370]  }
0x26c: {  	v2 =	vmax.f32 v2, v20;
	v20 =	vld [tilespmem:$0x1F390]  }
0x26d: {  	v3 =	vmax.f32 v3, v58;
	v58 =	vld [tilespmem:$0x1F300]  }
0x26e: {  	v4 =	vmax.f32 v4, v23;
	v23 =	vld [tilespmem:$0x1F3D0]  }
0x26f: {  	v2 =	vmax.f32 v2, v26;
	v26 =	vld [tilespmem:$0x1F410]  }
0x270: {  	v4 =	vmax.f32 v4, v28;
	v28 =	vld [tilespmem:$0x1F450]  }
0x271: {  	v3 =	vmax.f32 v3, v62;
	v2 =	vmax.f32 v2, v31;
	v31 =	vld [tilespmem:$0x1F470]  }
0x272: {  	v3 =	vmax.f32 v3, v13;
	v13 =	vld [tilespmem:$0x1F360]  }
0x273: {  	v4 =	vmax.f32 v4, v33;
	v33 =	vld [tilespmem:$0x1F490]  }
0x274: {  	v3 =	vmax.f32 v3, v21;
	v21 =	vld [tilespmem:$0x1F3A0]  }
0x275: {  	v2 =	vmax.f32 v2, v44;
	v4 =	vmax.f32 v4, v51;
	v3 =	vmax.f32 v3, v27;
	v27 =	vld [tilespmem:$0x1F440]  }
0x276: {  	v2 =	vmax.f32 v2, v53;
	v4 =	vmax.f32 v4, v55;
	v55 =	vld [tilespmem:$0x1F4B0]  }
0x277: {  	v2 =	vmax.f32 v2, v56;
	v56 =	vld [tilespmem:$0x1F4C0]  }
0x278: {  	v3 =	vmax.f32 v3, v32;
	v32 =	vld [tilespmem:$0x1F480]  }
0x279: {  	v4 =	vmax.f32 v4, v58;
	v58 =	vld [tilespmem:$0x1F4E0]  }
0x27a: {  	v2 =	vmax.f32 v2, v59;
	v59 =	vld [tilespmem:$0x1F4F0]  }
0x27b: {  	v3 =	vmax.f32 v3, v49;
	v2 =	vmax.f32 v2, v8;
	v8 =	vld [tilespmem:$0x1F510]  }
0x27c: {  	v4 =	vmax.f32 v4, v63;
	v3 =	vmax.f32 v3, v54;
	v54 =	vld [tilespmem:$0x1F4A0]  }
0x27d: {  	v4 =	vmax.f32 v4, v13;
	v2 =	vmax.f32 v2, v16;
	v13 =	vld [tilespmem:$0x1F530]  }
0x27e: {  	v16 =	vld [tilespmem:$0x1F540];
	v2 =	vmax.f32 v2, v21  }
0x27f: {  	[tilespmem:$0x1FF00] =	vst v2;
	v2 =	vld [tilespmem:$0x1F3B0]  }
0x280: {  	v3 =	vmax.f32 v3, v57;
	v57 =	vld [tilespmem:$0x1F4D0]  }
0x281: {  	v4 =	vmax.f32 v4, v20;
	v20 =	vld [tilespmem:$0x1F560];
	v3 =	vmax.f32 v3, v60  }
0x282: {  	v21 =	vld [tilespmem:$0x1F570];
	v3 =	vmax.f32 v3, v9  }
0x283: {  	v60 =	vld [tilespmem:$0x1F500];
	v3 =	vmax.f32 v3, v18  }
0x284: {  	v2 =	vmax.f32 v3, v2;
	v3 =	vld [tilespmem:$0x1F3C0]  }
0x285: {  	v9 =	vld [tilespmem:$0x1F520];
	v2 =	vmax.f32 v2, v23  }
0x286: {  	[tilespmem:$0x1FF20] =	vst v2;
	v2 =	vld [tilespmem:$0x1F3E0]  }
0x287: {  	v18 =	vld [tilespmem:$0x1F550]  }
0x288: {  	v23 =	vld [tilespmem:$0x1F580]  }
0x289: {  	v3 =	vmax.f32 v4, v3;
	v4 =	vmax.f32 v31, v32;
	v31 =	vld [tilespmem:$0x1F5E0]  }
0x28a: {  	v32 =	vld [tilespmem:$0x1F5F0]  }
0x28b: {  	v2 =	vmax.f32 v3, v2;
	v3 =	vld [tilespmem:$0x1F3F0]  }
0x28c: {  	v4 =	vmax.f32 v4, v55;
	v2 =	vmax.f32 v2, v26;
	v26 =	vld [tilespmem:$0x1F5A0]  }
0x28d: {  	v4 =	vmax.f32 v4, v58;
	[tilespmem:$0x1FF40] =	vst v2;
	v2 =	vld [tilespmem:$0x1F420]  }
0x28e: {  	v4 =	vmax.f32 v4, v8;
	v8 =	vld [tilespmem:$0x1F610]  }
0x28f: {  	v4 =	vmax.f32 v4, v16;
	v16 =	vld [tilespmem:$0x1F640]  }
0x290: {  	v4 =	vmax.f32 v4, v21;
	v21 =	vld [tilespmem:$0x1F670]  }
0x291: {  	v3 =	vmax.f32 v3, v25;
	v4 =	vmax.f32 v4, v26;
	v26 =	vld [tilespmem:$0x2650]  }
0x292: {  	v2 =	vmax.f32 v3, v2;
	v3 =	vld [tilespmem:$0x1F430]  }
0x293: {  	v25 =	vld [tilespmem:$0x1F590]  }
0x294: {  	v2 =	vmax.f32 v2, v28;
	v28 =	vld [tilespmem:$0x1F5C0]  }
0x295: {  	v2 =	vmax.f32 v2, v33;
	v33 =	vld [tilespmem:$0x1F600]  }
0x296: {  	v2 =	vmax.f32 v2, v56;
	[tilespmem:$0x1FE90] =	vst v26;
	v26 =	vld [tilespmem:$0x1F730]  }
0x297: {  	v2 =	vmax.f32 v2, v59;
	v3 =	vmax.f32 v3, v27;
	v27 =	vld [tilespmem:$0x1F5B0]  }
0x298: {  	v2 =	vmax.f32 v2, v9;
	v9 =	vld [tilespmem:$0x1F620];
	v3 =	vmax.f32 v3, v29  }
0x299: {  	v29 =	vld [tilespmem:$0x1F5D0];
	v3 =	vmax.f32 v3, v54  }
0x29a: {  	v2 =	vmax.f32 v2, v18;
	v18 =	vld [tilespmem:$0x1F650];
	v3 =	vmax.f32 v3, v57  }
0x29b: {  	v2 =	vmax.f32 v2, v23;
	v23 =	vld [tilespmem:$0x1F680];
	v3 =	vmax.f32 v3, v60  }
0x29c: {  	v3 =	vmax.f32 v3, v13;
	v13 =	vld [tilespmem:$0x1F630]  }
0x29d: {  	v2 =	vmax.f32 v2, v27;
	v27 =	vld [tilespmem:$0x1F6A0]  }
0x29e: {  	v3 =	vmax.f32 v3, v20;
	v20 =	vld [tilespmem:$0x1F660]  }
0x29f: {  	v4 =	vmax.f32 v4, v29;
	v29 =	vld [tilespmem:$0x1F6C0]  }
0x2a0: {  	v2 =	vmax.f32 v2, v31;
	v3 =	vmax.f32 v3, v25;
	v25 =	vld [tilespmem:$0x1F690]  }
0x2a1: {  	v2 =	vmax.f32 v2, v8;
	v8 =	vld [tilespmem:$0x26D0]  }
0x2a2: {  	v3 =	vmax.f32 v3, v28;
	v28 =	vld [tilespmem:$0x1F6B0]  }
0x2a3: {  	v2 =	vmax.f32 v2, v16;
	v16 =	vld [tilespmem:$0x1F6F0]  }
0x2a4: {  	v3 =	vmax.f32 v3, v32;
	v2 =	vmax.f32 v2, v21;
	v21 =	vld [tilespmem:$0x1F710]  }
0x2a5: {  	v4 =	vmax.f32 v4, v33;
	v3 =	vmax.f32 v3, v9;
	v9 =	vld [tilespmem:$0x1F6D0]  }
0x2a6: {  	v4 =	vmax.f32 v4, v13;
	v13 =	vld [tilespmem:$0x1F6E0]  }
0x2a7: {  	v2 =	vmax.f32 v2, v27;
	v27 =	vld [tilespmem:$0x1F740]  }
0x2a8: {  	v3 =	vmax.f32 v3, v18;
	v18 =	vld [tilespmem:$0x2750]  }
0x2a9: {  	v4 =	vmax.f32 v4, v20;
	v20 =	vld [tilespmem:$0x1F700]  }
0x2aa: {  	v3 =	vmax.f32 v3, v23;
	v23 =	vld [tilespmem:$0x1F720]  }
0x2ab: {  	v4 =	vmax.f32 v4, v25;
	v25 =	vld [tilespmem:$0x27D0]  }
0x2ac: {  	[tilespmem:$0x1FEB0] =	vst v8;
	v8 =	vld [tilespmem:$0x1F760]  }
0x2ad: {  	v3 =	vmax.f32 v3, v28;
	v28 =	vld [tilespmem:$0x1F750]  }
0x2ae: {  	v4 =	vmax.f32 v4, v29;
	v29 =	vld [tilespmem:$0x2850]  }
0x2af: {  	v4 =	vmax.f32 v4, v16;
	v16 =	vld [tilespmem:$0x2CD0]  }
0x2b0: {  	v2 =	vmax.f32 v2, v9;
	v9 =	vld [tilespmem:$0x1F770]  }
0x2b1: {  	v3 =	vmax.f32 v3, v13;
	v13 =	vld [tilespmem:$0x1F780]  }
0x2b2: {  	[tilespmem:$0x1FED0] =	vst v18;
	v18 =	vld [tilespmem:$0x1F790]  }
0x2b3: {  	v2 =	vmax.f32 v2, v20;
	v20 =	vld [tilespmem:$0x1F7A0]  }
0x2b4: {  	v3 =	vmax.f32 v3, v21;
	v21 =	vld [tilespmem:$0x1F7B0]  }
0x2b5: {  	v4 =	vmax.f32 v4, v23;
	v23 =	vld [tilespmem:$0x2D50]  }
0x2b6: {  	[tilespmem:$0x1FEF0] =	vst v25;
	v25 =	vld [tilespmem:$0x1F7C0]  }
0x2b7: {  	v2 =	vmax.f32 v2, v26;
	v26 =	vld [tilespmem:$0x1F7D0]  }
0x2b8: {  	v3 =	vmax.f32 v3, v27;
	v27 =	vld [tilespmem:$0x1F7E0]  }
0x2b9: {  	v4 =	vmax.f32 v4, v28;
	v28 =	vld [tilespmem:$0x2DD0]  }
0x2ba: {  	[tilespmem:$0x1FF10] =	vst v29;
	v29 =	vld [tilespmem:$0x1F7F0]  }
0x2bb: {  	v2 =	vmax.f32 v2, v8;
	v8 =	vld [tilespmem:$0x1F800]  }
0x2bc: {  	[tilespmem:$0x1FF30] =	vst v16;
	v16 =	vld [tilespmem:$0x1F820]  }
0x2bd: {  	v3 =	vmax.f32 v3, v9;
	v9 =	vld [tilespmem:$0x1F810]  }
0x2be: {  	v4 =	vmax.f32 v4, v13;
	v13 =	vld [tilespmem:$0x2E50]  }
0x2bf: {  	v2 =	vmax.f32 v2, v18;
	v18 =	vld [tilespmem:$0x1F830]  }
0x2c0: {  	v3 =	vmax.f32 v3, v20;
	v20 =	vld [tilespmem:$0x1F840]  }
0x2c1: {  	v4 =	vmax.f32 v4, v21;
	v21 =	vld [tilespmem:$0x2ED0]  }
0x2c2: {  	[tilespmem:$0x1FF50] =	vst v23;
	v23 =	vld [tilespmem:$0x1F850]  }
0x2c3: {  	v2 =	vmax.f32 v2, v25;
	v25 =	vld [tilespmem:$0x1F860]  }
0x2c4: {  	v3 =	vmax.f32 v3, v26;
	v26 =	vld [tilespmem:$0x1F870]  }
0x2c5: {  	v3 =	vmax.f32 v3, v8;
	v8 =	vld [tilespmem:$0x1F8A0]  }
0x2c6: {  	v4 =	vmax.f32 v4, v27;
	[tilespmem:$0x1FF60] =	vst v28;
	v28 =	vld [tilespmem:$0x1F880]  }
0x2c7: {  	v4 =	vmax.f32 v4, v9;
	[tilespmem:$0x1FF70] =	vst v13;
	v13 =	vld [tilespmem:$0x1F8B0]  }
0x2c8: {  	v2 =	vmax.f32 v2, v29;
	v4 =	vmax.f32 v4, v20;
	[tilespmem:$0x1FF80] =	vst v21;
	v21 =	vld [tilespmem:$0x1F8E0]  }
0x2c9: {  	v2 =	vmax.f32 v2, v16;
	v4 =	vmax.f32 v4, v26;
	v26 =	vld [tilespmem:$0x1F910]  }
0x2ca: {  	v2 =	vmax.f32 v2, v23;
	v4 =	vmax.f32 v4, v8;
	v8 =	vld [tilespmem:$0x1F940]  }
0x2cb: {  	v29 =	vld [tilespmem:$0x1F890];
	v2 =	vmax.f32 v2, v28  }
0x2cc: {  	v16 =	vld [tilespmem:$0x1F8C0];
	v2 =	vmax.f32 v2, v13  }
0x2cd: {  	v23 =	vld [tilespmem:$0x1F8F0];
	v2 =	vmax.f32 v2, v21  }
0x2ce: {  	v3 =	vmax.f32 v3, v18;
	v28 =	vld [tilespmem:$0x1F920];
	v2 =	vmax.f32 v2, v26  }
0x2cf: {  	v3 =	vmax.f32 v3, v25;
	v5 =	vmax.f32 v2, v8;
	v2 =	vld [tilespmem:$0x1F950]  }
0x2d0: {  	v3 =	vmax.f32 v3, v29  }
0x2d1: {  	v18 =	vld [tilespmem:$0x1F8D0];
	v3 =	vmax.f32 v3, v16  }
0x2d2: {  	v25 =	vld [tilespmem:$0x1F900];
	v3 =	vmax.f32 v3, v23  }
0x2d3: {  	v29 =	vld [tilespmem:$0x1F930];
	v3 =	vmax.f32 v3, v28  }
0x2d4: {  	v3 =	vmax.f32 v3, v2;
	v2 =	vld [tilespmem:$0x1F960];
	_ =	sdelay $0x1  }
0x2d5: {  	v4 =	vmax.f32 v4, v18  }
0x2d6: {  	v4 =	vmax.f32 v4, v25  }
0x2d7: {  	v4 =	vmax.f32 v4, v29  }
0x2d8: {  	v4 =	vmax.f32 v4, v2;
	v2 =	vld [tilespmem:$0x1F970];
	_ =	sdelay $0x3  }
0x2d9: {  	v9 =	vld [tilespmem:$0x2FD0]  }
0x2da: {  	v5 =	vmax.f32 v5, v2;
	v2 =	vld [tilespmem:$0x1F980];
	_ =	sdelay $0x4  }
0x2db: {  	[tilespmem:$0x1FFA0] =	vst v9;
	v9 =	vmax.f32 v3, v2;
	v2 =	vld [tilespmem:$0x1F990];
	_ =	sdelay $0x4  }
0x2dc: {  	v28 =	vmax.f32 v5, v2;
	v2 =	vld [tilespmem:$0x1F9A0];
	_ =	sdelay $0x4  }
0x2dd: {  	v13 =	vmax.f32 v9, v2;
	v2 =	vld [tilespmem:$0x1F9B0];
	_ =	sdelay $0x3  }
0x2de: {  	v4 =	vmax.f32 v4, v19  }
0x2df: {  	v16 =	vmax.f32 v4, v2;
	v2 =	vld [tilespmem:$0x1F9C0];
	_ =	sdelay $0x4  }
0x2e0: {  	v29 =	vmax.f32 v13, v2;
	v2 =	vld [tilespmem:$0x1F9D0];
	_ =	sdelay $0x4  }
0x2e1: {  	v25 =	vmax.f32 v30, v2;
	v2 =	vld [tilespmem:$0x1F9E0];
	_ =	sdelay $0x3  }
0x2e2: {  	v3 =	vld [tilespmem:$0x1FA00]  }
0x2e3: {  	v7 =	vmax.f32 v25, v2;
	v2 =	vld [tilespmem:$0x1F9F0];
	_ =	sdelay $0x4  }
0x2e4: {  	v4 =	vmax.f32 v2, v3;
	v2 =	vld [tilespmem:$0x1FA10];
	_ =	sdelay $0x4  }
0x2e5: {  	v5 =	vmax.f32 v7, v2;
	v2 =	vld [tilespmem:$0x1FA20];
	_ =	sdelay $0x4  }
0x2e6: {  	v8 =	vmax.f32 v4, v2;
	v2 =	vld [tilespmem:$0x1FA30];
	_ =	sdelay $0x4  }
0x2e7: {  	v9 =	vmax.f32 v5, v2;
	v2 =	vld [tilespmem:$0x1FA40];
	_ =	sdelay $0x4  }
0x2e8: {  	v7 =	vmax.f32 v8, v2;
	v2 =	vld [tilespmem:$0x1FA50];
	_ =	sdelay $0x2  }
0x2e9: {  	v11 =	vld [tilespmem:$0x1540]  }
0x2ea: {  	v10 =	vld [tilespmem:$0x14C0]  }
0x2eb: {  	v6 =	vmax.f32 v16, v24;
	v16 =	vmax.f32 v9, v2;
	v2 =	vld [tilespmem:$0x1FA60];
	_ =	sdelay $0x3  }
0x2ec: {  	v12 =	vld [tilespmem:$0x15C0]  }
0x2ed: {  	v10 =	vmax.f32 v10, v11;
	v11 =	vmax.f32 v7, v2;
	v2 =	vld [tilespmem:$0x1FA70];
	_ =	sdelay $0x4  }
0x2ee: {  	v10 =	vmax.f32 v10, v12;
	v12 =	vmax.f32 v16, v2;
	v2 =	vld [tilespmem:$0x1FA80];
	_ =	sdelay $0x4  }
0x2ef: {  	v12 =	vmax.f32 v12, v2;
	v2 =	vld [tilespmem:$0x1FA90];
	_ =	sdelay $0x3  }
0x2f0: {  	v11 =	vmax.f32 v11, v15  }
0x2f1: {  	v5 =	vmax.f32 v11, v2;
	v2 =	vld [tilespmem:$0x1FAA0];
	_ =	sdelay $0x4  }
0x2f2: {  	v30 =	vmax.f32 v6, v22;
	v6 =	vmax.f32 v12, v2;
	v2 =	vld [tilespmem:$0x1FAB0];
	_ =	sdelay $0x3  }
0x2f3: {  	v14 =	vld [tilespmem:$0x1640]  }
0x2f4: {  	v15 =	vmax.f32 v6, v2;
	v2 =	vld [tilespmem:$0x1FAC0];
	_ =	sdelay $0x3  }
0x2f5: {  	v10 =	vmax.f32 v10, v14;
	v14 =	vmax.f32 v5, v17  }
0x2f6: {  	v14 =	vmax.f32 v14, v2;
	v2 =	vld [tilespmem:$0x1FAD0];
	_ =	sdelay $0x4  }
0x2f7: {  	v15 =	vmax.f32 v15, v2;
	v2 =	vld [tilespmem:$0x1FAE0];
	_ =	sdelay $0x2  }
0x2f8: {  	v36 =	vld [tilespmem:$0x2EB0];
	_ =	sdelay $0x1  }
0x2f9: {  	v8 =	vmax.f32 v14, v2;
	v2 =	vld [tilespmem:$0x1FAF0];
	_ =	sdelay $0x2  }
0x2fa: {  	[tilespmem:$0x1FDD0] =	vst v36;
	v36 =	vld [tilespmem:$0x16C0]  }
0x2fb: {  	v34 =	vld [tilespmem:$0x1D40]  }
0x2fc: {  	v9 =	vmax.f32 v15, v2;
	v2 =	vld [tilespmem:$0x1FB00]  }
0x2fd: {  	v38 =	vld [tilespmem:$0x1740]  }
0x2fe: {  	v39 =	vld [tilespmem:$0x17C0]  }
0x2ff: {  	v42 =	vld [tilespmem:$0x1840]  }
0x300: {  	v43 =	vld [tilespmem:$0x1CC0];
	[tilespmem:$0x1FB10] =	vst v34  }
0x301: {  	v4 =	vmax.f32 v10, v36;
	v17 =	vmax.f32 v8, v2;
	v2 =	vld [tilespmem:$0x1FB10]  }
0x302: {  	v13 =	vmax.f32 v4, v38  }
0x303: {  	v13 =	vmax.f32 v13, v39  }
0x304: {  	v7 =	vmax.f32 v13, v42  }
0x305: {  	v16 =	vmax.f32 v7, v43  }
0x306: {  	v16 =	vmax.f32 v16, v2;
	v2 =	vld [tilespmem:$0x1FB20];
	_ =	sdelay $0x4  }
0x307: {  	v36 =	vmax.f32 v9, v2;
	v2 =	vld [tilespmem:$0x1FB30];
	_ =	sdelay $0x4  }
0x308: {  	v17 =	vmax.f32 v17, v2;
	v2 =	vld [tilespmem:$0x1FB40];
	_ =	sdelay $0x4  }
0x309: {  	v36 =	vmax.f32 v36, v2;
	v2 =	vld [tilespmem:$0x1FB50];
	_ =	sdelay $0x4  }
0x30a: {  	v43 =	vmax.f32 v17, v2;
	v2 =	vld [tilespmem:$0x1FB60];
	_ =	sdelay $0x4  }
0x30b: {  	v36 =	vmax.f32 v36, v2;
	v2 =	vld [tilespmem:$0x1FB70];
	_ =	sdelay $0x4  }
0x30c: {  	v39 =	vmax.f32 v43, v2;
	v2 =	vld [tilespmem:$0x1FB80];
	_ =	sdelay $0x4  }
0x30d: {  	v36 =	vmax.f32 v36, v2;
	v2 =	vld [tilespmem:$0x1FB90];
	_ =	sdelay $0x4  }
0x30e: {  	v39 =	vmax.f32 v39, v2;
	v2 =	vld [tilespmem:$0x1FBA0];
	_ =	sdelay $0x4  }
0x30f: {  	v4 =	vmax.f32 v36, v2;
	v2 =	vld [tilespmem:$0x1FBB0]  }
0x310: {  	v40 =	vld [tilespmem:$0x1DC0]  }
0x311: {  	v37 =	vld [tilespmem:$0x1E40]  }
0x312: {  	v35 =	vld [tilespmem:$0x1EC0]  }
0x313: {  	v41 =	vld [tilespmem:$0x1F40]  }
0x314: {  	v39 =	vmax.f32 v39, v2;
	v2 =	vld [tilespmem:$0x1FBC0]  }
0x315: {  	v42 =	vmax.f32 v16, v40  }
0x316: {  	v37 =	vmax.f32 v42, v37  }
0x317: {  	v35 =	vmax.f32 v37, v35  }
0x318: {  	v35 =	vmax.f32 v35, v41  }
0x319: {  	v35 =	vmax.f32 v35, v2;
	v2 =	vld [tilespmem:$0x1FBD0];
	_ =	sdelay $0x4  }
0x31a: {  	v40 =	vmax.f32 v4, v2;
	v2 =	vld [tilespmem:$0x1FBE0];
	_ =	sdelay $0x4  }
0x31b: {  	v39 =	vmax.f32 v39, v2;
	v2 =	vld [tilespmem:$0x1FBF0];
	_ =	sdelay $0x4  }
0x31c: {  	v40 =	vmax.f32 v40, v2;
	v2 =	vld [tilespmem:$0x1FC00]  }
0x31d: {  	v34 =	vld [tilespmem:$0x27C0];
	_ =	sdelay $0x3  }
0x31e: {  	v39 =	vmax.f32 v39, v2;
	v2 =	vld [tilespmem:$0x1FC10]  }
0x31f: {  	[tilespmem:$0x1FCF0] =	vst v34;
	v34 =	vld [tilespmem:$0x2FC0];
	_ =	sdelay $0x3  }
0x320: {  	v40 =	vmax.f32 v40, v2;
	v2 =	vld [tilespmem:$0x1FC20]  }
0x321: {  	[tilespmem:$0x1FE60] =	vst v34;
	v34 =	vld [tilespmem:$0x1650]  }
0x322: {  	v52 =	vld [tilespmem:$0x2840]  }
0x323: {  	v46 =	vld [tilespmem:$0x24C0]  }
0x324: {  	v47 =	vld [tilespmem:$0x2540]  }
0x325: {  	v39 =	vmax.f32 v39, v2;
	v2 =	vld [tilespmem:$0x1FC30]  }
0x326: {  	v45 =	vld [tilespmem:$0x2040]  }
0x327: {  	[tilespmem:$0x1FD20] =	vst v52;
	v52 =	vld [tilespmem:$0x3040]  }
0x328: {  	v48 =	vld [tilespmem:$0x25C0]  }
0x329: {  	v50 =	vld [tilespmem:$0x26C0]  }
0x32a: {  	v40 =	vmax.f32 v40, v2;
	v2 =	vld [tilespmem:$0x1FC40]  }
0x32b: {  	v61 =	vld [tilespmem:$0x14D0]  }
0x32c: {  	[tilespmem:$0x1FE70] =	vst v52;
	v52 =	vld [tilespmem:$0x1850]  }
0x32d: {  	v62 =	vld [tilespmem:$0x1550]  }
0x32e: {  	v44 =	vld [tilespmem:$0x16D0]  }
0x32f: {  	v39 =	vmax.f32 v39, v2;
	v2 =	vld [tilespmem:$0x1FC50]  }
0x330: {  	v63 =	vld [tilespmem:$0x15D0]  }
0x331: {  	v51 =	vld [tilespmem:$0x17D0]  }
0x332: {  	v53 =	vld [tilespmem:$0x1CD0]  }
0x333: {  	v49 =	vld [tilespmem:$0x1750]  }
0x334: {  	v62 =	vmax.f32 v61, v62;
	v40 =	vmax.f32 v40, v2;
	v2 =	vld [tilespmem:$0x1FC60]  }
0x335: {  	v61 =	vld [tilespmem:$0x1FE70];
	v62 =	vmax.f32 v62, v63  }
0x336: {  	v34 =	vmax.f32 v62, v34;
	v62 =	vld [tilespmem:$0x17F0]  }
0x337: {  	v63 =	vmax.f32 v34, v44;
	v34 =	vld [tilespmem:$0x1870]  }
0x338: {  	v44 =	vmax.f32 v63, v49;
	v49 =	vld [tilespmem:$0x1CF0]  }
0x339: {  	v39 =	vmax.f32 v39, v2;
	v2 =	vld [tilespmem:$0x1FC70]  }
0x33a: {  	v55 =	vld [tilespmem:$0x1DD0];
	v5 =	vmax.f32 v35, v45  }
0x33b: {  	v58 =	vld [tilespmem:$0x1F50];
	v41 =	vmax.f32 v5, v46  }
0x33c: {  	v56 =	vld [tilespmem:$0x1E50];
	v41 =	vmax.f32 v41, v47  }
0x33d: {  	v59 =	vld [tilespmem:$0x1FD0];
	v41 =	vmax.f32 v41, v48  }
0x33e: {  	v6 =	vmax.f32 v41, v2;
	v2 =	vld [tilespmem:$0x1FC80]  }
0x33f: {  	v54 =	vld [tilespmem:$0x1D50]  }
0x340: {  	v57 =	vld [tilespmem:$0x1ED0]  }
0x341: {  	v60 =	vld [tilespmem:$0x2050]  }
0x342: {  	v31 =	vld [tilespmem:$0x24D0]  }
0x343: {  	v7 =	vmax.f32 v40, v2;
	v2 =	vld [tilespmem:$0x1FC90]  }
0x344: {  	v27 =	vld [tilespmem:$0x2F50]  }
0x345: {  	v33 =	vld [tilespmem:$0x25D0]  }
0x346: {  	v20 =	vld [tilespmem:$0x3050]  }
0x347: {  	v32 =	vld [tilespmem:$0x2550]  }
0x348: {  	v39 =	vmax.f32 v39, v2;
	v2 =	vld [tilespmem:$0x1FCA0]  }
0x349: {  	[tilespmem:$0x1FF90] =	vst v27;
	v27 =	vld [tilespmem:$0x14E0]  }
0x34a: {  	v18 =	vld [tilespmem:$0x15E0]  }
0x34b: {  	[tilespmem:$0x1FFB0] =	vst v20;
	v20 =	vld [tilespmem:$0x16E0]  }
0x34c: {  	v26 =	vld [tilespmem:$0x1560]  }
0x34d: {  	v47 =	vmax.f32 v7, v2;
	v2 =	vld [tilespmem:$0x1FCB0]  }
0x34e: {  	v21 =	vld [tilespmem:$0x1760]  }
0x34f: {  	v19 =	vld [tilespmem:$0x1660]  }
0x350: {  	v23 =	vld [tilespmem:$0x1860]  }
0x351: {  	v26 =	vmax.f32 v27, v26;
	v27 =	vld [tilespmem:$0x2870]  }
0x352: {  	v8 =	vmax.f32 v39, v2;
	v2 =	vld [tilespmem:$0x1FCC0]  }
0x353: {  	v18 =	vmax.f32 v26, v18;
	v26 =	vld [tilespmem:$0x1FEB0]  }
0x354: {  	v18 =	vmax.f32 v18, v19;
	v19 =	vmax.f32 v44, v51;
	v44 =	vld [tilespmem:$0x1FF20]  }
0x355: {  	v51 =	vld [tilespmem:$0x1FF40]  }
0x356: {  	v19 =	vmax.f32 v19, v52;
	v52 =	vld [tilespmem:$0x1DF0];
	v46 =	vmax.f32 v6, v50  }
0x357: {  	v46 =	vmax.f32 v46, v2;
	v2 =	vld [tilespmem:$0x1FCD0]  }
0x358: {  	v18 =	vmax.f32 v18, v20;
	v20 =	vld [tilespmem:$0x26F0]  }
0x359: {  	v19 =	vmax.f32 v19, v53;
	v53 =	vld [tilespmem:$0x1E70]  }
0x35a: {  	v18 =	vmax.f32 v18, v21;
	v21 =	vld [tilespmem:$0x2770]  }
0x35b: {  	v19 =	vmax.f32 v19, v54;
	v54 =	vld [tilespmem:$0x1EF0]  }
0x35c: {  	v47 =	vmax.f32 v47, v2;
	v2 =	vld [tilespmem:$0x1FCE0]  }
0x35d: {  	v3 =	vld [tilespmem:$0x1FD10]  }
0x35e: {  	v19 =	vmax.f32 v19, v55;
	v55 =	vld [tilespmem:$0x1F70]  }
0x35f: {  	v19 =	vmax.f32 v19, v56;
	v56 =	vld [tilespmem:$0x2FF0]  }
0x360: {  	v57 =	vmax.f32 v19, v57;
	v19 =	vld [tilespmem:$0x25F0]  }
0x361: {  	v48 =	vmax.f32 v8, v2;
	v2 =	vld [tilespmem:$0x1FCF0]  }
0x362: {  	v48 =	vmax.f32 v48, v3;
	v3 =	vld [tilespmem:$0x1FD20]  }
0x363: {  	v22 =	vld [tilespmem:$0x17E0]  }
0x364: {  	v24 =	vld [tilespmem:$0x1CE0]  }
0x365: {  	v25 =	vld [tilespmem:$0x1D60]  }
0x366: {  	v9 =	vmax.f32 v46, v2;
	v2 =	vld [tilespmem:$0x1FD00]  }
0x367: {  	v50 =	vmax.f32 v9, v3;
	v3 =	vld [tilespmem:$0x1FD30]  }
0x368: {  	v18 =	vmax.f32 v18, v22;
	v22 =	vld [tilespmem:$0x1FE80]  }
0x369: {  	v18 =	vmax.f32 v18, v23;
	v23 =	vld [tilespmem:$0x1FE90]  }
0x36a: {  	v18 =	vmax.f32 v18, v24;
	v24 =	vld [tilespmem:$0x27F0]  }
0x36b: {  	v10 =	vld [tilespmem:$0x1DE0];
	v2 =	vmax.f32 v47, v2  }
0x36c: {  	v2 =	vmax.f32 v2, v3;
	v3 =	vld [tilespmem:$0x1FD40]  }
0x36d: {  	v9 =	vld [tilespmem:$0x1FD70]  }
0x36e: {  	v18 =	vmax.f32 v18, v25;
	v25 =	vld [tilespmem:$0x1FEA0]  }
0x36f: {  	v38 =	vld [tilespmem:$0x25E0]  }
0x370: {  	v10 =	vmax.f32 v18, v10;
	v18 =	vmax.f32 v57, v58;
	v57 =	vld [tilespmem:$0x1FF80]  }
0x371: {  	v8 =	vld [tilespmem:$0x1FD60];
	v3 =	vmax.f32 v48, v3  }
0x372: {  	v3 =	vmax.f32 v3, v9;
	v9 =	vld [tilespmem:$0x1FD90]  }
0x373: {  	v63 =	vmax.f32 v18, v59;
	v18 =	vld [tilespmem:$0x2570]  }
0x374: {  	v11 =	vld [tilespmem:$0x1E60]  }
0x375: {  	v48 =	vld [tilespmem:$0x1FD50]  }
0x376: {  	v2 =	vmax.f32 v2, v8;
	v8 =	vld [tilespmem:$0x1FD80]  }
0x377: {  	v2 =	vmax.f32 v2, v9;
	v9 =	vld [tilespmem:$0x1FDB0]  }
0x378: {  	v12 =	vld [tilespmem:$0x1EE0]  }
0x379: {  	v59 =	vld [tilespmem:$0x1FF90]  }
0x37a: {  	v13 =	vld [tilespmem:$0x1F60];
	v50 =	vmax.f32 v50, v48  }
0x37b: {  	v4 =	vmax.f32 v50, v8;
	v8 =	vld [tilespmem:$0x1FDA0]  }
0x37c: {  	v10 =	vmax.f32 v10, v11;
	v4 =	vmax.f32 v4, v9;
	v9 =	vld [tilespmem:$0x1FDD0]  }
0x37d: {  	v10 =	vmax.f32 v10, v12;
	v12 =	vmax.f32 v63, v60;
	v60 =	vld [tilespmem:$0x1FFA0]  }
0x37e: {  	v12 =	vmax.f32 v12, v31;
	v31 =	vld [tilespmem:$0x1FEC0]  }
0x37f: {  	v12 =	vmax.f32 v12, v32;
	v32 =	vld [tilespmem:$0x1FED0]  }
0x380: {  	v3 =	vmax.f32 v3, v8;
	v8 =	vld [tilespmem:$0x1FDC0]  }
0x381: {  	v3 =	vmax.f32 v3, v9;
	v9 =	vld [tilespmem:$0x1FDF0]  }
0x382: {  	v14 =	vld [tilespmem:$0x1FE0]  }
0x383: {  	v15 =	vld [tilespmem:$0x2060]  }
0x384: {  	v16 =	vld [tilespmem:$0x24E0]  }
0x385: {  	v2 =	vmax.f32 v2, v8;
	v8 =	vld [tilespmem:$0x1FDE0]  }
0x386: {  	v2 =	vmax.f32 v2, v9;
	v9 =	vld [tilespmem:$0x1FE00]  }
0x387: {  	v17 =	vld [tilespmem:$0x2560]  }
0x388: {  	v10 =	vmax.f32 v10, v13;
	v12 =	vmax.f32 v12, v33;
	v33 =	vld [tilespmem:$0x1FEE0]  }
0x389: {  	v10 =	vmax.f32 v10, v14;
	v37 =	vld [tilespmem:$0x2660]  }
0x38a: {  	v10 =	vmax.f32 v10, v15;
	v4 =	vmax.f32 v4, v8;
	v8 =	vld [tilespmem:$0x1FE20]  }
0x38b: {  	v10 =	vmax.f32 v10, v16;
	v3 =	vmax.f32 v3, v9;
	v9 =	vld [tilespmem:$0x1FE10]  }
0x38c: {  	v42 =	vld [tilespmem:$0x2CE0];
	v10 =	vmax.f32 v10, v17  }
0x38d: {  	v10 =	vmax.f32 v10, v38;
	v38 =	vld [tilespmem:$0x2DF0]  }
0x38e: {  	v10 =	vmax.f32 v10, v37;
	v37 =	vld [tilespmem:$0x1FF10]  }
0x38f: {  	v8 =	vmax.f32 v2, v8;
	v2 =	vld [tilespmem:$0x1FE30]  }
0x390: {  	v4 =	vmax.f32 v4, v9;
	v9 =	vld [tilespmem:$0x1FE50]  }
0x391: {  	v36 =	vld [tilespmem:$0x26E0]  }
0x392: {  	v35 =	vld [tilespmem:$0x2760]  }
0x393: {  	v45 =	vld [tilespmem:$0x27E0]  }
0x394: {  	v3 =	vmax.f32 v3, v2;
	v2 =	vld [tilespmem:$0x1FE40]  }
0x395: {  	v9 =	vmax.f32 v3, v9;
	v3 =	vld [tilespmem:$0x1FE60]  }
0x396: {  	v5 =	vld [tilespmem:$0x1570]  }
0x397: {  	v7 =	vld [tilespmem:$0x14F0]  }
0x398: {  	v6 =	vld [tilespmem:$0x15F0]  }
0x399: {  	v4 =	vmax.f32 v4, v2;
	v2 =	vld [tilespmem:$0x1670]  }
0x39a: {  	v4 =	vmax.f32 v4, v3;
	v3 =	vld [tilespmem:$0x16F0]  }
0x39b: {  	v4 =	vmax.f32 v4, v61;
	v61 =	vld [tilespmem:$0x1770]  }
0x39c: {  	v43 =	vld [tilespmem:$0x2860];
	v5 =	vmax.f32 v7, v5  }
0x39d: {  	v10 =	vmax.f32 v10, v36;
	v36 =	vld [tilespmem:$0x1FF00];
	v5 =	vmax.f32 v5, v6  }
0x39e: {  	v10 =	vmax.f32 v10, v35;
	v35 =	vld [tilespmem:$0x2D70];
	v2 =	vmax.f32 v5, v2  }
0x39f: {  	v2 =	vmax.f32 v2, v3;
	v3 =	vld [tilespmem:$0x1D70]  }
0x3a0: {  	v10 =	vmax.f32 v10, v45;
	v45 =	vld [tilespmem:$0x1FF30];
	v2 =	vmax.f32 v2, v61  }
0x3a1: {  	v41 =	vld [tilespmem:$0x2D60];
	v2 =	vmax.f32 v2, v62  }
0x3a2: {  	v40 =	vld [tilespmem:$0x2DE0];
	v2 =	vmax.f32 v2, v34  }
0x3a3: {  	v39 =	vld [tilespmem:$0x2E60];
	v2 =	vmax.f32 v2, v49  }
0x3a4: {  	v2 =	vmax.f32 v2, v3;
	v3 =	vld [tilespmem:$0x1FF0]  }
0x3a5: {  	v61 =	vld [tilespmem:$0x2070];
	v2 =	vmax.f32 v2, v52  }
0x3a6: {  	v62 =	vld [tilespmem:$0x24F0];
	v2 =	vmax.f32 v2, v53  }
0x3a7: {  	v46 =	vld [tilespmem:$0x2EE0];
	v2 =	vmax.f32 v2, v54  }
0x3a8: {  	v47 =	vld [tilespmem:$0x2F60];
	v2 =	vmax.f32 v2, v55  }
0x3a9: {  	v2 =	vmax.f32 v2, v3;
	v3 =	vld [tilespmem:$0x2670]  }
0x3aa: {  	v34 =	vld [tilespmem:$0x1FEF0];
	v2 =	vmax.f32 v2, v61  }
0x3ab: {  	v48 =	vld [tilespmem:$0x2FE0];
	v2 =	vmax.f32 v2, v62  }
0x3ac: {  	[tilespmem:$0x30D0] =	vst v44;
	v12 =	vmax.f32 v12, v23;
	v52 =	vld [tilespmem:$0x1FF50];
	v2 =	vmax.f32 v2, v18  }
0x3ad: {  	[tilespmem:$0x30E0] =	vst v51;
	v12 =	vmax.f32 v12, v26;
	v54 =	vld [tilespmem:$0x1FF60];
	v2 =	vmax.f32 v2, v19  }
0x3ae: {  	[tilespmem:$0x30F0] =	vst v28;
	v12 =	vmax.f32 v12, v32;
	v2 =	vmax.f32 v2, v3;
	v3 =	vld [tilespmem:$0x2CF0]  }
0x3af: {  	[tilespmem:$0x3100] =	vst v29;
	v12 =	vmax.f32 v12, v34;
	v55 =	vld [tilespmem:$0x1FF70];
	v2 =	vmax.f32 v2, v20  }
0x3b0: {  	[tilespmem:$0x3110] =	vst v30;
	v49 =	vld [tilespmem:$0x2E70];
	v12 =	vmax.f32 v12, v37;
	v2 =	vmax.f32 v2, v21  }
0x3b1: {  	[tilespmem:$0x3080] =	vst v22;
	v10 =	vmax.f32 v10, v43;
	v53 =	vld [tilespmem:$0x2EF0];
	v12 =	vmax.f32 v12, v45;
	v2 =	vmax.f32 v2, v24  }
0x3b2: {  	[tilespmem:$0x3090] =	vst v25;
	v10 =	vmax.f32 v10, v42;
	v12 =	vmax.f32 v12, v52;
	v62 =	vld [tilespmem:$0x1FFB0];
	v2 =	vmax.f32 v2, v27  }
0x3b3: {  	[tilespmem:$0x30A0] =	vst v31;
	v10 =	vmax.f32 v10, v41;
	v12 =	vmax.f32 v12, v54;
	v2 =	vmax.f32 v2, v3;
	v3 =	vld [tilespmem:$0x2F70]  }
0x3b4: {  	[tilespmem:$0x30B0] =	vst v33;
	v10 =	vmax.f32 v10, v40;
	v50 =	vld [tilespmem:$0x3060];
	v12 =	vmax.f32 v12, v55;
	v2 =	vmax.f32 v2, v35  }
0x3b5: {  	v58 =	vld [tilespmem:$0x3070];
	[tilespmem:$0x30C0] =	vst v36;
	v10 =	vmax.f32 v10, v39;
	v12 =	vmax.f32 v12, v57;
	v2 =	vmax.f32 v2, v38  }
0x3b6: {  	v10 =	vmax.f32 v10, v46;
	[tilespmem:$0x3120] =	vst v8;
	v8 =	vmax.f32 v12, v59;
	v2 =	vmax.f32 v2, v49  }
0x3b7: {  	[tilespmem:$0x3130] =	vst v9;
	v61 =	vmax.f32 v10, v47;
	v6 =	vmax.f32 v8, v60;
	v2 =	vmax.f32 v2, v53  }
0x3b8: {  	s23 =	sshll.u32 s23, $0xB;
	[tilespmem:$0x3140] =	vst v4;
	v63 =	vmax.f32 v61, v48;
	v4 =	vmax.f32 v6, v62;
	v2 =	vmax.f32 v2, v3  }
0x3b9: {  	s21 =	sadd.s32 $0x1, s21;
	s22 =	sor.u32 s22, s23;
	[tilespmem:$0x3150] =	vst v4;
	v3 =	vmax.f32 v63, v50;
	v2 =	vmax.f32 v2, v56  }
0x3ba: {  	p0 =	sne.s32 s21, $0x40;
	s22 =	sshrl.u32 s22, $0x3;
	[tilespmem:$0x3160] =	vst v3;
	v2 =	vmax.f32 v2, v58  }
.Ltmp3:
0x3bb: {  	s22 =	sadd.s32 s5, s22;
	[tilespmem:$0x3170] =	vst v2;
	(pc) =	sbr.rel @!p0 .LBB2_11-.Ltmp3, $4  }
0x3bc: {  	[hbm4b:s22+s11] =	stream.strided.scatter [tilespmem:s19], [sflag:$0x2], $0x100, s12, s11, $0x38;
	[tilespmem:$0x3200] =	vst v63  }
0x3bd: {  	_ =	swait.ge [sflag:s10], $0x100  }
0x3be: {  	[sflag:s10] =	ssyncset.done $0x0  }
0x3bf: {  	[sflag:s10] =	ssyncadd.s32 $0xFFFFFF00  }
.LBB2_2:
0x3c0: {  	s22 =	sadd.s32 s6, s21  }
0x3c1: {  	s30 =	sshll.u32 s21, $0x7;
	s23 =	sshrl.u32 s22, $0x3  }
0x3c2: {  	s22 =	sand.u32 $0x380, s30;
	s24 =	sshll.u32 s23, $0xF  }
0x3c3: {  	s24 =	sor.u32 s22, s24  }
0x3c4: {  	s24 =	sshrl.u32 s24, $0x3  }
0x3c5: {  	v2 =	vmov s21;
	s25 =	sadd.s32 s3, s24;
	s24 =	simm.s32 $0x0  }
0x3c6: {  	[tilespmem:s24], [sflag:$0x2] =	stream.strided.gather [hbm4b:s25+s11], $0x1000, s12, s11, $0x38;
	[tilespmem:$0x3200] =	vst v63  }
0x3c7: {  	_ =	swait.ge [sflag:s10], $0x1000  }
0x3c8: {  	[sflag:s10] =	ssyncset.done $0x0  }
0x3c9: {  	[sflag:s10] =	ssyncadd.s32 $0xFFFFF000  }
0x3ca: {  	v2 =	vld.idx.msk [tilespmem:v2+s9+$0x0], $0xffff;
	_ =	sdelay $0x4  }
0x3cb: {  	v2 =	vxor.u32 $0x80000000, v2  }
0x3cc: {  	(xrf0) =	vmax.scan.msk.u32 $0xffff, v2;
	_ =	sdelay $0x5  }
0x3cd: {  	v2, _, _ =	vpop (xrf0)  }
0x3ce: {  	(v2sf) =	vpush v2, $0xF;
	_ =	sdelay $0xe  }
0x3cf: {  	s31 =	spop (v2sf)  }
0x3d0: {  	s25 =	sxor.u32 $0x80000000, s31  }
0x3d1: {  	p0 =	slt.s32 s25, $0x1  }
.Ltmp4:
0x3d2: {  	_ = 	snop;
	(pc) =	sbr.rel @p0 .LBB2_10-.Ltmp4, $1  }
0x3d3: {  	_ =	sdelay $0x3  }
0x3d4: {  	p1 =	sne.s32 s25, $0x1  }
.Ltmp5:
0x3d5: {  	_ = 	snop;
	(pc) =	sbr.rel @!p1 .LBB2_4-.Ltmp5, $2  }
0x3d6: {  	_ =	sdelay $0x2  }
0x3d7: {  	v2 =	vor.u32 s24, v1;
	s25 =	sadd.s32 $0xFFFFFFFF, s25;
	p0 =	por $0x0, $0x0  }
0x3d8: {  	_ =	sdelay $0x3  }
0x3d9: {  	v3 =	vld.idx.msk [tilespmem:v2+s1+$0x0], $0xffff;
	_ =	sdelay $0x4  }
0x3da: {  	(xrf0) =	vadd.scan.msk.s32 $0xffff, v3;
	_ =	sdelay $0x5  }
0x3db: {  	p1 =	sne.s32 s25, $0x1;
	v4, _, _ =	vpop (xrf0)  }
.Ltmp6:
0x3dc: {  	v5 =	vadd.s32 s24, v4;
	(v2sf) =	vpush v4, $0xF;
	(pc) =	sbr.rel @!p1 .LBB2_6-.Ltmp6, $4  }
0x3dd: {  	vm1 =	vgt.s32 v3, $0x0;
	vm2 =	vlt.s32 v5, $0x21  }
0x3de: {  	v3 =	vadd.s32 $0xFFFFFFFF, v5;
	vm1 =	vmand vm1, vm2  }
0x3df: {  	s26 =	simm.s32 $0x10;
	v3 =	vnsel vm1, $0x0, v3  }
0x3e0: {  	s28 =	sadd.s32 $0xFFFFFFFF, s25;
	p0 =	por $0x1, $0x1;
	s25 =	simm.s32 $0x0;
	v4 =	vor.u32 s26, v1  }
.LBB2_7:
0x3e1: {  	p1 =	sne.s32 s28, $0x1;
	_ =	sdelay $0x1  }
0x3e2: {  	v5 =	vadd.s32 v0, v2;
	v2 =	vmov v4  }
0x3e3: {  	[tilespmem:v3+s13+$0x0] =	vst.idx.msk vm1, v5  }
0x3e4: {  	v3 =	vld.idx.msk [tilespmem:v4+s1+$0x0], $0xffff;
	_ =	sdelay $0x5  }
0x3e5: {  	vm1 =	vgt.s32 v3, $0x0;
	(xrf0) =	vadd.scan.msk.s32 $0xffff, v3;
	s29 =	spop (v2sf)  }
0x3e6: {  	s25 =	sadd.s32 s25, s29;
	_ =	sdelay $0x4  }
0x3e7: {  	v3, _, _ =	vpop (xrf0)  }
.Ltmp7:
0x3e8: {  	v4 =	vadd.s32 s25, v3;
	(v2sf) =	vpush v3, $0xF;
	(pc) =	sbr.rel @p1 .LBB2_7-.Ltmp7, $4  }
0x3e9: {  	vm2 =	vlt.s32 v4, $0x21;
	v3 =	vadd.s32 $0xFFFFFFFF, v4  }
0x3ea: {  	vm1 =	vmand vm1, vm2  }
0x3eb: {  	s26 =	sadd.s32 $0x10, s26;
	v3 =	vnsel vm1, $0x0, v3  }
0x3ec: {  	s28 =	sadd.s32 $0xFFFFFFFF, s28;
	v4 =	vor.u32 s26, v1  }
.Ltmp8:
0x3ed: {  	(pc) =	sbr.rel .LBB2_9-.Ltmp8, $2  }
0x3ee: {  	_ =	sdelay $0x2  }
0x3ef: {  	v5 =	vmov v2;
	v2 =	vmov v4  }
.LBB2_6:
.Ltmp9:
0x3f0: {  	(pc) =	sbr.rel .LBB2_9-.Ltmp9, $2  }
0x3f1: {  	_ =	sdelay $0x2  }
0x3f2: {  	v5 =	vmov v2;
	v2 =	vmov v4;
	s25 =	simm.s32 $0x0  }
.LBB2_12:
0x3f3: {  	_ =	sfence.sel $0x180000  }
0x3f4: {  	[bflag:$0x0] =	sbarrier.arrive $0xFFFF  }
0x3f5: {  	p0 =	sne.s32 s2, $0x0;
	_ =	strace $0x90000047  }
0x3f6: {  	s0 =	sadd.s32 @!p0 $0x100000, s0;
	[bflag:$0x2] =	sbarrier.arrive $0xFFFF  }
0x3f7: {  	[sflag:s0] =	ssyncadd.tile.s32 @!p0 $0x1;
	_ =	shalt  }
.Lfunc_end2:
_tile_overlayer_lowered:
.L_overlay_start_2:
0x3f8: {  	(tag) =	ssettag $0x2  }
0x3f9: {  	s0 =	rddreg [dreg:$0x0];
	s2 =	stileid.u32  }
0x3fa: {  	s1 =	rddreg [dreg:$0x1];
	p0 =	sne.s32 s2, $0x0  }
0x3fb: {  	s3 =	rddreg [dreg:$0x2];
	[bflag:$0x3] =	sbarrier.arrive $0xFFFF;
	s2 =	simm.s32 @!p0 $0x1C02  }
0x3fc: {  	[timem:s3], [sflag:s2] =	dma.local @!p0 [hbm:s0], s1  }
0x3fd: {  	s0 =	simm.s32 @!p0 $0x2  }
0x3fe: {  	_ =	swait.ge @!p0 [sflag:s0], s1  }
0x3ff: {  	s1 =	ssub.s32 @!p0 $0x0, s1;
	[sflag:s0] =	ssyncset.done @!p0 $0x0  }
0x400: {  	[sflag:s0] =	ssyncadd.s32 @!p0 s1  }
0x401: {  	[bflag:$0x3] =	sbarrier.arrive $0xFFFF  }
0x402: {  	_ =	shalt  }

</sc_bundles>
